<compile_context>
chip_gen: v7x
topology: tpu7x:2x2x1
jax: 0.10.2.dev20260603
libtpu: 0.0.44.dev20260713+nightly
codegen_flags: <defaults>
</compile_context>

<pallas_src>
import functools

import jax
import jax.numpy as jnp
from jax import lax
from jax.experimental import pallas as pl
from jax.experimental.pallas import tpu as pltpu
from jax.experimental.pallas import tpu_sc as plsc

B = 2048
N0 = 10
N1 = 10
D = 256


NW = 32
OUT_PER_W = (B * N0) // NW
CH = 16
NB = 2
NCH = OUT_PER_W // CH
LANES = 16


def _sc_mean_body(h2_hbm, m2_hbm, *scratch):
    bufs = scratch[:NB]
    outs = scratch[NB:2 * NB]
    rsems = scratch[2 * NB:3 * NB]
    wsems = scratch[3 * NB:4 * NB]

    wid = lax.axis_index("s") * 2 + lax.axis_index("c")
    in_base = wid * (OUT_PER_W * N1)
    out_base = wid * OUT_PER_W

    for pb in range(NB):
        pltpu.async_copy(
            h2_hbm.at[pl.ds(in_base + pb * CH * N1, CH * N1)], bufs[pb],
            rsems[pb])

    def ring_body(gp, carry):
        for pb in range(NB):
            buf, outb, rsem, wsem = bufs[pb], outs[pb], rsems[pb], wsems[pb]
            g = NB * gp + pb
            pltpu.make_async_copy(
                h2_hbm.at[pl.ds(in_base, CH * N1)], buf, rsem).wait()
            @pl.when(g >= NB)
            def _():
                pltpu.make_async_copy(
                    outb, m2_hbm.at[pl.ds(out_base, CH)], wsem).wait()

            @plsc.parallel_loop(0, CH, 1, unroll=4)
            def _(r):
                base = r * N1
                for cb in range(D // LANES):
                    sl = pl.ds(cb * LANES, LANES)
                    t0 = buf[base + 0, sl] + buf[base + 1, sl]
                    t1 = buf[base + 2, sl] + buf[base + 3, sl]
                    t2 = buf[base + 4, sl] + buf[base + 5, sl]
                    t3 = buf[base + 6, sl] + buf[base + 7, sl]
                    t4 = buf[base + 8, sl] + buf[base + 9, sl]
                    outb[r, sl] = ((t0 + t1) + (t2 + t3)) + t4

            pltpu.async_copy(
                outb, m2_hbm.at[pl.ds(out_base + g * CH, CH)], wsem)

            @pl.when(g + NB < NCH)
            def _():
                pltpu.async_copy(
                    h2_hbm.at[pl.ds(in_base + (g + NB) * CH * N1, CH * N1)],
                    buf, rsem)
        return carry

    lax.fori_loop(0, NCH // NB, ring_body, 0)

    for pb in range(NB):
        pltpu.make_async_copy(
            outs[pb], m2_hbm.at[pl.ds(out_base, CH)], wsems[pb]).wait()


def _sc_segment_mean(h2):
    mesh = plsc.VectorSubcoreMesh(core_axis_name="c", subcore_axis_name="s")
    f = functools.partial(
        pl.kernel,
        mesh=mesh,
        out_type=jax.ShapeDtypeStruct((B * N0, D), jnp.float32),
        scratch_types=(
            [pltpu.VMEM((CH * N1, D), jnp.float32)] * NB
            + [pltpu.VMEM((CH, D), jnp.float32)] * NB
            + [pltpu.SemaphoreType.DMA] * (2 * NB)
        ),
    )(_sc_mean_body)
    return f(h2)



R = 128


def _tc_sage_kernel(h0_ref, h1f_ref, m2_ref, w0_ref, w1_ref, m_ref, out_ref):
    x1 = jnp.concatenate([h1f_ref[...], m2_ref[...]], axis=1)
    out1 = jnp.maximum(
        jnp.dot(x1, w0_ref[...], preferred_element_type=jnp.float32), 0.0)

    m1 = jnp.dot(m_ref[...], h1f_ref[...], preferred_element_type=jnp.float32)

    x0 = jnp.concatenate([h0_ref[...], m1], axis=1)
    out0 = jnp.maximum(
        jnp.dot(x0, w0_ref[...], preferred_element_type=jnp.float32), 0.0)

    mo1 = jnp.dot(m_ref[...], out1, preferred_element_type=jnp.float32)

    y = jnp.concatenate([out0, mo1], axis=1)
    out_ref[...] = jnp.dot(y, w1_ref[...], preferred_element_type=jnp.float32)


@jax.jit
def kernel(h0, h1, h2, W_self_0, W_neigh_0, W_self_1, W_neigh_1):
    m2 = _sc_segment_mean(h2)

    w0 = jnp.concatenate([W_self_0, W_neigh_0 * (1.0 / N1)], axis=0)
    w1 = jnp.concatenate([W_self_1, W_neigh_1 * (1.0 / N0)], axis=0)
    m = jnp.repeat(jnp.eye(R, dtype=jnp.float32), N0, axis=1)

    grid = (B // R,)
    return pl.pallas_call(
        _tc_sage_kernel,
        grid=grid,
        in_specs=[
            pl.BlockSpec((R, D), lambda i: (i, 0)),
            pl.BlockSpec((R * N0, D), lambda i: (i, 0)),
            pl.BlockSpec((R * N0, D), lambda i: (i, 0)),
            pl.BlockSpec((2 * D, D), lambda i: (0, 0)),
            pl.BlockSpec((2 * D, D), lambda i: (0, 0)),
            pl.BlockSpec((R, R * N0), lambda i: (0, 0)),
        ],
        out_specs=pl.BlockSpec((R, D), lambda i: (i, 0)),
        out_shape=jax.ShapeDtypeStruct((B, D), jnp.float32),
        compiler_params=pltpu.CompilerParams(
            dimension_semantics=("arbitrary",)),
    )(h0, h1, m2, w0, w1, m)

# --- scband reference (transcript-rebuilt; emitter-appended) ---
"""Pipeline reference for scband-graph-sage-55422257988364 (READ-ONLY COPY).

The authoritative reference and input builder live on the scoring server;
editing this copy changes nothing except your own understanding.
"""

import jax, jax.numpy as jnp
import numpy as np

B = 2048
N0, N1 = 10, 10
D_IN = 256
H0, H1 = 256, 256


def setup_inputs(seed: int = 0) -> dict:
    key = jax.random.key(seed)
    ks = jax.random.split(key, 7)
    h0 = jax.random.normal(ks[0], (B, D_IN), dtype=jnp.float32)
    h1 = jax.random.normal(ks[1], (B * N0, D_IN), dtype=jnp.float32)
    h2 = jax.random.normal(ks[2], (B * N0 * N1, D_IN), dtype=jnp.float32)
    s0 = 1.0 / np.sqrt(D_IN)
    W_self_0 = jax.random.uniform(ks[3], (D_IN, H0), minval=-s0, maxval=s0, dtype=jnp.float32)
    W_neigh_0 = jax.random.uniform(ks[4], (D_IN, H0), minval=-s0, maxval=s0, dtype=jnp.float32)
    s1 = 1.0 / np.sqrt(H0)
    W_self_1 = jax.random.uniform(ks[5], (H0, H1), minval=-s1, maxval=s1, dtype=jnp.float32)
    W_neigh_1 = jax.random.uniform(ks[6], (H0, H1), minval=-s1, maxval=s1, dtype=jnp.float32)
    return {
        "h0": h0, "h1": h1, "h2": h2,
        "W_self_0": W_self_0, "W_neigh_0": W_neigh_0,
        "W_self_1": W_self_1, "W_neigh_1": W_neigh_1,
    }


def _sage_layer(src, neigh, W_self, W_neigh, act):
    # NeighborAggregator: mean over sampled neighbors, then linear
    neighbor_hidden = jnp.mean(neigh, axis=1) @ W_neigh
    self_hidden = src @ W_self
    hidden = self_hidden + neighbor_hidden  # aggr_hidden_method == 'sum'
    if act:
        hidden = jax.nn.relu(hidden)
    return hidden


def reference(h0, h1, h2, W_self_0, W_neigh_0, W_self_1, W_neigh_1):
    num_neighbors = [N0, N1]
    num_layers = 2
    layers = [(W_self_0, W_neigh_0, True), (W_self_1, W_neigh_1, False)]
    hidden = [h0, h1, h2]
    for i in range(num_layers):
        W_s, W_n, act = layers[i]
        next_hidden = []
        for hop in range(num_layers - i):
            src = hidden[hop]
            n_src = src.shape[0]
            neigh = hidden[hop + 1].reshape(n_src, num_neighbors[hop], -1)
            next_hidden.append(_sage_layer(src, neigh, W_s, W_n, act))
        hidden = next_hidden
    return hidden[0]

if __name__ == "__main__":
    import jax
    _d = setup_inputs()
    print(jax.jit(kernel)(*tuple(_d.values())))

</pallas_src>

<mosaic_0001>
#map = affine_map<(d0, d1) -> (0, 0)>
module attributes {stable_mosaic.version = 14 : i64} {
  func.func @_sc_mean_body(%arg0: i32, %arg1: i32, %arg2: memref<204800x256xf32, #tpu.memory_space<hbm>>, %arg3: memref<20480x256xf32, #tpu.memory_space<hbm>>, %arg4: memref<160x256xf32, #tpu.memory_space<vmem>>, %arg5: memref<160x256xf32, #tpu.memory_space<vmem>>, %arg6: memref<16x256xf32, #tpu.memory_space<vmem>>, %arg7: memref<16x256xf32, #tpu.memory_space<vmem>>, %arg8: memref<!tpu.dma_semaphore, #tpu.memory_space<semaphore_mem>>, %arg9: memref<!tpu.dma_semaphore, #tpu.memory_space<semaphore_mem>>, %arg10: memref<!tpu.dma_semaphore, #tpu.memory_space<semaphore_mem>>, %arg11: memref<!tpu.dma_semaphore, #tpu.memory_space<semaphore_mem>>) attributes {dimension_semantics = [#tpu.dimension_semantics<core_parallel>, #tpu.dimension_semantics<subcore_parallel>], iteration_bounds = array<i64: 2, 16>, scalar_prefetch = 0 : i64, scratch_operands = 8 : i64, tpu.core_type = #tpu.core_type<sc_vector_subcore>, window_params = [{transform_indices = #map}, {transform_indices = #map}]} {
    %mul3A = arith.constant 2 : i32
    %mul3A_0 = arith.muli %arg1, %mul3A : i32
    %add3A = arith.addi %mul3A_0, %arg0 : i32
    %mul3A_1 = arith.constant 6400 : i32
    %mul3A_2 = arith.muli %add3A, %mul3A_1 : i32
    %mul3A_3 = arith.constant 640 : i32
    %mul3A_4 = arith.muli %add3A, %mul3A_3 : i32
    %add3A_5 = arith.constant 0 : i32
    %add3A_6 = arith.addi %mul3A_2, %add3A_5 : i32
    %dma_start3A = arith.constant 0 : i32
    %dma_start3A_7 = tpu.memref_slice %arg2[%add3A_6, %dma_start3A] : memref<204800x256xf32, #tpu.memory_space<hbm>> -> memref<160x256xf32, #tpu.memory_space<hbm>>
    %dma_start3A_8 = arith.constant 0 : i32
    %dma_start3A_9 = tpu.memref_slice %arg2[%add3A_6, %dma_start3A_8] : memref<204800x256xf32, #tpu.memory_space<hbm>> -> memref<160x256xf32, #tpu.memory_space<hbm>>
    tpu.enqueue_dma source(%dma_start3A_9 : memref<160x256xf32, #tpu.memory_space<hbm>>) target(%arg4 : memref<160x256xf32, #tpu.memory_space<vmem>>) target_semaphore(%arg8 : memref<!tpu.dma_semaphore, #tpu.memory_space<semaphore_mem>>)
    %add3A_10 = arith.constant 160 : i32
    %add3A_11 = arith.addi %mul3A_2, %add3A_10 : i32
    %dma_start3A_12 = arith.constant 0 : i32
    %dma_start3A_13 = tpu.memref_slice %arg2[%add3A_11, %dma_start3A_12] : memref<204800x256xf32, #tpu.memory_space<hbm>> -> memref<160x256xf32, #tpu.memory_space<hbm>>
    %dma_start3A_14 = arith.constant 0 : i32
    %dma_start3A_15 = tpu.memref_slice %arg2[%add3A_11, %dma_start3A_14] : memref<204800x256xf32, #tpu.memory_space<hbm>> -> memref<160x256xf32, #tpu.memory_space<hbm>>
    tpu.enqueue_dma source(%dma_start3A_15 : memref<160x256xf32, #tpu.memory_space<hbm>>) target(%arg5 : memref<160x256xf32, #tpu.memory_space<vmem>>) target_semaphore(%arg9 : memref<!tpu.dma_semaphore, #tpu.memory_space<semaphore_mem>>)
    %scan3A = arith.constant 0 : i32
    %scan3A_16 = arith.constant 0 : i32
    %scan3A_17 = arith.constant 20 : i32
    %scan3A_18 = arith.addi %scan3A_16, %scan3A_17 : i32
    %scan3A_19 = arith.constant 1 : i32
    scf.for %scan3A_28 = %scan3A_16 to %scan3A_18 step %scan3A_19  : i32 {
      %mul3A_29 = arith.constant 2 : i32
      %mul3A_30 = arith.muli %mul3A_29, %scan3A_28 : i32
      %add3A_31 = arith.constant 0 : i32
      %add3A_32 = arith.addi %mul3A_30, %add3A_31 : i32
      %dma_wait3A_33 = arith.constant 0 : i32
      %dma_wait3A_34 = tpu.memref_slice %arg2[%mul3A_2, %dma_wait3A_33] : memref<204800x256xf32, #tpu.memory_space<hbm>> -> memref<160x256xf32, #tpu.memory_space<hbm>>
      %dma_wait3A_35 = arith.constant 0 : i32
      %dma_wait3A_36 = tpu.memref_slice %arg2[%mul3A_2, %dma_wait3A_35] : memref<204800x256xf32, #tpu.memory_space<hbm>> -> memref<160x256xf32, #tpu.memory_space<hbm>>
      tpu.wait_dma2 semaphore(%arg8 : memref<!tpu.dma_semaphore, #tpu.memory_space<semaphore_mem>>) src(%dma_wait3A_36 : memref<160x256xf32, #tpu.memory_space<hbm>>) dst(%arg4 : memref<160x256xf32, #tpu.memory_space<vmem>>)
      %ge3A = arith.constant 2 : i32
      %ge3A_37 = arith.cmpi sge, %add3A_32, %ge3A : i32
      %convert_element_type3A = arith.extui %ge3A_37 : i1 to i32
      %cond3A = arith.constant 0 : i32
      %cond3A_38 = arith.cmpi ne, %convert_element_type3A, %cond3A : i32
      scf.if %cond3A_38 {
        %dma_wait3A_84 = arith.constant 0 : i32
        %dma_wait3A_85 = tpu.memref_slice %arg3[%mul3A_4, %dma_wait3A_84] : memref<20480x256xf32, #tpu.memory_space<hbm>> -> memref<16x256xf32, #tpu.memory_space<hbm>>
        %dma_wait3A_86 = arith.constant 0 : i32
        %dma_wait3A_87 = tpu.memref_slice %arg3[%mul3A_4, %dma_wait3A_86] : memref<20480x256xf32, #tpu.memory_space<hbm>> -> memref<16x256xf32, #tpu.memory_space<hbm>>
        tpu.wait_dma2 semaphore(%arg10 : memref<!tpu.dma_semaphore, #tpu.memory_space<semaphore_mem>>) src(%arg6 : memref<16x256xf32, #tpu.memory_space<vmem>>) dst(%dma_wait3A_87 : memref<16x256xf32, #tpu.memory_space<hbm>>)
      } else {
      }
      %parallel_loop3A = arith.constant 0 : i32
      %parallel_loop3A_39 = arith.constant 16 : i32
      %parallel_loop3A_40 = arith.constant 1 : i32
      scf.for %parallel_loop3A_84 = %parallel_loop3A to %parallel_loop3A_39 step %parallel_loop3A_40  : i32 {
        %parallel_loop3A_85 = arith.constant 10 : i32
        %parallel_loop3A_86 = arith.muli %parallel_loop3A_84, %parallel_loop3A_85 : i32
        %parallel_loop3A_87 = arith.constant 0 : i32
        %parallel_loop3A_88 = arith.addi %parallel_loop3A_86, %parallel_loop3A_87 : i32
        %parallel_loop3A_89 = arith.index_cast %parallel_loop3A_88 : i32 to index
        %parallel_loop3A_90 = arith.constant 0 : index
        %parallel_loop3A_91 = tpu.vector_load %arg4[%parallel_loop3A_89, %parallel_loop3A_90] {strides = array<i32>} : memref<160x256xf32, #tpu.memory_space<vmem>>, vector<1x16xf32>,
        %parallel_loop3A_92 = vector.shape_cast %parallel_loop3A_91 : vector<1x16xf32> to vector<16xf32>
        %parallel_loop3A_93 = arith.constant 1 : i32
        %parallel_loop3A_94 = arith.addi %parallel_loop3A_86, %parallel_loop3A_93 : i32
        %parallel_loop3A_95 = arith.index_cast %parallel_loop3A_94 : i32 to index
        %parallel_loop3A_96 = arith.constant 0 : index
        %parallel_loop3A_97 = tpu.vector_load %arg4[%parallel_loop3A_95, %parallel_loop3A_96] {strides = array<i32>} : memref<160x256xf32, #tpu.memory_space<vmem>>, vector<1x16xf32>,
        %parallel_loop3A_98 = vector.shape_cast %parallel_loop3A_97 : vector<1x16xf32> to vector<16xf32>
        %parallel_loop3A_99 = arith.addf %parallel_loop3A_92, %parallel_loop3A_98 : vector<16xf32>
        %parallel_loop3A_100 = arith.constant 2 : i32
        %parallel_loop3A_101 = arith.addi %parallel_loop3A_86, %parallel_loop3A_100 : i32
        %parallel_loop3A_102 = arith.index_cast %parallel_loop3A_101 : i32 to index
        %parallel_loop3A_103 = arith.constant 0 : index
        %parallel_loop3A_104 = tpu.vector_load %arg4[%parallel_loop3A_102, %parallel_loop3A_103] {strides = array<i32>} : memref<160x256xf32, #tpu.memory_space<vmem>>, vector<1x16xf32>,
        %parallel_loop3A_105 = vector.shape_cast %parallel_loop3A_104 : vector<1x16xf32> to vector<16xf32>
        %parallel_loop3A_106 = arith.constant 3 : i32
        %parallel_loop3A_107 = arith.addi %parallel_loop3A_86, %parallel_loop3A_106 : i32
        %parallel_loop3A_108 = arith.index_cast %parallel_loop3A_107 : i32 to index
        %parallel_loop3A_109 = arith.constant 0 : index
        %parallel_loop3A_110 = tpu.vector_load %arg4[%parallel_loop3A_108, %parallel_loop3A_109] {strides = array<i32>} : memref<160x256xf32, #tpu.memory_space<vmem>>, vector<1x16xf32>,
        %parallel_loop3A_111 = vector.shape_cast %parallel_loop3A_110 : vector<1x16xf32> to vector<16xf32>
        %parallel_loop3A_112 = arith.addf %parallel_loop3A_105, %parallel_loop3A_111 : vector<16xf32>
        %parallel_loop3A_113 = arith.constant 4 : i32
        %parallel_loop3A_114 = arith.addi %parallel_loop3A_86, %parallel_loop3A_113 : i32
        %parallel_loop3A_115 = arith.index_cast %parallel_loop3A_114 : i32 to index
        %parallel_loop3A_116 = arith.constant 0 : index
        %parallel_loop3A_117 = tpu.vector_load %arg4[%parallel_loop3A_115, %parallel_loop3A_116] {strides = array<i32>} : memref<160x256xf32, #tpu.memory_space<vmem>>, vector<1x16xf32>,
        %parallel_loop3A_118 = vector.shape_cast %parallel_loop3A_117 : vector<1x16xf32> to vector<16xf32>
        %parallel_loop3A_119 = arith.constant 5 : i32
        %parallel_loop3A_120 = arith.addi %parallel_loop3A_86, %parallel_loop3A_119 : i32
        %parallel_loop3A_121 = arith.index_cast %parallel_loop3A_120 : i32 to index
        %parallel_loop3A_122 = arith.constant 0 : index
        %parallel_loop3A_123 = tpu.vector_load %arg4[%parallel_loop3A_121, %parallel_loop3A_122] {strides = array<i32>} : memref<160x256xf32, #tpu.memory_space<vmem>>, vector<1x16xf32>,
        %parallel_loop3A_124 = vector.shape_cast %parallel_loop3A_123 : vector<1x16xf32> to vector<16xf32>
        %parallel_loop3A_125 = arith.addf %parallel_loop3A_118, %parallel_loop3A_124 : vector<16xf32>
        %parallel_loop3A_126 = arith.constant 6 : i32
        %parallel_loop3A_127 = arith.addi %parallel_loop3A_86, %parallel_loop3A_126 : i32
        %parallel_loop3A_128 = arith.index_cast %parallel_loop3A_127 : i32 to index
        %parallel_loop3A_129 = arith.constant 0 : index
        %parallel_loop3A_130 = tpu.vector_load %arg4[%parallel_loop3A_128, %parallel_loop3A_129] {strides = array<i32>} : memref<160x256xf32, #tpu.memory_space<vmem>>, vector<1x16xf32>,
        %parallel_loop3A_131 = vector.shape_cast %parallel_loop3A_130 : vector<1x16xf32> to vector<16xf32>
        %parallel_loop3A_132 = arith.constant 7 : i32
        %parallel_loop3A_133 = arith.addi %parallel_loop3A_86, %parallel_loop3A_132 : i32
        %parallel_loop3A_134 = arith.index_cast %parallel_loop3A_133 : i32 to index
        %parallel_loop3A_135 = arith.constant 0 : index
        %parallel_loop3A_136 = tpu.vector_load %arg4[%parallel_loop3A_134, %parallel_loop3A_135] {strides = array<i32>} : memref<160x256xf32, #tpu.memory_space<vmem>>, vector<1x16xf32>,
        %parallel_loop3A_137 = vector.shape_cast %parallel_loop3A_136 : vector<1x16xf32> to vector<16xf32>
        %parallel_loop3A_138 = arith.addf %parallel_loop3A_131, %parallel_loop3A_137 : vector<16xf32>
        %parallel_loop3A_139 = arith.constant 8 : i32
        %parallel_loop3A_140 = arith.addi %parallel_loop3A_86, %parallel_loop3A_139 : i32
        %parallel_loop3A_141 = arith.index_cast %parallel_loop3A_140 : i32 to index
        %parallel_loop3A_142 = arith.constant 0 : index
        %parallel_loop3A_143 = tpu.vector_load %arg4[%parallel_loop3A_141, %parallel_loop3A_142] {strides = array<i32>} : memref<160x256xf32, #tpu.memory_space<vmem>>, vector<1x16xf32>,
        %parallel_loop3A_144 = vector.shape_cast %parallel_loop3A_143 : vector<1x16xf32> to vector<16xf32>
        %parallel_loop3A_145 = arith.constant 9 : i32
        %parallel_loop3A_146 = arith.addi %parallel_loop3A_86, %parallel_loop3A_145 : i32
        %parallel_loop3A_147 = arith.index_cast %parallel_loop3A_146 : i32 to index
        %parallel_loop3A_148 = arith.constant 0 : index
        %parallel_loop3A_149 = tpu.vector_load %arg4[%parallel_loop3A_147, %parallel_loop3A_148] {strides = array<i32>} : memref<160x256xf32, #tpu.memory_space<vmem>>, vector<1x16xf32>,
        %parallel_loop3A_150 = vector.shape_cast %parallel_loop3A_149 : vector<1x16xf32> to vector<16xf32>
        %parallel_loop3A_151 = arith.addf %parallel_loop3A_144, %parallel_loop3A_150 : vector<16xf32>
        %parallel_loop3A_152 = arith.addf %parallel_loop3A_99, %parallel_loop3A_112 : vector<16xf32>
        %parallel_loop3A_153 = arith.addf %parallel_loop3A_125, %parallel_loop3A_138 : vector<16xf32>
        %parallel_loop3A_154 = arith.addf %parallel_loop3A_152, %parallel_loop3A_153 : vector<16xf32>
        %parallel_loop3A_155 = arith.addf %parallel_loop3A_154, %parallel_loop3A_151 : vector<16xf32>
        %parallel_loop3A_156 = arith.index_cast %parallel_loop3A_84 : i32 to index
        %parallel_loop3A_157 = arith.constant 0 : index
        %parallel_loop3A_158 = tpu.vector_load %arg6[%parallel_loop3A_156, %parallel_loop3A_157] {strides = array<i32>} : memref<16x256xf32, #tpu.memory_space<vmem>>, vector<1x16xf32>,
        %parallel_loop3A_159 = vector.shape_cast %parallel_loop3A_158 : vector<1x16xf32> to vector<16xf32>
        %parallel_loop3A_160 = vector.shape_cast %parallel_loop3A_155 : vector<16xf32> to vector<1x16xf32>
        tpu.vector_store %arg6[%parallel_loop3A_156, %parallel_loop3A_157], %parallel_loop3A_160 {strides = array<i32>} : memref<16x256xf32, #tpu.memory_space<vmem>>, vector<1x16xf32>,
        %parallel_loop3A_161 = arith.constant 0 : i32
        %parallel_loop3A_162 = arith.addi %parallel_loop3A_86, %parallel_loop3A_161 : i32
        %parallel_loop3A_163 = arith.index_cast %parallel_loop3A_162 : i32 to index
        %parallel_loop3A_164 = arith.constant 16 : index
        %parallel_loop3A_165 = tpu.vector_load %arg4[%parallel_loop3A_163, %parallel_loop3A_164] {strides = array<i32>} : memref<160x256xf32, #tpu.memory_space<vmem>>, vector<1x16xf32>,
        %parallel_loop3A_166 = vector.shape_cast %parallel_loop3A_165 : vector<1x16xf32> to vector<16xf32>
        %parallel_loop3A_167 = arith.constant 1 : i32
        %parallel_loop3A_168 = arith.addi %parallel_loop3A_86, %parallel_loop3A_167 : i32
        %parallel_loop3A_169 = arith.index_cast %parallel_loop3A_168 : i32 to index
        %parallel_loop3A_170 = arith.constant 16 : index
        %parallel_loop3A_171 = tpu.vector_load %arg4[%parallel_loop3A_169, %parallel_loop3A_170] {strides = array<i32>} : memref<160x256xf32, #tpu.memory_space<vmem>>, vector<1x16xf32>,
        %parallel_loop3A_172 = vector.shape_cast %parallel_loop3A_171 : vector<1x16xf32> to vector<16xf32>
        %parallel_loop3A_173 = arith.addf %parallel_loop3A_166, %parallel_loop3A_172 : vector<16xf32>
        %parallel_loop3A_174 = arith.constant 2 : i32
        %parallel_loop3A_175 = arith.addi %parallel_loop3A_86, %parallel_loop3A_174 : i32
        %parallel_loop3A_176 = arith.index_cast %parallel_loop3A_175 : i32 to index
        %parallel_loop3A_177 = arith.constant 16 : index
        %parallel_loop3A_178 = tpu.vector_load %arg4[%parallel_loop3A_176, %parallel_loop3A_177] {strides = array<i32>} : memref<160x256xf32, #tpu.memory_space<vmem>>, vector<1x16xf32>,
        %parallel_loop3A_179 = vector.shape_cast %parallel_loop3A_178 : vector<1x16xf32> to vector<16xf32>
        %parallel_loop3A_180 = arith.constant 3 : i32
        %parallel_loop3A_181 = arith.addi %parallel_loop3A_86, %parallel_loop3A_180 : i32
        %parallel_loop3A_182 = arith.index_cast %parallel_loop3A_181 : i32 to index
        %parallel_loop3A_183 = arith.constant 16 : index
        %parallel_loop3A_184 = tpu.vector_load %arg4[%parallel_loop3A_182, %parallel_loop3A_183] {strides = array<i32>} : memref<160x256xf32, #tpu.memory_space<vmem>>, vector<1x16xf32>,
        %parallel_loop3A_185 = vector.shape_cast %parallel_loop3A_184 : vector<1x16xf32> to vector<16xf32>
        %parallel_loop3A_186 = arith.addf %parallel_loop3A_179, %parallel_loop3A_185 : vector<16xf32>
        %parallel_loop3A_187 = arith.constant 4 : i32
        %parallel_loop3A_188 = arith.addi %parallel_loop3A_86, %parallel_loop3A_187 : i32
        %parallel_loop3A_189 = arith.index_cast %parallel_loop3A_188 : i32 to index
        %parallel_loop3A_190 = arith.constant 16 : index
        %parallel_loop3A_191 = tpu.vector_load %arg4[%parallel_loop3A_189, %parallel_loop3A_190] {strides = array<i32>} : memref<160x256xf32, #tpu.memory_space<vmem>>, vector<1x16xf32>,
        %parallel_loop3A_192 = vector.shape_cast %parallel_loop3A_191 : vector<1x16xf32> to vector<16xf32>
        %parallel_loop3A_193 = arith.constant 5 : i32
        %parallel_loop3A_194 = arith.addi %parallel_loop3A_86, %parallel_loop3A_193 : i32
        %parallel_loop3A_195 = arith.index_cast %parallel_loop3A_194 : i32 to index
        %parallel_loop3A_196 = arith.constant 16 : index
        %parallel_loop3A_197 = tpu.vector_load %arg4[%parallel_loop3A_195, %parallel_loop3A_196] {strides = array<i32>} : memref<160x256xf32, #tpu.memory_space<vmem>>, vector<1x16xf32>,
        %parallel_loop3A_198 = vector.shape_cast %parallel_loop3A_197 : vector<1x16xf32> to vector<16xf32>
        %parallel_loop3A_199 = arith.addf %parallel_loop3A_192, %parallel_loop3A_198 : vector<16xf32>
        %parallel_loop3A_200 = arith.constant 6 : i32
        %parallel_loop3A_201 = arith.addi %parallel_loop3A_86, %parallel_loop3A_200 : i32
        %parallel_loop3A_202 = arith.index_cast %parallel_loop3A_201 : i32 to index
        %parallel_loop3A_203 = arith.constant 16 : index
        %parallel_loop3A_204 = tpu.vector_load %arg4[%parallel_loop3A_202, %parallel_loop3A_203] {strides = array<i32>} : memref<160x256xf32, #tpu.memory_space<vmem>>, vector<1x16xf32>,
        %parallel_loop3A_205 = vector.shape_cast %parallel_loop3A_204 : vector<1x16xf32> to vector<16xf32>
        %parallel_loop3A_206 = arith.constant 7 : i32
        %parallel_loop3A_207 = arith.addi %parallel_loop3A_86, %parallel_loop3A_206 : i32
        %parallel_loop3A_208 = arith.index_cast %parallel_loop3A_207 : i32 to index
        %parallel_loop3A_209 = arith.constant 16 : index
        %parallel_loop3A_210 = tpu.vector_load %arg4[%parallel_loop3A_208, %parallel_loop3A_209] {strides = array<i32>} : memref<160x256xf32, #tpu.memory_space<vmem>>, vector<1x16xf32>,
        %parallel_loop3A_211 = vector.shape_cast %parallel_loop3A_210 : vector<1x16xf32> to vector<16xf32>
        %parallel_loop3A_212 = arith.addf %parallel_loop3A_205, %parallel_loop3A_211 : vector<16xf32>
        %parallel_loop3A_213 = arith.constant 8 : i32
        %parallel_loop3A_214 = arith.addi %parallel_loop3A_86, %parallel_loop3A_213 : i32
        %parallel_loop3A_215 = arith.index_cast %parallel_loop3A_214 : i32 to index
        %parallel_loop3A_216 = arith.constant 16 : index
        %parallel_loop3A_217 = tpu.vector_load %arg4[%parallel_loop3A_215, %parallel_loop3A_216] {strides = array<i32>} : memref<160x256xf32, #tpu.memory_space<vmem>>, vector<1x16xf32>,
        %parallel_loop3A_218 = vector.shape_cast %parallel_loop3A_217 : vector<1x16xf32> to vector<16xf32>
        %parallel_loop3A_219 = arith.constant 9 : i32
        %parallel_loop3A_220 = arith.addi %parallel_loop3A_86, %parallel_loop3A_219 : i32
        %parallel_loop3A_221 = arith.index_cast %parallel_loop3A_220 : i32 to index
        %parallel_loop3A_222 = arith.constant 16 : index
        %parallel_loop3A_223 = tpu.vector_load %arg4[%parallel_loop3A_221, %parallel_loop3A_222] {strides = array<i32>} : memref<160x256xf32, #tpu.memory_space<vmem>>, vector<1x16xf32>,
        %parallel_loop3A_224 = vector.shape_cast %parallel_loop3A_223 : vector<1x16xf32> to vector<16xf32>
        %parallel_loop3A_225 = arith.addf %parallel_loop3A_218, %parallel_loop3A_224 : vector<16xf32>
        %parallel_loop3A_226 = arith.addf %parallel_loop3A_173, %parallel_loop3A_186 : vector<16xf32>
        %parallel_loop3A_227 = arith.addf %parallel_loop3A_199, %parallel_loop3A_212 : vector<16xf32>
        %parallel_loop3A_228 = arith.addf %parallel_loop3A_226, %parallel_loop3A_227 : vector<16xf32>
        %parallel_loop3A_229 = arith.addf %parallel_loop3A_228, %parallel_loop3A_225 : vector<16xf32>
        %parallel_loop3A_230 = arith.index_cast %parallel_loop3A_84 : i32 to index
        %parallel_loop3A_231 = arith.constant 16 : index
        %parallel_loop3A_232 = tpu.vector_load %arg6[%parallel_loop3A_230, %parallel_loop3A_231] {strides = array<i32>} : memref<16x256xf32, #tpu.memory_space<vmem>>, vector<1x16xf32>,
        %parallel_loop3A_233 = vector.shape_cast %parallel_loop3A_232 : vector<1x16xf32> to vector<16xf32>
        %parallel_loop3A_234 = vector.shape_cast %parallel_loop3A_229 : vector<16xf32> to vector<1x16xf32>
        tpu.vector_store %arg6[%parallel_loop3A_230, %parallel_loop3A_231], %parallel_loop3A_234 {strides = array<i32>} : memref<16x256xf32, #tpu.memory_space<vmem>>, vector<1x16xf32>,
        %parallel_loop3A_235 = arith.constant 0 : i32
        %parallel_loop3A_236 = arith.addi %parallel_loop3A_86, %parallel_loop3A_235 : i32
        %parallel_loop3A_237 = arith.index_cast %parallel_loop3A_236 : i32 to index
        %parallel_loop3A_238 = arith.constant 32 : index
        %parallel_loop3A_239 = tpu.vector_load %arg4[%parallel_loop3A_237, %parallel_loop3A_238] {strides = array<i32>} : memref<160x256xf32, #tpu.memory_space<vmem>>, vector<1x16xf32>,
        %parallel_loop3A_240 = vector.shape_cast %parallel_loop3A_239 : vector<1x16xf32> to vector<16xf32>
        %parallel_loop3A_241 = arith.constant 1 : i32
        %parallel_loop3A_242 = arith.addi %parallel_loop3A_86, %parallel_loop3A_241 : i32
        %parallel_loop3A_243 = arith.index_cast %parallel_loop3A_242 : i32 to index
        %parallel_loop3A_244 = arith.constant 32 : index
        %parallel_loop3A_245 = tpu.vector_load %arg4[%parallel_loop3A_243, %parallel_loop3A_244] {strides = array<i32>} : memref<160x256xf32, #tpu.memory_space<vmem>>, vector<1x16xf32>,
        %parallel_loop3A_246 = vector.shape_cast %parallel_loop3A_245 : vector<1x16xf32> to vector<16xf32>
        %parallel_loop3A_247 = arith.addf %parallel_loop3A_240, %parallel_loop3A_246 : vector<16xf32>
        %parallel_loop3A_248 = arith.constant 2 : i32
        %parallel_loop3A_249 = arith.addi %parallel_loop3A_86, %parallel_loop3A_248 : i32
        %parallel_loop3A_250 = arith.index_cast %parallel_loop3A_249 : i32 to index
        %parallel_loop3A_251 = arith.constant 32 : index
        %parallel_loop3A_252 = tpu.vector_load %arg4[%parallel_loop3A_250, %parallel_loop3A_251] {strides = array<i32>} : memref<160x256xf32, #tpu.memory_space<vmem>>, vector<1x16xf32>,
        %parallel_loop3A_253 = vector.shape_cast %parallel_loop3A_252 : vector<1x16xf32> to vector<16xf32>
        %parallel_loop3A_254 = arith.constant 3 : i32
        %parallel_loop3A_255 = arith.addi %parallel_loop3A_86, %parallel_loop3A_254 : i32
        %parallel_loop3A_256 = arith.index_cast %parallel_loop3A_255 : i32 to index
        %parallel_loop3A_257 = arith.constant 32 : index
        %parallel_loop3A_258 = tpu.vector_load %arg4[%parallel_loop3A_256, %parallel_loop3A_257] {strides = array<i32>} : memref<160x256xf32, #tpu.memory_space<vmem>>, vector<1x16xf32>,
        %parallel_loop3A_259 = vector.shape_cast %parallel_loop3A_258 : vector<1x16xf32> to vector<16xf32>
        %parallel_loop3A_260 = arith.addf %parallel_loop3A_253, %parallel_loop3A_259 : vector<16xf32>
        %parallel_loop3A_261 = arith.constant 4 : i32
        %parallel_loop3A_262 = arith.addi %parallel_loop3A_86, %parallel_loop3A_261 : i32
        %parallel_loop3A_263 = arith.index_cast %parallel_loop3A_262 : i32 to index
        %parallel_loop3A_264 = arith.constant 32 : index
        %parallel_loop3A_265 = tpu.vector_load %arg4[%parallel_loop3A_263, %parallel_loop3A_264] {strides = array<i32>} : memref<160x256xf32, #tpu.memory_space<vmem>>, vector<1x16xf32>,
        %parallel_loop3A_266 = vector.shape_cast %parallel_loop3A_265 : vector<1x16xf32> to vector<16xf32>
        %parallel_loop3A_267 = arith.constant 5 : i32
        %parallel_loop3A_268 = arith.addi %parallel_loop3A_86, %parallel_loop3A_267 : i32
        %parallel_loop3A_269 = arith.index_cast %parallel_loop3A_268 : i32 to index
        %parallel_loop3A_270 = arith.constant 32 : index
        %parallel_loop3A_271 = tpu.vector_load %arg4[%parallel_loop3A_269, %parallel_loop3A_270] {strides = array<i32>} : memref<160x256xf32, #tpu.memory_space<vmem>>, vector<1x16xf32>,
        %parallel_loop3A_272 = vector.shape_cast %parallel_loop3A_271 : vector<1x16xf32> to vector<16xf32>
        %parallel_loop3A_273 = arith.addf %parallel_loop3A_266, %parallel_loop3A_272 : vector<16xf32>
        %parallel_loop3A_274 = arith.constant 6 : i32
        %parallel_loop3A_275 = arith.addi %parallel_loop3A_86, %parallel_loop3A_274 : i32
        %parallel_loop3A_276 = arith.index_cast %parallel_loop3A_275 : i32 to index
        %parallel_loop3A_277 = arith.constant 32 : index
        %parallel_loop3A_278 = tpu.vector_load %arg4[%parallel_loop3A_276, %parallel_loop3A_277] {strides = array<i32>} : memref<160x256xf32, #tpu.memory_space<vmem>>, vector<1x16xf32>,
        %parallel_loop3A_279 = vector.shape_cast %parallel_loop3A_278 : vector<1x16xf32> to vector<16xf32>
        %parallel_loop3A_280 = arith.constant 7 : i32
        %parallel_loop3A_281 = arith.addi %parallel_loop3A_86, %parallel_loop3A_280 : i32
        %parallel_loop3A_282 = arith.index_cast %parallel_loop3A_281 : i32 to index
        %parallel_loop3A_283 = arith.constant 32 : index
        %parallel_loop3A_284 = tpu.vector_load %arg4[%parallel_loop3A_282, %parallel_loop3A_283] {strides = array<i32>} : memref<160x256xf32, #tpu.memory_space<vmem>>, vector<1x16xf32>,
        %parallel_loop3A_285 = vector.shape_cast %parallel_loop3A_284 : vector<1x16xf32> to vector<16xf32>
        %parallel_loop3A_286 = arith.addf %parallel_loop3A_279, %parallel_loop3A_285 : vector<16xf32>
        %parallel_loop3A_287 = arith.constant 8 : i32
        %parallel_loop3A_288 = arith.addi %parallel_loop3A_86, %parallel_loop3A_287 : i32
        %parallel_loop3A_289 = arith.index_cast %parallel_loop3A_288 : i32 to index
        %parallel_loop3A_290 = arith.constant 32 : index
        %parallel_loop3A_291 = tpu.vector_load %arg4[%parallel_loop3A_289, %parallel_loop3A_290] {strides = array<i32>} : memref<160x256xf32, #tpu.memory_space<vmem>>, vector<1x16xf32>,
        %parallel_loop3A_292 = vector.shape_cast %parallel_loop3A_291 : vector<1x16xf32> to vector<16xf32>
        %parallel_loop3A_293 = arith.constant 9 : i32
        %parallel_loop3A_294 = arith.addi %parallel_loop3A_86, %parallel_loop3A_293 : i32
        %parallel_loop3A_295 = arith.index_cast %parallel_loop3A_294 : i32 to index
        %parallel_loop3A_296 = arith.constant 32 : index
        %parallel_loop3A_297 = tpu.vector_load %arg4[%parallel_loop3A_295, %parallel_loop3A_296] {strides = array<i32>} : memref<160x256xf32, #tpu.memory_space<vmem>>, vector<1x16xf32>,
        %parallel_loop3A_298 = vector.shape_cast %parallel_loop3A_297 : vector<1x16xf32> to vector<16xf32>
        %parallel_loop3A_299 = arith.addf %parallel_loop3A_292, %parallel_loop3A_298 : vector<16xf32>
        %parallel_loop3A_300 = arith.addf %parallel_loop3A_247, %parallel_loop3A_260 : vector<16xf32>
        %parallel_loop3A_301 = arith.addf %parallel_loop3A_273, %parallel_loop3A_286 : vector<16xf32>
        %parallel_loop3A_302 = arith.addf %parallel_loop3A_300, %parallel_loop3A_301 : vector<16xf32>
        %parallel_loop3A_303 = arith.addf %parallel_loop3A_302, %parallel_loop3A_299 : vector<16xf32>
        %parallel_loop3A_304 = arith.index_cast %parallel_loop3A_84 : i32 to index
        %parallel_loop3A_305 = arith.constant 32 : index
        %parallel_loop3A_306 = tpu.vector_load %arg6[%parallel_loop3A_304, %parallel_loop3A_305] {strides = array<i32>} : memref<16x256xf32, #tpu.memory_space<vmem>>, vector<1x16xf32>,
        %parallel_loop3A_307 = vector.shape_cast %parallel_loop3A_306 : vector<1x16xf32> to vector<16xf32>
        %parallel_loop3A_308 = vector.shape_cast %parallel_loop3A_303 : vector<16xf32> to vector<1x16xf32>
        tpu.vector_store %arg6[%parallel_loop3A_304, %parallel_loop3A_305], %parallel_loop3A_308 {strides = array<i32>} : memref<16x256xf32, #tpu.memory_space<vmem>>, vector<1x16xf32>,
        %parallel_loop3A_309 = arith.constant 0 : i32
        %parallel_loop3A_310 = arith.addi %parallel_loop3A_86, %parallel_loop3A_309 : i32
        %parallel_loop3A_311 = arith.index_cast %parallel_loop3A_310 : i32 to index
        %parallel_loop3A_312 = arith.constant 48 : index
        %parallel_loop3A_313 = tpu.vector_load %arg4[%parallel_loop3A_311, %parallel_loop3A_312] {strides = array<i32>} : memref<160x256xf32, #tpu.memory_space<vmem>>, vector<1x16xf32>,
        %parallel_loop3A_314 = vector.shape_cast %parallel_loop3A_313 : vector<1x16xf32> to vector<16xf32>
        %parallel_loop3A_315 = arith.constant 1 : i32
        %parallel_loop3A_316 = arith.addi %parallel_loop3A_86, %parallel_loop3A_315 : i32
        %parallel_loop3A_317 = arith.index_cast %parallel_loop3A_316 : i32 to index
        %parallel_loop3A_318 = arith.constant 48 : index
        %parallel_loop3A_319 = tpu.vector_load %arg4[%parallel_loop3A_317, %parallel_loop3A_318] {strides = array<i32>} : memref<160x256xf32, #tpu.memory_space<vmem>>, vector<1x16xf32>,
        %parallel_loop3A_320 = vector.shape_cast %parallel_loop3A_319 : vector<1x16xf32> to vector<16xf32>
        %parallel_loop3A_321 = arith.addf %parallel_loop3A_314, %parallel_loop3A_320 : vector<16xf32>
        %parallel_loop3A_322 = arith.constant 2 : i32
        %parallel_loop3A_323 = arith.addi %parallel_loop3A_86, %parallel_loop3A_322 : i32
        %parallel_loop3A_324 = arith.index_cast %parallel_loop3A_323 : i32 to index
        %parallel_loop3A_325 = arith.constant 48 : index
        %parallel_loop3A_326 = tpu.vector_load %arg4[%parallel_loop3A_324, %parallel_loop3A_325] {strides = array<i32>} : memref<160x256xf32, #tpu.memory_space<vmem>>, vector<1x16xf32>,
        %parallel_loop3A_327 = vector.shape_cast %parallel_loop3A_326 : vector<1x16xf32> to vector<16xf32>
        %parallel_loop3A_328 = arith.constant 3 : i32
        %parallel_loop3A_329 = arith.addi %parallel_loop3A_86, %parallel_loop3A_328 : i32
        %parallel_loop3A_330 = arith.index_cast %parallel_loop3A_329 : i32 to index
        %parallel_loop3A_331 = arith.constant 48 : index
        %parallel_loop3A_332 = tpu.vector_load %arg4[%parallel_loop3A_330, %parallel_loop3A_331] {strides = array<i32>} : memref<160x256xf32, #tpu.memory_space<vmem>>, vector<1x16xf32>,
        %parallel_loop3A_333 = vector.shape_cast %parallel_loop3A_332 : vector<1x16xf32> to vector<16xf32>
        %parallel_loop3A_334 = arith.addf %parallel_loop3A_327, %parallel_loop3A_333 : vector<16xf32>
        %parallel_loop3A_335 = arith.constant 4 : i32
        %parallel_loop3A_336 = arith.addi %parallel_loop3A_86, %parallel_loop3A_335 : i32
        %parallel_loop3A_337 = arith.index_cast %parallel_loop3A_336 : i32 to index
        %parallel_loop3A_338 = arith.constant 48 : index
        %parallel_loop3A_339 = tpu.vector_load %arg4[%parallel_loop3A_337, %parallel_loop3A_338] {strides = array<i32>} : memref<160x256xf32, #tpu.memory_space<vmem>>, vector<1x16xf32>,
        %parallel_loop3A_340 = vector.shape_cast %parallel_loop3A_339 : vector<1x16xf32> to vector<16xf32>
        %parallel_loop3A_341 = arith.constant 5 : i32
        %parallel_loop3A_342 = arith.addi %parallel_loop3A_86, %parallel_loop3A_341 : i32
        %parallel_loop3A_343 = arith.index_cast %parallel_loop3A_342 : i32 to index
        %parallel_loop3A_344 = arith.constant 48 : index
        %parallel_loop3A_345 = tpu.vector_load %arg4[%parallel_loop3A_343, %parallel_loop3A_344] {strides = array<i32>} : memref<160x256xf32, #tpu.memory_space<vmem>>, vector<1x16xf32>,
        %parallel_loop3A_346 = vector.shape_cast %parallel_loop3A_345 : vector<1x16xf32> to vector<16xf32>
        %parallel_loop3A_347 = arith.addf %parallel_loop3A_340, %parallel_loop3A_346 : vector<16xf32>
        %parallel_loop3A_348 = arith.constant 6 : i32
        %parallel_loop3A_349 = arith.addi %parallel_loop3A_86, %parallel_loop3A_348 : i32
        %parallel_loop3A_350 = arith.index_cast %parallel_loop3A_349 : i32 to index
        %parallel_loop3A_351 = arith.constant 48 : index
        %parallel_loop3A_352 = tpu.vector_load %arg4[%parallel_loop3A_350, %parallel_loop3A_351] {strides = array<i32>} : memref<160x256xf32, #tpu.memory_space<vmem>>, vector<1x16xf32>,
        %parallel_loop3A_353 = vector.shape_cast %parallel_loop3A_352 : vector<1x16xf32> to vector<16xf32>
        %parallel_loop3A_354 = arith.constant 7 : i32
        %parallel_loop3A_355 = arith.addi %parallel_loop3A_86, %parallel_loop3A_354 : i32
        %parallel_loop3A_356 = arith.index_cast %parallel_loop3A_355 : i32 to index
        %parallel_loop3A_357 = arith.constant 48 : index
        %parallel_loop3A_358 = tpu.vector_load %arg4[%parallel_loop3A_356, %parallel_loop3A_357] {strides = array<i32>} : memref<160x256xf32, #tpu.memory_space<vmem>>, vector<1x16xf32>,
        %parallel_loop3A_359 = vector.shape_cast %parallel_loop3A_358 : vector<1x16xf32> to vector<16xf32>
        %parallel_loop3A_360 = arith.addf %parallel_loop3A_353, %parallel_loop3A_359 : vector<16xf32>
        %parallel_loop3A_361 = arith.constant 8 : i32
        %parallel_loop3A_362 = arith.addi %parallel_loop3A_86, %parallel_loop3A_361 : i32
        %parallel_loop3A_363 = arith.index_cast %parallel_loop3A_362 : i32 to index
        %parallel_loop3A_364 = arith.constant 48 : index
        %parallel_loop3A_365 = tpu.vector_load %arg4[%parallel_loop3A_363, %parallel_loop3A_364] {strides = array<i32>} : memref<160x256xf32, #tpu.memory_space<vmem>>, vector<1x16xf32>,
        %parallel_loop3A_366 = vector.shape_cast %parallel_loop3A_365 : vector<1x16xf32> to vector<16xf32>
        %parallel_loop3A_367 = arith.constant 9 : i32
        %parallel_loop3A_368 = arith.addi %parallel_loop3A_86, %parallel_loop3A_367 : i32
        %parallel_loop3A_369 = arith.index_cast %parallel_loop3A_368 : i32 to index
        %parallel_loop3A_370 = arith.constant 48 : index
        %parallel_loop3A_371 = tpu.vector_load %arg4[%parallel_loop3A_369, %parallel_loop3A_370] {strides = array<i32>} : memref<160x256xf32, #tpu.memory_space<vmem>>, vector<1x16xf32>,
        %parallel_loop3A_372 = vector.shape_cast %parallel_loop3A_371 : vector<1x16xf32> to vector<16xf32>
        %parallel_loop3A_373 = arith.addf %parallel_loop3A_366, %parallel_loop3A_372 : vector<16xf32>
        %parallel_loop3A_374 = arith.addf %parallel_loop3A_321, %parallel_loop3A_334 : vector<16xf32>
        %parallel_loop3A_375 = arith.addf %parallel_loop3A_347, %parallel_loop3A_360 : vector<16xf32>
        %parallel_loop3A_376 = arith.addf %parallel_loop3A_374, %parallel_loop3A_375 : vector<16xf32>
        %parallel_loop3A_377 = arith.addf %parallel_loop3A_376, %parallel_loop3A_373 : vector<16xf32>
        %parallel_loop3A_378 = arith.index_cast %parallel_loop3A_84 : i32 to index
        %parallel_loop3A_379 = arith.constant 48 : index
        %parallel_loop3A_380 = tpu.vector_load %arg6[%parallel_loop3A_378, %parallel_loop3A_379] {strides = array<i32>} : memref<16x256xf32, #tpu.memory_space<vmem>>, vector<1x16xf32>,
        %parallel_loop3A_381 = vector.shape_cast %parallel_loop3A_380 : vector<1x16xf32> to vector<16xf32>
        %parallel_loop3A_382 = vector.shape_cast %parallel_loop3A_377 : vector<16xf32> to vector<1x16xf32>
        tpu.vector_store %arg6[%parallel_loop3A_378, %parallel_loop3A_379], %parallel_loop3A_382 {strides = array<i32>} : memref<16x256xf32, #tpu.memory_space<vmem>>, vector<1x16xf32>,
        %parallel_loop3A_383 = arith.constant 0 : i32
        %parallel_loop3A_384 = arith.addi %parallel_loop3A_86, %parallel_loop3A_383 : i32
        %parallel_loop3A_385 = arith.index_cast %parallel_loop3A_384 : i32 to index
        %parallel_loop3A_386 = arith.constant 64 : index
        %parallel_loop3A_387 = tpu.vector_load %arg4[%parallel_loop3A_385, %parallel_loop3A_386] {strides = array<i32>} : memref<160x256xf32, #tpu.memory_space<vmem>>, vector<1x16xf32>,
        %parallel_loop3A_388 = vector.shape_cast %parallel_loop3A_387 : vector<1x16xf32> to vector<16xf32>
        %parallel_loop3A_389 = arith.constant 1 : i32
        %parallel_loop3A_390 = arith.addi %parallel_loop3A_86, %parallel_loop3A_389 : i32
        %parallel_loop3A_391 = arith.index_cast %parallel_loop3A_390 : i32 to index
        %parallel_loop3A_392 = arith.constant 64 : index
        %parallel_loop3A_393 = tpu.vector_load %arg4[%parallel_loop3A_391, %parallel_loop3A_392] {strides = array<i32>} : memref<160x256xf32, #tpu.memory_space<vmem>>, vector<1x16xf32>,
        %parallel_loop3A_394 = vector.shape_cast %parallel_loop3A_393 : vector<1x16xf32> to vector<16xf32>
        %parallel_loop3A_395 = arith.addf %parallel_loop3A_388, %parallel_loop3A_394 : vector<16xf32>
        %parallel_loop3A_396 = arith.constant 2 : i32
        %parallel_loop3A_397 = arith.addi %parallel_loop3A_86, %parallel_loop3A_396 : i32
        %parallel_loop3A_398 = arith.index_cast %parallel_loop3A_397 : i32 to index
        %parallel_loop3A_399 = arith.constant 64 : index
        %parallel_loop3A_400 = tpu.vector_load %arg4[%parallel_loop3A_398, %parallel_loop3A_399] {strides = array<i32>} : memref<160x256xf32, #tpu.memory_space<vmem>>, vector<1x16xf32>,
        %parallel_loop3A_401 = vector.shape_cast %parallel_loop3A_400 : vector<1x16xf32> to vector<16xf32>
        %parallel_loop3A_402 = arith.constant 3 : i32
        %parallel_loop3A_403 = arith.addi %parallel_loop3A_86, %parallel_loop3A_402 : i32
        %parallel_loop3A_404 = arith.index_cast %parallel_loop3A_403 : i32 to index
        %parallel_loop3A_405 = arith.constant 64 : index
        %parallel_loop3A_406 = tpu.vector_load %arg4[%parallel_loop3A_404, %parallel_loop3A_405] {strides = array<i32>} : memref<160x256xf32, #tpu.memory_space<vmem>>, vector<1x16xf32>,
        %parallel_loop3A_407 = vector.shape_cast %parallel_loop3A_406 : vector<1x16xf32> to vector<16xf32>
        %parallel_loop3A_408 = arith.addf %parallel_loop3A_401, %parallel_loop3A_407 : vector<16xf32>
        %parallel_loop3A_409 = arith.constant 4 : i32
        %parallel_loop3A_410 = arith.addi %parallel_loop3A_86, %parallel_loop3A_409 : i32
        %parallel_loop3A_411 = arith.index_cast %parallel_loop3A_410 : i32 to index
        %parallel_loop3A_412 = arith.constant 64 : index
        %parallel_loop3A_413 = tpu.vector_load %arg4[%parallel_loop3A_411, %parallel_loop3A_412] {strides = array<i32>} : memref<160x256xf32, #tpu.memory_space<vmem>>, vector<1x16xf32>,
        %parallel_loop3A_414 = vector.shape_cast %parallel_loop3A_413 : vector<1x16xf32> to vector<16xf32>
        %parallel_loop3A_415 = arith.constant 5 : i32
        %parallel_loop3A_416 = arith.addi %parallel_loop3A_86, %parallel_loop3A_415 : i32
        %parallel_loop3A_417 = arith.index_cast %parallel_loop3A_416 : i32 to index
        %parallel_loop3A_418 = arith.constant 64 : index
        %parallel_loop3A_419 = tpu.vector_load %arg4[%parallel_loop3A_417, %parallel_loop3A_418] {strides = array<i32>} : memref<160x256xf32, #tpu.memory_space<vmem>>, vector<1x16xf32>,
        %parallel_loop3A_420 = vector.shape_cast %parallel_loop3A_419 : vector<1x16xf32> to vector<16xf32>
        %parallel_loop3A_421 = arith.addf %parallel_loop3A_414, %parallel_loop3A_420 : vector<16xf32>
        %parallel_loop3A_422 = arith.constant 6 : i32
        %parallel_loop3A_423 = arith.addi %parallel_loop3A_86, %parallel_loop3A_422 : i32
        %parallel_loop3A_424 = arith.index_cast %parallel_loop3A_423 : i32 to index
        %parallel_loop3A_425 = arith.constant 64 : index
        %parallel_loop3A_426 = tpu.vector_load %arg4[%parallel_loop3A_424, %parallel_loop3A_425] {strides = array<i32>} : memref<160x256xf32, #tpu.memory_space<vmem>>, vector<1x16xf32>,
        %parallel_loop3A_427 = vector.shape_cast %parallel_loop3A_426 : vector<1x16xf32> to vector<16xf32>
        %parallel_loop3A_428 = arith.constant 7 : i32
        %parallel_loop3A_429 = arith.addi %parallel_loop3A_86, %parallel_loop3A_428 : i32
        %parallel_loop3A_430 = arith.index_cast %parallel_loop3A_429 : i32 to index
        %parallel_loop3A_431 = arith.constant 64 : index
        %parallel_loop3A_432 = tpu.vector_load %arg4[%parallel_loop3A_430, %parallel_loop3A_431] {strides = array<i32>} : memref<160x256xf32, #tpu.memory_space<vmem>>, vector<1x16xf32>,
        %parallel_loop3A_433 = vector.shape_cast %parallel_loop3A_432 : vector<1x16xf32> to vector<16xf32>
        %parallel_loop3A_434 = arith.addf %parallel_loop3A_427, %parallel_loop3A_433 : vector<16xf32>
        %parallel_loop3A_435 = arith.constant 8 : i32
        %parallel_loop3A_436 = arith.addi %parallel_loop3A_86, %parallel_loop3A_435 : i32
        %parallel_loop3A_437 = arith.index_cast %parallel_loop3A_436 : i32 to index
        %parallel_loop3A_438 = arith.constant 64 : index
        %parallel_loop3A_439 = tpu.vector_load %arg4[%parallel_loop3A_437, %parallel_loop3A_438] {strides = array<i32>} : memref<160x256xf32, #tpu.memory_space<vmem>>, vector<1x16xf32>,
        %parallel_loop3A_440 = vector.shape_cast %parallel_loop3A_439 : vector<1x16xf32> to vector<16xf32>
        %parallel_loop3A_441 = arith.constant 9 : i32
        %parallel_loop3A_442 = arith.addi %parallel_loop3A_86, %parallel_loop3A_441 : i32
        %parallel_loop3A_443 = arith.index_cast %parallel_loop3A_442 : i32 to index
        %parallel_loop3A_444 = arith.constant 64 : index
        %parallel_loop3A_445 = tpu.vector_load %arg4[%parallel_loop3A_443, %parallel_loop3A_444] {strides = array<i32>} : memref<160x256xf32, #tpu.memory_space<vmem>>, vector<1x16xf32>,
        %parallel_loop3A_446 = vector.shape_cast %parallel_loop3A_445 : vector<1x16xf32> to vector<16xf32>
        %parallel_loop3A_447 = arith.addf %parallel_loop3A_440, %parallel_loop3A_446 : vector<16xf32>
        %parallel_loop3A_448 = arith.addf %parallel_loop3A_395, %parallel_loop3A_408 : vector<16xf32>
        %parallel_loop3A_449 = arith.addf %parallel_loop3A_421, %parallel_loop3A_434 : vector<16xf32>
        %parallel_loop3A_450 = arith.addf %parallel_loop3A_448, %parallel_loop3A_449 : vector<16xf32>
        %parallel_loop3A_451 = arith.addf %parallel_loop3A_450, %parallel_loop3A_447 : vector<16xf32>
        %parallel_loop3A_452 = arith.index_cast %parallel_loop3A_84 : i32 to index
        %parallel_loop3A_453 = arith.constant 64 : index
        %parallel_loop3A_454 = tpu.vector_load %arg6[%parallel_loop3A_452, %parallel_loop3A_453] {strides = array<i32>} : memref<16x256xf32, #tpu.memory_space<vmem>>, vector<1x16xf32>,
        %parallel_loop3A_455 = vector.shape_cast %parallel_loop3A_454 : vector<1x16xf32> to vector<16xf32>
        %parallel_loop3A_456 = vector.shape_cast %parallel_loop3A_451 : vector<16xf32> to vector<1x16xf32>
        tpu.vector_store %arg6[%parallel_loop3A_452, %parallel_loop3A_453], %parallel_loop3A_456 {strides = array<i32>} : memref<16x256xf32, #tpu.memory_space<vmem>>, vector<1x16xf32>,
        %parallel_loop3A_457 = arith.constant 0 : i32
        %parallel_loop3A_458 = arith.addi %parallel_loop3A_86, %parallel_loop3A_457 : i32
        %parallel_loop3A_459 = arith.index_cast %parallel_loop3A_458 : i32 to index
        %parallel_loop3A_460 = arith.constant 80 : index
        %parallel_loop3A_461 = tpu.vector_load %arg4[%parallel_loop3A_459, %parallel_loop3A_460] {strides = array<i32>} : memref<160x256xf32, #tpu.memory_space<vmem>>, vector<1x16xf32>,
        %parallel_loop3A_462 = vector.shape_cast %parallel_loop3A_461 : vector<1x16xf32> to vector<16xf32>
        %parallel_loop3A_463 = arith.constant 1 : i32
        %parallel_loop3A_464 = arith.addi %parallel_loop3A_86, %parallel_loop3A_463 : i32
        %parallel_loop3A_465 = arith.index_cast %parallel_loop3A_464 : i32 to index
        %parallel_loop3A_466 = arith.constant 80 : index
        %parallel_loop3A_467 = tpu.vector_load %arg4[%parallel_loop3A_465, %parallel_loop3A_466] {strides = array<i32>} : memref<160x256xf32, #tpu.memory_space<vmem>>, vector<1x16xf32>,
        %parallel_loop3A_468 = vector.shape_cast %parallel_loop3A_467 : vector<1x16xf32> to vector<16xf32>
        %parallel_loop3A_469 = arith.addf %parallel_loop3A_462, %parallel_loop3A_468 : vector<16xf32>
        %parallel_loop3A_470 = arith.constant 2 : i32
        %parallel_loop3A_471 = arith.addi %parallel_loop3A_86, %parallel_loop3A_470 : i32
        %parallel_loop3A_472 = arith.index_cast %parallel_loop3A_471 : i32 to index
        %parallel_loop3A_473 = arith.constant 80 : index
        %parallel_loop3A_474 = tpu.vector_load %arg4[%parallel_loop3A_472, %parallel_loop3A_473] {strides = array<i32>} : memref<160x256xf32, #tpu.memory_space<vmem>>, vector<1x16xf32>,
        %parallel_loop3A_475 = vector.shape_cast %parallel_loop3A_474 : vector<1x16xf32> to vector<16xf32>
        %parallel_loop3A_476 = arith.constant 3 : i32
        %parallel_loop3A_477 = arith.addi %parallel_loop3A_86, %parallel_loop3A_476 : i32
        %parallel_loop3A_478 = arith.index_cast %parallel_loop3A_477 : i32 to index
        %parallel_loop3A_479 = arith.constant 80 : index
        %parallel_loop3A_480 = tpu.vector_load %arg4[%parallel_loop3A_478, %parallel_loop3A_479] {strides = array<i32>} : memref<160x256xf32, #tpu.memory_space<vmem>>, vector<1x16xf32>,
        %parallel_loop3A_481 = vector.shape_cast %parallel_loop3A_480 : vector<1x16xf32> to vector<16xf32>
        %parallel_loop3A_482 = arith.addf %parallel_loop3A_475, %parallel_loop3A_481 : vector<16xf32>
        %parallel_loop3A_483 = arith.constant 4 : i32
        %parallel_loop3A_484 = arith.addi %parallel_loop3A_86, %parallel_loop3A_483 : i32
        %parallel_loop3A_485 = arith.index_cast %parallel_loop3A_484 : i32 to index
        %parallel_loop3A_486 = arith.constant 80 : index
        %parallel_loop3A_487 = tpu.vector_load %arg4[%parallel_loop3A_485, %parallel_loop3A_486] {strides = array<i32>} : memref<160x256xf32, #tpu.memory_space<vmem>>, vector<1x16xf32>,
        %parallel_loop3A_488 = vector.shape_cast %parallel_loop3A_487 : vector<1x16xf32> to vector<16xf32>
        %parallel_loop3A_489 = arith.constant 5 : i32
        %parallel_loop3A_490 = arith.addi %parallel_loop3A_86, %parallel_loop3A_489 : i32
        %parallel_loop3A_491 = arith.index_cast %parallel_loop3A_490 : i32 to index
        %parallel_loop3A_492 = arith.constant 80 : index
        %parallel_loop3A_493 = tpu.vector_load %arg4[%parallel_loop3A_491, %parallel_loop3A_492] {strides = array<i32>} : memref<160x256xf32, #tpu.memory_space<vmem>>, vector<1x16xf32>,
        %parallel_loop3A_494 = vector.shape_cast %parallel_loop3A_493 : vector<1x16xf32> to vector<16xf32>
        %parallel_loop3A_495 = arith.addf %parallel_loop3A_488, %parallel_loop3A_494 : vector<16xf32>
        %parallel_loop3A_496 = arith.constant 6 : i32
        %parallel_loop3A_497 = arith.addi %parallel_loop3A_86, %parallel_loop3A_496 : i32
        %parallel_loop3A_498 = arith.index_cast %parallel_loop3A_497 : i32 to index
        %parallel_loop3A_499 = arith.constant 80 : index
        %parallel_loop3A_500 = tpu.vector_load %arg4[%parallel_loop3A_498, %parallel_loop3A_499] {strides = array<i32>} : memref<160x256xf32, #tpu.memory_space<vmem>>, vector<1x16xf32>,
        %parallel_loop3A_501 = vector.shape_cast %parallel_loop3A_500 : vector<1x16xf32> to vector<16xf32>
        %parallel_loop3A_502 = arith.constant 7 : i32
        %parallel_loop3A_503 = arith.addi %parallel_loop3A_86, %parallel_loop3A_502 : i32
        %parallel_loop3A_504 = arith.index_cast %parallel_loop3A_503 : i32 to index
        %parallel_loop3A_505 = arith.constant 80 : index
        %parallel_loop3A_506 = tpu.vector_load %arg4[%parallel_loop3A_504, %parallel_loop3A_505] {strides = array<i32>} : memref<160x256xf32, #tpu.memory_space<vmem>>, vector<1x16xf32>,
        %parallel_loop3A_507 = vector.shape_cast %parallel_loop3A_506 : vector<1x16xf32> to vector<16xf32>
        %parallel_loop3A_508 = arith.addf %parallel_loop3A_501, %parallel_loop3A_507 : vector<16xf32>
        %parallel_loop3A_509 = arith.constant 8 : i32
        %parallel_loop3A_510 = arith.addi %parallel_loop3A_86, %parallel_loop3A_509 : i32
        %parallel_loop3A_511 = arith.index_cast %parallel_loop3A_510 : i32 to index
        %parallel_loop3A_512 = arith.constant 80 : index
        %parallel_loop3A_513 = tpu.vector_load %arg4[%parallel_loop3A_511, %parallel_loop3A_512] {strides = array<i32>} : memref<160x256xf32, #tpu.memory_space<vmem>>, vector<1x16xf32>,
        %parallel_loop3A_514 = vector.shape_cast %parallel_loop3A_513 : vector<1x16xf32> to vector<16xf32>
        %parallel_loop3A_515 = arith.constant 9 : i32
        %parallel_loop3A_516 = arith.addi %parallel_loop3A_86, %parallel_loop3A_515 : i32
        %parallel_loop3A_517 = arith.index_cast %parallel_loop3A_516 : i32 to index
        %parallel_loop3A_518 = arith.constant 80 : index
        %parallel_loop3A_519 = tpu.vector_load %arg4[%parallel_loop3A_517, %parallel_loop3A_518] {strides = array<i32>} : memref<160x256xf32, #tpu.memory_space<vmem>>, vector<1x16xf32>,
        %parallel_loop3A_520 = vector.shape_cast %parallel_loop3A_519 : vector<1x16xf32> to vector<16xf32>
        %parallel_loop3A_521 = arith.addf %parallel_loop3A_514, %parallel_loop3A_520 : vector<16xf32>
        %parallel_loop3A_522 = arith.addf %parallel_loop3A_469, %parallel_loop3A_482 : vector<16xf32>
        %parallel_loop3A_523 = arith.addf %parallel_loop3A_495, %parallel_loop3A_508 : vector<16xf32>
        %parallel_loop3A_524 = arith.addf %parallel_loop3A_522, %parallel_loop3A_523 : vector<16xf32>
        %parallel_loop3A_525 = arith.addf %parallel_loop3A_524, %parallel_loop3A_521 : vector<16xf32>
        %parallel_loop3A_526 = arith.index_cast %parallel_loop3A_84 : i32 to index
        %parallel_loop3A_527 = arith.constant 80 : index
        %parallel_loop3A_528 = tpu.vector_load %arg6[%parallel_loop3A_526, %parallel_loop3A_527] {strides = array<i32>} : memref<16x256xf32, #tpu.memory_space<vmem>>, vector<1x16xf32>,
        %parallel_loop3A_529 = vector.shape_cast %parallel_loop3A_528 : vector<1x16xf32> to vector<16xf32>
        %parallel_loop3A_530 = vector.shape_cast %parallel_loop3A_525 : vector<16xf32> to vector<1x16xf32>
        tpu.vector_store %arg6[%parallel_loop3A_526, %parallel_loop3A_527], %parallel_loop3A_530 {strides = array<i32>} : memref<16x256xf32, #tpu.memory_space<vmem>>, vector<1x16xf32>,
        %parallel_loop3A_531 = arith.constant 0 : i32
        %parallel_loop3A_532 = arith.addi %parallel_loop3A_86, %parallel_loop3A_531 : i32
        %parallel_loop3A_533 = arith.index_cast %parallel_loop3A_532 : i32 to index
        %parallel_loop3A_534 = arith.constant 96 : index
        %parallel_loop3A_535 = tpu.vector_load %arg4[%parallel_loop3A_533, %parallel_loop3A_534] {strides = array<i32>} : memref<160x256xf32, #tpu.memory_space<vmem>>, vector<1x16xf32>,
        %parallel_loop3A_536 = vector.shape_cast %parallel_loop3A_535 : vector<1x16xf32> to vector<16xf32>
        %parallel_loop3A_537 = arith.constant 1 : i32
        %parallel_loop3A_538 = arith.addi %parallel_loop3A_86, %parallel_loop3A_537 : i32
        %parallel_loop3A_539 = arith.index_cast %parallel_loop3A_538 : i32 to index
        %parallel_loop3A_540 = arith.constant 96 : index
        %parallel_loop3A_541 = tpu.vector_load %arg4[%parallel_loop3A_539, %parallel_loop3A_540] {strides = array<i32>} : memref<160x256xf32, #tpu.memory_space<vmem>>, vector<1x16xf32>,
        %parallel_loop3A_542 = vector.shape_cast %parallel_loop3A_541 : vector<1x16xf32> to vector<16xf32>
        %parallel_loop3A_543 = arith.addf %parallel_loop3A_536, %parallel_loop3A_542 : vector<16xf32>
        %parallel_loop3A_544 = arith.constant 2 : i32
        %parallel_loop3A_545 = arith.addi %parallel_loop3A_86, %parallel_loop3A_544 : i32
        %parallel_loop3A_546 = arith.index_cast %parallel_loop3A_545 : i32 to index
        %parallel_loop3A_547 = arith.constant 96 : index
        %parallel_loop3A_548 = tpu.vector_load %arg4[%parallel_loop3A_546, %parallel_loop3A_547] {strides = array<i32>} : memref<160x256xf32, #tpu.memory_space<vmem>>, vector<1x16xf32>,
        %parallel_loop3A_549 = vector.shape_cast %parallel_loop3A_548 : vector<1x16xf32> to vector<16xf32>
        %parallel_loop3A_550 = arith.constant 3 : i32
        %parallel_loop3A_551 = arith.addi %parallel_loop3A_86, %parallel_loop3A_550 : i32
        %parallel_loop3A_552 = arith.index_cast %parallel_loop3A_551 : i32 to index
        %parallel_loop3A_553 = arith.constant 96 : index
        %parallel_loop3A_554 = tpu.vector_load %arg4[%parallel_loop3A_552, %parallel_loop3A_553] {strides = array<i32>} : memref<160x256xf32, #tpu.memory_space<vmem>>, vector<1x16xf32>,
        %parallel_loop3A_555 = vector.shape_cast %parallel_loop3A_554 : vector<1x16xf32> to vector<16xf32>
        %parallel_loop3A_556 = arith.addf %parallel_loop3A_549, %parallel_loop3A_555 : vector<16xf32>
        %parallel_loop3A_557 = arith.constant 4 : i32
        %parallel_loop3A_558 = arith.addi %parallel_loop3A_86, %parallel_loop3A_557 : i32
        %parallel_loop3A_559 = arith.index_cast %parallel_loop3A_558 : i32 to index
        %parallel_loop3A_560 = arith.constant 96 : index
        %parallel_loop3A_561 = tpu.vector_load %arg4[%parallel_loop3A_559, %parallel_loop3A_560] {strides = array<i32>} : memref<160x256xf32, #tpu.memory_space<vmem>>, vector<1x16xf32>,
        %parallel_loop3A_562 = vector.shape_cast %parallel_loop3A_561 : vector<1x16xf32> to vector<16xf32>
        %parallel_loop3A_563 = arith.constant 5 : i32
        %parallel_loop3A_564 = arith.addi %parallel_loop3A_86, %parallel_loop3A_563 : i32
        %parallel_loop3A_565 = arith.index_cast %parallel_loop3A_564 : i32 to index
        %parallel_loop3A_566 = arith.constant 96 : index
        %parallel_loop3A_567 = tpu.vector_load %arg4[%parallel_loop3A_565, %parallel_loop3A_566] {strides = array<i32>} : memref<160x256xf32, #tpu.memory_space<vmem>>, vector<1x16xf32>,
        %parallel_loop3A_568 = vector.shape_cast %parallel_loop3A_567 : vector<1x16xf32> to vector<16xf32>
        %parallel_loop3A_569 = arith.addf %parallel_loop3A_562, %parallel_loop3A_568 : vector<16xf32>
        %parallel_loop3A_570 = arith.constant 6 : i32
        %parallel_loop3A_571 = arith.addi %parallel_loop3A_86, %parallel_loop3A_570 : i32
        %parallel_loop3A_572 = arith.index_cast %parallel_loop3A_571 : i32 to index
        %parallel_loop3A_573 = arith.constant 96 : index
        %parallel_loop3A_574 = tpu.vector_load %arg4[%parallel_loop3A_572, %parallel_loop3A_573] {strides = array<i32>} : memref<160x256xf32, #tpu.memory_space<vmem>>, vector<1x16xf32>,
        %parallel_loop3A_575 = vector.shape_cast %parallel_loop3A_574 : vector<1x16xf32> to vector<16xf32>
        %parallel_loop3A_576 = arith.constant 7 : i32
        %parallel_loop3A_577 = arith.addi %parallel_loop3A_86, %parallel_loop3A_576 : i32
        %parallel_loop3A_578 = arith.index_cast %parallel_loop3A_577 : i32 to index
        %parallel_loop3A_579 = arith.constant 96 : index
        %parallel_loop3A_580 = tpu.vector_load %arg4[%parallel_loop3A_578, %parallel_loop3A_579] {strides = array<i32>} : memref<160x256xf32, #tpu.memory_space<vmem>>, vector<1x16xf32>,
        %parallel_loop3A_581 = vector.shape_cast %parallel_loop3A_580 : vector<1x16xf32> to vector<16xf32>
        %parallel_loop3A_582 = arith.addf %parallel_loop3A_575, %parallel_loop3A_581 : vector<16xf32>
        %parallel_loop3A_583 = arith.constant 8 : i32
        %parallel_loop3A_584 = arith.addi %parallel_loop3A_86, %parallel_loop3A_583 : i32
        %parallel_loop3A_585 = arith.index_cast %parallel_loop3A_584 : i32 to index
        %parallel_loop3A_586 = arith.constant 96 : index
        %parallel_loop3A_587 = tpu.vector_load %arg4[%parallel_loop3A_585, %parallel_loop3A_586] {strides = array<i32>} : memref<160x256xf32, #tpu.memory_space<vmem>>, vector<1x16xf32>,
        %parallel_loop3A_588 = vector.shape_cast %parallel_loop3A_587 : vector<1x16xf32> to vector<16xf32>
        %parallel_loop3A_589 = arith.constant 9 : i32
        %parallel_loop3A_590 = arith.addi %parallel_loop3A_86, %parallel_loop3A_589 : i32
        %parallel_loop3A_591 = arith.index_cast %parallel_loop3A_590 : i32 to index
        %parallel_loop3A_592 = arith.constant 96 : index
        %parallel_loop3A_593 = tpu.vector_load %arg4[%parallel_loop3A_591, %parallel_loop3A_592] {strides = array<i32>} : memref<160x256xf32, #tpu.memory_space<vmem>>, vector<1x16xf32>,
        %parallel_loop3A_594 = vector.shape_cast %parallel_loop3A_593 : vector<1x16xf32> to vector<16xf32>
        %parallel_loop3A_595 = arith.addf %parallel_loop3A_588, %parallel_loop3A_594 : vector<16xf32>
        %parallel_loop3A_596 = arith.addf %parallel_loop3A_543, %parallel_loop3A_556 : vector<16xf32>
        %parallel_loop3A_597 = arith.addf %parallel_loop3A_569, %parallel_loop3A_582 : vector<16xf32>
        %parallel_loop3A_598 = arith.addf %parallel_loop3A_596, %parallel_loop3A_597 : vector<16xf32>
        %parallel_loop3A_599 = arith.addf %parallel_loop3A_598, %parallel_loop3A_595 : vector<16xf32>
        %parallel_loop3A_600 = arith.index_cast %parallel_loop3A_84 : i32 to index
        %parallel_loop3A_601 = arith.constant 96 : index
        %parallel_loop3A_602 = tpu.vector_load %arg6[%parallel_loop3A_600, %parallel_loop3A_601] {strides = array<i32>} : memref<16x256xf32, #tpu.memory_space<vmem>>, vector<1x16xf32>,
        %parallel_loop3A_603 = vector.shape_cast %parallel_loop3A_602 : vector<1x16xf32> to vector<16xf32>
        %parallel_loop3A_604 = vector.shape_cast %parallel_loop3A_599 : vector<16xf32> to vector<1x16xf32>
        tpu.vector_store %arg6[%parallel_loop3A_600, %parallel_loop3A_601], %parallel_loop3A_604 {strides = array<i32>} : memref<16x256xf32, #tpu.memory_space<vmem>>, vector<1x16xf32>,
        %parallel_loop3A_605 = arith.constant 0 : i32
        %parallel_loop3A_606 = arith.addi %parallel_loop3A_86, %parallel_loop3A_605 : i32
        %parallel_loop3A_607 = arith.index_cast %parallel_loop3A_606 : i32 to index
        %parallel_loop3A_608 = arith.constant 112 : index
        %parallel_loop3A_609 = tpu.vector_load %arg4[%parallel_loop3A_607, %parallel_loop3A_608] {strides = array<i32>} : memref<160x256xf32, #tpu.memory_space<vmem>>, vector<1x16xf32>,
        %parallel_loop3A_610 = vector.shape_cast %parallel_loop3A_609 : vector<1x16xf32> to vector<16xf32>
        %parallel_loop3A_611 = arith.constant 1 : i32
        %parallel_loop3A_612 = arith.addi %parallel_loop3A_86, %parallel_loop3A_611 : i32
        %parallel_loop3A_613 = arith.index_cast %parallel_loop3A_612 : i32 to index
        %parallel_loop3A_614 = arith.constant 112 : index
        %parallel_loop3A_615 = tpu.vector_load %arg4[%parallel_loop3A_613, %parallel_loop3A_614] {strides = array<i32>} : memref<160x256xf32, #tpu.memory_space<vmem>>, vector<1x16xf32>,
        %parallel_loop3A_616 = vector.shape_cast %parallel_loop3A_615 : vector<1x16xf32> to vector<16xf32>
        %parallel_loop3A_617 = arith.addf %parallel_loop3A_610, %parallel_loop3A_616 : vector<16xf32>
        %parallel_loop3A_618 = arith.constant 2 : i32
        %parallel_loop3A_619 = arith.addi %parallel_loop3A_86, %parallel_loop3A_618 : i32
        %parallel_loop3A_620 = arith.index_cast %parallel_loop3A_619 : i32 to index
        %parallel_loop3A_621 = arith.constant 112 : index
        %parallel_loop3A_622 = tpu.vector_load %arg4[%parallel_loop3A_620, %parallel_loop3A_621] {strides = array<i32>} : memref<160x256xf32, #tpu.memory_space<vmem>>, vector<1x16xf32>,
        %parallel_loop3A_623 = vector.shape_cast %parallel_loop3A_622 : vector<1x16xf32> to vector<16xf32>
        %parallel_loop3A_624 = arith.constant 3 : i32
        %parallel_loop3A_625 = arith.addi %parallel_loop3A_86, %parallel_loop3A_624 : i32
        %parallel_loop3A_626 = arith.index_cast %parallel_loop3A_625 : i32 to index
        %parallel_loop3A_627 = arith.constant 112 : index
        %parallel_loop3A_628 = tpu.vector_load %arg4[%parallel_loop3A_626, %parallel_loop3A_627] {strides = array<i32>} : memref<160x256xf32, #tpu.memory_space<vmem>>, vector<1x16xf32>,
        %parallel_loop3A_629 = vector.shape_cast %parallel_loop3A_628 : vector<1x16xf32> to vector<16xf32>
        %parallel_loop3A_630 = arith.addf %parallel_loop3A_623, %parallel_loop3A_629 : vector<16xf32>
        %parallel_loop3A_631 = arith.constant 4 : i32
        %parallel_loop3A_632 = arith.addi %parallel_loop3A_86, %parallel_loop3A_631 : i32
        %parallel_loop3A_633 = arith.index_cast %parallel_loop3A_632 : i32 to index
        %parallel_loop3A_634 = arith.constant 112 : index
        %parallel_loop3A_635 = tpu.vector_load %arg4[%parallel_loop3A_633, %parallel_loop3A_634] {strides = array<i32>} : memref<160x256xf32, #tpu.memory_space<vmem>>, vector<1x16xf32>,
        %parallel_loop3A_636 = vector.shape_cast %parallel_loop3A_635 : vector<1x16xf32> to vector<16xf32>
        %parallel_loop3A_637 = arith.constant 5 : i32
        %parallel_loop3A_638 = arith.addi %parallel_loop3A_86, %parallel_loop3A_637 : i32
        %parallel_loop3A_639 = arith.index_cast %parallel_loop3A_638 : i32 to index
        %parallel_loop3A_640 = arith.constant 112 : index
        %parallel_loop3A_641 = tpu.vector_load %arg4[%parallel_loop3A_639, %parallel_loop3A_640] {strides = array<i32>} : memref<160x256xf32, #tpu.memory_space<vmem>>, vector<1x16xf32>,
        %parallel_loop3A_642 = vector.shape_cast %parallel_loop3A_641 : vector<1x16xf32> to vector<16xf32>
        %parallel_loop3A_643 = arith.addf %parallel_loop3A_636, %parallel_loop3A_642 : vector<16xf32>
        %parallel_loop3A_644 = arith.constant 6 : i32
        %parallel_loop3A_645 = arith.addi %parallel_loop3A_86, %parallel_loop3A_644 : i32
        %parallel_loop3A_646 = arith.index_cast %parallel_loop3A_645 : i32 to index
        %parallel_loop3A_647 = arith.constant 112 : index
        %parallel_loop3A_648 = tpu.vector_load %arg4[%parallel_loop3A_646, %parallel_loop3A_647] {strides = array<i32>} : memref<160x256xf32, #tpu.memory_space<vmem>>, vector<1x16xf32>,
        %parallel_loop3A_649 = vector.shape_cast %parallel_loop3A_648 : vector<1x16xf32> to vector<16xf32>
        %parallel_loop3A_650 = arith.constant 7 : i32
        %parallel_loop3A_651 = arith.addi %parallel_loop3A_86, %parallel_loop3A_650 : i32
        %parallel_loop3A_652 = arith.index_cast %parallel_loop3A_651 : i32 to index
        %parallel_loop3A_653 = arith.constant 112 : index
        %parallel_loop3A_654 = tpu.vector_load %arg4[%parallel_loop3A_652, %parallel_loop3A_653] {strides = array<i32>} : memref<160x256xf32, #tpu.memory_space<vmem>>, vector<1x16xf32>,
        %parallel_loop3A_655 = vector.shape_cast %parallel_loop3A_654 : vector<1x16xf32> to vector<16xf32>
        %parallel_loop3A_656 = arith.addf %parallel_loop3A_649, %parallel_loop3A_655 : vector<16xf32>
        %parallel_loop3A_657 = arith.constant 8 : i32
        %parallel_loop3A_658 = arith.addi %parallel_loop3A_86, %parallel_loop3A_657 : i32
        %parallel_loop3A_659 = arith.index_cast %parallel_loop3A_658 : i32 to index
        %parallel_loop3A_660 = arith.constant 112 : index
        %parallel_loop3A_661 = tpu.vector_load %arg4[%parallel_loop3A_659, %parallel_loop3A_660] {strides = array<i32>} : memref<160x256xf32, #tpu.memory_space<vmem>>, vector<1x16xf32>,
        %parallel_loop3A_662 = vector.shape_cast %parallel_loop3A_661 : vector<1x16xf32> to vector<16xf32>
        %parallel_loop3A_663 = arith.constant 9 : i32
        %parallel_loop3A_664 = arith.addi %parallel_loop3A_86, %parallel_loop3A_663 : i32
        %parallel_loop3A_665 = arith.index_cast %parallel_loop3A_664 : i32 to index
        %parallel_loop3A_666 = arith.constant 112 : index
        %parallel_loop3A_667 = tpu.vector_load %arg4[%parallel_loop3A_665, %parallel_loop3A_666] {strides = array<i32>} : memref<160x256xf32, #tpu.memory_space<vmem>>, vector<1x16xf32>,
        %parallel_loop3A_668 = vector.shape_cast %parallel_loop3A_667 : vector<1x16xf32> to vector<16xf32>
        %parallel_loop3A_669 = arith.addf %parallel_loop3A_662, %parallel_loop3A_668 : vector<16xf32>
        %parallel_loop3A_670 = arith.addf %parallel_loop3A_617, %parallel_loop3A_630 : vector<16xf32>
        %parallel_loop3A_671 = arith.addf %parallel_loop3A_643, %parallel_loop3A_656 : vector<16xf32>
        %parallel_loop3A_672 = arith.addf %parallel_loop3A_670, %parallel_loop3A_671 : vector<16xf32>
        %parallel_loop3A_673 = arith.addf %parallel_loop3A_672, %parallel_loop3A_669 : vector<16xf32>
        %parallel_loop3A_674 = arith.index_cast %parallel_loop3A_84 : i32 to index
        %parallel_loop3A_675 = arith.constant 112 : index
        %parallel_loop3A_676 = tpu.vector_load %arg6[%parallel_loop3A_674, %parallel_loop3A_675] {strides = array<i32>} : memref<16x256xf32, #tpu.memory_space<vmem>>, vector<1x16xf32>,
        %parallel_loop3A_677 = vector.shape_cast %parallel_loop3A_676 : vector<1x16xf32> to vector<16xf32>
        %parallel_loop3A_678 = vector.shape_cast %parallel_loop3A_673 : vector<16xf32> to vector<1x16xf32>
        tpu.vector_store %arg6[%parallel_loop3A_674, %parallel_loop3A_675], %parallel_loop3A_678 {strides = array<i32>} : memref<16x256xf32, #tpu.memory_space<vmem>>, vector<1x16xf32>,
        %parallel_loop3A_679 = arith.constant 0 : i32
        %parallel_loop3A_680 = arith.addi %parallel_loop3A_86, %parallel_loop3A_679 : i32
        %parallel_loop3A_681 = arith.index_cast %parallel_loop3A_680 : i32 to index
        %parallel_loop3A_682 = arith.constant 128 : index
        %parallel_loop3A_683 = tpu.vector_load %arg4[%parallel_loop3A_681, %parallel_loop3A_682] {strides = array<i32>} : memref<160x256xf32, #tpu.memory_space<vmem>>, vector<1x16xf32>,
        %parallel_loop3A_684 = vector.shape_cast %parallel_loop3A_683 : vector<1x16xf32> to vector<16xf32>
        %parallel_loop3A_685 = arith.constant 1 : i32
        %parallel_loop3A_686 = arith.addi %parallel_loop3A_86, %parallel_loop3A_685 : i32
        %parallel_loop3A_687 = arith.index_cast %parallel_loop3A_686 : i32 to index
        %parallel_loop3A_688 = arith.constant 128 : index
        %parallel_loop3A_689 = tpu.vector_load %arg4[%parallel_loop3A_687, %parallel_loop3A_688] {strides = array<i32>} : memref<160x256xf32, #tpu.memory_space<vmem>>, vector<1x16xf32>,
        %parallel_loop3A_690 = vector.shape_cast %parallel_loop3A_689 : vector<1x16xf32> to vector<16xf32>
        %parallel_loop3A_691 = arith.addf %parallel_loop3A_684, %parallel_loop3A_690 : vector<16xf32>
        %parallel_loop3A_692 = arith.constant 2 : i32
        %parallel_loop3A_693 = arith.addi %parallel_loop3A_86, %parallel_loop3A_692 : i32
        %parallel_loop3A_694 = arith.index_cast %parallel_loop3A_693 : i32 to index
        %parallel_loop3A_695 = arith.constant 128 : index
        %parallel_loop3A_696 = tpu.vector_load %arg4[%parallel_loop3A_694, %parallel_loop3A_695] {strides = array<i32>} : memref<160x256xf32, #tpu.memory_space<vmem>>, vector<1x16xf32>,
        %parallel_loop3A_697 = vector.shape_cast %parallel_loop3A_696 : vector<1x16xf32> to vector<16xf32>
        %parallel_loop3A_698 = arith.constant 3 : i32
        %parallel_loop3A_699 = arith.addi %parallel_loop3A_86, %parallel_loop3A_698 : i32
        %parallel_loop3A_700 = arith.index_cast %parallel_loop3A_699 : i32 to index
        %parallel_loop3A_701 = arith.constant 128 : index
        %parallel_loop3A_702 = tpu.vector_load %arg4[%parallel_loop3A_700, %parallel_loop3A_701] {strides = array<i32>} : memref<160x256xf32, #tpu.memory_space<vmem>>, vector<1x16xf32>,
        %parallel_loop3A_703 = vector.shape_cast %parallel_loop3A_702 : vector<1x16xf32> to vector<16xf32>
        %parallel_loop3A_704 = arith.addf %parallel_loop3A_697, %parallel_loop3A_703 : vector<16xf32>
        %parallel_loop3A_705 = arith.constant 4 : i32
        %parallel_loop3A_706 = arith.addi %parallel_loop3A_86, %parallel_loop3A_705 : i32
        %parallel_loop3A_707 = arith.index_cast %parallel_loop3A_706 : i32 to index
        %parallel_loop3A_708 = arith.constant 128 : index
        %parallel_loop3A_709 = tpu.vector_load %arg4[%parallel_loop3A_707, %parallel_loop3A_708] {strides = array<i32>} : memref<160x256xf32, #tpu.memory_space<vmem>>, vector<1x16xf32>,
        %parallel_loop3A_710 = vector.shape_cast %parallel_loop3A_709 : vector<1x16xf32> to vector<16xf32>
        %parallel_loop3A_711 = arith.constant 5 : i32
        %parallel_loop3A_712 = arith.addi %parallel_loop3A_86, %parallel_loop3A_711 : i32
        %parallel_loop3A_713 = arith.index_cast %parallel_loop3A_712 : i32 to index
        %parallel_loop3A_714 = arith.constant 128 : index
        %parallel_loop3A_715 = tpu.vector_load %arg4[%parallel_loop3A_713, %parallel_loop3A_714] {strides = array<i32>} : memref<160x256xf32, #tpu.memory_space<vmem>>, vector<1x16xf32>,
        %parallel_loop3A_716 = vector.shape_cast %parallel_loop3A_715 : vector<1x16xf32> to vector<16xf32>
        %parallel_loop3A_717 = arith.addf %parallel_loop3A_710, %parallel_loop3A_716 : vector<16xf32>
        %parallel_loop3A_718 = arith.constant 6 : i32
        %parallel_loop3A_719 = arith.addi %parallel_loop3A_86, %parallel_loop3A_718 : i32
        %parallel_loop3A_720 = arith.index_cast %parallel_loop3A_719 : i32 to index
        %parallel_loop3A_721 = arith.constant 128 : index
        %parallel_loop3A_722 = tpu.vector_load %arg4[%parallel_loop3A_720, %parallel_loop3A_721] {strides = array<i32>} : memref<160x256xf32, #tpu.memory_space<vmem>>, vector<1x16xf32>,
        %parallel_loop3A_723 = vector.shape_cast %parallel_loop3A_722 : vector<1x16xf32> to vector<16xf32>
        %parallel_loop3A_724 = arith.constant 7 : i32
        %parallel_loop3A_725 = arith.addi %parallel_loop3A_86, %parallel_loop3A_724 : i32
        %parallel_loop3A_726 = arith.index_cast %parallel_loop3A_725 : i32 to index
        %parallel_loop3A_727 = arith.constant 128 : index
        %parallel_loop3A_728 = tpu.vector_load %arg4[%parallel_loop3A_726, %parallel_loop3A_727] {strides = array<i32>} : memref<160x256xf32, #tpu.memory_space<vmem>>, vector<1x16xf32>,
        %parallel_loop3A_729 = vector.shape_cast %parallel_loop3A_728 : vector<1x16xf32> to vector<16xf32>
        %parallel_loop3A_730 = arith.addf %parallel_loop3A_723, %parallel_loop3A_729 : vector<16xf32>
        %parallel_loop3A_731 = arith.constant 8 : i32
        %parallel_loop3A_732 = arith.addi %parallel_loop3A_86, %parallel_loop3A_731 : i32
        %parallel_loop3A_733 = arith.index_cast %parallel_loop3A_732 : i32 to index
        %parallel_loop3A_734 = arith.constant 128 : index
        %parallel_loop3A_735 = tpu.vector_load %arg4[%parallel_loop3A_733, %parallel_loop3A_734] {strides = array<i32>} : memref<160x256xf32, #tpu.memory_space<vmem>>, vector<1x16xf32>,
        %parallel_loop3A_736 = vector.shape_cast %parallel_loop3A_735 : vector<1x16xf32> to vector<16xf32>
        %parallel_loop3A_737 = arith.constant 9 : i32
        %parallel_loop3A_738 = arith.addi %parallel_loop3A_86, %parallel_loop3A_737 : i32
        %parallel_loop3A_739 = arith.index_cast %parallel_loop3A_738 : i32 to index
        %parallel_loop3A_740 = arith.constant 128 : index
        %parallel_loop3A_741 = tpu.vector_load %arg4[%parallel_loop3A_739, %parallel_loop3A_740] {strides = array<i32>} : memref<160x256xf32, #tpu.memory_space<vmem>>, vector<1x16xf32>,
        %parallel_loop3A_742 = vector.shape_cast %parallel_loop3A_741 : vector<1x16xf32> to vector<16xf32>
        %parallel_loop3A_743 = arith.addf %parallel_loop3A_736, %parallel_loop3A_742 : vector<16xf32>
        %parallel_loop3A_744 = arith.addf %parallel_loop3A_691, %parallel_loop3A_704 : vector<16xf32>
        %parallel_loop3A_745 = arith.addf %parallel_loop3A_717, %parallel_loop3A_730 : vector<16xf32>
        %parallel_loop3A_746 = arith.addf %parallel_loop3A_744, %parallel_loop3A_745 : vector<16xf32>
        %parallel_loop3A_747 = arith.addf %parallel_loop3A_746, %parallel_loop3A_743 : vector<16xf32>
        %parallel_loop3A_748 = arith.index_cast %parallel_loop3A_84 : i32 to index
        %parallel_loop3A_749 = arith.constant 128 : index
        %parallel_loop3A_750 = tpu.vector_load %arg6[%parallel_loop3A_748, %parallel_loop3A_749] {strides = array<i32>} : memref<16x256xf32, #tpu.memory_space<vmem>>, vector<1x16xf32>,
        %parallel_loop3A_751 = vector.shape_cast %parallel_loop3A_750 : vector<1x16xf32> to vector<16xf32>
        %parallel_loop3A_752 = vector.shape_cast %parallel_loop3A_747 : vector<16xf32> to vector<1x16xf32>
        tpu.vector_store %arg6[%parallel_loop3A_748, %parallel_loop3A_749], %parallel_loop3A_752 {strides = array<i32>} : memref<16x256xf32, #tpu.memory_space<vmem>>, vector<1x16xf32>,
        %parallel_loop3A_753 = arith.constant 0 : i32
        %parallel_loop3A_754 = arith.addi %parallel_loop3A_86, %parallel_loop3A_753 : i32
        %parallel_loop3A_755 = arith.index_cast %parallel_loop3A_754 : i32 to index
        %parallel_loop3A_756 = arith.constant 144 : index
        %parallel_loop3A_757 = tpu.vector_load %arg4[%parallel_loop3A_755, %parallel_loop3A_756] {strides = array<i32>} : memref<160x256xf32, #tpu.memory_space<vmem>>, vector<1x16xf32>,
        %parallel_loop3A_758 = vector.shape_cast %parallel_loop3A_757 : vector<1x16xf32> to vector<16xf32>
        %parallel_loop3A_759 = arith.constant 1 : i32
        %parallel_loop3A_760 = arith.addi %parallel_loop3A_86, %parallel_loop3A_759 : i32
        %parallel_loop3A_761 = arith.index_cast %parallel_loop3A_760 : i32 to index
        %parallel_loop3A_762 = arith.constant 144 : index
        %parallel_loop3A_763 = tpu.vector_load %arg4[%parallel_loop3A_761, %parallel_loop3A_762] {strides = array<i32>} : memref<160x256xf32, #tpu.memory_space<vmem>>, vector<1x16xf32>,
        %parallel_loop3A_764 = vector.shape_cast %parallel_loop3A_763 : vector<1x16xf32> to vector<16xf32>
        %parallel_loop3A_765 = arith.addf %parallel_loop3A_758, %parallel_loop3A_764 : vector<16xf32>
        %parallel_loop3A_766 = arith.constant 2 : i32
        %parallel_loop3A_767 = arith.addi %parallel_loop3A_86, %parallel_loop3A_766 : i32
        %parallel_loop3A_768 = arith.index_cast %parallel_loop3A_767 : i32 to index
        %parallel_loop3A_769 = arith.constant 144 : index
        %parallel_loop3A_770 = tpu.vector_load %arg4[%parallel_loop3A_768, %parallel_loop3A_769] {strides = array<i32>} : memref<160x256xf32, #tpu.memory_space<vmem>>, vector<1x16xf32>,
        %parallel_loop3A_771 = vector.shape_cast %parallel_loop3A_770 : vector<1x16xf32> to vector<16xf32>
        %parallel_loop3A_772 = arith.constant 3 : i32
        %parallel_loop3A_773 = arith.addi %parallel_loop3A_86, %parallel_loop3A_772 : i32
        %parallel_loop3A_774 = arith.index_cast %parallel_loop3A_773 : i32 to index
        %parallel_loop3A_775 = arith.constant 144 : index
        %parallel_loop3A_776 = tpu.vector_load %arg4[%parallel_loop3A_774, %parallel_loop3A_775] {strides = array<i32>} : memref<160x256xf32, #tpu.memory_space<vmem>>, vector<1x16xf32>,
        %parallel_loop3A_777 = vector.shape_cast %parallel_loop3A_776 : vector<1x16xf32> to vector<16xf32>
        %parallel_loop3A_778 = arith.addf %parallel_loop3A_771, %parallel_loop3A_777 : vector<16xf32>
        %parallel_loop3A_779 = arith.constant 4 : i32
        %parallel_loop3A_780 = arith.addi %parallel_loop3A_86, %parallel_loop3A_779 : i32
        %parallel_loop3A_781 = arith.index_cast %parallel_loop3A_780 : i32 to index
        %parallel_loop3A_782 = arith.constant 144 : index
        %parallel_loop3A_783 = tpu.vector_load %arg4[%parallel_loop3A_781, %parallel_loop3A_782] {strides = array<i32>} : memref<160x256xf32, #tpu.memory_space<vmem>>, vector<1x16xf32>,
        %parallel_loop3A_784 = vector.shape_cast %parallel_loop3A_783 : vector<1x16xf32> to vector<16xf32>
        %parallel_loop3A_785 = arith.constant 5 : i32
        %parallel_loop3A_786 = arith.addi %parallel_loop3A_86, %parallel_loop3A_785 : i32
        %parallel_loop3A_787 = arith.index_cast %parallel_loop3A_786 : i32 to index
        %parallel_loop3A_788 = arith.constant 144 : index
        %parallel_loop3A_789 = tpu.vector_load %arg4[%parallel_loop3A_787, %parallel_loop3A_788] {strides = array<i32>} : memref<160x256xf32, #tpu.memory_space<vmem>>, vector<1x16xf32>,
        %parallel_loop3A_790 = vector.shape_cast %parallel_loop3A_789 : vector<1x16xf32> to vector<16xf32>
        %parallel_loop3A_791 = arith.addf %parallel_loop3A_784, %parallel_loop3A_790 : vector<16xf32>
        %parallel_loop3A_792 = arith.constant 6 : i32
        %parallel_loop3A_793 = arith.addi %parallel_loop3A_86, %parallel_loop3A_792 : i32
        %parallel_loop3A_794 = arith.index_cast %parallel_loop3A_793 : i32 to index
        %parallel_loop3A_795 = arith.constant 144 : index
        %parallel_loop3A_796 = tpu.vector_load %arg4[%parallel_loop3A_794, %parallel_loop3A_795] {strides = array<i32>} : memref<160x256xf32, #tpu.memory_space<vmem>>, vector<1x16xf32>,
        %parallel_loop3A_797 = vector.shape_cast %parallel_loop3A_796 : vector<1x16xf32> to vector<16xf32>
        %parallel_loop3A_798 = arith.constant 7 : i32
        %parallel_loop3A_799 = arith.addi %parallel_loop3A_86, %parallel_loop3A_798 : i32
        %parallel_loop3A_800 = arith.index_cast %parallel_loop3A_799 : i32 to index
        %parallel_loop3A_801 = arith.constant 144 : index
        %parallel_loop3A_802 = tpu.vector_load %arg4[%parallel_loop3A_800, %parallel_loop3A_801] {strides = array<i32>} : memref<160x256xf32, #tpu.memory_space<vmem>>, vector<1x16xf32>,
        %parallel_loop3A_803 = vector.shape_cast %parallel_loop3A_802 : vector<1x16xf32> to vector<16xf32>
        %parallel_loop3A_804 = arith.addf %parallel_loop3A_797, %parallel_loop3A_803 : vector<16xf32>
        %parallel_loop3A_805 = arith.constant 8 : i32
        %parallel_loop3A_806 = arith.addi %parallel_loop3A_86, %parallel_loop3A_805 : i32
        %parallel_loop3A_807 = arith.index_cast %parallel_loop3A_806 : i32 to index
        %parallel_loop3A_808 = arith.constant 144 : index
        %parallel_loop3A_809 = tpu.vector_load %arg4[%parallel_loop3A_807, %parallel_loop3A_808] {strides = array<i32>} : memref<160x256xf32, #tpu.memory_space<vmem>>, vector<1x16xf32>,
        %parallel_loop3A_810 = vector.shape_cast %parallel_loop3A_809 : vector<1x16xf32> to vector<16xf32>
        %parallel_loop3A_811 = arith.constant 9 : i32
        %parallel_loop3A_812 = arith.addi %parallel_loop3A_86, %parallel_loop3A_811 : i32
        %parallel_loop3A_813 = arith.index_cast %parallel_loop3A_812 : i32 to index
        %parallel_loop3A_814 = arith.constant 144 : index
        %parallel_loop3A_815 = tpu.vector_load %arg4[%parallel_loop3A_813, %parallel_loop3A_814] {strides = array<i32>} : memref<160x256xf32, #tpu.memory_space<vmem>>, vector<1x16xf32>,
        %parallel_loop3A_816 = vector.shape_cast %parallel_loop3A_815 : vector<1x16xf32> to vector<16xf32>
        %parallel_loop3A_817 = arith.addf %parallel_loop3A_810, %parallel_loop3A_816 : vector<16xf32>
        %parallel_loop3A_818 = arith.addf %parallel_loop3A_765, %parallel_loop3A_778 : vector<16xf32>
        %parallel_loop3A_819 = arith.addf %parallel_loop3A_791, %parallel_loop3A_804 : vector<16xf32>
        %parallel_loop3A_820 = arith.addf %parallel_loop3A_818, %parallel_loop3A_819 : vector<16xf32>
        %parallel_loop3A_821 = arith.addf %parallel_loop3A_820, %parallel_loop3A_817 : vector<16xf32>
        %parallel_loop3A_822 = arith.index_cast %parallel_loop3A_84 : i32 to index
        %parallel_loop3A_823 = arith.constant 144 : index
        %parallel_loop3A_824 = tpu.vector_load %arg6[%parallel_loop3A_822, %parallel_loop3A_823] {strides = array<i32>} : memref<16x256xf32, #tpu.memory_space<vmem>>, vector<1x16xf32>,
        %parallel_loop3A_825 = vector.shape_cast %parallel_loop3A_824 : vector<1x16xf32> to vector<16xf32>
        %parallel_loop3A_826 = vector.shape_cast %parallel_loop3A_821 : vector<16xf32> to vector<1x16xf32>
        tpu.vector_store %arg6[%parallel_loop3A_822, %parallel_loop3A_823], %parallel_loop3A_826 {strides = array<i32>} : memref<16x256xf32, #tpu.memory_space<vmem>>, vector<1x16xf32>,
        %parallel_loop3A_827 = arith.constant 0 : i32
        %parallel_loop3A_828 = arith.addi %parallel_loop3A_86, %parallel_loop3A_827 : i32
        %parallel_loop3A_829 = arith.index_cast %parallel_loop3A_828 : i32 to index
        %parallel_loop3A_830 = arith.constant 160 : index
        %parallel_loop3A_831 = tpu.vector_load %arg4[%parallel_loop3A_829, %parallel_loop3A_830] {strides = array<i32>} : memref<160x256xf32, #tpu.memory_space<vmem>>, vector<1x16xf32>,
        %parallel_loop3A_832 = vector.shape_cast %parallel_loop3A_831 : vector<1x16xf32> to vector<16xf32>
        %parallel_loop3A_833 = arith.constant 1 : i32
        %parallel_loop3A_834 = arith.addi %parallel_loop3A_86, %parallel_loop3A_833 : i32
        %parallel_loop3A_835 = arith.index_cast %parallel_loop3A_834 : i32 to index
        %parallel_loop3A_836 = arith.constant 160 : index
        %parallel_loop3A_837 = tpu.vector_load %arg4[%parallel_loop3A_835, %parallel_loop3A_836] {strides = array<i32>} : memref<160x256xf32, #tpu.memory_space<vmem>>, vector<1x16xf32>,
        %parallel_loop3A_838 = vector.shape_cast %parallel_loop3A_837 : vector<1x16xf32> to vector<16xf32>
        %parallel_loop3A_839 = arith.addf %parallel_loop3A_832, %parallel_loop3A_838 : vector<16xf32>
        %parallel_loop3A_840 = arith.constant 2 : i32
        %parallel_loop3A_841 = arith.addi %parallel_loop3A_86, %parallel_loop3A_840 : i32
        %parallel_loop3A_842 = arith.index_cast %parallel_loop3A_841 : i32 to index
        %parallel_loop3A_843 = arith.constant 160 : index
        %parallel_loop3A_844 = tpu.vector_load %arg4[%parallel_loop3A_842, %parallel_loop3A_843] {strides = array<i32>} : memref<160x256xf32, #tpu.memory_space<vmem>>, vector<1x16xf32>,
        %parallel_loop3A_845 = vector.shape_cast %parallel_loop3A_844 : vector<1x16xf32> to vector<16xf32>
        %parallel_loop3A_846 = arith.constant 3 : i32
        %parallel_loop3A_847 = arith.addi %parallel_loop3A_86, %parallel_loop3A_846 : i32
        %parallel_loop3A_848 = arith.index_cast %parallel_loop3A_847 : i32 to index
        %parallel_loop3A_849 = arith.constant 160 : index
        %parallel_loop3A_850 = tpu.vector_load %arg4[%parallel_loop3A_848, %parallel_loop3A_849] {strides = array<i32>} : memref<160x256xf32, #tpu.memory_space<vmem>>, vector<1x16xf32>,
        %parallel_loop3A_851 = vector.shape_cast %parallel_loop3A_850 : vector<1x16xf32> to vector<16xf32>
        %parallel_loop3A_852 = arith.addf %parallel_loop3A_845, %parallel_loop3A_851 : vector<16xf32>
        %parallel_loop3A_853 = arith.constant 4 : i32
        %parallel_loop3A_854 = arith.addi %parallel_loop3A_86, %parallel_loop3A_853 : i32
        %parallel_loop3A_855 = arith.index_cast %parallel_loop3A_854 : i32 to index
        %parallel_loop3A_856 = arith.constant 160 : index
        %parallel_loop3A_857 = tpu.vector_load %arg4[%parallel_loop3A_855, %parallel_loop3A_856] {strides = array<i32>} : memref<160x256xf32, #tpu.memory_space<vmem>>, vector<1x16xf32>,
        %parallel_loop3A_858 = vector.shape_cast %parallel_loop3A_857 : vector<1x16xf32> to vector<16xf32>
        %parallel_loop3A_859 = arith.constant 5 : i32
        %parallel_loop3A_860 = arith.addi %parallel_loop3A_86, %parallel_loop3A_859 : i32
        %parallel_loop3A_861 = arith.index_cast %parallel_loop3A_860 : i32 to index
        %parallel_loop3A_862 = arith.constant 160 : index
        %parallel_loop3A_863 = tpu.vector_load %arg4[%parallel_loop3A_861, %parallel_loop3A_862] {strides = array<i32>} : memref<160x256xf32, #tpu.memory_space<vmem>>, vector<1x16xf32>,
        %parallel_loop3A_864 = vector.shape_cast %parallel_loop3A_863 : vector<1x16xf32> to vector<16xf32>
        %parallel_loop3A_865 = arith.addf %parallel_loop3A_858, %parallel_loop3A_864 : vector<16xf32>
        %parallel_loop3A_866 = arith.constant 6 : i32
        %parallel_loop3A_867 = arith.addi %parallel_loop3A_86, %parallel_loop3A_866 : i32
        %parallel_loop3A_868 = arith.index_cast %parallel_loop3A_867 : i32 to index
        %parallel_loop3A_869 = arith.constant 160 : index
        %parallel_loop3A_870 = tpu.vector_load %arg4[%parallel_loop3A_868, %parallel_loop3A_869] {strides = array<i32>} : memref<160x256xf32, #tpu.memory_space<vmem>>, vector<1x16xf32>,
        %parallel_loop3A_871 = vector.shape_cast %parallel_loop3A_870 : vector<1x16xf32> to vector<16xf32>
        %parallel_loop3A_872 = arith.constant 7 : i32
        %parallel_loop3A_873 = arith.addi %parallel_loop3A_86, %parallel_loop3A_872 : i32
        %parallel_loop3A_874 = arith.index_cast %parallel_loop3A_873 : i32 to index
        %parallel_loop3A_875 = arith.constant 160 : index
        %parallel_loop3A_876 = tpu.vector_load %arg4[%parallel_loop3A_874, %parallel_loop3A_875] {strides = array<i32>} : memref<160x256xf32, #tpu.memory_space<vmem>>, vector<1x16xf32>,
        %parallel_loop3A_877 = vector.shape_cast %parallel_loop3A_876 : vector<1x16xf32> to vector<16xf32>
        %parallel_loop3A_878 = arith.addf %parallel_loop3A_871, %parallel_loop3A_877 : vector<16xf32>
        %parallel_loop3A_879 = arith.constant 8 : i32
        %parallel_loop3A_880 = arith.addi %parallel_loop3A_86, %parallel_loop3A_879 : i32
        %parallel_loop3A_881 = arith.index_cast %parallel_loop3A_880 : i32 to index
        %parallel_loop3A_882 = arith.constant 160 : index
        %parallel_loop3A_883 = tpu.vector_load %arg4[%parallel_loop3A_881, %parallel_loop3A_882] {strides = array<i32>} : memref<160x256xf32, #tpu.memory_space<vmem>>, vector<1x16xf32>,
        %parallel_loop3A_884 = vector.shape_cast %parallel_loop3A_883 : vector<1x16xf32> to vector<16xf32>
        %parallel_loop3A_885 = arith.constant 9 : i32
        %parallel_loop3A_886 = arith.addi %parallel_loop3A_86, %parallel_loop3A_885 : i32
        %parallel_loop3A_887 = arith.index_cast %parallel_loop3A_886 : i32 to index
        %parallel_loop3A_888 = arith.constant 160 : index
        %parallel_loop3A_889 = tpu.vector_load %arg4[%parallel_loop3A_887, %parallel_loop3A_888] {strides = array<i32>} : memref<160x256xf32, #tpu.memory_space<vmem>>, vector<1x16xf32>,
        %parallel_loop3A_890 = vector.shape_cast %parallel_loop3A_889 : vector<1x16xf32> to vector<16xf32>
        %parallel_loop3A_891 = arith.addf %parallel_loop3A_884, %parallel_loop3A_890 : vector<16xf32>
        %parallel_loop3A_892 = arith.addf %parallel_loop3A_839, %parallel_loop3A_852 : vector<16xf32>
        %parallel_loop3A_893 = arith.addf %parallel_loop3A_865, %parallel_loop3A_878 : vector<16xf32>
        %parallel_loop3A_894 = arith.addf %parallel_loop3A_892, %parallel_loop3A_893 : vector<16xf32>
        %parallel_loop3A_895 = arith.addf %parallel_loop3A_894, %parallel_loop3A_891 : vector<16xf32>
        %parallel_loop3A_896 = arith.index_cast %parallel_loop3A_84 : i32 to index
        %parallel_loop3A_897 = arith.constant 160 : index
        %parallel_loop3A_898 = tpu.vector_load %arg6[%parallel_loop3A_896, %parallel_loop3A_897] {strides = array<i32>} : memref<16x256xf32, #tpu.memory_space<vmem>>, vector<1x16xf32>,
        %parallel_loop3A_899 = vector.shape_cast %parallel_loop3A_898 : vector<1x16xf32> to vector<16xf32>
        %parallel_loop3A_900 = vector.shape_cast %parallel_loop3A_895 : vector<16xf32> to vector<1x16xf32>
        tpu.vector_store %arg6[%parallel_loop3A_896, %parallel_loop3A_897], %parallel_loop3A_900 {strides = array<i32>} : memref<16x256xf32, #tpu.memory_space<vmem>>, vector<1x16xf32>,
        %parallel_loop3A_901 = arith.constant 0 : i32
        %parallel_loop3A_902 = arith.addi %parallel_loop3A_86, %parallel_loop3A_901 : i32
        %parallel_loop3A_903 = arith.index_cast %parallel_loop3A_902 : i32 to index
        %parallel_loop3A_904 = arith.constant 176 : index
        %parallel_loop3A_905 = tpu.vector_load %arg4[%parallel_loop3A_903, %parallel_loop3A_904] {strides = array<i32>} : memref<160x256xf32, #tpu.memory_space<vmem>>, vector<1x16xf32>,
        %parallel_loop3A_906 = vector.shape_cast %parallel_loop3A_905 : vector<1x16xf32> to vector<16xf32>
        %parallel_loop3A_907 = arith.constant 1 : i32
        %parallel_loop3A_908 = arith.addi %parallel_loop3A_86, %parallel_loop3A_907 : i32
        %parallel_loop3A_909 = arith.index_cast %parallel_loop3A_908 : i32 to index
        %parallel_loop3A_910 = arith.constant 176 : index
        %parallel_loop3A_911 = tpu.vector_load %arg4[%parallel_loop3A_909, %parallel_loop3A_910] {strides = array<i32>} : memref<160x256xf32, #tpu.memory_space<vmem>>, vector<1x16xf32>,
        %parallel_loop3A_912 = vector.shape_cast %parallel_loop3A_911 : vector<1x16xf32> to vector<16xf32>
        %parallel_loop3A_913 = arith.addf %parallel_loop3A_906, %parallel_loop3A_912 : vector<16xf32>
        %parallel_loop3A_914 = arith.constant 2 : i32
        %parallel_loop3A_915 = arith.addi %parallel_loop3A_86, %parallel_loop3A_914 : i32
        %parallel_loop3A_916 = arith.index_cast %parallel_loop3A_915 : i32 to index
        %parallel_loop3A_917 = arith.constant 176 : index
        %parallel_loop3A_918 = tpu.vector_load %arg4[%parallel_loop3A_916, %parallel_loop3A_917] {strides = array<i32>} : memref<160x256xf32, #tpu.memory_space<vmem>>, vector<1x16xf32>,
        %parallel_loop3A_919 = vector.shape_cast %parallel_loop3A_918 : vector<1x16xf32> to vector<16xf32>
        %parallel_loop3A_920 = arith.constant 3 : i32
        %parallel_loop3A_921 = arith.addi %parallel_loop3A_86, %parallel_loop3A_920 : i32
        %parallel_loop3A_922 = arith.index_cast %parallel_loop3A_921 : i32 to index
        %parallel_loop3A_923 = arith.constant 176 : index
        %parallel_loop3A_924 = tpu.vector_load %arg4[%parallel_loop3A_922, %parallel_loop3A_923] {strides = array<i32>} : memref<160x256xf32, #tpu.memory_space<vmem>>, vector<1x16xf32>,
        %parallel_loop3A_925 = vector.shape_cast %parallel_loop3A_924 : vector<1x16xf32> to vector<16xf32>
        %parallel_loop3A_926 = arith.addf %parallel_loop3A_919, %parallel_loop3A_925 : vector<16xf32>
        %parallel_loop3A_927 = arith.constant 4 : i32
        %parallel_loop3A_928 = arith.addi %parallel_loop3A_86, %parallel_loop3A_927 : i32
        %parallel_loop3A_929 = arith.index_cast %parallel_loop3A_928 : i32 to index
        %parallel_loop3A_930 = arith.constant 176 : index
        %parallel_loop3A_931 = tpu.vector_load %arg4[%parallel_loop3A_929, %parallel_loop3A_930] {strides = array<i32>} : memref<160x256xf32, #tpu.memory_space<vmem>>, vector<1x16xf32>,
        %parallel_loop3A_932 = vector.shape_cast %parallel_loop3A_931 : vector<1x16xf32> to vector<16xf32>
        %parallel_loop3A_933 = arith.constant 5 : i32
        %parallel_loop3A_934 = arith.addi %parallel_loop3A_86, %parallel_loop3A_933 : i32
        %parallel_loop3A_935 = arith.index_cast %parallel_loop3A_934 : i32 to index
        %parallel_loop3A_936 = arith.constant 176 : index
        %parallel_loop3A_937 = tpu.vector_load %arg4[%parallel_loop3A_935, %parallel_loop3A_936] {strides = array<i32>} : memref<160x256xf32, #tpu.memory_space<vmem>>, vector<1x16xf32>,
        %parallel_loop3A_938 = vector.shape_cast %parallel_loop3A_937 : vector<1x16xf32> to vector<16xf32>
        %parallel_loop3A_939 = arith.addf %parallel_loop3A_932, %parallel_loop3A_938 : vector<16xf32>
        %parallel_loop3A_940 = arith.constant 6 : i32
        %parallel_loop3A_941 = arith.addi %parallel_loop3A_86, %parallel_loop3A_940 : i32
        %parallel_loop3A_942 = arith.index_cast %parallel_loop3A_941 : i32 to index
        %parallel_loop3A_943 = arith.constant 176 : index
        %parallel_loop3A_944 = tpu.vector_load %arg4[%parallel_loop3A_942, %parallel_loop3A_943] {strides = array<i32>} : memref<160x256xf32, #tpu.memory_space<vmem>>, vector<1x16xf32>,
        %parallel_loop3A_945 = vector.shape_cast %parallel_loop3A_944 : vector<1x16xf32> to vector<16xf32>
        %parallel_loop3A_946 = arith.constant 7 : i32
        %parallel_loop3A_947 = arith.addi %parallel_loop3A_86, %parallel_loop3A_946 : i32
        %parallel_loop3A_948 = arith.index_cast %parallel_loop3A_947 : i32 to index
        %parallel_loop3A_949 = arith.constant 176 : index
        %parallel_loop3A_950 = tpu.vector_load %arg4[%parallel_loop3A_948, %parallel_loop3A_949] {strides = array<i32>} : memref<160x256xf32, #tpu.memory_space<vmem>>, vector<1x16xf32>,
        %parallel_loop3A_951 = vector.shape_cast %parallel_loop3A_950 : vector<1x16xf32> to vector<16xf32>
        %parallel_loop3A_952 = arith.addf %parallel_loop3A_945, %parallel_loop3A_951 : vector<16xf32>
        %parallel_loop3A_953 = arith.constant 8 : i32
        %parallel_loop3A_954 = arith.addi %parallel_loop3A_86, %parallel_loop3A_953 : i32
        %parallel_loop3A_955 = arith.index_cast %parallel_loop3A_954 : i32 to index
        %parallel_loop3A_956 = arith.constant 176 : index
        %parallel_loop3A_957 = tpu.vector_load %arg4[%parallel_loop3A_955, %parallel_loop3A_956] {strides = array<i32>} : memref<160x256xf32, #tpu.memory_space<vmem>>, vector<1x16xf32>,
        %parallel_loop3A_958 = vector.shape_cast %parallel_loop3A_957 : vector<1x16xf32> to vector<16xf32>
        %parallel_loop3A_959 = arith.constant 9 : i32
        %parallel_loop3A_960 = arith.addi %parallel_loop3A_86, %parallel_loop3A_959 : i32
        %parallel_loop3A_961 = arith.index_cast %parallel_loop3A_960 : i32 to index
        %parallel_loop3A_962 = arith.constant 176 : index
        %parallel_loop3A_963 = tpu.vector_load %arg4[%parallel_loop3A_961, %parallel_loop3A_962] {strides = array<i32>} : memref<160x256xf32, #tpu.memory_space<vmem>>, vector<1x16xf32>,
        %parallel_loop3A_964 = vector.shape_cast %parallel_loop3A_963 : vector<1x16xf32> to vector<16xf32>
        %parallel_loop3A_965 = arith.addf %parallel_loop3A_958, %parallel_loop3A_964 : vector<16xf32>
        %parallel_loop3A_966 = arith.addf %parallel_loop3A_913, %parallel_loop3A_926 : vector<16xf32>
        %parallel_loop3A_967 = arith.addf %parallel_loop3A_939, %parallel_loop3A_952 : vector<16xf32>
        %parallel_loop3A_968 = arith.addf %parallel_loop3A_966, %parallel_loop3A_967 : vector<16xf32>
        %parallel_loop3A_969 = arith.addf %parallel_loop3A_968, %parallel_loop3A_965 : vector<16xf32>
        %parallel_loop3A_970 = arith.index_cast %parallel_loop3A_84 : i32 to index
        %parallel_loop3A_971 = arith.constant 176 : index
        %parallel_loop3A_972 = tpu.vector_load %arg6[%parallel_loop3A_970, %parallel_loop3A_971] {strides = array<i32>} : memref<16x256xf32, #tpu.memory_space<vmem>>, vector<1x16xf32>,
        %parallel_loop3A_973 = vector.shape_cast %parallel_loop3A_972 : vector<1x16xf32> to vector<16xf32>
        %parallel_loop3A_974 = vector.shape_cast %parallel_loop3A_969 : vector<16xf32> to vector<1x16xf32>
        tpu.vector_store %arg6[%parallel_loop3A_970, %parallel_loop3A_971], %parallel_loop3A_974 {strides = array<i32>} : memref<16x256xf32, #tpu.memory_space<vmem>>, vector<1x16xf32>,
        %parallel_loop3A_975 = arith.constant 0 : i32
        %parallel_loop3A_976 = arith.addi %parallel_loop3A_86, %parallel_loop3A_975 : i32
        %parallel_loop3A_977 = arith.index_cast %parallel_loop3A_976 : i32 to index
        %parallel_loop3A_978 = arith.constant 192 : index
        %parallel_loop3A_979 = tpu.vector_load %arg4[%parallel_loop3A_977, %parallel_loop3A_978] {strides = array<i32>} : memref<160x256xf32, #tpu.memory_space<vmem>>, vector<1x16xf32>,
        %parallel_loop3A_980 = vector.shape_cast %parallel_loop3A_979 : vector<1x16xf32> to vector<16xf32>
        %parallel_loop3A_981 = arith.constant 1 : i32
        %parallel_loop3A_982 = arith.addi %parallel_loop3A_86, %parallel_loop3A_981 : i32
        %parallel_loop3A_983 = arith.index_cast %parallel_loop3A_982 : i32 to index
        %parallel_loop3A_984 = arith.constant 192 : index
        %parallel_loop3A_985 = tpu.vector_load %arg4[%parallel_loop3A_983, %parallel_loop3A_984] {strides = array<i32>} : memref<160x256xf32, #tpu.memory_space<vmem>>, vector<1x16xf32>,
        %parallel_loop3A_986 = vector.shape_cast %parallel_loop3A_985 : vector<1x16xf32> to vector<16xf32>
        %parallel_loop3A_987 = arith.addf %parallel_loop3A_980, %parallel_loop3A_986 : vector<16xf32>
        %parallel_loop3A_988 = arith.constant 2 : i32
        %parallel_loop3A_989 = arith.addi %parallel_loop3A_86, %parallel_loop3A_988 : i32
        %parallel_loop3A_990 = arith.index_cast %parallel_loop3A_989 : i32 to index
        %parallel_loop3A_991 = arith.constant 192 : index
        %parallel_loop3A_992 = tpu.vector_load %arg4[%parallel_loop3A_990, %parallel_loop3A_991] {strides = array<i32>} : memref<160x256xf32, #tpu.memory_space<vmem>>, vector<1x16xf32>,
        %parallel_loop3A_993 = vector.shape_cast %parallel_loop3A_992 : vector<1x16xf32> to vector<16xf32>
        %parallel_loop3A_994 = arith.constant 3 : i32
        %parallel_loop3A_995 = arith.addi %parallel_loop3A_86, %parallel_loop3A_994 : i32
        %parallel_loop3A_996 = arith.index_cast %parallel_loop3A_995 : i32 to index
        %parallel_loop3A_997 = arith.constant 192 : index
        %parallel_loop3A_998 = tpu.vector_load %arg4[%parallel_loop3A_996, %parallel_loop3A_997] {strides = array<i32>} : memref<160x256xf32, #tpu.memory_space<vmem>>, vector<1x16xf32>,
        %parallel_loop3A_999 = vector.shape_cast %parallel_loop3A_998 : vector<1x16xf32> to vector<16xf32>
        %parallel_loop3A_1000 = arith.addf %parallel_loop3A_993, %parallel_loop3A_999 : vector<16xf32>
        %parallel_loop3A_1001 = arith.constant 4 : i32
        %parallel_loop3A_1002 = arith.addi %parallel_loop3A_86, %parallel_loop3A_1001 : i32
        %parallel_loop3A_1003 = arith.index_cast %parallel_loop3A_1002 : i32 to index
        %parallel_loop3A_1004 = arith.constant 192 : index
        %parallel_loop3A_1005 = tpu.vector_load %arg4[%parallel_loop3A_1003, %parallel_loop3A_1004] {strides = array<i32>} : memref<160x256xf32, #tpu.memory_space<vmem>>, vector<1x16xf32>,
        %parallel_loop3A_1006 = vector.shape_cast %parallel_loop3A_1005 : vector<1x16xf32> to vector<16xf32>
        %parallel_loop3A_1007 = arith.constant 5 : i32
        %parallel_loop3A_1008 = arith.addi %parallel_loop3A_86, %parallel_loop3A_1007 : i32
        %parallel_loop3A_1009 = arith.index_cast %parallel_loop3A_1008 : i32 to index
        %parallel_loop3A_1010 = arith.constant 192 : index
        %parallel_loop3A_1011 = tpu.vector_load %arg4[%parallel_loop3A_1009, %parallel_loop3A_1010] {strides = array<i32>} : memref<160x256xf32, #tpu.memory_space<vmem>>, vector<1x16xf32>,
        %parallel_loop3A_1012 = vector.shape_cast %parallel_loop3A_1011 : vector<1x16xf32> to vector<16xf32>
        %parallel_loop3A_1013 = arith.addf %parallel_loop3A_1006, %parallel_loop3A_1012 : vector<16xf32>
        %parallel_loop3A_1014 = arith.constant 6 : i32
        %parallel_loop3A_1015 = arith.addi %parallel_loop3A_86, %parallel_loop3A_1014 : i32
        %parallel_loop3A_1016 = arith.index_cast %parallel_loop3A_1015 : i32 to index
        %parallel_loop3A_1017 = arith.constant 192 : index
        %parallel_loop3A_1018 = tpu.vector_load %arg4[%parallel_loop3A_1016, %parallel_loop3A_1017] {strides = array<i32>} : memref<160x256xf32, #tpu.memory_space<vmem>>, vector<1x16xf32>,
        %parallel_loop3A_1019 = vector.shape_cast %parallel_loop3A_1018 : vector<1x16xf32> to vector<16xf32>
        %parallel_loop3A_1020 = arith.constant 7 : i32
        %parallel_loop3A_1021 = arith.addi %parallel_loop3A_86, %parallel_loop3A_1020 : i32
        %parallel_loop3A_1022 = arith.index_cast %parallel_loop3A_1021 : i32 to index
        %parallel_loop3A_1023 = arith.constant 192 : index
        %parallel_loop3A_1024 = tpu.vector_load %arg4[%parallel_loop3A_1022, %parallel_loop3A_1023] {strides = array<i32>} : memref<160x256xf32, #tpu.memory_space<vmem>>, vector<1x16xf32>,
        %parallel_loop3A_1025 = vector.shape_cast %parallel_loop3A_1024 : vector<1x16xf32> to vector<16xf32>
        %parallel_loop3A_1026 = arith.addf %parallel_loop3A_1019, %parallel_loop3A_1025 : vector<16xf32>
        %parallel_loop3A_1027 = arith.constant 8 : i32
        %parallel_loop3A_1028 = arith.addi %parallel_loop3A_86, %parallel_loop3A_1027 : i32
        %parallel_loop3A_1029 = arith.index_cast %parallel_loop3A_1028 : i32 to index
        %parallel_loop3A_1030 = arith.constant 192 : index
        %parallel_loop3A_1031 = tpu.vector_load %arg4[%parallel_loop3A_1029, %parallel_loop3A_1030] {strides = array<i32>} : memref<160x256xf32, #tpu.memory_space<vmem>>, vector<1x16xf32>,
        %parallel_loop3A_1032 = vector.shape_cast %parallel_loop3A_1031 : vector<1x16xf32> to vector<16xf32>
        %parallel_loop3A_1033 = arith.constant 9 : i32
        %parallel_loop3A_1034 = arith.addi %parallel_loop3A_86, %parallel_loop3A_1033 : i32
        %parallel_loop3A_1035 = arith.index_cast %parallel_loop3A_1034 : i32 to index
        %parallel_loop3A_1036 = arith.constant 192 : index
        %parallel_loop3A_1037 = tpu.vector_load %arg4[%parallel_loop3A_1035, %parallel_loop3A_1036] {strides = array<i32>} : memref<160x256xf32, #tpu.memory_space<vmem>>, vector<1x16xf32>,
        %parallel_loop3A_1038 = vector.shape_cast %parallel_loop3A_1037 : vector<1x16xf32> to vector<16xf32>
        %parallel_loop3A_1039 = arith.addf %parallel_loop3A_1032, %parallel_loop3A_1038 : vector<16xf32>
        %parallel_loop3A_1040 = arith.addf %parallel_loop3A_987, %parallel_loop3A_1000 : vector<16xf32>
        %parallel_loop3A_1041 = arith.addf %parallel_loop3A_1013, %parallel_loop3A_1026 : vector<16xf32>
        %parallel_loop3A_1042 = arith.addf %parallel_loop3A_1040, %parallel_loop3A_1041 : vector<16xf32>
        %parallel_loop3A_1043 = arith.addf %parallel_loop3A_1042, %parallel_loop3A_1039 : vector<16xf32>
        %parallel_loop3A_1044 = arith.index_cast %parallel_loop3A_84 : i32 to index
        %parallel_loop3A_1045 = arith.constant 192 : index
        %parallel_loop3A_1046 = tpu.vector_load %arg6[%parallel_loop3A_1044, %parallel_loop3A_1045] {strides = array<i32>} : memref<16x256xf32, #tpu.memory_space<vmem>>, vector<1x16xf32>,
        %parallel_loop3A_1047 = vector.shape_cast %parallel_loop3A_1046 : vector<1x16xf32> to vector<16xf32>
        %parallel_loop3A_1048 = vector.shape_cast %parallel_loop3A_1043 : vector<16xf32> to vector<1x16xf32>
        tpu.vector_store %arg6[%parallel_loop3A_1044, %parallel_loop3A_1045], %parallel_loop3A_1048 {strides = array<i32>} : memref<16x256xf32, #tpu.memory_space<vmem>>, vector<1x16xf32>,
        %parallel_loop3A_1049 = arith.constant 0 : i32
        %parallel_loop3A_1050 = arith.addi %parallel_loop3A_86, %parallel_loop3A_1049 : i32
        %parallel_loop3A_1051 = arith.index_cast %parallel_loop3A_1050 : i32 to index
        %parallel_loop3A_1052 = arith.constant 208 : index
        %parallel_loop3A_1053 = tpu.vector_load %arg4[%parallel_loop3A_1051, %parallel_loop3A_1052] {strides = array<i32>} : memref<160x256xf32, #tpu.memory_space<vmem>>, vector<1x16xf32>,
        %parallel_loop3A_1054 = vector.shape_cast %parallel_loop3A_1053 : vector<1x16xf32> to vector<16xf32>
        %parallel_loop3A_1055 = arith.constant 1 : i32
        %parallel_loop3A_1056 = arith.addi %parallel_loop3A_86, %parallel_loop3A_1055 : i32
        %parallel_loop3A_1057 = arith.index_cast %parallel_loop3A_1056 : i32 to index
        %parallel_loop3A_1058 = arith.constant 208 : index
        %parallel_loop3A_1059 = tpu.vector_load %arg4[%parallel_loop3A_1057, %parallel_loop3A_1058] {strides = array<i32>} : memref<160x256xf32, #tpu.memory_space<vmem>>, vector<1x16xf32>,
        %parallel_loop3A_1060 = vector.shape_cast %parallel_loop3A_1059 : vector<1x16xf32> to vector<16xf32>
        %parallel_loop3A_1061 = arith.addf %parallel_loop3A_1054, %parallel_loop3A_1060 : vector<16xf32>
        %parallel_loop3A_1062 = arith.constant 2 : i32
        %parallel_loop3A_1063 = arith.addi %parallel_loop3A_86, %parallel_loop3A_1062 : i32
        %parallel_loop3A_1064 = arith.index_cast %parallel_loop3A_1063 : i32 to index
        %parallel_loop3A_1065 = arith.constant 208 : index
        %parallel_loop3A_1066 = tpu.vector_load %arg4[%parallel_loop3A_1064, %parallel_loop3A_1065] {strides = array<i32>} : memref<160x256xf32, #tpu.memory_space<vmem>>, vector<1x16xf32>,
        %parallel_loop3A_1067 = vector.shape_cast %parallel_loop3A_1066 : vector<1x16xf32> to vector<16xf32>
        %parallel_loop3A_1068 = arith.constant 3 : i32
        %parallel_loop3A_1069 = arith.addi %parallel_loop3A_86, %parallel_loop3A_1068 : i32
        %parallel_loop3A_1070 = arith.index_cast %parallel_loop3A_1069 : i32 to index
        %parallel_loop3A_1071 = arith.constant 208 : index
        %parallel_loop3A_1072 = tpu.vector_load %arg4[%parallel_loop3A_1070, %parallel_loop3A_1071] {strides = array<i32>} : memref<160x256xf32, #tpu.memory_space<vmem>>, vector<1x16xf32>,
        %parallel_loop3A_1073 = vector.shape_cast %parallel_loop3A_1072 : vector<1x16xf32> to vector<16xf32>
        %parallel_loop3A_1074 = arith.addf %parallel_loop3A_1067, %parallel_loop3A_1073 : vector<16xf32>
        %parallel_loop3A_1075 = arith.constant 4 : i32
        %parallel_loop3A_1076 = arith.addi %parallel_loop3A_86, %parallel_loop3A_1075 : i32
        %parallel_loop3A_1077 = arith.index_cast %parallel_loop3A_1076 : i32 to index
        %parallel_loop3A_1078 = arith.constant 208 : index
        %parallel_loop3A_1079 = tpu.vector_load %arg4[%parallel_loop3A_1077, %parallel_loop3A_1078] {strides = array<i32>} : memref<160x256xf32, #tpu.memory_space<vmem>>, vector<1x16xf32>,
        %parallel_loop3A_1080 = vector.shape_cast %parallel_loop3A_1079 : vector<1x16xf32> to vector<16xf32>
        %parallel_loop3A_1081 = arith.constant 5 : i32
        %parallel_loop3A_1082 = arith.addi %parallel_loop3A_86, %parallel_loop3A_1081 : i32
        %parallel_loop3A_1083 = arith.index_cast %parallel_loop3A_1082 : i32 to index
        %parallel_loop3A_1084 = arith.constant 208 : index
        %parallel_loop3A_1085 = tpu.vector_load %arg4[%parallel_loop3A_1083, %parallel_loop3A_1084] {strides = array<i32>} : memref<160x256xf32, #tpu.memory_space<vmem>>, vector<1x16xf32>,
        %parallel_loop3A_1086 = vector.shape_cast %parallel_loop3A_1085 : vector<1x16xf32> to vector<16xf32>
        %parallel_loop3A_1087 = arith.addf %parallel_loop3A_1080, %parallel_loop3A_1086 : vector<16xf32>
        %parallel_loop3A_1088 = arith.constant 6 : i32
        %parallel_loop3A_1089 = arith.addi %parallel_loop3A_86, %parallel_loop3A_1088 : i32
        %parallel_loop3A_1090 = arith.index_cast %parallel_loop3A_1089 : i32 to index
        %parallel_loop3A_1091 = arith.constant 208 : index
        %parallel_loop3A_1092 = tpu.vector_load %arg4[%parallel_loop3A_1090, %parallel_loop3A_1091] {strides = array<i32>} : memref<160x256xf32, #tpu.memory_space<vmem>>, vector<1x16xf32>,
        %parallel_loop3A_1093 = vector.shape_cast %parallel_loop3A_1092 : vector<1x16xf32> to vector<16xf32>
        %parallel_loop3A_1094 = arith.constant 7 : i32
        %parallel_loop3A_1095 = arith.addi %parallel_loop3A_86, %parallel_loop3A_1094 : i32
        %parallel_loop3A_1096 = arith.index_cast %parallel_loop3A_1095 : i32 to index
        %parallel_loop3A_1097 = arith.constant 208 : index
        %parallel_loop3A_1098 = tpu.vector_load %arg4[%parallel_loop3A_1096, %parallel_loop3A_1097] {strides = array<i32>} : memref<160x256xf32, #tpu.memory_space<vmem>>, vector<1x16xf32>,
        %parallel_loop3A_1099 = vector.shape_cast %parallel_loop3A_1098 : vector<1x16xf32> to vector<16xf32>
        %parallel_loop3A_1100 = arith.addf %parallel_loop3A_1093, %parallel_loop3A_1099 : vector<16xf32>
        %parallel_loop3A_1101 = arith.constant 8 : i32
        %parallel_loop3A_1102 = arith.addi %parallel_loop3A_86, %parallel_loop3A_1101 : i32
        %parallel_loop3A_1103 = arith.index_cast %parallel_loop3A_1102 : i32 to index
        %parallel_loop3A_1104 = arith.constant 208 : index
        %parallel_loop3A_1105 = tpu.vector_load %arg4[%parallel_loop3A_1103, %parallel_loop3A_1104] {strides = array<i32>} : memref<160x256xf32, #tpu.memory_space<vmem>>, vector<1x16xf32>,
        %parallel_loop3A_1106 = vector.shape_cast %parallel_loop3A_1105 : vector<1x16xf32> to vector<16xf32>
        %parallel_loop3A_1107 = arith.constant 9 : i32
        %parallel_loop3A_1108 = arith.addi %parallel_loop3A_86, %parallel_loop3A_1107 : i32
        %parallel_loop3A_1109 = arith.index_cast %parallel_loop3A_1108 : i32 to index
        %parallel_loop3A_1110 = arith.constant 208 : index
        %parallel_loop3A_1111 = tpu.vector_load %arg4[%parallel_loop3A_1109, %parallel_loop3A_1110] {strides = array<i32>} : memref<160x256xf32, #tpu.memory_space<vmem>>, vector<1x16xf32>,
        %parallel_loop3A_1112 = vector.shape_cast %parallel_loop3A_1111 : vector<1x16xf32> to vector<16xf32>
        %parallel_loop3A_1113 = arith.addf %parallel_loop3A_1106, %parallel_loop3A_1112 : vector<16xf32>
        %parallel_loop3A_1114 = arith.addf %parallel_loop3A_1061, %parallel_loop3A_1074 : vector<16xf32>
        %parallel_loop3A_1115 = arith.addf %parallel_loop3A_1087, %parallel_loop3A_1100 : vector<16xf32>
        %parallel_loop3A_1116 = arith.addf %parallel_loop3A_1114, %parallel_loop3A_1115 : vector<16xf32>
        %parallel_loop3A_1117 = arith.addf %parallel_loop3A_1116, %parallel_loop3A_1113 : vector<16xf32>
        %parallel_loop3A_1118 = arith.index_cast %parallel_loop3A_84 : i32 to index
        %parallel_loop3A_1119 = arith.constant 208 : index
        %parallel_loop3A_1120 = tpu.vector_load %arg6[%parallel_loop3A_1118, %parallel_loop3A_1119] {strides = array<i32>} : memref<16x256xf32, #tpu.memory_space<vmem>>, vector<1x16xf32>,
        %parallel_loop3A_1121 = vector.shape_cast %parallel_loop3A_1120 : vector<1x16xf32> to vector<16xf32>
        %parallel_loop3A_1122 = vector.shape_cast %parallel_loop3A_1117 : vector<16xf32> to vector<1x16xf32>
        tpu.vector_store %arg6[%parallel_loop3A_1118, %parallel_loop3A_1119], %parallel_loop3A_1122 {strides = array<i32>} : memref<16x256xf32, #tpu.memory_space<vmem>>, vector<1x16xf32>,
        %parallel_loop3A_1123 = arith.constant 0 : i32
        %parallel_loop3A_1124 = arith.addi %parallel_loop3A_86, %parallel_loop3A_1123 : i32
        %parallel_loop3A_1125 = arith.index_cast %parallel_loop3A_1124 : i32 to index
        %parallel_loop3A_1126 = arith.constant 224 : index
        %parallel_loop3A_1127 = tpu.vector_load %arg4[%parallel_loop3A_1125, %parallel_loop3A_1126] {strides = array<i32>} : memref<160x256xf32, #tpu.memory_space<vmem>>, vector<1x16xf32>,
        %parallel_loop3A_1128 = vector.shape_cast %parallel_loop3A_1127 : vector<1x16xf32> to vector<16xf32>
        %parallel_loop3A_1129 = arith.constant 1 : i32
        %parallel_loop3A_1130 = arith.addi %parallel_loop3A_86, %parallel_loop3A_1129 : i32
        %parallel_loop3A_1131 = arith.index_cast %parallel_loop3A_1130 : i32 to index
        %parallel_loop3A_1132 = arith.constant 224 : index
        %parallel_loop3A_1133 = tpu.vector_load %arg4[%parallel_loop3A_1131, %parallel_loop3A_1132] {strides = array<i32>} : memref<160x256xf32, #tpu.memory_space<vmem>>, vector<1x16xf32>,
        %parallel_loop3A_1134 = vector.shape_cast %parallel_loop3A_1133 : vector<1x16xf32> to vector<16xf32>
        %parallel_loop3A_1135 = arith.addf %parallel_loop3A_1128, %parallel_loop3A_1134 : vector<16xf32>
        %parallel_loop3A_1136 = arith.constant 2 : i32
        %parallel_loop3A_1137 = arith.addi %parallel_loop3A_86, %parallel_loop3A_1136 : i32
        %parallel_loop3A_1138 = arith.index_cast %parallel_loop3A_1137 : i32 to index
        %parallel_loop3A_1139 = arith.constant 224 : index
        %parallel_loop3A_1140 = tpu.vector_load %arg4[%parallel_loop3A_1138, %parallel_loop3A_1139] {strides = array<i32>} : memref<160x256xf32, #tpu.memory_space<vmem>>, vector<1x16xf32>,
        %parallel_loop3A_1141 = vector.shape_cast %parallel_loop3A_1140 : vector<1x16xf32> to vector<16xf32>
        %parallel_loop3A_1142 = arith.constant 3 : i32
        %parallel_loop3A_1143 = arith.addi %parallel_loop3A_86, %parallel_loop3A_1142 : i32
        %parallel_loop3A_1144 = arith.index_cast %parallel_loop3A_1143 : i32 to index
        %parallel_loop3A_1145 = arith.constant 224 : index
        %parallel_loop3A_1146 = tpu.vector_load %arg4[%parallel_loop3A_1144, %parallel_loop3A_1145] {strides = array<i32>} : memref<160x256xf32, #tpu.memory_space<vmem>>, vector<1x16xf32>,
        %parallel_loop3A_1147 = vector.shape_cast %parallel_loop3A_1146 : vector<1x16xf32> to vector<16xf32>
        %parallel_loop3A_1148 = arith.addf %parallel_loop3A_1141, %parallel_loop3A_1147 : vector<16xf32>
        %parallel_loop3A_1149 = arith.constant 4 : i32
        %parallel_loop3A_1150 = arith.addi %parallel_loop3A_86, %parallel_loop3A_1149 : i32
        %parallel_loop3A_1151 = arith.index_cast %parallel_loop3A_1150 : i32 to index
        %parallel_loop3A_1152 = arith.constant 224 : index
        %parallel_loop3A_1153 = tpu.vector_load %arg4[%parallel_loop3A_1151, %parallel_loop3A_1152] {strides = array<i32>} : memref<160x256xf32, #tpu.memory_space<vmem>>, vector<1x16xf32>,
        %parallel_loop3A_1154 = vector.shape_cast %parallel_loop3A_1153 : vector<1x16xf32> to vector<16xf32>
        %parallel_loop3A_1155 = arith.constant 5 : i32
        %parallel_loop3A_1156 = arith.addi %parallel_loop3A_86, %parallel_loop3A_1155 : i32
        %parallel_loop3A_1157 = arith.index_cast %parallel_loop3A_1156 : i32 to index
        %parallel_loop3A_1158 = arith.constant 224 : index
        %parallel_loop3A_1159 = tpu.vector_load %arg4[%parallel_loop3A_1157, %parallel_loop3A_1158] {strides = array<i32>} : memref<160x256xf32, #tpu.memory_space<vmem>>, vector<1x16xf32>,
        %parallel_loop3A_1160 = vector.shape_cast %parallel_loop3A_1159 : vector<1x16xf32> to vector<16xf32>
        %parallel_loop3A_1161 = arith.addf %parallel_loop3A_1154, %parallel_loop3A_1160 : vector<16xf32>
        %parallel_loop3A_1162 = arith.constant 6 : i32
        %parallel_loop3A_1163 = arith.addi %parallel_loop3A_86, %parallel_loop3A_1162 : i32
        %parallel_loop3A_1164 = arith.index_cast %parallel_loop3A_1163 : i32 to index
        %parallel_loop3A_1165 = arith.constant 224 : index
        %parallel_loop3A_1166 = tpu.vector_load %arg4[%parallel_loop3A_1164, %parallel_loop3A_1165] {strides = array<i32>} : memref<160x256xf32, #tpu.memory_space<vmem>>, vector<1x16xf32>,
        %parallel_loop3A_1167 = vector.shape_cast %parallel_loop3A_1166 : vector<1x16xf32> to vector<16xf32>
        %parallel_loop3A_1168 = arith.constant 7 : i32
        %parallel_loop3A_1169 = arith.addi %parallel_loop3A_86, %parallel_loop3A_1168 : i32
        %parallel_loop3A_1170 = arith.index_cast %parallel_loop3A_1169 : i32 to index
        %parallel_loop3A_1171 = arith.constant 224 : index
        %parallel_loop3A_1172 = tpu.vector_load %arg4[%parallel_loop3A_1170, %parallel_loop3A_1171] {strides = array<i32>} : memref<160x256xf32, #tpu.memory_space<vmem>>, vector<1x16xf32>,
        %parallel_loop3A_1173 = vector.shape_cast %parallel_loop3A_1172 : vector<1x16xf32> to vector<16xf32>
        %parallel_loop3A_1174 = arith.addf %parallel_loop3A_1167, %parallel_loop3A_1173 : vector<16xf32>
        %parallel_loop3A_1175 = arith.constant 8 : i32
        %parallel_loop3A_1176 = arith.addi %parallel_loop3A_86, %parallel_loop3A_1175 : i32
        %parallel_loop3A_1177 = arith.index_cast %parallel_loop3A_1176 : i32 to index
        %parallel_loop3A_1178 = arith.constant 224 : index
        %parallel_loop3A_1179 = tpu.vector_load %arg4[%parallel_loop3A_1177, %parallel_loop3A_1178] {strides = array<i32>} : memref<160x256xf32, #tpu.memory_space<vmem>>, vector<1x16xf32>,
        %parallel_loop3A_1180 = vector.shape_cast %parallel_loop3A_1179 : vector<1x16xf32> to vector<16xf32>
        %parallel_loop3A_1181 = arith.constant 9 : i32
        %parallel_loop3A_1182 = arith.addi %parallel_loop3A_86, %parallel_loop3A_1181 : i32
        %parallel_loop3A_1183 = arith.index_cast %parallel_loop3A_1182 : i32 to index
        %parallel_loop3A_1184 = arith.constant 224 : index
        %parallel_loop3A_1185 = tpu.vector_load %arg4[%parallel_loop3A_1183, %parallel_loop3A_1184] {strides = array<i32>} : memref<160x256xf32, #tpu.memory_space<vmem>>, vector<1x16xf32>,
        %parallel_loop3A_1186 = vector.shape_cast %parallel_loop3A_1185 : vector<1x16xf32> to vector<16xf32>
        %parallel_loop3A_1187 = arith.addf %parallel_loop3A_1180, %parallel_loop3A_1186 : vector<16xf32>
        %parallel_loop3A_1188 = arith.addf %parallel_loop3A_1135, %parallel_loop3A_1148 : vector<16xf32>
        %parallel_loop3A_1189 = arith.addf %parallel_loop3A_1161, %parallel_loop3A_1174 : vector<16xf32>
        %parallel_loop3A_1190 = arith.addf %parallel_loop3A_1188, %parallel_loop3A_1189 : vector<16xf32>
        %parallel_loop3A_1191 = arith.addf %parallel_loop3A_1190, %parallel_loop3A_1187 : vector<16xf32>
        %parallel_loop3A_1192 = arith.index_cast %parallel_loop3A_84 : i32 to index
        %parallel_loop3A_1193 = arith.constant 224 : index
        %parallel_loop3A_1194 = tpu.vector_load %arg6[%parallel_loop3A_1192, %parallel_loop3A_1193] {strides = array<i32>} : memref<16x256xf32, #tpu.memory_space<vmem>>, vector<1x16xf32>,
        %parallel_loop3A_1195 = vector.shape_cast %parallel_loop3A_1194 : vector<1x16xf32> to vector<16xf32>
        %parallel_loop3A_1196 = vector.shape_cast %parallel_loop3A_1191 : vector<16xf32> to vector<1x16xf32>
        tpu.vector_store %arg6[%parallel_loop3A_1192, %parallel_loop3A_1193], %parallel_loop3A_1196 {strides = array<i32>} : memref<16x256xf32, #tpu.memory_space<vmem>>, vector<1x16xf32>,
        %parallel_loop3A_1197 = arith.constant 0 : i32
        %parallel_loop3A_1198 = arith.addi %parallel_loop3A_86, %parallel_loop3A_1197 : i32
        %parallel_loop3A_1199 = arith.index_cast %parallel_loop3A_1198 : i32 to index
        %parallel_loop3A_1200 = arith.constant 240 : index
        %parallel_loop3A_1201 = tpu.vector_load %arg4[%parallel_loop3A_1199, %parallel_loop3A_1200] {strides = array<i32>} : memref<160x256xf32, #tpu.memory_space<vmem>>, vector<1x16xf32>,
        %parallel_loop3A_1202 = vector.shape_cast %parallel_loop3A_1201 : vector<1x16xf32> to vector<16xf32>
        %parallel_loop3A_1203 = arith.constant 1 : i32
        %parallel_loop3A_1204 = arith.addi %parallel_loop3A_86, %parallel_loop3A_1203 : i32
        %parallel_loop3A_1205 = arith.index_cast %parallel_loop3A_1204 : i32 to index
        %parallel_loop3A_1206 = arith.constant 240 : index
        %parallel_loop3A_1207 = tpu.vector_load %arg4[%parallel_loop3A_1205, %parallel_loop3A_1206] {strides = array<i32>} : memref<160x256xf32, #tpu.memory_space<vmem>>, vector<1x16xf32>,
        %parallel_loop3A_1208 = vector.shape_cast %parallel_loop3A_1207 : vector<1x16xf32> to vector<16xf32>
        %parallel_loop3A_1209 = arith.addf %parallel_loop3A_1202, %parallel_loop3A_1208 : vector<16xf32>
        %parallel_loop3A_1210 = arith.constant 2 : i32
        %parallel_loop3A_1211 = arith.addi %parallel_loop3A_86, %parallel_loop3A_1210 : i32
        %parallel_loop3A_1212 = arith.index_cast %parallel_loop3A_1211 : i32 to index
        %parallel_loop3A_1213 = arith.constant 240 : index
        %parallel_loop3A_1214 = tpu.vector_load %arg4[%parallel_loop3A_1212, %parallel_loop3A_1213] {strides = array<i32>} : memref<160x256xf32, #tpu.memory_space<vmem>>, vector<1x16xf32>,
        %parallel_loop3A_1215 = vector.shape_cast %parallel_loop3A_1214 : vector<1x16xf32> to vector<16xf32>
        %parallel_loop3A_1216 = arith.constant 3 : i32
        %parallel_loop3A_1217 = arith.addi %parallel_loop3A_86, %parallel_loop3A_1216 : i32
        %parallel_loop3A_1218 = arith.index_cast %parallel_loop3A_1217 : i32 to index
        %parallel_loop3A_1219 = arith.constant 240 : index
        %parallel_loop3A_1220 = tpu.vector_load %arg4[%parallel_loop3A_1218, %parallel_loop3A_1219] {strides = array<i32>} : memref<160x256xf32, #tpu.memory_space<vmem>>, vector<1x16xf32>,
        %parallel_loop3A_1221 = vector.shape_cast %parallel_loop3A_1220 : vector<1x16xf32> to vector<16xf32>
        %parallel_loop3A_1222 = arith.addf %parallel_loop3A_1215, %parallel_loop3A_1221 : vector<16xf32>
        %parallel_loop3A_1223 = arith.constant 4 : i32
        %parallel_loop3A_1224 = arith.addi %parallel_loop3A_86, %parallel_loop3A_1223 : i32
        %parallel_loop3A_1225 = arith.index_cast %parallel_loop3A_1224 : i32 to index
        %parallel_loop3A_1226 = arith.constant 240 : index
        %parallel_loop3A_1227 = tpu.vector_load %arg4[%parallel_loop3A_1225, %parallel_loop3A_1226] {strides = array<i32>} : memref<160x256xf32, #tpu.memory_space<vmem>>, vector<1x16xf32>,
        %parallel_loop3A_1228 = vector.shape_cast %parallel_loop3A_1227 : vector<1x16xf32> to vector<16xf32>
        %parallel_loop3A_1229 = arith.constant 5 : i32
        %parallel_loop3A_1230 = arith.addi %parallel_loop3A_86, %parallel_loop3A_1229 : i32
        %parallel_loop3A_1231 = arith.index_cast %parallel_loop3A_1230 : i32 to index
        %parallel_loop3A_1232 = arith.constant 240 : index
        %parallel_loop3A_1233 = tpu.vector_load %arg4[%parallel_loop3A_1231, %parallel_loop3A_1232] {strides = array<i32>} : memref<160x256xf32, #tpu.memory_space<vmem>>, vector<1x16xf32>,
        %parallel_loop3A_1234 = vector.shape_cast %parallel_loop3A_1233 : vector<1x16xf32> to vector<16xf32>
        %parallel_loop3A_1235 = arith.addf %parallel_loop3A_1228, %parallel_loop3A_1234 : vector<16xf32>
        %parallel_loop3A_1236 = arith.constant 6 : i32
        %parallel_loop3A_1237 = arith.addi %parallel_loop3A_86, %parallel_loop3A_1236 : i32
        %parallel_loop3A_1238 = arith.index_cast %parallel_loop3A_1237 : i32 to index
        %parallel_loop3A_1239 = arith.constant 240 : index
        %parallel_loop3A_1240 = tpu.vector_load %arg4[%parallel_loop3A_1238, %parallel_loop3A_1239] {strides = array<i32>} : memref<160x256xf32, #tpu.memory_space<vmem>>, vector<1x16xf32>,
        %parallel_loop3A_1241 = vector.shape_cast %parallel_loop3A_1240 : vector<1x16xf32> to vector<16xf32>
        %parallel_loop3A_1242 = arith.constant 7 : i32
        %parallel_loop3A_1243 = arith.addi %parallel_loop3A_86, %parallel_loop3A_1242 : i32
        %parallel_loop3A_1244 = arith.index_cast %parallel_loop3A_1243 : i32 to index
        %parallel_loop3A_1245 = arith.constant 240 : index
        %parallel_loop3A_1246 = tpu.vector_load %arg4[%parallel_loop3A_1244, %parallel_loop3A_1245] {strides = array<i32>} : memref<160x256xf32, #tpu.memory_space<vmem>>, vector<1x16xf32>,
        %parallel_loop3A_1247 = vector.shape_cast %parallel_loop3A_1246 : vector<1x16xf32> to vector<16xf32>
        %parallel_loop3A_1248 = arith.addf %parallel_loop3A_1241, %parallel_loop3A_1247 : vector<16xf32>
        %parallel_loop3A_1249 = arith.constant 8 : i32
        %parallel_loop3A_1250 = arith.addi %parallel_loop3A_86, %parallel_loop3A_1249 : i32
        %parallel_loop3A_1251 = arith.index_cast %parallel_loop3A_1250 : i32 to index
        %parallel_loop3A_1252 = arith.constant 240 : index
        %parallel_loop3A_1253 = tpu.vector_load %arg4[%parallel_loop3A_1251, %parallel_loop3A_1252] {strides = array<i32>} : memref<160x256xf32, #tpu.memory_space<vmem>>, vector<1x16xf32>,
        %parallel_loop3A_1254 = vector.shape_cast %parallel_loop3A_1253 : vector<1x16xf32> to vector<16xf32>
        %parallel_loop3A_1255 = arith.constant 9 : i32
        %parallel_loop3A_1256 = arith.addi %parallel_loop3A_86, %parallel_loop3A_1255 : i32
        %parallel_loop3A_1257 = arith.index_cast %parallel_loop3A_1256 : i32 to index
        %parallel_loop3A_1258 = arith.constant 240 : index
        %parallel_loop3A_1259 = tpu.vector_load %arg4[%parallel_loop3A_1257, %parallel_loop3A_1258] {strides = array<i32>} : memref<160x256xf32, #tpu.memory_space<vmem>>, vector<1x16xf32>,
        %parallel_loop3A_1260 = vector.shape_cast %parallel_loop3A_1259 : vector<1x16xf32> to vector<16xf32>
        %parallel_loop3A_1261 = arith.addf %parallel_loop3A_1254, %parallel_loop3A_1260 : vector<16xf32>
        %parallel_loop3A_1262 = arith.addf %parallel_loop3A_1209, %parallel_loop3A_1222 : vector<16xf32>
        %parallel_loop3A_1263 = arith.addf %parallel_loop3A_1235, %parallel_loop3A_1248 : vector<16xf32>
        %parallel_loop3A_1264 = arith.addf %parallel_loop3A_1262, %parallel_loop3A_1263 : vector<16xf32>
        %parallel_loop3A_1265 = arith.addf %parallel_loop3A_1264, %parallel_loop3A_1261 : vector<16xf32>
        %parallel_loop3A_1266 = arith.index_cast %parallel_loop3A_84 : i32 to index
        %parallel_loop3A_1267 = arith.constant 240 : index
        %parallel_loop3A_1268 = tpu.vector_load %arg6[%parallel_loop3A_1266, %parallel_loop3A_1267] {strides = array<i32>} : memref<16x256xf32, #tpu.memory_space<vmem>>, vector<1x16xf32>,
        %parallel_loop3A_1269 = vector.shape_cast %parallel_loop3A_1268 : vector<1x16xf32> to vector<16xf32>
        %parallel_loop3A_1270 = vector.shape_cast %parallel_loop3A_1265 : vector<16xf32> to vector<1x16xf32>
        tpu.vector_store %arg6[%parallel_loop3A_1266, %parallel_loop3A_1267], %parallel_loop3A_1270 {strides = array<i32>} : memref<16x256xf32, #tpu.memory_space<vmem>>, vector<1x16xf32>,
      } {sc.loop_unroll_factor = 4 : i64, sc.parallel_access}
      %mul3A_41 = arith.constant 16 : i32
      %mul3A_42 = arith.muli %add3A_32, %mul3A_41 : i32
      %add3A_43 = arith.addi %mul3A_4, %mul3A_42 : i32
      %dma_start3A_44 = arith.constant 0 : i32
      %dma_start3A_45 = tpu.memref_slice %arg3[%add3A_43, %dma_start3A_44] : memref<20480x256xf32, #tpu.memory_space<hbm>> -> memref<16x256xf32, #tpu.memory_space<hbm>>
      %dma_start3A_46 = arith.constant 0 : i32
      %dma_start3A_47 = tpu.memref_slice %arg3[%add3A_43, %dma_start3A_46] : memref<20480x256xf32, #tpu.memory_space<hbm>> -> memref<16x256xf32, #tpu.memory_space<hbm>>
      tpu.enqueue_dma source(%arg6 : memref<16x256xf32, #tpu.memory_space<vmem>>) target(%dma_start3A_47 : memref<16x256xf32, #tpu.memory_space<hbm>>) target_semaphore(%arg10 : memref<!tpu.dma_semaphore, #tpu.memory_space<semaphore_mem>>)
      %add3A_48 = arith.constant 2 : i32
      %add3A_49 = arith.addi %add3A_32, %add3A_48 : i32
      %lt3A = arith.constant 40 : i32
      %lt3A_50 = arith.cmpi slt, %add3A_49, %lt3A : i32
      %convert_element_type3A_51 = arith.extui %lt3A_50 : i1 to i32
      %cond3A_52 = arith.constant 0 : i32
      %cond3A_53 = arith.cmpi ne, %convert_element_type3A_51, %cond3A_52 : i32
      scf.if %cond3A_53 {
        %add3A_84 = arith.constant 2 : i32
        %add3A_85 = arith.addi %add3A_32, %add3A_84 : i32
        %mul3A_86 = arith.constant 16 : i32
        %mul3A_87 = arith.muli %add3A_85, %mul3A_86 : i32
        %mul3A_88 = arith.constant 10 : i32
        %mul3A_89 = arith.muli %mul3A_87, %mul3A_88 : i32
        %add3A_90 = arith.addi %mul3A_2, %mul3A_89 : i32
        %dma_start3A_91 = arith.constant 0 : i32
        %dma_start3A_92 = tpu.memref_slice %arg2[%add3A_90, %dma_start3A_91] : memref<204800x256xf32, #tpu.memory_space<hbm>> -> memref<160x256xf32, #tpu.memory_space<hbm>>
        %dma_start3A_93 = arith.constant 0 : i32
        %dma_start3A_94 = tpu.memref_slice %arg2[%add3A_90, %dma_start3A_93] : memref<204800x256xf32, #tpu.memory_space<hbm>> -> memref<160x256xf32, #tpu.memory_space<hbm>>
        tpu.enqueue_dma source(%dma_start3A_94 : memref<160x256xf32, #tpu.memory_space<hbm>>) target(%arg4 : memref<160x256xf32, #tpu.memory_space<vmem>>) target_semaphore(%arg8 : memref<!tpu.dma_semaphore, #tpu.memory_space<semaphore_mem>>)
      } else {
      }
      %mul3A_54 = arith.constant 2 : i32
      %mul3A_55 = arith.muli %mul3A_54, %scan3A_28 : i32
      %add3A_56 = arith.constant 1 : i32
      %add3A_57 = arith.addi %mul3A_55, %add3A_56 : i32
      %dma_wait3A_58 = arith.constant 0 : i32
      %dma_wait3A_59 = tpu.memref_slice %arg2[%mul3A_2, %dma_wait3A_58] : memref<204800x256xf32, #tpu.memory_space<hbm>> -> memref<160x256xf32, #tpu.memory_space<hbm>>
      %dma_wait3A_60 = arith.constant 0 : i32
      %dma_wait3A_61 = tpu.memref_slice %arg2[%mul3A_2, %dma_wait3A_60] : memref<204800x256xf32, #tpu.memory_space<hbm>> -> memref<160x256xf32, #tpu.memory_space<hbm>>
      tpu.wait_dma2 semaphore(%arg9 : memref<!tpu.dma_semaphore, #tpu.memory_space<semaphore_mem>>) src(%dma_wait3A_61 : memref<160x256xf32, #tpu.memory_space<hbm>>) dst(%arg5 : memref<160x256xf32, #tpu.memory_space<vmem>>)
      %ge3A_62 = arith.constant 2 : i32
      %ge3A_63 = arith.cmpi sge, %add3A_57, %ge3A_62 : i32
      %convert_element_type3A_64 = arith.extui %ge3A_63 : i1 to i32
      %cond3A_65 = arith.constant 0 : i32
      %cond3A_66 = arith.cmpi ne, %convert_element_type3A_64, %cond3A_65 : i32
      scf.if %cond3A_66 {
        %dma_wait3A_84 = arith.constant 0 : i32
        %dma_wait3A_85 = tpu.memref_slice %arg3[%mul3A_4, %dma_wait3A_84] : memref<20480x256xf32, #tpu.memory_space<hbm>> -> memref<16x256xf32, #tpu.memory_space<hbm>>
        %dma_wait3A_86 = arith.constant 0 : i32
        %dma_wait3A_87 = tpu.memref_slice %arg3[%mul3A_4, %dma_wait3A_86] : memref<20480x256xf32, #tpu.memory_space<hbm>> -> memref<16x256xf32, #tpu.memory_space<hbm>>
        tpu.wait_dma2 semaphore(%arg11 : memref<!tpu.dma_semaphore, #tpu.memory_space<semaphore_mem>>) src(%arg7 : memref<16x256xf32, #tpu.memory_space<vmem>>) dst(%dma_wait3A_87 : memref<16x256xf32, #tpu.memory_space<hbm>>)
      } else {
      }
      %parallel_loop3A_67 = arith.constant 0 : i32
      %parallel_loop3A_68 = arith.constant 16 : i32
      %parallel_loop3A_69 = arith.constant 1 : i32
      scf.for %parallel_loop3A_84 = %parallel_loop3A_67 to %parallel_loop3A_68 step %parallel_loop3A_69  : i32 {
        %parallel_loop3A_85 = arith.constant 10 : i32
        %parallel_loop3A_86 = arith.muli %parallel_loop3A_84, %parallel_loop3A_85 : i32
        %parallel_loop3A_87 = arith.constant 0 : i32
        %parallel_loop3A_88 = arith.addi %parallel_loop3A_86, %parallel_loop3A_87 : i32
        %parallel_loop3A_89 = arith.index_cast %parallel_loop3A_88 : i32 to index
        %parallel_loop3A_90 = arith.constant 0 : index
        %parallel_loop3A_91 = tpu.vector_load %arg5[%parallel_loop3A_89, %parallel_loop3A_90] {strides = array<i32>} : memref<160x256xf32, #tpu.memory_space<vmem>>, vector<1x16xf32>,
        %parallel_loop3A_92 = vector.shape_cast %parallel_loop3A_91 : vector<1x16xf32> to vector<16xf32>
        %parallel_loop3A_93 = arith.constant 1 : i32
        %parallel_loop3A_94 = arith.addi %parallel_loop3A_86, %parallel_loop3A_93 : i32
        %parallel_loop3A_95 = arith.index_cast %parallel_loop3A_94 : i32 to index
        %parallel_loop3A_96 = arith.constant 0 : index
        %parallel_loop3A_97 = tpu.vector_load %arg5[%parallel_loop3A_95, %parallel_loop3A_96] {strides = array<i32>} : memref<160x256xf32, #tpu.memory_space<vmem>>, vector<1x16xf32>,
        %parallel_loop3A_98 = vector.shape_cast %parallel_loop3A_97 : vector<1x16xf32> to vector<16xf32>
        %parallel_loop3A_99 = arith.addf %parallel_loop3A_92, %parallel_loop3A_98 : vector<16xf32>
        %parallel_loop3A_100 = arith.constant 2 : i32
        %parallel_loop3A_101 = arith.addi %parallel_loop3A_86, %parallel_loop3A_100 : i32
        %parallel_loop3A_102 = arith.index_cast %parallel_loop3A_101 : i32 to index
        %parallel_loop3A_103 = arith.constant 0 : index
        %parallel_loop3A_104 = tpu.vector_load %arg5[%parallel_loop3A_102, %parallel_loop3A_103] {strides = array<i32>} : memref<160x256xf32, #tpu.memory_space<vmem>>, vector<1x16xf32>,
        %parallel_loop3A_105 = vector.shape_cast %parallel_loop3A_104 : vector<1x16xf32> to vector<16xf32>
        %parallel_loop3A_106 = arith.constant 3 : i32
        %parallel_loop3A_107 = arith.addi %parallel_loop3A_86, %parallel_loop3A_106 : i32
        %parallel_loop3A_108 = arith.index_cast %parallel_loop3A_107 : i32 to index
        %parallel_loop3A_109 = arith.constant 0 : index
        %parallel_loop3A_110 = tpu.vector_load %arg5[%parallel_loop3A_108, %parallel_loop3A_109] {strides = array<i32>} : memref<160x256xf32, #tpu.memory_space<vmem>>, vector<1x16xf32>,
        %parallel_loop3A_111 = vector.shape_cast %parallel_loop3A_110 : vector<1x16xf32> to vector<16xf32>
        %parallel_loop3A_112 = arith.addf %parallel_loop3A_105, %parallel_loop3A_111 : vector<16xf32>
        %parallel_loop3A_113 = arith.constant 4 : i32
        %parallel_loop3A_114 = arith.addi %parallel_loop3A_86, %parallel_loop3A_113 : i32
        %parallel_loop3A_115 = arith.index_cast %parallel_loop3A_114 : i32 to index
        %parallel_loop3A_116 = arith.constant 0 : index
        %parallel_loop3A_117 = tpu.vector_load %arg5[%parallel_loop3A_115, %parallel_loop3A_116] {strides = array<i32>} : memref<160x256xf32, #tpu.memory_space<vmem>>, vector<1x16xf32>,
        %parallel_loop3A_118 = vector.shape_cast %parallel_loop3A_117 : vector<1x16xf32> to vector<16xf32>
        %parallel_loop3A_119 = arith.constant 5 : i32
        %parallel_loop3A_120 = arith.addi %parallel_loop3A_86, %parallel_loop3A_119 : i32
        %parallel_loop3A_121 = arith.index_cast %parallel_loop3A_120 : i32 to index
        %parallel_loop3A_122 = arith.constant 0 : index
        %parallel_loop3A_123 = tpu.vector_load %arg5[%parallel_loop3A_121, %parallel_loop3A_122] {strides = array<i32>} : memref<160x256xf32, #tpu.memory_space<vmem>>, vector<1x16xf32>,
        %parallel_loop3A_124 = vector.shape_cast %parallel_loop3A_123 : vector<1x16xf32> to vector<16xf32>
        %parallel_loop3A_125 = arith.addf %parallel_loop3A_118, %parallel_loop3A_124 : vector<16xf32>
        %parallel_loop3A_126 = arith.constant 6 : i32
        %parallel_loop3A_127 = arith.addi %parallel_loop3A_86, %parallel_loop3A_126 : i32
        %parallel_loop3A_128 = arith.index_cast %parallel_loop3A_127 : i32 to index
        %parallel_loop3A_129 = arith.constant 0 : index
        %parallel_loop3A_130 = tpu.vector_load %arg5[%parallel_loop3A_128, %parallel_loop3A_129] {strides = array<i32>} : memref<160x256xf32, #tpu.memory_space<vmem>>, vector<1x16xf32>,
        %parallel_loop3A_131 = vector.shape_cast %parallel_loop3A_130 : vector<1x16xf32> to vector<16xf32>
        %parallel_loop3A_132 = arith.constant 7 : i32
        %parallel_loop3A_133 = arith.addi %parallel_loop3A_86, %parallel_loop3A_132 : i32
        %parallel_loop3A_134 = arith.index_cast %parallel_loop3A_133 : i32 to index
        %parallel_loop3A_135 = arith.constant 0 : index
        %parallel_loop3A_136 = tpu.vector_load %arg5[%parallel_loop3A_134, %parallel_loop3A_135] {strides = array<i32>} : memref<160x256xf32, #tpu.memory_space<vmem>>, vector<1x16xf32>,
        %parallel_loop3A_137 = vector.shape_cast %parallel_loop3A_136 : vector<1x16xf32> to vector<16xf32>
        %parallel_loop3A_138 = arith.addf %parallel_loop3A_131, %parallel_loop3A_137 : vector<16xf32>
        %parallel_loop3A_139 = arith.constant 8 : i32
        %parallel_loop3A_140 = arith.addi %parallel_loop3A_86, %parallel_loop3A_139 : i32
        %parallel_loop3A_141 = arith.index_cast %parallel_loop3A_140 : i32 to index
        %parallel_loop3A_142 = arith.constant 0 : index
        %parallel_loop3A_143 = tpu.vector_load %arg5[%parallel_loop3A_141, %parallel_loop3A_142] {strides = array<i32>} : memref<160x256xf32, #tpu.memory_space<vmem>>, vector<1x16xf32>,
        %parallel_loop3A_144 = vector.shape_cast %parallel_loop3A_143 : vector<1x16xf32> to vector<16xf32>
        %parallel_loop3A_145 = arith.constant 9 : i32
        %parallel_loop3A_146 = arith.addi %parallel_loop3A_86, %parallel_loop3A_145 : i32
        %parallel_loop3A_147 = arith.index_cast %parallel_loop3A_146 : i32 to index
        %parallel_loop3A_148 = arith.constant 0 : index
        %parallel_loop3A_149 = tpu.vector_load %arg5[%parallel_loop3A_147, %parallel_loop3A_148] {strides = array<i32>} : memref<160x256xf32, #tpu.memory_space<vmem>>, vector<1x16xf32>,
        %parallel_loop3A_150 = vector.shape_cast %parallel_loop3A_149 : vector<1x16xf32> to vector<16xf32>
        %parallel_loop3A_151 = arith.addf %parallel_loop3A_144, %parallel_loop3A_150 : vector<16xf32>
        %parallel_loop3A_152 = arith.addf %parallel_loop3A_99, %parallel_loop3A_112 : vector<16xf32>
        %parallel_loop3A_153 = arith.addf %parallel_loop3A_125, %parallel_loop3A_138 : vector<16xf32>
        %parallel_loop3A_154 = arith.addf %parallel_loop3A_152, %parallel_loop3A_153 : vector<16xf32>
        %parallel_loop3A_155 = arith.addf %parallel_loop3A_154, %parallel_loop3A_151 : vector<16xf32>
        %parallel_loop3A_156 = arith.index_cast %parallel_loop3A_84 : i32 to index
        %parallel_loop3A_157 = arith.constant 0 : index
        %parallel_loop3A_158 = tpu.vector_load %arg7[%parallel_loop3A_156, %parallel_loop3A_157] {strides = array<i32>} : memref<16x256xf32, #tpu.memory_space<vmem>>, vector<1x16xf32>,
        %parallel_loop3A_159 = vector.shape_cast %parallel_loop3A_158 : vector<1x16xf32> to vector<16xf32>
        %parallel_loop3A_160 = vector.shape_cast %parallel_loop3A_155 : vector<16xf32> to vector<1x16xf32>
        tpu.vector_store %arg7[%parallel_loop3A_156, %parallel_loop3A_157], %parallel_loop3A_160 {strides = array<i32>} : memref<16x256xf32, #tpu.memory_space<vmem>>, vector<1x16xf32>,
        %parallel_loop3A_161 = arith.constant 0 : i32
        %parallel_loop3A_162 = arith.addi %parallel_loop3A_86, %parallel_loop3A_161 : i32
        %parallel_loop3A_163 = arith.index_cast %parallel_loop3A_162 : i32 to index
        %parallel_loop3A_164 = arith.constant 16 : index
        %parallel_loop3A_165 = tpu.vector_load %arg5[%parallel_loop3A_163, %parallel_loop3A_164] {strides = array<i32>} : memref<160x256xf32, #tpu.memory_space<vmem>>, vector<1x16xf32>,
        %parallel_loop3A_166 = vector.shape_cast %parallel_loop3A_165 : vector<1x16xf32> to vector<16xf32>
        %parallel_loop3A_167 = arith.constant 1 : i32
        %parallel_loop3A_168 = arith.addi %parallel_loop3A_86, %parallel_loop3A_167 : i32
        %parallel_loop3A_169 = arith.index_cast %parallel_loop3A_168 : i32 to index
        %parallel_loop3A_170 = arith.constant 16 : index
        %parallel_loop3A_171 = tpu.vector_load %arg5[%parallel_loop3A_169, %parallel_loop3A_170] {strides = array<i32>} : memref<160x256xf32, #tpu.memory_space<vmem>>, vector<1x16xf32>,
        %parallel_loop3A_172 = vector.shape_cast %parallel_loop3A_171 : vector<1x16xf32> to vector<16xf32>
        %parallel_loop3A_173 = arith.addf %parallel_loop3A_166, %parallel_loop3A_172 : vector<16xf32>
        %parallel_loop3A_174 = arith.constant 2 : i32
        %parallel_loop3A_175 = arith.addi %parallel_loop3A_86, %parallel_loop3A_174 : i32
        %parallel_loop3A_176 = arith.index_cast %parallel_loop3A_175 : i32 to index
        %parallel_loop3A_177 = arith.constant 16 : index
        %parallel_loop3A_178 = tpu.vector_load %arg5[%parallel_loop3A_176, %parallel_loop3A_177] {strides = array<i32>} : memref<160x256xf32, #tpu.memory_space<vmem>>, vector<1x16xf32>,
        %parallel_loop3A_179 = vector.shape_cast %parallel_loop3A_178 : vector<1x16xf32> to vector<16xf32>
        %parallel_loop3A_180 = arith.constant 3 : i32
        %parallel_loop3A_181 = arith.addi %parallel_loop3A_86, %parallel_loop3A_180 : i32
        %parallel_loop3A_182 = arith.index_cast %parallel_loop3A_181 : i32 to index
        %parallel_loop3A_183 = arith.constant 16 : index
        %parallel_loop3A_184 = tpu.vector_load %arg5[%parallel_loop3A_182, %parallel_loop3A_183] {strides = array<i32>} : memref<160x256xf32, #tpu.memory_space<vmem>>, vector<1x16xf32>,
        %parallel_loop3A_185 = vector.shape_cast %parallel_loop3A_184 : vector<1x16xf32> to vector<16xf32>
        %parallel_loop3A_186 = arith.addf %parallel_loop3A_179, %parallel_loop3A_185 : vector<16xf32>
        %parallel_loop3A_187 = arith.constant 4 : i32
        %parallel_loop3A_188 = arith.addi %parallel_loop3A_86, %parallel_loop3A_187 : i32
        %parallel_loop3A_189 = arith.index_cast %parallel_loop3A_188 : i32 to index
        %parallel_loop3A_190 = arith.constant 16 : index
        %parallel_loop3A_191 = tpu.vector_load %arg5[%parallel_loop3A_189, %parallel_loop3A_190] {strides = array<i32>} : memref<160x256xf32, #tpu.memory_space<vmem>>, vector<1x16xf32>,
        %parallel_loop3A_192 = vector.shape_cast %parallel_loop3A_191 : vector<1x16xf32> to vector<16xf32>
        %parallel_loop3A_193 = arith.constant 5 : i32
        %parallel_loop3A_194 = arith.addi %parallel_loop3A_86, %parallel_loop3A_193 : i32
        %parallel_loop3A_195 = arith.index_cast %parallel_loop3A_194 : i32 to index
        %parallel_loop3A_196 = arith.constant 16 : index
        %parallel_loop3A_197 = tpu.vector_load %arg5[%parallel_loop3A_195, %parallel_loop3A_196] {strides = array<i32>} : memref<160x256xf32, #tpu.memory_space<vmem>>, vector<1x16xf32>,
        %parallel_loop3A_198 = vector.shape_cast %parallel_loop3A_197 : vector<1x16xf32> to vector<16xf32>
        %parallel_loop3A_199 = arith.addf %parallel_loop3A_192, %parallel_loop3A_198 : vector<16xf32>
        %parallel_loop3A_200 = arith.constant 6 : i32
        %parallel_loop3A_201 = arith.addi %parallel_loop3A_86, %parallel_loop3A_200 : i32
        %parallel_loop3A_202 = arith.index_cast %parallel_loop3A_201 : i32 to index
        %parallel_loop3A_203 = arith.constant 16 : index
        %parallel_loop3A_204 = tpu.vector_load %arg5[%parallel_loop3A_202, %parallel_loop3A_203] {strides = array<i32>} : memref<160x256xf32, #tpu.memory_space<vmem>>, vector<1x16xf32>,
        %parallel_loop3A_205 = vector.shape_cast %parallel_loop3A_204 : vector<1x16xf32> to vector<16xf32>
        %parallel_loop3A_206 = arith.constant 7 : i32
        %parallel_loop3A_207 = arith.addi %parallel_loop3A_86, %parallel_loop3A_206 : i32
        %parallel_loop3A_208 = arith.index_cast %parallel_loop3A_207 : i32 to index
        %parallel_loop3A_209 = arith.constant 16 : index
        %parallel_loop3A_210 = tpu.vector_load %arg5[%parallel_loop3A_208, %parallel_loop3A_209] {strides = array<i32>} : memref<160x256xf32, #tpu.memory_space<vmem>>, vector<1x16xf32>,
        %parallel_loop3A_211 = vector.shape_cast %parallel_loop3A_210 : vector<1x16xf32> to vector<16xf32>
        %parallel_loop3A_212 = arith.addf %parallel_loop3A_205, %parallel_loop3A_211 : vector<16xf32>
        %parallel_loop3A_213 = arith.constant 8 : i32
        %parallel_loop3A_214 = arith.addi %parallel_loop3A_86, %parallel_loop3A_213 : i32
        %parallel_loop3A_215 = arith.index_cast %parallel_loop3A_214 : i32 to index
        %parallel_loop3A_216 = arith.constant 16 : index
        %parallel_loop3A_217 = tpu.vector_load %arg5[%parallel_loop3A_215, %parallel_loop3A_216] {strides = array<i32>} : memref<160x256xf32, #tpu.memory_space<vmem>>, vector<1x16xf32>,
        %parallel_loop3A_218 = vector.shape_cast %parallel_loop3A_217 : vector<1x16xf32> to vector<16xf32>
        %parallel_loop3A_219 = arith.constant 9 : i32
        %parallel_loop3A_220 = arith.addi %parallel_loop3A_86, %parallel_loop3A_219 : i32
        %parallel_loop3A_221 = arith.index_cast %parallel_loop3A_220 : i32 to index
        %parallel_loop3A_222 = arith.constant 16 : index
        %parallel_loop3A_223 = tpu.vector_load %arg5[%parallel_loop3A_221, %parallel_loop3A_222] {strides = array<i32>} : memref<160x256xf32, #tpu.memory_space<vmem>>, vector<1x16xf32>,
        %parallel_loop3A_224 = vector.shape_cast %parallel_loop3A_223 : vector<1x16xf32> to vector<16xf32>
        %parallel_loop3A_225 = arith.addf %parallel_loop3A_218, %parallel_loop3A_224 : vector<16xf32>
        %parallel_loop3A_226 = arith.addf %parallel_loop3A_173, %parallel_loop3A_186 : vector<16xf32>
        %parallel_loop3A_227 = arith.addf %parallel_loop3A_199, %parallel_loop3A_212 : vector<16xf32>
        %parallel_loop3A_228 = arith.addf %parallel_loop3A_226, %parallel_loop3A_227 : vector<16xf32>
        %parallel_loop3A_229 = arith.addf %parallel_loop3A_228, %parallel_loop3A_225 : vector<16xf32>
        %parallel_loop3A_230 = arith.index_cast %parallel_loop3A_84 : i32 to index
        %parallel_loop3A_231 = arith.constant 16 : index
        %parallel_loop3A_232 = tpu.vector_load %arg7[%parallel_loop3A_230, %parallel_loop3A_231] {strides = array<i32>} : memref<16x256xf32, #tpu.memory_space<vmem>>, vector<1x16xf32>,
        %parallel_loop3A_233 = vector.shape_cast %parallel_loop3A_232 : vector<1x16xf32> to vector<16xf32>
        %parallel_loop3A_234 = vector.shape_cast %parallel_loop3A_229 : vector<16xf32> to vector<1x16xf32>
        tpu.vector_store %arg7[%parallel_loop3A_230, %parallel_loop3A_231], %parallel_loop3A_234 {strides = array<i32>} : memref<16x256xf32, #tpu.memory_space<vmem>>, vector<1x16xf32>,
        %parallel_loop3A_235 = arith.constant 0 : i32
        %parallel_loop3A_236 = arith.addi %parallel_loop3A_86, %parallel_loop3A_235 : i32
        %parallel_loop3A_237 = arith.index_cast %parallel_loop3A_236 : i32 to index
        %parallel_loop3A_238 = arith.constant 32 : index
        %parallel_loop3A_239 = tpu.vector_load %arg5[%parallel_loop3A_237, %parallel_loop3A_238] {strides = array<i32>} : memref<160x256xf32, #tpu.memory_space<vmem>>, vector<1x16xf32>,
        %parallel_loop3A_240 = vector.shape_cast %parallel_loop3A_239 : vector<1x16xf32> to vector<16xf32>
        %parallel_loop3A_241 = arith.constant 1 : i32
        %parallel_loop3A_242 = arith.addi %parallel_loop3A_86, %parallel_loop3A_241 : i32
        %parallel_loop3A_243 = arith.index_cast %parallel_loop3A_242 : i32 to index
        %parallel_loop3A_244 = arith.constant 32 : index
        %parallel_loop3A_245 = tpu.vector_load %arg5[%parallel_loop3A_243, %parallel_loop3A_244] {strides = array<i32>} : memref<160x256xf32, #tpu.memory_space<vmem>>, vector<1x16xf32>,
        %parallel_loop3A_246 = vector.shape_cast %parallel_loop3A_245 : vector<1x16xf32> to vector<16xf32>
        %parallel_loop3A_247 = arith.addf %parallel_loop3A_240, %parallel_loop3A_246 : vector<16xf32>
        %parallel_loop3A_248 = arith.constant 2 : i32
        %parallel_loop3A_249 = arith.addi %parallel_loop3A_86, %parallel_loop3A_248 : i32
        %parallel_loop3A_250 = arith.index_cast %parallel_loop3A_249 : i32 to index
        %parallel_loop3A_251 = arith.constant 32 : index
        %parallel_loop3A_252 = tpu.vector_load %arg5[%parallel_loop3A_250, %parallel_loop3A_251] {strides = array<i32>} : memref<160x256xf32, #tpu.memory_space<vmem>>, vector<1x16xf32>,
        %parallel_loop3A_253 = vector.shape_cast %parallel_loop3A_252 : vector<1x16xf32> to vector<16xf32>
        %parallel_loop3A_254 = arith.constant 3 : i32
        %parallel_loop3A_255 = arith.addi %parallel_loop3A_86, %parallel_loop3A_254 : i32
        %parallel_loop3A_256 = arith.index_cast %parallel_loop3A_255 : i32 to index
        %parallel_loop3A_257 = arith.constant 32 : index
        %parallel_loop3A_258 = tpu.vector_load %arg5[%parallel_loop3A_256, %parallel_loop3A_257] {strides = array<i32>} : memref<160x256xf32, #tpu.memory_space<vmem>>, vector<1x16xf32>,
        %parallel_loop3A_259 = vector.shape_cast %parallel_loop3A_258 : vector<1x16xf32> to vector<16xf32>
        %parallel_loop3A_260 = arith.addf %parallel_loop3A_253, %parallel_loop3A_259 : vector<16xf32>
        %parallel_loop3A_261 = arith.constant 4 : i32
        %parallel_loop3A_262 = arith.addi %parallel_loop3A_86, %parallel_loop3A_261 : i32
        %parallel_loop3A_263 = arith.index_cast %parallel_loop3A_262 : i32 to index
        %parallel_loop3A_264 = arith.constant 32 : index
        %parallel_loop3A_265 = tpu.vector_load %arg5[%parallel_loop3A_263, %parallel_loop3A_264] {strides = array<i32>} : memref<160x256xf32, #tpu.memory_space<vmem>>, vector<1x16xf32>,
        %parallel_loop3A_266 = vector.shape_cast %parallel_loop3A_265 : vector<1x16xf32> to vector<16xf32>
        %parallel_loop3A_267 = arith.constant 5 : i32
        %parallel_loop3A_268 = arith.addi %parallel_loop3A_86, %parallel_loop3A_267 : i32
        %parallel_loop3A_269 = arith.index_cast %parallel_loop3A_268 : i32 to index
        %parallel_loop3A_270 = arith.constant 32 : index
        %parallel_loop3A_271 = tpu.vector_load %arg5[%parallel_loop3A_269, %parallel_loop3A_270] {strides = array<i32>} : memref<160x256xf32, #tpu.memory_space<vmem>>, vector<1x16xf32>,
        %parallel_loop3A_272 = vector.shape_cast %parallel_loop3A_271 : vector<1x16xf32> to vector<16xf32>
        %parallel_loop3A_273 = arith.addf %parallel_loop3A_266, %parallel_loop3A_272 : vector<16xf32>
        %parallel_loop3A_274 = arith.constant 6 : i32
        %parallel_loop3A_275 = arith.addi %parallel_loop3A_86, %parallel_loop3A_274 : i32
        %parallel_loop3A_276 = arith.index_cast %parallel_loop3A_275 : i32 to index
        %parallel_loop3A_277 = arith.constant 32 : index
        %parallel_loop3A_278 = tpu.vector_load %arg5[%parallel_loop3A_276, %parallel_loop3A_277] {strides = array<i32>} : memref<160x256xf32, #tpu.memory_space<vmem>>, vector<1x16xf32>,
        %parallel_loop3A_279 = vector.shape_cast %parallel_loop3A_278 : vector<1x16xf32> to vector<16xf32>
        %parallel_loop3A_280 = arith.constant 7 : i32
        %parallel_loop3A_281 = arith.addi %parallel_loop3A_86, %parallel_loop3A_280 : i32
        %parallel_loop3A_282 = arith.index_cast %parallel_loop3A_281 : i32 to index
        %parallel_loop3A_283 = arith.constant 32 : index
        %parallel_loop3A_284 = tpu.vector_load %arg5[%parallel_loop3A_282, %parallel_loop3A_283] {strides = array<i32>} : memref<160x256xf32, #tpu.memory_space<vmem>>, vector<1x16xf32>,
        %parallel_loop3A_285 = vector.shape_cast %parallel_loop3A_284 : vector<1x16xf32> to vector<16xf32>
        %parallel_loop3A_286 = arith.addf %parallel_loop3A_279, %parallel_loop3A_285 : vector<16xf32>
        %parallel_loop3A_287 = arith.constant 8 : i32
        %parallel_loop3A_288 = arith.addi %parallel_loop3A_86, %parallel_loop3A_287 : i32
        %parallel_loop3A_289 = arith.index_cast %parallel_loop3A_288 : i32 to index
        %parallel_loop3A_290 = arith.constant 32 : index
        %parallel_loop3A_291 = tpu.vector_load %arg5[%parallel_loop3A_289, %parallel_loop3A_290] {strides = array<i32>} : memref<160x256xf32, #tpu.memory_space<vmem>>, vector<1x16xf32>,
        %parallel_loop3A_292 = vector.shape_cast %parallel_loop3A_291 : vector<1x16xf32> to vector<16xf32>
        %parallel_loop3A_293 = arith.constant 9 : i32
        %parallel_loop3A_294 = arith.addi %parallel_loop3A_86, %parallel_loop3A_293 : i32
        %parallel_loop3A_295 = arith.index_cast %parallel_loop3A_294 : i32 to index
        %parallel_loop3A_296 = arith.constant 32 : index
        %parallel_loop3A_297 = tpu.vector_load %arg5[%parallel_loop3A_295, %parallel_loop3A_296] {strides = array<i32>} : memref<160x256xf32, #tpu.memory_space<vmem>>, vector<1x16xf32>,
        %parallel_loop3A_298 = vector.shape_cast %parallel_loop3A_297 : vector<1x16xf32> to vector<16xf32>
        %parallel_loop3A_299 = arith.addf %parallel_loop3A_292, %parallel_loop3A_298 : vector<16xf32>
        %parallel_loop3A_300 = arith.addf %parallel_loop3A_247, %parallel_loop3A_260 : vector<16xf32>
        %parallel_loop3A_301 = arith.addf %parallel_loop3A_273, %parallel_loop3A_286 : vector<16xf32>
        %parallel_loop3A_302 = arith.addf %parallel_loop3A_300, %parallel_loop3A_301 : vector<16xf32>
        %parallel_loop3A_303 = arith.addf %parallel_loop3A_302, %parallel_loop3A_299 : vector<16xf32>
        %parallel_loop3A_304 = arith.index_cast %parallel_loop3A_84 : i32 to index
        %parallel_loop3A_305 = arith.constant 32 : index
        %parallel_loop3A_306 = tpu.vector_load %arg7[%parallel_loop3A_304, %parallel_loop3A_305] {strides = array<i32>} : memref<16x256xf32, #tpu.memory_space<vmem>>, vector<1x16xf32>,
        %parallel_loop3A_307 = vector.shape_cast %parallel_loop3A_306 : vector<1x16xf32> to vector<16xf32>
        %parallel_loop3A_308 = vector.shape_cast %parallel_loop3A_303 : vector<16xf32> to vector<1x16xf32>
        tpu.vector_store %arg7[%parallel_loop3A_304, %parallel_loop3A_305], %parallel_loop3A_308 {strides = array<i32>} : memref<16x256xf32, #tpu.memory_space<vmem>>, vector<1x16xf32>,
        %parallel_loop3A_309 = arith.constant 0 : i32
        %parallel_loop3A_310 = arith.addi %parallel_loop3A_86, %parallel_loop3A_309 : i32
        %parallel_loop3A_311 = arith.index_cast %parallel_loop3A_310 : i32 to index
        %parallel_loop3A_312 = arith.constant 48 : index
        %parallel_loop3A_313 = tpu.vector_load %arg5[%parallel_loop3A_311, %parallel_loop3A_312] {strides = array<i32>} : memref<160x256xf32, #tpu.memory_space<vmem>>, vector<1x16xf32>,
        %parallel_loop3A_314 = vector.shape_cast %parallel_loop3A_313 : vector<1x16xf32> to vector<16xf32>
        %parallel_loop3A_315 = arith.constant 1 : i32
        %parallel_loop3A_316 = arith.addi %parallel_loop3A_86, %parallel_loop3A_315 : i32
        %parallel_loop3A_317 = arith.index_cast %parallel_loop3A_316 : i32 to index
        %parallel_loop3A_318 = arith.constant 48 : index
        %parallel_loop3A_319 = tpu.vector_load %arg5[%parallel_loop3A_317, %parallel_loop3A_318] {strides = array<i32>} : memref<160x256xf32, #tpu.memory_space<vmem>>, vector<1x16xf32>,
        %parallel_loop3A_320 = vector.shape_cast %parallel_loop3A_319 : vector<1x16xf32> to vector<16xf32>
        %parallel_loop3A_321 = arith.addf %parallel_loop3A_314, %parallel_loop3A_320 : vector<16xf32>
        %parallel_loop3A_322 = arith.constant 2 : i32
        %parallel_loop3A_323 = arith.addi %parallel_loop3A_86, %parallel_loop3A_322 : i32
        %parallel_loop3A_324 = arith.index_cast %parallel_loop3A_323 : i32 to index
        %parallel_loop3A_325 = arith.constant 48 : index
        %parallel_loop3A_326 = tpu.vector_load %arg5[%parallel_loop3A_324, %parallel_loop3A_325] {strides = array<i32>} : memref<160x256xf32, #tpu.memory_space<vmem>>, vector<1x16xf32>,
        %parallel_loop3A_327 = vector.shape_cast %parallel_loop3A_326 : vector<1x16xf32> to vector<16xf32>
        %parallel_loop3A_328 = arith.constant 3 : i32
        %parallel_loop3A_329 = arith.addi %parallel_loop3A_86, %parallel_loop3A_328 : i32
        %parallel_loop3A_330 = arith.index_cast %parallel_loop3A_329 : i32 to index
        %parallel_loop3A_331 = arith.constant 48 : index
        %parallel_loop3A_332 = tpu.vector_load %arg5[%parallel_loop3A_330, %parallel_loop3A_331] {strides = array<i32>} : memref<160x256xf32, #tpu.memory_space<vmem>>, vector<1x16xf32>,
        %parallel_loop3A_333 = vector.shape_cast %parallel_loop3A_332 : vector<1x16xf32> to vector<16xf32>
        %parallel_loop3A_334 = arith.addf %parallel_loop3A_327, %parallel_loop3A_333 : vector<16xf32>
        %parallel_loop3A_335 = arith.constant 4 : i32
        %parallel_loop3A_336 = arith.addi %parallel_loop3A_86, %parallel_loop3A_335 : i32
        %parallel_loop3A_337 = arith.index_cast %parallel_loop3A_336 : i32 to index
        %parallel_loop3A_338 = arith.constant 48 : index
        %parallel_loop3A_339 = tpu.vector_load %arg5[%parallel_loop3A_337, %parallel_loop3A_338] {strides = array<i32>} : memref<160x256xf32, #tpu.memory_space<vmem>>, vector<1x16xf32>,
        %parallel_loop3A_340 = vector.shape_cast %parallel_loop3A_339 : vector<1x16xf32> to vector<16xf32>
        %parallel_loop3A_341 = arith.constant 5 : i32
        %parallel_loop3A_342 = arith.addi %parallel_loop3A_86, %parallel_loop3A_341 : i32
        %parallel_loop3A_343 = arith.index_cast %parallel_loop3A_342 : i32 to index
        %parallel_loop3A_344 = arith.constant 48 : index
        %parallel_loop3A_345 = tpu.vector_load %arg5[%parallel_loop3A_343, %parallel_loop3A_344] {strides = array<i32>} : memref<160x256xf32, #tpu.memory_space<vmem>>, vector<1x16xf32>,
        %parallel_loop3A_346 = vector.shape_cast %parallel_loop3A_345 : vector<1x16xf32> to vector<16xf32>
        %parallel_loop3A_347 = arith.addf %parallel_loop3A_340, %parallel_loop3A_346 : vector<16xf32>
        %parallel_loop3A_348 = arith.constant 6 : i32
        %parallel_loop3A_349 = arith.addi %parallel_loop3A_86, %parallel_loop3A_348 : i32
        %parallel_loop3A_350 = arith.index_cast %parallel_loop3A_349 : i32 to index
        %parallel_loop3A_351 = arith.constant 48 : index
        %parallel_loop3A_352 = tpu.vector_load %arg5[%parallel_loop3A_350, %parallel_loop3A_351] {strides = array<i32>} : memref<160x256xf32, #tpu.memory_space<vmem>>, vector<1x16xf32>,
        %parallel_loop3A_353 = vector.shape_cast %parallel_loop3A_352 : vector<1x16xf32> to vector<16xf32>
        %parallel_loop3A_354 = arith.constant 7 : i32
        %parallel_loop3A_355 = arith.addi %parallel_loop3A_86, %parallel_loop3A_354 : i32
        %parallel_loop3A_356 = arith.index_cast %parallel_loop3A_355 : i32 to index
        %parallel_loop3A_357 = arith.constant 48 : index
        %parallel_loop3A_358 = tpu.vector_load %arg5[%parallel_loop3A_356, %parallel_loop3A_357] {strides = array<i32>} : memref<160x256xf32, #tpu.memory_space<vmem>>, vector<1x16xf32>,
        %parallel_loop3A_359 = vector.shape_cast %parallel_loop3A_358 : vector<1x16xf32> to vector<16xf32>
        %parallel_loop3A_360 = arith.addf %parallel_loop3A_353, %parallel_loop3A_359 : vector<16xf32>
        %parallel_loop3A_361 = arith.constant 8 : i32
        %parallel_loop3A_362 = arith.addi %parallel_loop3A_86, %parallel_loop3A_361 : i32
        %parallel_loop3A_363 = arith.index_cast %parallel_loop3A_362 : i32 to index
        %parallel_loop3A_364 = arith.constant 48 : index
        %parallel_loop3A_365 = tpu.vector_load %arg5[%parallel_loop3A_363, %parallel_loop3A_364] {strides = array<i32>} : memref<160x256xf32, #tpu.memory_space<vmem>>, vector<1x16xf32>,
        %parallel_loop3A_366 = vector.shape_cast %parallel_loop3A_365 : vector<1x16xf32> to vector<16xf32>
        %parallel_loop3A_367 = arith.constant 9 : i32
        %parallel_loop3A_368 = arith.addi %parallel_loop3A_86, %parallel_loop3A_367 : i32
        %parallel_loop3A_369 = arith.index_cast %parallel_loop3A_368 : i32 to index
        %parallel_loop3A_370 = arith.constant 48 : index
        %parallel_loop3A_371 = tpu.vector_load %arg5[%parallel_loop3A_369, %parallel_loop3A_370] {strides = array<i32>} : memref<160x256xf32, #tpu.memory_space<vmem>>, vector<1x16xf32>,
        %parallel_loop3A_372 = vector.shape_cast %parallel_loop3A_371 : vector<1x16xf32> to vector<16xf32>
        %parallel_loop3A_373 = arith.addf %parallel_loop3A_366, %parallel_loop3A_372 : vector<16xf32>
        %parallel_loop3A_374 = arith.addf %parallel_loop3A_321, %parallel_loop3A_334 : vector<16xf32>
        %parallel_loop3A_375 = arith.addf %parallel_loop3A_347, %parallel_loop3A_360 : vector<16xf32>
        %parallel_loop3A_376 = arith.addf %parallel_loop3A_374, %parallel_loop3A_375 : vector<16xf32>
        %parallel_loop3A_377 = arith.addf %parallel_loop3A_376, %parallel_loop3A_373 : vector<16xf32>
        %parallel_loop3A_378 = arith.index_cast %parallel_loop3A_84 : i32 to index
        %parallel_loop3A_379 = arith.constant 48 : index
        %parallel_loop3A_380 = tpu.vector_load %arg7[%parallel_loop3A_378, %parallel_loop3A_379] {strides = array<i32>} : memref<16x256xf32, #tpu.memory_space<vmem>>, vector<1x16xf32>,
        %parallel_loop3A_381 = vector.shape_cast %parallel_loop3A_380 : vector<1x16xf32> to vector<16xf32>
        %parallel_loop3A_382 = vector.shape_cast %parallel_loop3A_377 : vector<16xf32> to vector<1x16xf32>
        tpu.vector_store %arg7[%parallel_loop3A_378, %parallel_loop3A_379], %parallel_loop3A_382 {strides = array<i32>} : memref<16x256xf32, #tpu.memory_space<vmem>>, vector<1x16xf32>,
        %parallel_loop3A_383 = arith.constant 0 : i32
        %parallel_loop3A_384 = arith.addi %parallel_loop3A_86, %parallel_loop3A_383 : i32
        %parallel_loop3A_385 = arith.index_cast %parallel_loop3A_384 : i32 to index
        %parallel_loop3A_386 = arith.constant 64 : index
        %parallel_loop3A_387 = tpu.vector_load %arg5[%parallel_loop3A_385, %parallel_loop3A_386] {strides = array<i32>} : memref<160x256xf32, #tpu.memory_space<vmem>>, vector<1x16xf32>,
        %parallel_loop3A_388 = vector.shape_cast %parallel_loop3A_387 : vector<1x16xf32> to vector<16xf32>
        %parallel_loop3A_389 = arith.constant 1 : i32
        %parallel_loop3A_390 = arith.addi %parallel_loop3A_86, %parallel_loop3A_389 : i32
        %parallel_loop3A_391 = arith.index_cast %parallel_loop3A_390 : i32 to index
        %parallel_loop3A_392 = arith.constant 64 : index
        %parallel_loop3A_393 = tpu.vector_load %arg5[%parallel_loop3A_391, %parallel_loop3A_392] {strides = array<i32>} : memref<160x256xf32, #tpu.memory_space<vmem>>, vector<1x16xf32>,
        %parallel_loop3A_394 = vector.shape_cast %parallel_loop3A_393 : vector<1x16xf32> to vector<16xf32>
        %parallel_loop3A_395 = arith.addf %parallel_loop3A_388, %parallel_loop3A_394 : vector<16xf32>
        %parallel_loop3A_396 = arith.constant 2 : i32
        %parallel_loop3A_397 = arith.addi %parallel_loop3A_86, %parallel_loop3A_396 : i32
        %parallel_loop3A_398 = arith.index_cast %parallel_loop3A_397 : i32 to index
        %parallel_loop3A_399 = arith.constant 64 : index
        %parallel_loop3A_400 = tpu.vector_load %arg5[%parallel_loop3A_398, %parallel_loop3A_399] {strides = array<i32>} : memref<160x256xf32, #tpu.memory_space<vmem>>, vector<1x16xf32>,
        %parallel_loop3A_401 = vector.shape_cast %parallel_loop3A_400 : vector<1x16xf32> to vector<16xf32>
        %parallel_loop3A_402 = arith.constant 3 : i32
        %parallel_loop3A_403 = arith.addi %parallel_loop3A_86, %parallel_loop3A_402 : i32
        %parallel_loop3A_404 = arith.index_cast %parallel_loop3A_403 : i32 to index
        %parallel_loop3A_405 = arith.constant 64 : index
        %parallel_loop3A_406 = tpu.vector_load %arg5[%parallel_loop3A_404, %parallel_loop3A_405] {strides = array<i32>} : memref<160x256xf32, #tpu.memory_space<vmem>>, vector<1x16xf32>,
        %parallel_loop3A_407 = vector.shape_cast %parallel_loop3A_406 : vector<1x16xf32> to vector<16xf32>
        %parallel_loop3A_408 = arith.addf %parallel_loop3A_401, %parallel_loop3A_407 : vector<16xf32>
        %parallel_loop3A_409 = arith.constant 4 : i32
        %parallel_loop3A_410 = arith.addi %parallel_loop3A_86, %parallel_loop3A_409 : i32
        %parallel_loop3A_411 = arith.index_cast %parallel_loop3A_410 : i32 to index
        %parallel_loop3A_412 = arith.constant 64 : index
        %parallel_loop3A_413 = tpu.vector_load %arg5[%parallel_loop3A_411, %parallel_loop3A_412] {strides = array<i32>} : memref<160x256xf32, #tpu.memory_space<vmem>>, vector<1x16xf32>,
        %parallel_loop3A_414 = vector.shape_cast %parallel_loop3A_413 : vector<1x16xf32> to vector<16xf32>
        %parallel_loop3A_415 = arith.constant 5 : i32
        %parallel_loop3A_416 = arith.addi %parallel_loop3A_86, %parallel_loop3A_415 : i32
        %parallel_loop3A_417 = arith.index_cast %parallel_loop3A_416 : i32 to index
        %parallel_loop3A_418 = arith.constant 64 : index
        %parallel_loop3A_419 = tpu.vector_load %arg5[%parallel_loop3A_417, %parallel_loop3A_418] {strides = array<i32>} : memref<160x256xf32, #tpu.memory_space<vmem>>, vector<1x16xf32>,
        %parallel_loop3A_420 = vector.shape_cast %parallel_loop3A_419 : vector<1x16xf32> to vector<16xf32>
        %parallel_loop3A_421 = arith.addf %parallel_loop3A_414, %parallel_loop3A_420 : vector<16xf32>
        %parallel_loop3A_422 = arith.constant 6 : i32
        %parallel_loop3A_423 = arith.addi %parallel_loop3A_86, %parallel_loop3A_422 : i32
        %parallel_loop3A_424 = arith.index_cast %parallel_loop3A_423 : i32 to index
        %parallel_loop3A_425 = arith.constant 64 : index
        %parallel_loop3A_426 = tpu.vector_load %arg5[%parallel_loop3A_424, %parallel_loop3A_425] {strides = array<i32>} : memref<160x256xf32, #tpu.memory_space<vmem>>, vector<1x16xf32>,
        %parallel_loop3A_427 = vector.shape_cast %parallel_loop3A_426 : vector<1x16xf32> to vector<16xf32>
        %parallel_loop3A_428 = arith.constant 7 : i32
        %parallel_loop3A_429 = arith.addi %parallel_loop3A_86, %parallel_loop3A_428 : i32
        %parallel_loop3A_430 = arith.index_cast %parallel_loop3A_429 : i32 to index
        %parallel_loop3A_431 = arith.constant 64 : index
        %parallel_loop3A_432 = tpu.vector_load %arg5[%parallel_loop3A_430, %parallel_loop3A_431] {strides = array<i32>} : memref<160x256xf32, #tpu.memory_space<vmem>>, vector<1x16xf32>,
        %parallel_loop3A_433 = vector.shape_cast %parallel_loop3A_432 : vector<1x16xf32> to vector<16xf32>
        %parallel_loop3A_434 = arith.addf %parallel_loop3A_427, %parallel_loop3A_433 : vector<16xf32>
        %parallel_loop3A_435 = arith.constant 8 : i32
        %parallel_loop3A_436 = arith.addi %parallel_loop3A_86, %parallel_loop3A_435 : i32
        %parallel_loop3A_437 = arith.index_cast %parallel_loop3A_436 : i32 to index
        %parallel_loop3A_438 = arith.constant 64 : index
        %parallel_loop3A_439 = tpu.vector_load %arg5[%parallel_loop3A_437, %parallel_loop3A_438] {strides = array<i32>} : memref<160x256xf32, #tpu.memory_space<vmem>>, vector<1x16xf32>,
        %parallel_loop3A_440 = vector.shape_cast %parallel_loop3A_439 : vector<1x16xf32> to vector<16xf32>
        %parallel_loop3A_441 = arith.constant 9 : i32
        %parallel_loop3A_442 = arith.addi %parallel_loop3A_86, %parallel_loop3A_441 : i32
        %parallel_loop3A_443 = arith.index_cast %parallel_loop3A_442 : i32 to index
        %parallel_loop3A_444 = arith.constant 64 : index
        %parallel_loop3A_445 = tpu.vector_load %arg5[%parallel_loop3A_443, %parallel_loop3A_444] {strides = array<i32>} : memref<160x256xf32, #tpu.memory_space<vmem>>, vector<1x16xf32>,
        %parallel_loop3A_446 = vector.shape_cast %parallel_loop3A_445 : vector<1x16xf32> to vector<16xf32>
        %parallel_loop3A_447 = arith.addf %parallel_loop3A_440, %parallel_loop3A_446 : vector<16xf32>
        %parallel_loop3A_448 = arith.addf %parallel_loop3A_395, %parallel_loop3A_408 : vector<16xf32>
        %parallel_loop3A_449 = arith.addf %parallel_loop3A_421, %parallel_loop3A_434 : vector<16xf32>
        %parallel_loop3A_450 = arith.addf %parallel_loop3A_448, %parallel_loop3A_449 : vector<16xf32>
        %parallel_loop3A_451 = arith.addf %parallel_loop3A_450, %parallel_loop3A_447 : vector<16xf32>
        %parallel_loop3A_452 = arith.index_cast %parallel_loop3A_84 : i32 to index
        %parallel_loop3A_453 = arith.constant 64 : index
        %parallel_loop3A_454 = tpu.vector_load %arg7[%parallel_loop3A_452, %parallel_loop3A_453] {strides = array<i32>} : memref<16x256xf32, #tpu.memory_space<vmem>>, vector<1x16xf32>,
        %parallel_loop3A_455 = vector.shape_cast %parallel_loop3A_454 : vector<1x16xf32> to vector<16xf32>
        %parallel_loop3A_456 = vector.shape_cast %parallel_loop3A_451 : vector<16xf32> to vector<1x16xf32>
        tpu.vector_store %arg7[%parallel_loop3A_452, %parallel_loop3A_453], %parallel_loop3A_456 {strides = array<i32>} : memref<16x256xf32, #tpu.memory_space<vmem>>, vector<1x16xf32>,
        %parallel_loop3A_457 = arith.constant 0 : i32
        %parallel_loop3A_458 = arith.addi %parallel_loop3A_86, %parallel_loop3A_457 : i32
        %parallel_loop3A_459 = arith.index_cast %parallel_loop3A_458 : i32 to index
        %parallel_loop3A_460 = arith.constant 80 : index
        %parallel_loop3A_461 = tpu.vector_load %arg5[%parallel_loop3A_459, %parallel_loop3A_460] {strides = array<i32>} : memref<160x256xf32, #tpu.memory_space<vmem>>, vector<1x16xf32>,
        %parallel_loop3A_462 = vector.shape_cast %parallel_loop3A_461 : vector<1x16xf32> to vector<16xf32>
        %parallel_loop3A_463 = arith.constant 1 : i32
        %parallel_loop3A_464 = arith.addi %parallel_loop3A_86, %parallel_loop3A_463 : i32
        %parallel_loop3A_465 = arith.index_cast %parallel_loop3A_464 : i32 to index
        %parallel_loop3A_466 = arith.constant 80 : index
        %parallel_loop3A_467 = tpu.vector_load %arg5[%parallel_loop3A_465, %parallel_loop3A_466] {strides = array<i32>} : memref<160x256xf32, #tpu.memory_space<vmem>>, vector<1x16xf32>,
        %parallel_loop3A_468 = vector.shape_cast %parallel_loop3A_467 : vector<1x16xf32> to vector<16xf32>
        %parallel_loop3A_469 = arith.addf %parallel_loop3A_462, %parallel_loop3A_468 : vector<16xf32>
        %parallel_loop3A_470 = arith.constant 2 : i32
        %parallel_loop3A_471 = arith.addi %parallel_loop3A_86, %parallel_loop3A_470 : i32
        %parallel_loop3A_472 = arith.index_cast %parallel_loop3A_471 : i32 to index
        %parallel_loop3A_473 = arith.constant 80 : index
        %parallel_loop3A_474 = tpu.vector_load %arg5[%parallel_loop3A_472, %parallel_loop3A_473] {strides = array<i32>} : memref<160x256xf32, #tpu.memory_space<vmem>>, vector<1x16xf32>,
        %parallel_loop3A_475 = vector.shape_cast %parallel_loop3A_474 : vector<1x16xf32> to vector<16xf32>
        %parallel_loop3A_476 = arith.constant 3 : i32
        %parallel_loop3A_477 = arith.addi %parallel_loop3A_86, %parallel_loop3A_476 : i32
        %parallel_loop3A_478 = arith.index_cast %parallel_loop3A_477 : i32 to index
        %parallel_loop3A_479 = arith.constant 80 : index
        %parallel_loop3A_480 = tpu.vector_load %arg5[%parallel_loop3A_478, %parallel_loop3A_479] {strides = array<i32>} : memref<160x256xf32, #tpu.memory_space<vmem>>, vector<1x16xf32>,
        %parallel_loop3A_481 = vector.shape_cast %parallel_loop3A_480 : vector<1x16xf32> to vector<16xf32>
        %parallel_loop3A_482 = arith.addf %parallel_loop3A_475, %parallel_loop3A_481 : vector<16xf32>
        %parallel_loop3A_483 = arith.constant 4 : i32
        %parallel_loop3A_484 = arith.addi %parallel_loop3A_86, %parallel_loop3A_483 : i32
        %parallel_loop3A_485 = arith.index_cast %parallel_loop3A_484 : i32 to index
        %parallel_loop3A_486 = arith.constant 80 : index
        %parallel_loop3A_487 = tpu.vector_load %arg5[%parallel_loop3A_485, %parallel_loop3A_486] {strides = array<i32>} : memref<160x256xf32, #tpu.memory_space<vmem>>, vector<1x16xf32>,
        %parallel_loop3A_488 = vector.shape_cast %parallel_loop3A_487 : vector<1x16xf32> to vector<16xf32>
        %parallel_loop3A_489 = arith.constant 5 : i32
        %parallel_loop3A_490 = arith.addi %parallel_loop3A_86, %parallel_loop3A_489 : i32
        %parallel_loop3A_491 = arith.index_cast %parallel_loop3A_490 : i32 to index
        %parallel_loop3A_492 = arith.constant 80 : index
        %parallel_loop3A_493 = tpu.vector_load %arg5[%parallel_loop3A_491, %parallel_loop3A_492] {strides = array<i32>} : memref<160x256xf32, #tpu.memory_space<vmem>>, vector<1x16xf32>,
        %parallel_loop3A_494 = vector.shape_cast %parallel_loop3A_493 : vector<1x16xf32> to vector<16xf32>
        %parallel_loop3A_495 = arith.addf %parallel_loop3A_488, %parallel_loop3A_494 : vector<16xf32>
        %parallel_loop3A_496 = arith.constant 6 : i32
        %parallel_loop3A_497 = arith.addi %parallel_loop3A_86, %parallel_loop3A_496 : i32
        %parallel_loop3A_498 = arith.index_cast %parallel_loop3A_497 : i32 to index
        %parallel_loop3A_499 = arith.constant 80 : index
        %parallel_loop3A_500 = tpu.vector_load %arg5[%parallel_loop3A_498, %parallel_loop3A_499] {strides = array<i32>} : memref<160x256xf32, #tpu.memory_space<vmem>>, vector<1x16xf32>,
        %parallel_loop3A_501 = vector.shape_cast %parallel_loop3A_500 : vector<1x16xf32> to vector<16xf32>
        %parallel_loop3A_502 = arith.constant 7 : i32
        %parallel_loop3A_503 = arith.addi %parallel_loop3A_86, %parallel_loop3A_502 : i32
        %parallel_loop3A_504 = arith.index_cast %parallel_loop3A_503 : i32 to index
        %parallel_loop3A_505 = arith.constant 80 : index
        %parallel_loop3A_506 = tpu.vector_load %arg5[%parallel_loop3A_504, %parallel_loop3A_505] {strides = array<i32>} : memref<160x256xf32, #tpu.memory_space<vmem>>, vector<1x16xf32>,
        %parallel_loop3A_507 = vector.shape_cast %parallel_loop3A_506 : vector<1x16xf32> to vector<16xf32>
        %parallel_loop3A_508 = arith.addf %parallel_loop3A_501, %parallel_loop3A_507 : vector<16xf32>
        %parallel_loop3A_509 = arith.constant 8 : i32
        %parallel_loop3A_510 = arith.addi %parallel_loop3A_86, %parallel_loop3A_509 : i32
        %parallel_loop3A_511 = arith.index_cast %parallel_loop3A_510 : i32 to index
        %parallel_loop3A_512 = arith.constant 80 : index
        %parallel_loop3A_513 = tpu.vector_load %arg5[%parallel_loop3A_511, %parallel_loop3A_512] {strides = array<i32>} : memref<160x256xf32, #tpu.memory_space<vmem>>, vector<1x16xf32>,
        %parallel_loop3A_514 = vector.shape_cast %parallel_loop3A_513 : vector<1x16xf32> to vector<16xf32>
        %parallel_loop3A_515 = arith.constant 9 : i32
        %parallel_loop3A_516 = arith.addi %parallel_loop3A_86, %parallel_loop3A_515 : i32
        %parallel_loop3A_517 = arith.index_cast %parallel_loop3A_516 : i32 to index
        %parallel_loop3A_518 = arith.constant 80 : index
        %parallel_loop3A_519 = tpu.vector_load %arg5[%parallel_loop3A_517, %parallel_loop3A_518] {strides = array<i32>} : memref<160x256xf32, #tpu.memory_space<vmem>>, vector<1x16xf32>,
        %parallel_loop3A_520 = vector.shape_cast %parallel_loop3A_519 : vector<1x16xf32> to vector<16xf32>
        %parallel_loop3A_521 = arith.addf %parallel_loop3A_514, %parallel_loop3A_520 : vector<16xf32>
        %parallel_loop3A_522 = arith.addf %parallel_loop3A_469, %parallel_loop3A_482 : vector<16xf32>
        %parallel_loop3A_523 = arith.addf %parallel_loop3A_495, %parallel_loop3A_508 : vector<16xf32>
        %parallel_loop3A_524 = arith.addf %parallel_loop3A_522, %parallel_loop3A_523 : vector<16xf32>
        %parallel_loop3A_525 = arith.addf %parallel_loop3A_524, %parallel_loop3A_521 : vector<16xf32>
        %parallel_loop3A_526 = arith.index_cast %parallel_loop3A_84 : i32 to index
        %parallel_loop3A_527 = arith.constant 80 : index
        %parallel_loop3A_528 = tpu.vector_load %arg7[%parallel_loop3A_526, %parallel_loop3A_527] {strides = array<i32>} : memref<16x256xf32, #tpu.memory_space<vmem>>, vector<1x16xf32>,
        %parallel_loop3A_529 = vector.shape_cast %parallel_loop3A_528 : vector<1x16xf32> to vector<16xf32>
        %parallel_loop3A_530 = vector.shape_cast %parallel_loop3A_525 : vector<16xf32> to vector<1x16xf32>
        tpu.vector_store %arg7[%parallel_loop3A_526, %parallel_loop3A_527], %parallel_loop3A_530 {strides = array<i32>} : memref<16x256xf32, #tpu.memory_space<vmem>>, vector<1x16xf32>,
        %parallel_loop3A_531 = arith.constant 0 : i32
        %parallel_loop3A_532 = arith.addi %parallel_loop3A_86, %parallel_loop3A_531 : i32
        %parallel_loop3A_533 = arith.index_cast %parallel_loop3A_532 : i32 to index
        %parallel_loop3A_534 = arith.constant 96 : index
        %parallel_loop3A_535 = tpu.vector_load %arg5[%parallel_loop3A_533, %parallel_loop3A_534] {strides = array<i32>} : memref<160x256xf32, #tpu.memory_space<vmem>>, vector<1x16xf32>,
        %parallel_loop3A_536 = vector.shape_cast %parallel_loop3A_535 : vector<1x16xf32> to vector<16xf32>
        %parallel_loop3A_537 = arith.constant 1 : i32
        %parallel_loop3A_538 = arith.addi %parallel_loop3A_86, %parallel_loop3A_537 : i32
        %parallel_loop3A_539 = arith.index_cast %parallel_loop3A_538 : i32 to index
        %parallel_loop3A_540 = arith.constant 96 : index
        %parallel_loop3A_541 = tpu.vector_load %arg5[%parallel_loop3A_539, %parallel_loop3A_540] {strides = array<i32>} : memref<160x256xf32, #tpu.memory_space<vmem>>, vector<1x16xf32>,
        %parallel_loop3A_542 = vector.shape_cast %parallel_loop3A_541 : vector<1x16xf32> to vector<16xf32>
        %parallel_loop3A_543 = arith.addf %parallel_loop3A_536, %parallel_loop3A_542 : vector<16xf32>
        %parallel_loop3A_544 = arith.constant 2 : i32
        %parallel_loop3A_545 = arith.addi %parallel_loop3A_86, %parallel_loop3A_544 : i32
        %parallel_loop3A_546 = arith.index_cast %parallel_loop3A_545 : i32 to index
        %parallel_loop3A_547 = arith.constant 96 : index
        %parallel_loop3A_548 = tpu.vector_load %arg5[%parallel_loop3A_546, %parallel_loop3A_547] {strides = array<i32>} : memref<160x256xf32, #tpu.memory_space<vmem>>, vector<1x16xf32>,
        %parallel_loop3A_549 = vector.shape_cast %parallel_loop3A_548 : vector<1x16xf32> to vector<16xf32>
        %parallel_loop3A_550 = arith.constant 3 : i32
        %parallel_loop3A_551 = arith.addi %parallel_loop3A_86, %parallel_loop3A_550 : i32
        %parallel_loop3A_552 = arith.index_cast %parallel_loop3A_551 : i32 to index
        %parallel_loop3A_553 = arith.constant 96 : index
        %parallel_loop3A_554 = tpu.vector_load %arg5[%parallel_loop3A_552, %parallel_loop3A_553] {strides = array<i32>} : memref<160x256xf32, #tpu.memory_space<vmem>>, vector<1x16xf32>,
        %parallel_loop3A_555 = vector.shape_cast %parallel_loop3A_554 : vector<1x16xf32> to vector<16xf32>
        %parallel_loop3A_556 = arith.addf %parallel_loop3A_549, %parallel_loop3A_555 : vector<16xf32>
        %parallel_loop3A_557 = arith.constant 4 : i32
        %parallel_loop3A_558 = arith.addi %parallel_loop3A_86, %parallel_loop3A_557 : i32
        %parallel_loop3A_559 = arith.index_cast %parallel_loop3A_558 : i32 to index
        %parallel_loop3A_560 = arith.constant 96 : index
        %parallel_loop3A_561 = tpu.vector_load %arg5[%parallel_loop3A_559, %parallel_loop3A_560] {strides = array<i32>} : memref<160x256xf32, #tpu.memory_space<vmem>>, vector<1x16xf32>,
        %parallel_loop3A_562 = vector.shape_cast %parallel_loop3A_561 : vector<1x16xf32> to vector<16xf32>
        %parallel_loop3A_563 = arith.constant 5 : i32
        %parallel_loop3A_564 = arith.addi %parallel_loop3A_86, %parallel_loop3A_563 : i32
        %parallel_loop3A_565 = arith.index_cast %parallel_loop3A_564 : i32 to index
        %parallel_loop3A_566 = arith.constant 96 : index
        %parallel_loop3A_567 = tpu.vector_load %arg5[%parallel_loop3A_565, %parallel_loop3A_566] {strides = array<i32>} : memref<160x256xf32, #tpu.memory_space<vmem>>, vector<1x16xf32>,
        %parallel_loop3A_568 = vector.shape_cast %parallel_loop3A_567 : vector<1x16xf32> to vector<16xf32>
        %parallel_loop3A_569 = arith.addf %parallel_loop3A_562, %parallel_loop3A_568 : vector<16xf32>
        %parallel_loop3A_570 = arith.constant 6 : i32
        %parallel_loop3A_571 = arith.addi %parallel_loop3A_86, %parallel_loop3A_570 : i32
        %parallel_loop3A_572 = arith.index_cast %parallel_loop3A_571 : i32 to index
        %parallel_loop3A_573 = arith.constant 96 : index
        %parallel_loop3A_574 = tpu.vector_load %arg5[%parallel_loop3A_572, %parallel_loop3A_573] {strides = array<i32>} : memref<160x256xf32, #tpu.memory_space<vmem>>, vector<1x16xf32>,
        %parallel_loop3A_575 = vector.shape_cast %parallel_loop3A_574 : vector<1x16xf32> to vector<16xf32>
        %parallel_loop3A_576 = arith.constant 7 : i32
        %parallel_loop3A_577 = arith.addi %parallel_loop3A_86, %parallel_loop3A_576 : i32
        %parallel_loop3A_578 = arith.index_cast %parallel_loop3A_577 : i32 to index
        %parallel_loop3A_579 = arith.constant 96 : index
        %parallel_loop3A_580 = tpu.vector_load %arg5[%parallel_loop3A_578, %parallel_loop3A_579] {strides = array<i32>} : memref<160x256xf32, #tpu.memory_space<vmem>>, vector<1x16xf32>,
        %parallel_loop3A_581 = vector.shape_cast %parallel_loop3A_580 : vector<1x16xf32> to vector<16xf32>
        %parallel_loop3A_582 = arith.addf %parallel_loop3A_575, %parallel_loop3A_581 : vector<16xf32>
        %parallel_loop3A_583 = arith.constant 8 : i32
        %parallel_loop3A_584 = arith.addi %parallel_loop3A_86, %parallel_loop3A_583 : i32
        %parallel_loop3A_585 = arith.index_cast %parallel_loop3A_584 : i32 to index
        %parallel_loop3A_586 = arith.constant 96 : index
        %parallel_loop3A_587 = tpu.vector_load %arg5[%parallel_loop3A_585, %parallel_loop3A_586] {strides = array<i32>} : memref<160x256xf32, #tpu.memory_space<vmem>>, vector<1x16xf32>,
        %parallel_loop3A_588 = vector.shape_cast %parallel_loop3A_587 : vector<1x16xf32> to vector<16xf32>
        %parallel_loop3A_589 = arith.constant 9 : i32
        %parallel_loop3A_590 = arith.addi %parallel_loop3A_86, %parallel_loop3A_589 : i32
        %parallel_loop3A_591 = arith.index_cast %parallel_loop3A_590 : i32 to index
        %parallel_loop3A_592 = arith.constant 96 : index
        %parallel_loop3A_593 = tpu.vector_load %arg5[%parallel_loop3A_591, %parallel_loop3A_592] {strides = array<i32>} : memref<160x256xf32, #tpu.memory_space<vmem>>, vector<1x16xf32>,
        %parallel_loop3A_594 = vector.shape_cast %parallel_loop3A_593 : vector<1x16xf32> to vector<16xf32>
        %parallel_loop3A_595 = arith.addf %parallel_loop3A_588, %parallel_loop3A_594 : vector<16xf32>
        %parallel_loop3A_596 = arith.addf %parallel_loop3A_543, %parallel_loop3A_556 : vector<16xf32>
        %parallel_loop3A_597 = arith.addf %parallel_loop3A_569, %parallel_loop3A_582 : vector<16xf32>
        %parallel_loop3A_598 = arith.addf %parallel_loop3A_596, %parallel_loop3A_597 : vector<16xf32>
        %parallel_loop3A_599 = arith.addf %parallel_loop3A_598, %parallel_loop3A_595 : vector<16xf32>
        %parallel_loop3A_600 = arith.index_cast %parallel_loop3A_84 : i32 to index
        %parallel_loop3A_601 = arith.constant 96 : index
        %parallel_loop3A_602 = tpu.vector_load %arg7[%parallel_loop3A_600, %parallel_loop3A_601] {strides = array<i32>} : memref<16x256xf32, #tpu.memory_space<vmem>>, vector<1x16xf32>,
        %parallel_loop3A_603 = vector.shape_cast %parallel_loop3A_602 : vector<1x16xf32> to vector<16xf32>
        %parallel_loop3A_604 = vector.shape_cast %parallel_loop3A_599 : vector<16xf32> to vector<1x16xf32>
        tpu.vector_store %arg7[%parallel_loop3A_600, %parallel_loop3A_601], %parallel_loop3A_604 {strides = array<i32>} : memref<16x256xf32, #tpu.memory_space<vmem>>, vector<1x16xf32>,
        %parallel_loop3A_605 = arith.constant 0 : i32
        %parallel_loop3A_606 = arith.addi %parallel_loop3A_86, %parallel_loop3A_605 : i32
        %parallel_loop3A_607 = arith.index_cast %parallel_loop3A_606 : i32 to index
        %parallel_loop3A_608 = arith.constant 112 : index
        %parallel_loop3A_609 = tpu.vector_load %arg5[%parallel_loop3A_607, %parallel_loop3A_608] {strides = array<i32>} : memref<160x256xf32, #tpu.memory_space<vmem>>, vector<1x16xf32>,
        %parallel_loop3A_610 = vector.shape_cast %parallel_loop3A_609 : vector<1x16xf32> to vector<16xf32>
        %parallel_loop3A_611 = arith.constant 1 : i32
        %parallel_loop3A_612 = arith.addi %parallel_loop3A_86, %parallel_loop3A_611 : i32
        %parallel_loop3A_613 = arith.index_cast %parallel_loop3A_612 : i32 to index
        %parallel_loop3A_614 = arith.constant 112 : index
        %parallel_loop3A_615 = tpu.vector_load %arg5[%parallel_loop3A_613, %parallel_loop3A_614] {strides = array<i32>} : memref<160x256xf32, #tpu.memory_space<vmem>>, vector<1x16xf32>,
        %parallel_loop3A_616 = vector.shape_cast %parallel_loop3A_615 : vector<1x16xf32> to vector<16xf32>
        %parallel_loop3A_617 = arith.addf %parallel_loop3A_610, %parallel_loop3A_616 : vector<16xf32>
        %parallel_loop3A_618 = arith.constant 2 : i32
        %parallel_loop3A_619 = arith.addi %parallel_loop3A_86, %parallel_loop3A_618 : i32
        %parallel_loop3A_620 = arith.index_cast %parallel_loop3A_619 : i32 to index
        %parallel_loop3A_621 = arith.constant 112 : index
        %parallel_loop3A_622 = tpu.vector_load %arg5[%parallel_loop3A_620, %parallel_loop3A_621] {strides = array<i32>} : memref<160x256xf32, #tpu.memory_space<vmem>>, vector<1x16xf32>,
        %parallel_loop3A_623 = vector.shape_cast %parallel_loop3A_622 : vector<1x16xf32> to vector<16xf32>
        %parallel_loop3A_624 = arith.constant 3 : i32
        %parallel_loop3A_625 = arith.addi %parallel_loop3A_86, %parallel_loop3A_624 : i32
        %parallel_loop3A_626 = arith.index_cast %parallel_loop3A_625 : i32 to index
        %parallel_loop3A_627 = arith.constant 112 : index
        %parallel_loop3A_628 = tpu.vector_load %arg5[%parallel_loop3A_626, %parallel_loop3A_627] {strides = array<i32>} : memref<160x256xf32, #tpu.memory_space<vmem>>, vector<1x16xf32>,
        %parallel_loop3A_629 = vector.shape_cast %parallel_loop3A_628 : vector<1x16xf32> to vector<16xf32>
        %parallel_loop3A_630 = arith.addf %parallel_loop3A_623, %parallel_loop3A_629 : vector<16xf32>
        %parallel_loop3A_631 = arith.constant 4 : i32
        %parallel_loop3A_632 = arith.addi %parallel_loop3A_86, %parallel_loop3A_631 : i32
        %parallel_loop3A_633 = arith.index_cast %parallel_loop3A_632 : i32 to index
        %parallel_loop3A_634 = arith.constant 112 : index
        %parallel_loop3A_635 = tpu.vector_load %arg5[%parallel_loop3A_633, %parallel_loop3A_634] {strides = array<i32>} : memref<160x256xf32, #tpu.memory_space<vmem>>, vector<1x16xf32>,
        %parallel_loop3A_636 = vector.shape_cast %parallel_loop3A_635 : vector<1x16xf32> to vector<16xf32>
        %parallel_loop3A_637 = arith.constant 5 : i32
        %parallel_loop3A_638 = arith.addi %parallel_loop3A_86, %parallel_loop3A_637 : i32
        %parallel_loop3A_639 = arith.index_cast %parallel_loop3A_638 : i32 to index
        %parallel_loop3A_640 = arith.constant 112 : index
        %parallel_loop3A_641 = tpu.vector_load %arg5[%parallel_loop3A_639, %parallel_loop3A_640] {strides = array<i32>} : memref<160x256xf32, #tpu.memory_space<vmem>>, vector<1x16xf32>,
        %parallel_loop3A_642 = vector.shape_cast %parallel_loop3A_641 : vector<1x16xf32> to vector<16xf32>
        %parallel_loop3A_643 = arith.addf %parallel_loop3A_636, %parallel_loop3A_642 : vector<16xf32>
        %parallel_loop3A_644 = arith.constant 6 : i32
        %parallel_loop3A_645 = arith.addi %parallel_loop3A_86, %parallel_loop3A_644 : i32
        %parallel_loop3A_646 = arith.index_cast %parallel_loop3A_645 : i32 to index
        %parallel_loop3A_647 = arith.constant 112 : index
        %parallel_loop3A_648 = tpu.vector_load %arg5[%parallel_loop3A_646, %parallel_loop3A_647] {strides = array<i32>} : memref<160x256xf32, #tpu.memory_space<vmem>>, vector<1x16xf32>,
        %parallel_loop3A_649 = vector.shape_cast %parallel_loop3A_648 : vector<1x16xf32> to vector<16xf32>
        %parallel_loop3A_650 = arith.constant 7 : i32
        %parallel_loop3A_651 = arith.addi %parallel_loop3A_86, %parallel_loop3A_650 : i32
        %parallel_loop3A_652 = arith.index_cast %parallel_loop3A_651 : i32 to index
        %parallel_loop3A_653 = arith.constant 112 : index
        %parallel_loop3A_654 = tpu.vector_load %arg5[%parallel_loop3A_652, %parallel_loop3A_653] {strides = array<i32>} : memref<160x256xf32, #tpu.memory_space<vmem>>, vector<1x16xf32>,
        %parallel_loop3A_655 = vector.shape_cast %parallel_loop3A_654 : vector<1x16xf32> to vector<16xf32>
        %parallel_loop3A_656 = arith.addf %parallel_loop3A_649, %parallel_loop3A_655 : vector<16xf32>
        %parallel_loop3A_657 = arith.constant 8 : i32
        %parallel_loop3A_658 = arith.addi %parallel_loop3A_86, %parallel_loop3A_657 : i32
        %parallel_loop3A_659 = arith.index_cast %parallel_loop3A_658 : i32 to index
        %parallel_loop3A_660 = arith.constant 112 : index
        %parallel_loop3A_661 = tpu.vector_load %arg5[%parallel_loop3A_659, %parallel_loop3A_660] {strides = array<i32>} : memref<160x256xf32, #tpu.memory_space<vmem>>, vector<1x16xf32>,
        %parallel_loop3A_662 = vector.shape_cast %parallel_loop3A_661 : vector<1x16xf32> to vector<16xf32>
        %parallel_loop3A_663 = arith.constant 9 : i32
        %parallel_loop3A_664 = arith.addi %parallel_loop3A_86, %parallel_loop3A_663 : i32
        %parallel_loop3A_665 = arith.index_cast %parallel_loop3A_664 : i32 to index
        %parallel_loop3A_666 = arith.constant 112 : index
        %parallel_loop3A_667 = tpu.vector_load %arg5[%parallel_loop3A_665, %parallel_loop3A_666] {strides = array<i32>} : memref<160x256xf32, #tpu.memory_space<vmem>>, vector<1x16xf32>,
        %parallel_loop3A_668 = vector.shape_cast %parallel_loop3A_667 : vector<1x16xf32> to vector<16xf32>
        %parallel_loop3A_669 = arith.addf %parallel_loop3A_662, %parallel_loop3A_668 : vector<16xf32>
        %parallel_loop3A_670 = arith.addf %parallel_loop3A_617, %parallel_loop3A_630 : vector<16xf32>
        %parallel_loop3A_671 = arith.addf %parallel_loop3A_643, %parallel_loop3A_656 : vector<16xf32>
        %parallel_loop3A_672 = arith.addf %parallel_loop3A_670, %parallel_loop3A_671 : vector<16xf32>
        %parallel_loop3A_673 = arith.addf %parallel_loop3A_672, %parallel_loop3A_669 : vector<16xf32>
        %parallel_loop3A_674 = arith.index_cast %parallel_loop3A_84 : i32 to index
        %parallel_loop3A_675 = arith.constant 112 : index
        %parallel_loop3A_676 = tpu.vector_load %arg7[%parallel_loop3A_674, %parallel_loop3A_675] {strides = array<i32>} : memref<16x256xf32, #tpu.memory_space<vmem>>, vector<1x16xf32>,
        %parallel_loop3A_677 = vector.shape_cast %parallel_loop3A_676 : vector<1x16xf32> to vector<16xf32>
        %parallel_loop3A_678 = vector.shape_cast %parallel_loop3A_673 : vector<16xf32> to vector<1x16xf32>
        tpu.vector_store %arg7[%parallel_loop3A_674, %parallel_loop3A_675], %parallel_loop3A_678 {strides = array<i32>} : memref<16x256xf32, #tpu.memory_space<vmem>>, vector<1x16xf32>,
        %parallel_loop3A_679 = arith.constant 0 : i32
        %parallel_loop3A_680 = arith.addi %parallel_loop3A_86, %parallel_loop3A_679 : i32
        %parallel_loop3A_681 = arith.index_cast %parallel_loop3A_680 : i32 to index
        %parallel_loop3A_682 = arith.constant 128 : index
        %parallel_loop3A_683 = tpu.vector_load %arg5[%parallel_loop3A_681, %parallel_loop3A_682] {strides = array<i32>} : memref<160x256xf32, #tpu.memory_space<vmem>>, vector<1x16xf32>,
        %parallel_loop3A_684 = vector.shape_cast %parallel_loop3A_683 : vector<1x16xf32> to vector<16xf32>
        %parallel_loop3A_685 = arith.constant 1 : i32
        %parallel_loop3A_686 = arith.addi %parallel_loop3A_86, %parallel_loop3A_685 : i32
        %parallel_loop3A_687 = arith.index_cast %parallel_loop3A_686 : i32 to index
        %parallel_loop3A_688 = arith.constant 128 : index
        %parallel_loop3A_689 = tpu.vector_load %arg5[%parallel_loop3A_687, %parallel_loop3A_688] {strides = array<i32>} : memref<160x256xf32, #tpu.memory_space<vmem>>, vector<1x16xf32>,
        %parallel_loop3A_690 = vector.shape_cast %parallel_loop3A_689 : vector<1x16xf32> to vector<16xf32>
        %parallel_loop3A_691 = arith.addf %parallel_loop3A_684, %parallel_loop3A_690 : vector<16xf32>
        %parallel_loop3A_692 = arith.constant 2 : i32
        %parallel_loop3A_693 = arith.addi %parallel_loop3A_86, %parallel_loop3A_692 : i32
        %parallel_loop3A_694 = arith.index_cast %parallel_loop3A_693 : i32 to index
        %parallel_loop3A_695 = arith.constant 128 : index
        %parallel_loop3A_696 = tpu.vector_load %arg5[%parallel_loop3A_694, %parallel_loop3A_695] {strides = array<i32>} : memref<160x256xf32, #tpu.memory_space<vmem>>, vector<1x16xf32>,
        %parallel_loop3A_697 = vector.shape_cast %parallel_loop3A_696 : vector<1x16xf32> to vector<16xf32>
        %parallel_loop3A_698 = arith.constant 3 : i32
        %parallel_loop3A_699 = arith.addi %parallel_loop3A_86, %parallel_loop3A_698 : i32
        %parallel_loop3A_700 = arith.index_cast %parallel_loop3A_699 : i32 to index
        %parallel_loop3A_701 = arith.constant 128 : index
        %parallel_loop3A_702 = tpu.vector_load %arg5[%parallel_loop3A_700, %parallel_loop3A_701] {strides = array<i32>} : memref<160x256xf32, #tpu.memory_space<vmem>>, vector<1x16xf32>,
        %parallel_loop3A_703 = vector.shape_cast %parallel_loop3A_702 : vector<1x16xf32> to vector<16xf32>
        %parallel_loop3A_704 = arith.addf %parallel_loop3A_697, %parallel_loop3A_703 : vector<16xf32>
        %parallel_loop3A_705 = arith.constant 4 : i32
        %parallel_loop3A_706 = arith.addi %parallel_loop3A_86, %parallel_loop3A_705 : i32
        %parallel_loop3A_707 = arith.index_cast %parallel_loop3A_706 : i32 to index
        %parallel_loop3A_708 = arith.constant 128 : index
        %parallel_loop3A_709 = tpu.vector_load %arg5[%parallel_loop3A_707, %parallel_loop3A_708] {strides = array<i32>} : memref<160x256xf32, #tpu.memory_space<vmem>>, vector<1x16xf32>,
        %parallel_loop3A_710 = vector.shape_cast %parallel_loop3A_709 : vector<1x16xf32> to vector<16xf32>
        %parallel_loop3A_711 = arith.constant 5 : i32
        %parallel_loop3A_712 = arith.addi %parallel_loop3A_86, %parallel_loop3A_711 : i32
        %parallel_loop3A_713 = arith.index_cast %parallel_loop3A_712 : i32 to index
        %parallel_loop3A_714 = arith.constant 128 : index
        %parallel_loop3A_715 = tpu.vector_load %arg5[%parallel_loop3A_713, %parallel_loop3A_714] {strides = array<i32>} : memref<160x256xf32, #tpu.memory_space<vmem>>, vector<1x16xf32>,
        %parallel_loop3A_716 = vector.shape_cast %parallel_loop3A_715 : vector<1x16xf32> to vector<16xf32>
        %parallel_loop3A_717 = arith.addf %parallel_loop3A_710, %parallel_loop3A_716 : vector<16xf32>
        %parallel_loop3A_718 = arith.constant 6 : i32
        %parallel_loop3A_719 = arith.addi %parallel_loop3A_86, %parallel_loop3A_718 : i32
        %parallel_loop3A_720 = arith.index_cast %parallel_loop3A_719 : i32 to index
        %parallel_loop3A_721 = arith.constant 128 : index
        %parallel_loop3A_722 = tpu.vector_load %arg5[%parallel_loop3A_720, %parallel_loop3A_721] {strides = array<i32>} : memref<160x256xf32, #tpu.memory_space<vmem>>, vector<1x16xf32>,
        %parallel_loop3A_723 = vector.shape_cast %parallel_loop3A_722 : vector<1x16xf32> to vector<16xf32>
        %parallel_loop3A_724 = arith.constant 7 : i32
        %parallel_loop3A_725 = arith.addi %parallel_loop3A_86, %parallel_loop3A_724 : i32
        %parallel_loop3A_726 = arith.index_cast %parallel_loop3A_725 : i32 to index
        %parallel_loop3A_727 = arith.constant 128 : index
        %parallel_loop3A_728 = tpu.vector_load %arg5[%parallel_loop3A_726, %parallel_loop3A_727] {strides = array<i32>} : memref<160x256xf32, #tpu.memory_space<vmem>>, vector<1x16xf32>,
        %parallel_loop3A_729 = vector.shape_cast %parallel_loop3A_728 : vector<1x16xf32> to vector<16xf32>
        %parallel_loop3A_730 = arith.addf %parallel_loop3A_723, %parallel_loop3A_729 : vector<16xf32>
        %parallel_loop3A_731 = arith.constant 8 : i32
        %parallel_loop3A_732 = arith.addi %parallel_loop3A_86, %parallel_loop3A_731 : i32
        %parallel_loop3A_733 = arith.index_cast %parallel_loop3A_732 : i32 to index
        %parallel_loop3A_734 = arith.constant 128 : index
        %parallel_loop3A_735 = tpu.vector_load %arg5[%parallel_loop3A_733, %parallel_loop3A_734] {strides = array<i32>} : memref<160x256xf32, #tpu.memory_space<vmem>>, vector<1x16xf32>,
        %parallel_loop3A_736 = vector.shape_cast %parallel_loop3A_735 : vector<1x16xf32> to vector<16xf32>
        %parallel_loop3A_737 = arith.constant 9 : i32
        %parallel_loop3A_738 = arith.addi %parallel_loop3A_86, %parallel_loop3A_737 : i32
        %parallel_loop3A_739 = arith.index_cast %parallel_loop3A_738 : i32 to index
        %parallel_loop3A_740 = arith.constant 128 : index
        %parallel_loop3A_741 = tpu.vector_load %arg5[%parallel_loop3A_739, %parallel_loop3A_740] {strides = array<i32>} : memref<160x256xf32, #tpu.memory_space<vmem>>, vector<1x16xf32>,
        %parallel_loop3A_742 = vector.shape_cast %parallel_loop3A_741 : vector<1x16xf32> to vector<16xf32>
        %parallel_loop3A_743 = arith.addf %parallel_loop3A_736, %parallel_loop3A_742 : vector<16xf32>
        %parallel_loop3A_744 = arith.addf %parallel_loop3A_691, %parallel_loop3A_704 : vector<16xf32>
        %parallel_loop3A_745 = arith.addf %parallel_loop3A_717, %parallel_loop3A_730 : vector<16xf32>
        %parallel_loop3A_746 = arith.addf %parallel_loop3A_744, %parallel_loop3A_745 : vector<16xf32>
        %parallel_loop3A_747 = arith.addf %parallel_loop3A_746, %parallel_loop3A_743 : vector<16xf32>
        %parallel_loop3A_748 = arith.index_cast %parallel_loop3A_84 : i32 to index
        %parallel_loop3A_749 = arith.constant 128 : index
        %parallel_loop3A_750 = tpu.vector_load %arg7[%parallel_loop3A_748, %parallel_loop3A_749] {strides = array<i32>} : memref<16x256xf32, #tpu.memory_space<vmem>>, vector<1x16xf32>,
        %parallel_loop3A_751 = vector.shape_cast %parallel_loop3A_750 : vector<1x16xf32> to vector<16xf32>
        %parallel_loop3A_752 = vector.shape_cast %parallel_loop3A_747 : vector<16xf32> to vector<1x16xf32>
        tpu.vector_store %arg7[%parallel_loop3A_748, %parallel_loop3A_749], %parallel_loop3A_752 {strides = array<i32>} : memref<16x256xf32, #tpu.memory_space<vmem>>, vector<1x16xf32>,
        %parallel_loop3A_753 = arith.constant 0 : i32
        %parallel_loop3A_754 = arith.addi %parallel_loop3A_86, %parallel_loop3A_753 : i32
        %parallel_loop3A_755 = arith.index_cast %parallel_loop3A_754 : i32 to index
        %parallel_loop3A_756 = arith.constant 144 : index
        %parallel_loop3A_757 = tpu.vector_load %arg5[%parallel_loop3A_755, %parallel_loop3A_756] {strides = array<i32>} : memref<160x256xf32, #tpu.memory_space<vmem>>, vector<1x16xf32>,
        %parallel_loop3A_758 = vector.shape_cast %parallel_loop3A_757 : vector<1x16xf32> to vector<16xf32>
        %parallel_loop3A_759 = arith.constant 1 : i32
        %parallel_loop3A_760 = arith.addi %parallel_loop3A_86, %parallel_loop3A_759 : i32
        %parallel_loop3A_761 = arith.index_cast %parallel_loop3A_760 : i32 to index
        %parallel_loop3A_762 = arith.constant 144 : index
        %parallel_loop3A_763 = tpu.vector_load %arg5[%parallel_loop3A_761, %parallel_loop3A_762] {strides = array<i32>} : memref<160x256xf32, #tpu.memory_space<vmem>>, vector<1x16xf32>,
        %parallel_loop3A_764 = vector.shape_cast %parallel_loop3A_763 : vector<1x16xf32> to vector<16xf32>
        %parallel_loop3A_765 = arith.addf %parallel_loop3A_758, %parallel_loop3A_764 : vector<16xf32>
        %parallel_loop3A_766 = arith.constant 2 : i32
        %parallel_loop3A_767 = arith.addi %parallel_loop3A_86, %parallel_loop3A_766 : i32
        %parallel_loop3A_768 = arith.index_cast %parallel_loop3A_767 : i32 to index
        %parallel_loop3A_769 = arith.constant 144 : index
        %parallel_loop3A_770 = tpu.vector_load %arg5[%parallel_loop3A_768, %parallel_loop3A_769] {strides = array<i32>} : memref<160x256xf32, #tpu.memory_space<vmem>>, vector<1x16xf32>,
        %parallel_loop3A_771 = vector.shape_cast %parallel_loop3A_770 : vector<1x16xf32> to vector<16xf32>
        %parallel_loop3A_772 = arith.constant 3 : i32
        %parallel_loop3A_773 = arith.addi %parallel_loop3A_86, %parallel_loop3A_772 : i32
        %parallel_loop3A_774 = arith.index_cast %parallel_loop3A_773 : i32 to index
        %parallel_loop3A_775 = arith.constant 144 : index
        %parallel_loop3A_776 = tpu.vector_load %arg5[%parallel_loop3A_774, %parallel_loop3A_775] {strides = array<i32>} : memref<160x256xf32, #tpu.memory_space<vmem>>, vector<1x16xf32>,
        %parallel_loop3A_777 = vector.shape_cast %parallel_loop3A_776 : vector<1x16xf32> to vector<16xf32>
        %parallel_loop3A_778 = arith.addf %parallel_loop3A_771, %parallel_loop3A_777 : vector<16xf32>
        %parallel_loop3A_779 = arith.constant 4 : i32
        %parallel_loop3A_780 = arith.addi %parallel_loop3A_86, %parallel_loop3A_779 : i32
        %parallel_loop3A_781 = arith.index_cast %parallel_loop3A_780 : i32 to index
        %parallel_loop3A_782 = arith.constant 144 : index
        %parallel_loop3A_783 = tpu.vector_load %arg5[%parallel_loop3A_781, %parallel_loop3A_782] {strides = array<i32>} : memref<160x256xf32, #tpu.memory_space<vmem>>, vector<1x16xf32>,
        %parallel_loop3A_784 = vector.shape_cast %parallel_loop3A_783 : vector<1x16xf32> to vector<16xf32>
        %parallel_loop3A_785 = arith.constant 5 : i32
        %parallel_loop3A_786 = arith.addi %parallel_loop3A_86, %parallel_loop3A_785 : i32
        %parallel_loop3A_787 = arith.index_cast %parallel_loop3A_786 : i32 to index
        %parallel_loop3A_788 = arith.constant 144 : index
        %parallel_loop3A_789 = tpu.vector_load %arg5[%parallel_loop3A_787, %parallel_loop3A_788] {strides = array<i32>} : memref<160x256xf32, #tpu.memory_space<vmem>>, vector<1x16xf32>,
        %parallel_loop3A_790 = vector.shape_cast %parallel_loop3A_789 : vector<1x16xf32> to vector<16xf32>
        %parallel_loop3A_791 = arith.addf %parallel_loop3A_784, %parallel_loop3A_790 : vector<16xf32>
        %parallel_loop3A_792 = arith.constant 6 : i32
        %parallel_loop3A_793 = arith.addi %parallel_loop3A_86, %parallel_loop3A_792 : i32
        %parallel_loop3A_794 = arith.index_cast %parallel_loop3A_793 : i32 to index
        %parallel_loop3A_795 = arith.constant 144 : index
        %parallel_loop3A_796 = tpu.vector_load %arg5[%parallel_loop3A_794, %parallel_loop3A_795] {strides = array<i32>} : memref<160x256xf32, #tpu.memory_space<vmem>>, vector<1x16xf32>,
        %parallel_loop3A_797 = vector.shape_cast %parallel_loop3A_796 : vector<1x16xf32> to vector<16xf32>
        %parallel_loop3A_798 = arith.constant 7 : i32
        %parallel_loop3A_799 = arith.addi %parallel_loop3A_86, %parallel_loop3A_798 : i32
        %parallel_loop3A_800 = arith.index_cast %parallel_loop3A_799 : i32 to index
        %parallel_loop3A_801 = arith.constant 144 : index
        %parallel_loop3A_802 = tpu.vector_load %arg5[%parallel_loop3A_800, %parallel_loop3A_801] {strides = array<i32>} : memref<160x256xf32, #tpu.memory_space<vmem>>, vector<1x16xf32>,
        %parallel_loop3A_803 = vector.shape_cast %parallel_loop3A_802 : vector<1x16xf32> to vector<16xf32>
        %parallel_loop3A_804 = arith.addf %parallel_loop3A_797, %parallel_loop3A_803 : vector<16xf32>
        %parallel_loop3A_805 = arith.constant 8 : i32
        %parallel_loop3A_806 = arith.addi %parallel_loop3A_86, %parallel_loop3A_805 : i32
        %parallel_loop3A_807 = arith.index_cast %parallel_loop3A_806 : i32 to index
        %parallel_loop3A_808 = arith.constant 144 : index
        %parallel_loop3A_809 = tpu.vector_load %arg5[%parallel_loop3A_807, %parallel_loop3A_808] {strides = array<i32>} : memref<160x256xf32, #tpu.memory_space<vmem>>, vector<1x16xf32>,
        %parallel_loop3A_810 = vector.shape_cast %parallel_loop3A_809 : vector<1x16xf32> to vector<16xf32>
        %parallel_loop3A_811 = arith.constant 9 : i32
        %parallel_loop3A_812 = arith.addi %parallel_loop3A_86, %parallel_loop3A_811 : i32
        %parallel_loop3A_813 = arith.index_cast %parallel_loop3A_812 : i32 to index
        %parallel_loop3A_814 = arith.constant 144 : index
        %parallel_loop3A_815 = tpu.vector_load %arg5[%parallel_loop3A_813, %parallel_loop3A_814] {strides = array<i32>} : memref<160x256xf32, #tpu.memory_space<vmem>>, vector<1x16xf32>,
        %parallel_loop3A_816 = vector.shape_cast %parallel_loop3A_815 : vector<1x16xf32> to vector<16xf32>
        %parallel_loop3A_817 = arith.addf %parallel_loop3A_810, %parallel_loop3A_816 : vector<16xf32>
        %parallel_loop3A_818 = arith.addf %parallel_loop3A_765, %parallel_loop3A_778 : vector<16xf32>
        %parallel_loop3A_819 = arith.addf %parallel_loop3A_791, %parallel_loop3A_804 : vector<16xf32>
        %parallel_loop3A_820 = arith.addf %parallel_loop3A_818, %parallel_loop3A_819 : vector<16xf32>
        %parallel_loop3A_821 = arith.addf %parallel_loop3A_820, %parallel_loop3A_817 : vector<16xf32>
        %parallel_loop3A_822 = arith.index_cast %parallel_loop3A_84 : i32 to index
        %parallel_loop3A_823 = arith.constant 144 : index
        %parallel_loop3A_824 = tpu.vector_load %arg7[%parallel_loop3A_822, %parallel_loop3A_823] {strides = array<i32>} : memref<16x256xf32, #tpu.memory_space<vmem>>, vector<1x16xf32>,
        %parallel_loop3A_825 = vector.shape_cast %parallel_loop3A_824 : vector<1x16xf32> to vector<16xf32>
        %parallel_loop3A_826 = vector.shape_cast %parallel_loop3A_821 : vector<16xf32> to vector<1x16xf32>
        tpu.vector_store %arg7[%parallel_loop3A_822, %parallel_loop3A_823], %parallel_loop3A_826 {strides = array<i32>} : memref<16x256xf32, #tpu.memory_space<vmem>>, vector<1x16xf32>,
        %parallel_loop3A_827 = arith.constant 0 : i32
        %parallel_loop3A_828 = arith.addi %parallel_loop3A_86, %parallel_loop3A_827 : i32
        %parallel_loop3A_829 = arith.index_cast %parallel_loop3A_828 : i32 to index
        %parallel_loop3A_830 = arith.constant 160 : index
        %parallel_loop3A_831 = tpu.vector_load %arg5[%parallel_loop3A_829, %parallel_loop3A_830] {strides = array<i32>} : memref<160x256xf32, #tpu.memory_space<vmem>>, vector<1x16xf32>,
        %parallel_loop3A_832 = vector.shape_cast %parallel_loop3A_831 : vector<1x16xf32> to vector<16xf32>
        %parallel_loop3A_833 = arith.constant 1 : i32
        %parallel_loop3A_834 = arith.addi %parallel_loop3A_86, %parallel_loop3A_833 : i32
        %parallel_loop3A_835 = arith.index_cast %parallel_loop3A_834 : i32 to index
        %parallel_loop3A_836 = arith.constant 160 : index
        %parallel_loop3A_837 = tpu.vector_load %arg5[%parallel_loop3A_835, %parallel_loop3A_836] {strides = array<i32>} : memref<160x256xf32, #tpu.memory_space<vmem>>, vector<1x16xf32>,
        %parallel_loop3A_838 = vector.shape_cast %parallel_loop3A_837 : vector<1x16xf32> to vector<16xf32>
        %parallel_loop3A_839 = arith.addf %parallel_loop3A_832, %parallel_loop3A_838 : vector<16xf32>
        %parallel_loop3A_840 = arith.constant 2 : i32
        %parallel_loop3A_841 = arith.addi %parallel_loop3A_86, %parallel_loop3A_840 : i32
        %parallel_loop3A_842 = arith.index_cast %parallel_loop3A_841 : i32 to index
        %parallel_loop3A_843 = arith.constant 160 : index
        %parallel_loop3A_844 = tpu.vector_load %arg5[%parallel_loop3A_842, %parallel_loop3A_843] {strides = array<i32>} : memref<160x256xf32, #tpu.memory_space<vmem>>, vector<1x16xf32>,
        %parallel_loop3A_845 = vector.shape_cast %parallel_loop3A_844 : vector<1x16xf32> to vector<16xf32>
        %parallel_loop3A_846 = arith.constant 3 : i32
        %parallel_loop3A_847 = arith.addi %parallel_loop3A_86, %parallel_loop3A_846 : i32
        %parallel_loop3A_848 = arith.index_cast %parallel_loop3A_847 : i32 to index
        %parallel_loop3A_849 = arith.constant 160 : index
        %parallel_loop3A_850 = tpu.vector_load %arg5[%parallel_loop3A_848, %parallel_loop3A_849] {strides = array<i32>} : memref<160x256xf32, #tpu.memory_space<vmem>>, vector<1x16xf32>,
        %parallel_loop3A_851 = vector.shape_cast %parallel_loop3A_850 : vector<1x16xf32> to vector<16xf32>
        %parallel_loop3A_852 = arith.addf %parallel_loop3A_845, %parallel_loop3A_851 : vector<16xf32>
        %parallel_loop3A_853 = arith.constant 4 : i32
        %parallel_loop3A_854 = arith.addi %parallel_loop3A_86, %parallel_loop3A_853 : i32
        %parallel_loop3A_855 = arith.index_cast %parallel_loop3A_854 : i32 to index
        %parallel_loop3A_856 = arith.constant 160 : index
        %parallel_loop3A_857 = tpu.vector_load %arg5[%parallel_loop3A_855, %parallel_loop3A_856] {strides = array<i32>} : memref<160x256xf32, #tpu.memory_space<vmem>>, vector<1x16xf32>,
        %parallel_loop3A_858 = vector.shape_cast %parallel_loop3A_857 : vector<1x16xf32> to vector<16xf32>
        %parallel_loop3A_859 = arith.constant 5 : i32
        %parallel_loop3A_860 = arith.addi %parallel_loop3A_86, %parallel_loop3A_859 : i32
        %parallel_loop3A_861 = arith.index_cast %parallel_loop3A_860 : i32 to index
        %parallel_loop3A_862 = arith.constant 160 : index
        %parallel_loop3A_863 = tpu.vector_load %arg5[%parallel_loop3A_861, %parallel_loop3A_862] {strides = array<i32>} : memref<160x256xf32, #tpu.memory_space<vmem>>, vector<1x16xf32>,
        %parallel_loop3A_864 = vector.shape_cast %parallel_loop3A_863 : vector<1x16xf32> to vector<16xf32>
        %parallel_loop3A_865 = arith.addf %parallel_loop3A_858, %parallel_loop3A_864 : vector<16xf32>
        %parallel_loop3A_866 = arith.constant 6 : i32
        %parallel_loop3A_867 = arith.addi %parallel_loop3A_86, %parallel_loop3A_866 : i32
        %parallel_loop3A_868 = arith.index_cast %parallel_loop3A_867 : i32 to index
        %parallel_loop3A_869 = arith.constant 160 : index
        %parallel_loop3A_870 = tpu.vector_load %arg5[%parallel_loop3A_868, %parallel_loop3A_869] {strides = array<i32>} : memref<160x256xf32, #tpu.memory_space<vmem>>, vector<1x16xf32>,
        %parallel_loop3A_871 = vector.shape_cast %parallel_loop3A_870 : vector<1x16xf32> to vector<16xf32>
        %parallel_loop3A_872 = arith.constant 7 : i32
        %parallel_loop3A_873 = arith.addi %parallel_loop3A_86, %parallel_loop3A_872 : i32
        %parallel_loop3A_874 = arith.index_cast %parallel_loop3A_873 : i32 to index
        %parallel_loop3A_875 = arith.constant 160 : index
        %parallel_loop3A_876 = tpu.vector_load %arg5[%parallel_loop3A_874, %parallel_loop3A_875] {strides = array<i32>} : memref<160x256xf32, #tpu.memory_space<vmem>>, vector<1x16xf32>,
        %parallel_loop3A_877 = vector.shape_cast %parallel_loop3A_876 : vector<1x16xf32> to vector<16xf32>
        %parallel_loop3A_878 = arith.addf %parallel_loop3A_871, %parallel_loop3A_877 : vector<16xf32>
        %parallel_loop3A_879 = arith.constant 8 : i32
        %parallel_loop3A_880 = arith.addi %parallel_loop3A_86, %parallel_loop3A_879 : i32
        %parallel_loop3A_881 = arith.index_cast %parallel_loop3A_880 : i32 to index
        %parallel_loop3A_882 = arith.constant 160 : index
        %parallel_loop3A_883 = tpu.vector_load %arg5[%parallel_loop3A_881, %parallel_loop3A_882] {strides = array<i32>} : memref<160x256xf32, #tpu.memory_space<vmem>>, vector<1x16xf32>,
        %parallel_loop3A_884 = vector.shape_cast %parallel_loop3A_883 : vector<1x16xf32> to vector<16xf32>
        %parallel_loop3A_885 = arith.constant 9 : i32
        %parallel_loop3A_886 = arith.addi %parallel_loop3A_86, %parallel_loop3A_885 : i32
        %parallel_loop3A_887 = arith.index_cast %parallel_loop3A_886 : i32 to index
        %parallel_loop3A_888 = arith.constant 160 : index
        %parallel_loop3A_889 = tpu.vector_load %arg5[%parallel_loop3A_887, %parallel_loop3A_888] {strides = array<i32>} : memref<160x256xf32, #tpu.memory_space<vmem>>, vector<1x16xf32>,
        %parallel_loop3A_890 = vector.shape_cast %parallel_loop3A_889 : vector<1x16xf32> to vector<16xf32>
        %parallel_loop3A_891 = arith.addf %parallel_loop3A_884, %parallel_loop3A_890 : vector<16xf32>
        %parallel_loop3A_892 = arith.addf %parallel_loop3A_839, %parallel_loop3A_852 : vector<16xf32>
        %parallel_loop3A_893 = arith.addf %parallel_loop3A_865, %parallel_loop3A_878 : vector<16xf32>
        %parallel_loop3A_894 = arith.addf %parallel_loop3A_892, %parallel_loop3A_893 : vector<16xf32>
        %parallel_loop3A_895 = arith.addf %parallel_loop3A_894, %parallel_loop3A_891 : vector<16xf32>
        %parallel_loop3A_896 = arith.index_cast %parallel_loop3A_84 : i32 to index
        %parallel_loop3A_897 = arith.constant 160 : index
        %parallel_loop3A_898 = tpu.vector_load %arg7[%parallel_loop3A_896, %parallel_loop3A_897] {strides = array<i32>} : memref<16x256xf32, #tpu.memory_space<vmem>>, vector<1x16xf32>,
        %parallel_loop3A_899 = vector.shape_cast %parallel_loop3A_898 : vector<1x16xf32> to vector<16xf32>
        %parallel_loop3A_900 = vector.shape_cast %parallel_loop3A_895 : vector<16xf32> to vector<1x16xf32>
        tpu.vector_store %arg7[%parallel_loop3A_896, %parallel_loop3A_897], %parallel_loop3A_900 {strides = array<i32>} : memref<16x256xf32, #tpu.memory_space<vmem>>, vector<1x16xf32>,
        %parallel_loop3A_901 = arith.constant 0 : i32
        %parallel_loop3A_902 = arith.addi %parallel_loop3A_86, %parallel_loop3A_901 : i32
        %parallel_loop3A_903 = arith.index_cast %parallel_loop3A_902 : i32 to index
        %parallel_loop3A_904 = arith.constant 176 : index
        %parallel_loop3A_905 = tpu.vector_load %arg5[%parallel_loop3A_903, %parallel_loop3A_904] {strides = array<i32>} : memref<160x256xf32, #tpu.memory_space<vmem>>, vector<1x16xf32>,
        %parallel_loop3A_906 = vector.shape_cast %parallel_loop3A_905 : vector<1x16xf32> to vector<16xf32>
        %parallel_loop3A_907 = arith.constant 1 : i32
        %parallel_loop3A_908 = arith.addi %parallel_loop3A_86, %parallel_loop3A_907 : i32
        %parallel_loop3A_909 = arith.index_cast %parallel_loop3A_908 : i32 to index
        %parallel_loop3A_910 = arith.constant 176 : index
        %parallel_loop3A_911 = tpu.vector_load %arg5[%parallel_loop3A_909, %parallel_loop3A_910] {strides = array<i32>} : memref<160x256xf32, #tpu.memory_space<vmem>>, vector<1x16xf32>,
        %parallel_loop3A_912 = vector.shape_cast %parallel_loop3A_911 : vector<1x16xf32> to vector<16xf32>
        %parallel_loop3A_913 = arith.addf %parallel_loop3A_906, %parallel_loop3A_912 : vector<16xf32>
        %parallel_loop3A_914 = arith.constant 2 : i32
        %parallel_loop3A_915 = arith.addi %parallel_loop3A_86, %parallel_loop3A_914 : i32
        %parallel_loop3A_916 = arith.index_cast %parallel_loop3A_915 : i32 to index
        %parallel_loop3A_917 = arith.constant 176 : index
        %parallel_loop3A_918 = tpu.vector_load %arg5[%parallel_loop3A_916, %parallel_loop3A_917] {strides = array<i32>} : memref<160x256xf32, #tpu.memory_space<vmem>>, vector<1x16xf32>,
        %parallel_loop3A_919 = vector.shape_cast %parallel_loop3A_918 : vector<1x16xf32> to vector<16xf32>
        %parallel_loop3A_920 = arith.constant 3 : i32
        %parallel_loop3A_921 = arith.addi %parallel_loop3A_86, %parallel_loop3A_920 : i32
        %parallel_loop3A_922 = arith.index_cast %parallel_loop3A_921 : i32 to index
        %parallel_loop3A_923 = arith.constant 176 : index
        %parallel_loop3A_924 = tpu.vector_load %arg5[%parallel_loop3A_922, %parallel_loop3A_923] {strides = array<i32>} : memref<160x256xf32, #tpu.memory_space<vmem>>, vector<1x16xf32>,
        %parallel_loop3A_925 = vector.shape_cast %parallel_loop3A_924 : vector<1x16xf32> to vector<16xf32>
        %parallel_loop3A_926 = arith.addf %parallel_loop3A_919, %parallel_loop3A_925 : vector<16xf32>
        %parallel_loop3A_927 = arith.constant 4 : i32
        %parallel_loop3A_928 = arith.addi %parallel_loop3A_86, %parallel_loop3A_927 : i32
        %parallel_loop3A_929 = arith.index_cast %parallel_loop3A_928 : i32 to index
        %parallel_loop3A_930 = arith.constant 176 : index
        %parallel_loop3A_931 = tpu.vector_load %arg5[%parallel_loop3A_929, %parallel_loop3A_930] {strides = array<i32>} : memref<160x256xf32, #tpu.memory_space<vmem>>, vector<1x16xf32>,
        %parallel_loop3A_932 = vector.shape_cast %parallel_loop3A_931 : vector<1x16xf32> to vector<16xf32>
        %parallel_loop3A_933 = arith.constant 5 : i32
        %parallel_loop3A_934 = arith.addi %parallel_loop3A_86, %parallel_loop3A_933 : i32
        %parallel_loop3A_935 = arith.index_cast %parallel_loop3A_934 : i32 to index
        %parallel_loop3A_936 = arith.constant 176 : index
        %parallel_loop3A_937 = tpu.vector_load %arg5[%parallel_loop3A_935, %parallel_loop3A_936] {strides = array<i32>} : memref<160x256xf32, #tpu.memory_space<vmem>>, vector<1x16xf32>,
        %parallel_loop3A_938 = vector.shape_cast %parallel_loop3A_937 : vector<1x16xf32> to vector<16xf32>
        %parallel_loop3A_939 = arith.addf %parallel_loop3A_932, %parallel_loop3A_938 : vector<16xf32>
        %parallel_loop3A_940 = arith.constant 6 : i32
        %parallel_loop3A_941 = arith.addi %parallel_loop3A_86, %parallel_loop3A_940 : i32
        %parallel_loop3A_942 = arith.index_cast %parallel_loop3A_941 : i32 to index
        %parallel_loop3A_943 = arith.constant 176 : index
        %parallel_loop3A_944 = tpu.vector_load %arg5[%parallel_loop3A_942, %parallel_loop3A_943] {strides = array<i32>} : memref<160x256xf32, #tpu.memory_space<vmem>>, vector<1x16xf32>,
        %parallel_loop3A_945 = vector.shape_cast %parallel_loop3A_944 : vector<1x16xf32> to vector<16xf32>
        %parallel_loop3A_946 = arith.constant 7 : i32
        %parallel_loop3A_947 = arith.addi %parallel_loop3A_86, %parallel_loop3A_946 : i32
        %parallel_loop3A_948 = arith.index_cast %parallel_loop3A_947 : i32 to index
        %parallel_loop3A_949 = arith.constant 176 : index
        %parallel_loop3A_950 = tpu.vector_load %arg5[%parallel_loop3A_948, %parallel_loop3A_949] {strides = array<i32>} : memref<160x256xf32, #tpu.memory_space<vmem>>, vector<1x16xf32>,
        %parallel_loop3A_951 = vector.shape_cast %parallel_loop3A_950 : vector<1x16xf32> to vector<16xf32>
        %parallel_loop3A_952 = arith.addf %parallel_loop3A_945, %parallel_loop3A_951 : vector<16xf32>
        %parallel_loop3A_953 = arith.constant 8 : i32
        %parallel_loop3A_954 = arith.addi %parallel_loop3A_86, %parallel_loop3A_953 : i32
        %parallel_loop3A_955 = arith.index_cast %parallel_loop3A_954 : i32 to index
        %parallel_loop3A_956 = arith.constant 176 : index
        %parallel_loop3A_957 = tpu.vector_load %arg5[%parallel_loop3A_955, %parallel_loop3A_956] {strides = array<i32>} : memref<160x256xf32, #tpu.memory_space<vmem>>, vector<1x16xf32>,
        %parallel_loop3A_958 = vector.shape_cast %parallel_loop3A_957 : vector<1x16xf32> to vector<16xf32>
        %parallel_loop3A_959 = arith.constant 9 : i32
        %parallel_loop3A_960 = arith.addi %parallel_loop3A_86, %parallel_loop3A_959 : i32
        %parallel_loop3A_961 = arith.index_cast %parallel_loop3A_960 : i32 to index
        %parallel_loop3A_962 = arith.constant 176 : index
        %parallel_loop3A_963 = tpu.vector_load %arg5[%parallel_loop3A_961, %parallel_loop3A_962] {strides = array<i32>} : memref<160x256xf32, #tpu.memory_space<vmem>>, vector<1x16xf32>,
        %parallel_loop3A_964 = vector.shape_cast %parallel_loop3A_963 : vector<1x16xf32> to vector<16xf32>
        %parallel_loop3A_965 = arith.addf %parallel_loop3A_958, %parallel_loop3A_964 : vector<16xf32>
        %parallel_loop3A_966 = arith.addf %parallel_loop3A_913, %parallel_loop3A_926 : vector<16xf32>
        %parallel_loop3A_967 = arith.addf %parallel_loop3A_939, %parallel_loop3A_952 : vector<16xf32>
        %parallel_loop3A_968 = arith.addf %parallel_loop3A_966, %parallel_loop3A_967 : vector<16xf32>
        %parallel_loop3A_969 = arith.addf %parallel_loop3A_968, %parallel_loop3A_965 : vector<16xf32>
        %parallel_loop3A_970 = arith.index_cast %parallel_loop3A_84 : i32 to index
        %parallel_loop3A_971 = arith.constant 176 : index
        %parallel_loop3A_972 = tpu.vector_load %arg7[%parallel_loop3A_970, %parallel_loop3A_971] {strides = array<i32>} : memref<16x256xf32, #tpu.memory_space<vmem>>, vector<1x16xf32>,
        %parallel_loop3A_973 = vector.shape_cast %parallel_loop3A_972 : vector<1x16xf32> to vector<16xf32>
        %parallel_loop3A_974 = vector.shape_cast %parallel_loop3A_969 : vector<16xf32> to vector<1x16xf32>
        tpu.vector_store %arg7[%parallel_loop3A_970, %parallel_loop3A_971], %parallel_loop3A_974 {strides = array<i32>} : memref<16x256xf32, #tpu.memory_space<vmem>>, vector<1x16xf32>,
        %parallel_loop3A_975 = arith.constant 0 : i32
        %parallel_loop3A_976 = arith.addi %parallel_loop3A_86, %parallel_loop3A_975 : i32
        %parallel_loop3A_977 = arith.index_cast %parallel_loop3A_976 : i32 to index
        %parallel_loop3A_978 = arith.constant 192 : index
        %parallel_loop3A_979 = tpu.vector_load %arg5[%parallel_loop3A_977, %parallel_loop3A_978] {strides = array<i32>} : memref<160x256xf32, #tpu.memory_space<vmem>>, vector<1x16xf32>,
        %parallel_loop3A_980 = vector.shape_cast %parallel_loop3A_979 : vector<1x16xf32> to vector<16xf32>
        %parallel_loop3A_981 = arith.constant 1 : i32
        %parallel_loop3A_982 = arith.addi %parallel_loop3A_86, %parallel_loop3A_981 : i32
        %parallel_loop3A_983 = arith.index_cast %parallel_loop3A_982 : i32 to index
        %parallel_loop3A_984 = arith.constant 192 : index
        %parallel_loop3A_985 = tpu.vector_load %arg5[%parallel_loop3A_983, %parallel_loop3A_984] {strides = array<i32>} : memref<160x256xf32, #tpu.memory_space<vmem>>, vector<1x16xf32>,
        %parallel_loop3A_986 = vector.shape_cast %parallel_loop3A_985 : vector<1x16xf32> to vector<16xf32>
        %parallel_loop3A_987 = arith.addf %parallel_loop3A_980, %parallel_loop3A_986 : vector<16xf32>
        %parallel_loop3A_988 = arith.constant 2 : i32
        %parallel_loop3A_989 = arith.addi %parallel_loop3A_86, %parallel_loop3A_988 : i32
        %parallel_loop3A_990 = arith.index_cast %parallel_loop3A_989 : i32 to index
        %parallel_loop3A_991 = arith.constant 192 : index
        %parallel_loop3A_992 = tpu.vector_load %arg5[%parallel_loop3A_990, %parallel_loop3A_991] {strides = array<i32>} : memref<160x256xf32, #tpu.memory_space<vmem>>, vector<1x16xf32>,
        %parallel_loop3A_993 = vector.shape_cast %parallel_loop3A_992 : vector<1x16xf32> to vector<16xf32>
        %parallel_loop3A_994 = arith.constant 3 : i32
        %parallel_loop3A_995 = arith.addi %parallel_loop3A_86, %parallel_loop3A_994 : i32
        %parallel_loop3A_996 = arith.index_cast %parallel_loop3A_995 : i32 to index
        %parallel_loop3A_997 = arith.constant 192 : index
        %parallel_loop3A_998 = tpu.vector_load %arg5[%parallel_loop3A_996, %parallel_loop3A_997] {strides = array<i32>} : memref<160x256xf32, #tpu.memory_space<vmem>>, vector<1x16xf32>,
        %parallel_loop3A_999 = vector.shape_cast %parallel_loop3A_998 : vector<1x16xf32> to vector<16xf32>
        %parallel_loop3A_1000 = arith.addf %parallel_loop3A_993, %parallel_loop3A_999 : vector<16xf32>
        %parallel_loop3A_1001 = arith.constant 4 : i32
        %parallel_loop3A_1002 = arith.addi %parallel_loop3A_86, %parallel_loop3A_1001 : i32
        %parallel_loop3A_1003 = arith.index_cast %parallel_loop3A_1002 : i32 to index
        %parallel_loop3A_1004 = arith.constant 192 : index
        %parallel_loop3A_1005 = tpu.vector_load %arg5[%parallel_loop3A_1003, %parallel_loop3A_1004] {strides = array<i32>} : memref<160x256xf32, #tpu.memory_space<vmem>>, vector<1x16xf32>,
        %parallel_loop3A_1006 = vector.shape_cast %parallel_loop3A_1005 : vector<1x16xf32> to vector<16xf32>
        %parallel_loop3A_1007 = arith.constant 5 : i32
        %parallel_loop3A_1008 = arith.addi %parallel_loop3A_86, %parallel_loop3A_1007 : i32
        %parallel_loop3A_1009 = arith.index_cast %parallel_loop3A_1008 : i32 to index
        %parallel_loop3A_1010 = arith.constant 192 : index
        %parallel_loop3A_1011 = tpu.vector_load %arg5[%parallel_loop3A_1009, %parallel_loop3A_1010] {strides = array<i32>} : memref<160x256xf32, #tpu.memory_space<vmem>>, vector<1x16xf32>,
        %parallel_loop3A_1012 = vector.shape_cast %parallel_loop3A_1011 : vector<1x16xf32> to vector<16xf32>
        %parallel_loop3A_1013 = arith.addf %parallel_loop3A_1006, %parallel_loop3A_1012 : vector<16xf32>
        %parallel_loop3A_1014 = arith.constant 6 : i32
        %parallel_loop3A_1015 = arith.addi %parallel_loop3A_86, %parallel_loop3A_1014 : i32
        %parallel_loop3A_1016 = arith.index_cast %parallel_loop3A_1015 : i32 to index
        %parallel_loop3A_1017 = arith.constant 192 : index
        %parallel_loop3A_1018 = tpu.vector_load %arg5[%parallel_loop3A_1016, %parallel_loop3A_1017] {strides = array<i32>} : memref<160x256xf32, #tpu.memory_space<vmem>>, vector<1x16xf32>,
        %parallel_loop3A_1019 = vector.shape_cast %parallel_loop3A_1018 : vector<1x16xf32> to vector<16xf32>
        %parallel_loop3A_1020 = arith.constant 7 : i32
        %parallel_loop3A_1021 = arith.addi %parallel_loop3A_86, %parallel_loop3A_1020 : i32
        %parallel_loop3A_1022 = arith.index_cast %parallel_loop3A_1021 : i32 to index
        %parallel_loop3A_1023 = arith.constant 192 : index
        %parallel_loop3A_1024 = tpu.vector_load %arg5[%parallel_loop3A_1022, %parallel_loop3A_1023] {strides = array<i32>} : memref<160x256xf32, #tpu.memory_space<vmem>>, vector<1x16xf32>,
        %parallel_loop3A_1025 = vector.shape_cast %parallel_loop3A_1024 : vector<1x16xf32> to vector<16xf32>
        %parallel_loop3A_1026 = arith.addf %parallel_loop3A_1019, %parallel_loop3A_1025 : vector<16xf32>
        %parallel_loop3A_1027 = arith.constant 8 : i32
        %parallel_loop3A_1028 = arith.addi %parallel_loop3A_86, %parallel_loop3A_1027 : i32
        %parallel_loop3A_1029 = arith.index_cast %parallel_loop3A_1028 : i32 to index
        %parallel_loop3A_1030 = arith.constant 192 : index
        %parallel_loop3A_1031 = tpu.vector_load %arg5[%parallel_loop3A_1029, %parallel_loop3A_1030] {strides = array<i32>} : memref<160x256xf32, #tpu.memory_space<vmem>>, vector<1x16xf32>,
        %parallel_loop3A_1032 = vector.shape_cast %parallel_loop3A_1031 : vector<1x16xf32> to vector<16xf32>
        %parallel_loop3A_1033 = arith.constant 9 : i32
        %parallel_loop3A_1034 = arith.addi %parallel_loop3A_86, %parallel_loop3A_1033 : i32
        %parallel_loop3A_1035 = arith.index_cast %parallel_loop3A_1034 : i32 to index
        %parallel_loop3A_1036 = arith.constant 192 : index
        %parallel_loop3A_1037 = tpu.vector_load %arg5[%parallel_loop3A_1035, %parallel_loop3A_1036] {strides = array<i32>} : memref<160x256xf32, #tpu.memory_space<vmem>>, vector<1x16xf32>,
        %parallel_loop3A_1038 = vector.shape_cast %parallel_loop3A_1037 : vector<1x16xf32> to vector<16xf32>
        %parallel_loop3A_1039 = arith.addf %parallel_loop3A_1032, %parallel_loop3A_1038 : vector<16xf32>
        %parallel_loop3A_1040 = arith.addf %parallel_loop3A_987, %parallel_loop3A_1000 : vector<16xf32>
        %parallel_loop3A_1041 = arith.addf %parallel_loop3A_1013, %parallel_loop3A_1026 : vector<16xf32>
        %parallel_loop3A_1042 = arith.addf %parallel_loop3A_1040, %parallel_loop3A_1041 : vector<16xf32>
        %parallel_loop3A_1043 = arith.addf %parallel_loop3A_1042, %parallel_loop3A_1039 : vector<16xf32>
        %parallel_loop3A_1044 = arith.index_cast %parallel_loop3A_84 : i32 to index
        %parallel_loop3A_1045 = arith.constant 192 : index
        %parallel_loop3A_1046 = tpu.vector_load %arg7[%parallel_loop3A_1044, %parallel_loop3A_1045] {strides = array<i32>} : memref<16x256xf32, #tpu.memory_space<vmem>>, vector<1x16xf32>,
        %parallel_loop3A_1047 = vector.shape_cast %parallel_loop3A_1046 : vector<1x16xf32> to vector<16xf32>
        %parallel_loop3A_1048 = vector.shape_cast %parallel_loop3A_1043 : vector<16xf32> to vector<1x16xf32>
        tpu.vector_store %arg7[%parallel_loop3A_1044, %parallel_loop3A_1045], %parallel_loop3A_1048 {strides = array<i32>} : memref<16x256xf32, #tpu.memory_space<vmem>>, vector<1x16xf32>,
        %parallel_loop3A_1049 = arith.constant 0 : i32
        %parallel_loop3A_1050 = arith.addi %parallel_loop3A_86, %parallel_loop3A_1049 : i32
        %parallel_loop3A_1051 = arith.index_cast %parallel_loop3A_1050 : i32 to index
        %parallel_loop3A_1052 = arith.constant 208 : index
        %parallel_loop3A_1053 = tpu.vector_load %arg5[%parallel_loop3A_1051, %parallel_loop3A_1052] {strides = array<i32>} : memref<160x256xf32, #tpu.memory_space<vmem>>, vector<1x16xf32>,
        %parallel_loop3A_1054 = vector.shape_cast %parallel_loop3A_1053 : vector<1x16xf32> to vector<16xf32>
        %parallel_loop3A_1055 = arith.constant 1 : i32
        %parallel_loop3A_1056 = arith.addi %parallel_loop3A_86, %parallel_loop3A_1055 : i32
        %parallel_loop3A_1057 = arith.index_cast %parallel_loop3A_1056 : i32 to index
        %parallel_loop3A_1058 = arith.constant 208 : index
        %parallel_loop3A_1059 = tpu.vector_load %arg5[%parallel_loop3A_1057, %parallel_loop3A_1058] {strides = array<i32>} : memref<160x256xf32, #tpu.memory_space<vmem>>, vector<1x16xf32>,
        %parallel_loop3A_1060 = vector.shape_cast %parallel_loop3A_1059 : vector<1x16xf32> to vector<16xf32>
        %parallel_loop3A_1061 = arith.addf %parallel_loop3A_1054, %parallel_loop3A_1060 : vector<16xf32>
        %parallel_loop3A_1062 = arith.constant 2 : i32
        %parallel_loop3A_1063 = arith.addi %parallel_loop3A_86, %parallel_loop3A_1062 : i32
        %parallel_loop3A_1064 = arith.index_cast %parallel_loop3A_1063 : i32 to index
        %parallel_loop3A_1065 = arith.constant 208 : index
        %parallel_loop3A_1066 = tpu.vector_load %arg5[%parallel_loop3A_1064, %parallel_loop3A_1065] {strides = array<i32>} : memref<160x256xf32, #tpu.memory_space<vmem>>, vector<1x16xf32>,
        %parallel_loop3A_1067 = vector.shape_cast %parallel_loop3A_1066 : vector<1x16xf32> to vector<16xf32>
        %parallel_loop3A_1068 = arith.constant 3 : i32
        %parallel_loop3A_1069 = arith.addi %parallel_loop3A_86, %parallel_loop3A_1068 : i32
        %parallel_loop3A_1070 = arith.index_cast %parallel_loop3A_1069 : i32 to index
        %parallel_loop3A_1071 = arith.constant 208 : index
        %parallel_loop3A_1072 = tpu.vector_load %arg5[%parallel_loop3A_1070, %parallel_loop3A_1071] {strides = array<i32>} : memref<160x256xf32, #tpu.memory_space<vmem>>, vector<1x16xf32>,
        %parallel_loop3A_1073 = vector.shape_cast %parallel_loop3A_1072 : vector<1x16xf32> to vector<16xf32>
        %parallel_loop3A_1074 = arith.addf %parallel_loop3A_1067, %parallel_loop3A_1073 : vector<16xf32>
        %parallel_loop3A_1075 = arith.constant 4 : i32
        %parallel_loop3A_1076 = arith.addi %parallel_loop3A_86, %parallel_loop3A_1075 : i32
        %parallel_loop3A_1077 = arith.index_cast %parallel_loop3A_1076 : i32 to index
        %parallel_loop3A_1078 = arith.constant 208 : index
        %parallel_loop3A_1079 = tpu.vector_load %arg5[%parallel_loop3A_1077, %parallel_loop3A_1078] {strides = array<i32>} : memref<160x256xf32, #tpu.memory_space<vmem>>, vector<1x16xf32>,
        %parallel_loop3A_1080 = vector.shape_cast %parallel_loop3A_1079 : vector<1x16xf32> to vector<16xf32>
        %parallel_loop3A_1081 = arith.constant 5 : i32
        %parallel_loop3A_1082 = arith.addi %parallel_loop3A_86, %parallel_loop3A_1081 : i32
        %parallel_loop3A_1083 = arith.index_cast %parallel_loop3A_1082 : i32 to index
        %parallel_loop3A_1084 = arith.constant 208 : index
        %parallel_loop3A_1085 = tpu.vector_load %arg5[%parallel_loop3A_1083, %parallel_loop3A_1084] {strides = array<i32>} : memref<160x256xf32, #tpu.memory_space<vmem>>, vector<1x16xf32>,
        %parallel_loop3A_1086 = vector.shape_cast %parallel_loop3A_1085 : vector<1x16xf32> to vector<16xf32>
        %parallel_loop3A_1087 = arith.addf %parallel_loop3A_1080, %parallel_loop3A_1086 : vector<16xf32>
        %parallel_loop3A_1088 = arith.constant 6 : i32
        %parallel_loop3A_1089 = arith.addi %parallel_loop3A_86, %parallel_loop3A_1088 : i32
        %parallel_loop3A_1090 = arith.index_cast %parallel_loop3A_1089 : i32 to index
        %parallel_loop3A_1091 = arith.constant 208 : index
        %parallel_loop3A_1092 = tpu.vector_load %arg5[%parallel_loop3A_1090, %parallel_loop3A_1091] {strides = array<i32>} : memref<160x256xf32, #tpu.memory_space<vmem>>, vector<1x16xf32>,
        %parallel_loop3A_1093 = vector.shape_cast %parallel_loop3A_1092 : vector<1x16xf32> to vector<16xf32>
        %parallel_loop3A_1094 = arith.constant 7 : i32
        %parallel_loop3A_1095 = arith.addi %parallel_loop3A_86, %parallel_loop3A_1094 : i32
        %parallel_loop3A_1096 = arith.index_cast %parallel_loop3A_1095 : i32 to index
        %parallel_loop3A_1097 = arith.constant 208 : index
        %parallel_loop3A_1098 = tpu.vector_load %arg5[%parallel_loop3A_1096, %parallel_loop3A_1097] {strides = array<i32>} : memref<160x256xf32, #tpu.memory_space<vmem>>, vector<1x16xf32>,
        %parallel_loop3A_1099 = vector.shape_cast %parallel_loop3A_1098 : vector<1x16xf32> to vector<16xf32>
        %parallel_loop3A_1100 = arith.addf %parallel_loop3A_1093, %parallel_loop3A_1099 : vector<16xf32>
        %parallel_loop3A_1101 = arith.constant 8 : i32
        %parallel_loop3A_1102 = arith.addi %parallel_loop3A_86, %parallel_loop3A_1101 : i32
        %parallel_loop3A_1103 = arith.index_cast %parallel_loop3A_1102 : i32 to index
        %parallel_loop3A_1104 = arith.constant 208 : index
        %parallel_loop3A_1105 = tpu.vector_load %arg5[%parallel_loop3A_1103, %parallel_loop3A_1104] {strides = array<i32>} : memref<160x256xf32, #tpu.memory_space<vmem>>, vector<1x16xf32>,
        %parallel_loop3A_1106 = vector.shape_cast %parallel_loop3A_1105 : vector<1x16xf32> to vector<16xf32>
        %parallel_loop3A_1107 = arith.constant 9 : i32
        %parallel_loop3A_1108 = arith.addi %parallel_loop3A_86, %parallel_loop3A_1107 : i32
        %parallel_loop3A_1109 = arith.index_cast %parallel_loop3A_1108 : i32 to index
        %parallel_loop3A_1110 = arith.constant 208 : index
        %parallel_loop3A_1111 = tpu.vector_load %arg5[%parallel_loop3A_1109, %parallel_loop3A_1110] {strides = array<i32>} : memref<160x256xf32, #tpu.memory_space<vmem>>, vector<1x16xf32>,
        %parallel_loop3A_1112 = vector.shape_cast %parallel_loop3A_1111 : vector<1x16xf32> to vector<16xf32>
        %parallel_loop3A_1113 = arith.addf %parallel_loop3A_1106, %parallel_loop3A_1112 : vector<16xf32>
        %parallel_loop3A_1114 = arith.addf %parallel_loop3A_1061, %parallel_loop3A_1074 : vector<16xf32>
        %parallel_loop3A_1115 = arith.addf %parallel_loop3A_1087, %parallel_loop3A_1100 : vector<16xf32>
        %parallel_loop3A_1116 = arith.addf %parallel_loop3A_1114, %parallel_loop3A_1115 : vector<16xf32>
        %parallel_loop3A_1117 = arith.addf %parallel_loop3A_1116, %parallel_loop3A_1113 : vector<16xf32>
        %parallel_loop3A_1118 = arith.index_cast %parallel_loop3A_84 : i32 to index
        %parallel_loop3A_1119 = arith.constant 208 : index
        %parallel_loop3A_1120 = tpu.vector_load %arg7[%parallel_loop3A_1118, %parallel_loop3A_1119] {strides = array<i32>} : memref<16x256xf32, #tpu.memory_space<vmem>>, vector<1x16xf32>,
        %parallel_loop3A_1121 = vector.shape_cast %parallel_loop3A_1120 : vector<1x16xf32> to vector<16xf32>
        %parallel_loop3A_1122 = vector.shape_cast %parallel_loop3A_1117 : vector<16xf32> to vector<1x16xf32>
        tpu.vector_store %arg7[%parallel_loop3A_1118, %parallel_loop3A_1119], %parallel_loop3A_1122 {strides = array<i32>} : memref<16x256xf32, #tpu.memory_space<vmem>>, vector<1x16xf32>,
        %parallel_loop3A_1123 = arith.constant 0 : i32
        %parallel_loop3A_1124 = arith.addi %parallel_loop3A_86, %parallel_loop3A_1123 : i32
        %parallel_loop3A_1125 = arith.index_cast %parallel_loop3A_1124 : i32 to index
        %parallel_loop3A_1126 = arith.constant 224 : index
        %parallel_loop3A_1127 = tpu.vector_load %arg5[%parallel_loop3A_1125, %parallel_loop3A_1126] {strides = array<i32>} : memref<160x256xf32, #tpu.memory_space<vmem>>, vector<1x16xf32>,
        %parallel_loop3A_1128 = vector.shape_cast %parallel_loop3A_1127 : vector<1x16xf32> to vector<16xf32>
        %parallel_loop3A_1129 = arith.constant 1 : i32
        %parallel_loop3A_1130 = arith.addi %parallel_loop3A_86, %parallel_loop3A_1129 : i32
        %parallel_loop3A_1131 = arith.index_cast %parallel_loop3A_1130 : i32 to index
        %parallel_loop3A_1132 = arith.constant 224 : index
        %parallel_loop3A_1133 = tpu.vector_load %arg5[%parallel_loop3A_1131, %parallel_loop3A_1132] {strides = array<i32>} : memref<160x256xf32, #tpu.memory_space<vmem>>, vector<1x16xf32>,
        %parallel_loop3A_1134 = vector.shape_cast %parallel_loop3A_1133 : vector<1x16xf32> to vector<16xf32>
        %parallel_loop3A_1135 = arith.addf %parallel_loop3A_1128, %parallel_loop3A_1134 : vector<16xf32>
        %parallel_loop3A_1136 = arith.constant 2 : i32
        %parallel_loop3A_1137 = arith.addi %parallel_loop3A_86, %parallel_loop3A_1136 : i32
        %parallel_loop3A_1138 = arith.index_cast %parallel_loop3A_1137 : i32 to index
        %parallel_loop3A_1139 = arith.constant 224 : index
        %parallel_loop3A_1140 = tpu.vector_load %arg5[%parallel_loop3A_1138, %parallel_loop3A_1139] {strides = array<i32>} : memref<160x256xf32, #tpu.memory_space<vmem>>, vector<1x16xf32>,
        %parallel_loop3A_1141 = vector.shape_cast %parallel_loop3A_1140 : vector<1x16xf32> to vector<16xf32>
        %parallel_loop3A_1142 = arith.constant 3 : i32
        %parallel_loop3A_1143 = arith.addi %parallel_loop3A_86, %parallel_loop3A_1142 : i32
        %parallel_loop3A_1144 = arith.index_cast %parallel_loop3A_1143 : i32 to index
        %parallel_loop3A_1145 = arith.constant 224 : index
        %parallel_loop3A_1146 = tpu.vector_load %arg5[%parallel_loop3A_1144, %parallel_loop3A_1145] {strides = array<i32>} : memref<160x256xf32, #tpu.memory_space<vmem>>, vector<1x16xf32>,
        %parallel_loop3A_1147 = vector.shape_cast %parallel_loop3A_1146 : vector<1x16xf32> to vector<16xf32>
        %parallel_loop3A_1148 = arith.addf %parallel_loop3A_1141, %parallel_loop3A_1147 : vector<16xf32>
        %parallel_loop3A_1149 = arith.constant 4 : i32
        %parallel_loop3A_1150 = arith.addi %parallel_loop3A_86, %parallel_loop3A_1149 : i32
        %parallel_loop3A_1151 = arith.index_cast %parallel_loop3A_1150 : i32 to index
        %parallel_loop3A_1152 = arith.constant 224 : index
        %parallel_loop3A_1153 = tpu.vector_load %arg5[%parallel_loop3A_1151, %parallel_loop3A_1152] {strides = array<i32>} : memref<160x256xf32, #tpu.memory_space<vmem>>, vector<1x16xf32>,
        %parallel_loop3A_1154 = vector.shape_cast %parallel_loop3A_1153 : vector<1x16xf32> to vector<16xf32>
        %parallel_loop3A_1155 = arith.constant 5 : i32
        %parallel_loop3A_1156 = arith.addi %parallel_loop3A_86, %parallel_loop3A_1155 : i32
        %parallel_loop3A_1157 = arith.index_cast %parallel_loop3A_1156 : i32 to index
        %parallel_loop3A_1158 = arith.constant 224 : index
        %parallel_loop3A_1159 = tpu.vector_load %arg5[%parallel_loop3A_1157, %parallel_loop3A_1158] {strides = array<i32>} : memref<160x256xf32, #tpu.memory_space<vmem>>, vector<1x16xf32>,
        %parallel_loop3A_1160 = vector.shape_cast %parallel_loop3A_1159 : vector<1x16xf32> to vector<16xf32>
        %parallel_loop3A_1161 = arith.addf %parallel_loop3A_1154, %parallel_loop3A_1160 : vector<16xf32>
        %parallel_loop3A_1162 = arith.constant 6 : i32
        %parallel_loop3A_1163 = arith.addi %parallel_loop3A_86, %parallel_loop3A_1162 : i32
        %parallel_loop3A_1164 = arith.index_cast %parallel_loop3A_1163 : i32 to index
        %parallel_loop3A_1165 = arith.constant 224 : index
        %parallel_loop3A_1166 = tpu.vector_load %arg5[%parallel_loop3A_1164, %parallel_loop3A_1165] {strides = array<i32>} : memref<160x256xf32, #tpu.memory_space<vmem>>, vector<1x16xf32>,
        %parallel_loop3A_1167 = vector.shape_cast %parallel_loop3A_1166 : vector<1x16xf32> to vector<16xf32>
        %parallel_loop3A_1168 = arith.constant 7 : i32
        %parallel_loop3A_1169 = arith.addi %parallel_loop3A_86, %parallel_loop3A_1168 : i32
        %parallel_loop3A_1170 = arith.index_cast %parallel_loop3A_1169 : i32 to index
        %parallel_loop3A_1171 = arith.constant 224 : index
        %parallel_loop3A_1172 = tpu.vector_load %arg5[%parallel_loop3A_1170, %parallel_loop3A_1171] {strides = array<i32>} : memref<160x256xf32, #tpu.memory_space<vmem>>, vector<1x16xf32>,
        %parallel_loop3A_1173 = vector.shape_cast %parallel_loop3A_1172 : vector<1x16xf32> to vector<16xf32>
        %parallel_loop3A_1174 = arith.addf %parallel_loop3A_1167, %parallel_loop3A_1173 : vector<16xf32>
        %parallel_loop3A_1175 = arith.constant 8 : i32
        %parallel_loop3A_1176 = arith.addi %parallel_loop3A_86, %parallel_loop3A_1175 : i32
        %parallel_loop3A_1177 = arith.index_cast %parallel_loop3A_1176 : i32 to index
        %parallel_loop3A_1178 = arith.constant 224 : index
        %parallel_loop3A_1179 = tpu.vector_load %arg5[%parallel_loop3A_1177, %parallel_loop3A_1178] {strides = array<i32>} : memref<160x256xf32, #tpu.memory_space<vmem>>, vector<1x16xf32>,
        %parallel_loop3A_1180 = vector.shape_cast %parallel_loop3A_1179 : vector<1x16xf32> to vector<16xf32>
        %parallel_loop3A_1181 = arith.constant 9 : i32
        %parallel_loop3A_1182 = arith.addi %parallel_loop3A_86, %parallel_loop3A_1181 : i32
        %parallel_loop3A_1183 = arith.index_cast %parallel_loop3A_1182 : i32 to index
        %parallel_loop3A_1184 = arith.constant 224 : index
        %parallel_loop3A_1185 = tpu.vector_load %arg5[%parallel_loop3A_1183, %parallel_loop3A_1184] {strides = array<i32>} : memref<160x256xf32, #tpu.memory_space<vmem>>, vector<1x16xf32>,
        %parallel_loop3A_1186 = vector.shape_cast %parallel_loop3A_1185 : vector<1x16xf32> to vector<16xf32>
        %parallel_loop3A_1187 = arith.addf %parallel_loop3A_1180, %parallel_loop3A_1186 : vector<16xf32>
        %parallel_loop3A_1188 = arith.addf %parallel_loop3A_1135, %parallel_loop3A_1148 : vector<16xf32>
        %parallel_loop3A_1189 = arith.addf %parallel_loop3A_1161, %parallel_loop3A_1174 : vector<16xf32>
        %parallel_loop3A_1190 = arith.addf %parallel_loop3A_1188, %parallel_loop3A_1189 : vector<16xf32>
        %parallel_loop3A_1191 = arith.addf %parallel_loop3A_1190, %parallel_loop3A_1187 : vector<16xf32>
        %parallel_loop3A_1192 = arith.index_cast %parallel_loop3A_84 : i32 to index
        %parallel_loop3A_1193 = arith.constant 224 : index
        %parallel_loop3A_1194 = tpu.vector_load %arg7[%parallel_loop3A_1192, %parallel_loop3A_1193] {strides = array<i32>} : memref<16x256xf32, #tpu.memory_space<vmem>>, vector<1x16xf32>,
        %parallel_loop3A_1195 = vector.shape_cast %parallel_loop3A_1194 : vector<1x16xf32> to vector<16xf32>
        %parallel_loop3A_1196 = vector.shape_cast %parallel_loop3A_1191 : vector<16xf32> to vector<1x16xf32>
        tpu.vector_store %arg7[%parallel_loop3A_1192, %parallel_loop3A_1193], %parallel_loop3A_1196 {strides = array<i32>} : memref<16x256xf32, #tpu.memory_space<vmem>>, vector<1x16xf32>,
        %parallel_loop3A_1197 = arith.constant 0 : i32
        %parallel_loop3A_1198 = arith.addi %parallel_loop3A_86, %parallel_loop3A_1197 : i32
        %parallel_loop3A_1199 = arith.index_cast %parallel_loop3A_1198 : i32 to index
        %parallel_loop3A_1200 = arith.constant 240 : index
        %parallel_loop3A_1201 = tpu.vector_load %arg5[%parallel_loop3A_1199, %parallel_loop3A_1200] {strides = array<i32>} : memref<160x256xf32, #tpu.memory_space<vmem>>, vector<1x16xf32>,
        %parallel_loop3A_1202 = vector.shape_cast %parallel_loop3A_1201 : vector<1x16xf32> to vector<16xf32>
        %parallel_loop3A_1203 = arith.constant 1 : i32
        %parallel_loop3A_1204 = arith.addi %parallel_loop3A_86, %parallel_loop3A_1203 : i32
        %parallel_loop3A_1205 = arith.index_cast %parallel_loop3A_1204 : i32 to index
        %parallel_loop3A_1206 = arith.constant 240 : index
        %parallel_loop3A_1207 = tpu.vector_load %arg5[%parallel_loop3A_1205, %parallel_loop3A_1206] {strides = array<i32>} : memref<160x256xf32, #tpu.memory_space<vmem>>, vector<1x16xf32>,
        %parallel_loop3A_1208 = vector.shape_cast %parallel_loop3A_1207 : vector<1x16xf32> to vector<16xf32>
        %parallel_loop3A_1209 = arith.addf %parallel_loop3A_1202, %parallel_loop3A_1208 : vector<16xf32>
        %parallel_loop3A_1210 = arith.constant 2 : i32
        %parallel_loop3A_1211 = arith.addi %parallel_loop3A_86, %parallel_loop3A_1210 : i32
        %parallel_loop3A_1212 = arith.index_cast %parallel_loop3A_1211 : i32 to index
        %parallel_loop3A_1213 = arith.constant 240 : index
        %parallel_loop3A_1214 = tpu.vector_load %arg5[%parallel_loop3A_1212, %parallel_loop3A_1213] {strides = array<i32>} : memref<160x256xf32, #tpu.memory_space<vmem>>, vector<1x16xf32>,
        %parallel_loop3A_1215 = vector.shape_cast %parallel_loop3A_1214 : vector<1x16xf32> to vector<16xf32>
        %parallel_loop3A_1216 = arith.constant 3 : i32
        %parallel_loop3A_1217 = arith.addi %parallel_loop3A_86, %parallel_loop3A_1216 : i32
        %parallel_loop3A_1218 = arith.index_cast %parallel_loop3A_1217 : i32 to index
        %parallel_loop3A_1219 = arith.constant 240 : index
        %parallel_loop3A_1220 = tpu.vector_load %arg5[%parallel_loop3A_1218, %parallel_loop3A_1219] {strides = array<i32>} : memref<160x256xf32, #tpu.memory_space<vmem>>, vector<1x16xf32>,
        %parallel_loop3A_1221 = vector.shape_cast %parallel_loop3A_1220 : vector<1x16xf32> to vector<16xf32>
        %parallel_loop3A_1222 = arith.addf %parallel_loop3A_1215, %parallel_loop3A_1221 : vector<16xf32>
        %parallel_loop3A_1223 = arith.constant 4 : i32
        %parallel_loop3A_1224 = arith.addi %parallel_loop3A_86, %parallel_loop3A_1223 : i32
        %parallel_loop3A_1225 = arith.index_cast %parallel_loop3A_1224 : i32 to index
        %parallel_loop3A_1226 = arith.constant 240 : index
        %parallel_loop3A_1227 = tpu.vector_load %arg5[%parallel_loop3A_1225, %parallel_loop3A_1226] {strides = array<i32>} : memref<160x256xf32, #tpu.memory_space<vmem>>, vector<1x16xf32>,
        %parallel_loop3A_1228 = vector.shape_cast %parallel_loop3A_1227 : vector<1x16xf32> to vector<16xf32>
        %parallel_loop3A_1229 = arith.constant 5 : i32
        %parallel_loop3A_1230 = arith.addi %parallel_loop3A_86, %parallel_loop3A_1229 : i32
        %parallel_loop3A_1231 = arith.index_cast %parallel_loop3A_1230 : i32 to index
        %parallel_loop3A_1232 = arith.constant 240 : index
        %parallel_loop3A_1233 = tpu.vector_load %arg5[%parallel_loop3A_1231, %parallel_loop3A_1232] {strides = array<i32>} : memref<160x256xf32, #tpu.memory_space<vmem>>, vector<1x16xf32>,
        %parallel_loop3A_1234 = vector.shape_cast %parallel_loop3A_1233 : vector<1x16xf32> to vector<16xf32>
        %parallel_loop3A_1235 = arith.addf %parallel_loop3A_1228, %parallel_loop3A_1234 : vector<16xf32>
        %parallel_loop3A_1236 = arith.constant 6 : i32
        %parallel_loop3A_1237 = arith.addi %parallel_loop3A_86, %parallel_loop3A_1236 : i32
        %parallel_loop3A_1238 = arith.index_cast %parallel_loop3A_1237 : i32 to index
        %parallel_loop3A_1239 = arith.constant 240 : index
        %parallel_loop3A_1240 = tpu.vector_load %arg5[%parallel_loop3A_1238, %parallel_loop3A_1239] {strides = array<i32>} : memref<160x256xf32, #tpu.memory_space<vmem>>, vector<1x16xf32>,
        %parallel_loop3A_1241 = vector.shape_cast %parallel_loop3A_1240 : vector<1x16xf32> to vector<16xf32>
        %parallel_loop3A_1242 = arith.constant 7 : i32
        %parallel_loop3A_1243 = arith.addi %parallel_loop3A_86, %parallel_loop3A_1242 : i32
        %parallel_loop3A_1244 = arith.index_cast %parallel_loop3A_1243 : i32 to index
        %parallel_loop3A_1245 = arith.constant 240 : index
        %parallel_loop3A_1246 = tpu.vector_load %arg5[%parallel_loop3A_1244, %parallel_loop3A_1245] {strides = array<i32>} : memref<160x256xf32, #tpu.memory_space<vmem>>, vector<1x16xf32>,
        %parallel_loop3A_1247 = vector.shape_cast %parallel_loop3A_1246 : vector<1x16xf32> to vector<16xf32>
        %parallel_loop3A_1248 = arith.addf %parallel_loop3A_1241, %parallel_loop3A_1247 : vector<16xf32>
        %parallel_loop3A_1249 = arith.constant 8 : i32
        %parallel_loop3A_1250 = arith.addi %parallel_loop3A_86, %parallel_loop3A_1249 : i32
        %parallel_loop3A_1251 = arith.index_cast %parallel_loop3A_1250 : i32 to index
        %parallel_loop3A_1252 = arith.constant 240 : index
        %parallel_loop3A_1253 = tpu.vector_load %arg5[%parallel_loop3A_1251, %parallel_loop3A_1252] {strides = array<i32>} : memref<160x256xf32, #tpu.memory_space<vmem>>, vector<1x16xf32>,
        %parallel_loop3A_1254 = vector.shape_cast %parallel_loop3A_1253 : vector<1x16xf32> to vector<16xf32>
        %parallel_loop3A_1255 = arith.constant 9 : i32
        %parallel_loop3A_1256 = arith.addi %parallel_loop3A_86, %parallel_loop3A_1255 : i32
        %parallel_loop3A_1257 = arith.index_cast %parallel_loop3A_1256 : i32 to index
        %parallel_loop3A_1258 = arith.constant 240 : index
        %parallel_loop3A_1259 = tpu.vector_load %arg5[%parallel_loop3A_1257, %parallel_loop3A_1258] {strides = array<i32>} : memref<160x256xf32, #tpu.memory_space<vmem>>, vector<1x16xf32>,
        %parallel_loop3A_1260 = vector.shape_cast %parallel_loop3A_1259 : vector<1x16xf32> to vector<16xf32>
        %parallel_loop3A_1261 = arith.addf %parallel_loop3A_1254, %parallel_loop3A_1260 : vector<16xf32>
        %parallel_loop3A_1262 = arith.addf %parallel_loop3A_1209, %parallel_loop3A_1222 : vector<16xf32>
        %parallel_loop3A_1263 = arith.addf %parallel_loop3A_1235, %parallel_loop3A_1248 : vector<16xf32>
        %parallel_loop3A_1264 = arith.addf %parallel_loop3A_1262, %parallel_loop3A_1263 : vector<16xf32>
        %parallel_loop3A_1265 = arith.addf %parallel_loop3A_1264, %parallel_loop3A_1261 : vector<16xf32>
        %parallel_loop3A_1266 = arith.index_cast %parallel_loop3A_84 : i32 to index
        %parallel_loop3A_1267 = arith.constant 240 : index
        %parallel_loop3A_1268 = tpu.vector_load %arg7[%parallel_loop3A_1266, %parallel_loop3A_1267] {strides = array<i32>} : memref<16x256xf32, #tpu.memory_space<vmem>>, vector<1x16xf32>,
        %parallel_loop3A_1269 = vector.shape_cast %parallel_loop3A_1268 : vector<1x16xf32> to vector<16xf32>
        %parallel_loop3A_1270 = vector.shape_cast %parallel_loop3A_1265 : vector<16xf32> to vector<1x16xf32>
        tpu.vector_store %arg7[%parallel_loop3A_1266, %parallel_loop3A_1267], %parallel_loop3A_1270 {strides = array<i32>} : memref<16x256xf32, #tpu.memory_space<vmem>>, vector<1x16xf32>,
      } {sc.loop_unroll_factor = 4 : i64, sc.parallel_access}
      %mul3A_70 = arith.constant 16 : i32
      %mul3A_71 = arith.muli %add3A_57, %mul3A_70 : i32
      %add3A_72 = arith.addi %mul3A_4, %mul3A_71 : i32
      %dma_start3A_73 = arith.constant 0 : i32
      %dma_start3A_74 = tpu.memref_slice %arg3[%add3A_72, %dma_start3A_73] : memref<20480x256xf32, #tpu.memory_space<hbm>> -> memref<16x256xf32, #tpu.memory_space<hbm>>
      %dma_start3A_75 = arith.constant 0 : i32
      %dma_start3A_76 = tpu.memref_slice %arg3[%add3A_72, %dma_start3A_75] : memref<20480x256xf32, #tpu.memory_space<hbm>> -> memref<16x256xf32, #tpu.memory_space<hbm>>
      tpu.enqueue_dma source(%arg7 : memref<16x256xf32, #tpu.memory_space<vmem>>) target(%dma_start3A_76 : memref<16x256xf32, #tpu.memory_space<hbm>>) target_semaphore(%arg11 : memref<!tpu.dma_semaphore, #tpu.memory_space<semaphore_mem>>)
      %add3A_77 = arith.constant 2 : i32
      %add3A_78 = arith.addi %add3A_57, %add3A_77 : i32
      %lt3A_79 = arith.constant 40 : i32
      %lt3A_80 = arith.cmpi slt, %add3A_78, %lt3A_79 : i32
      %convert_element_type3A_81 = arith.extui %lt3A_80 : i1 to i32
      %cond3A_82 = arith.constant 0 : i32
      %cond3A_83 = arith.cmpi ne, %convert_element_type3A_81, %cond3A_82 : i32
      scf.if %cond3A_83 {
        %add3A_84 = arith.constant 2 : i32
        %add3A_85 = arith.addi %add3A_57, %add3A_84 : i32
        %mul3A_86 = arith.constant 16 : i32
        %mul3A_87 = arith.muli %add3A_85, %mul3A_86 : i32
        %mul3A_88 = arith.constant 10 : i32
        %mul3A_89 = arith.muli %mul3A_87, %mul3A_88 : i32
        %add3A_90 = arith.addi %mul3A_2, %mul3A_89 : i32
        %dma_start3A_91 = arith.constant 0 : i32
        %dma_start3A_92 = tpu.memref_slice %arg2[%add3A_90, %dma_start3A_91] : memref<204800x256xf32, #tpu.memory_space<hbm>> -> memref<160x256xf32, #tpu.memory_space<hbm>>
        %dma_start3A_93 = arith.constant 0 : i32
        %dma_start3A_94 = tpu.memref_slice %arg2[%add3A_90, %dma_start3A_93] : memref<204800x256xf32, #tpu.memory_space<hbm>> -> memref<160x256xf32, #tpu.memory_space<hbm>>
        tpu.enqueue_dma source(%dma_start3A_94 : memref<160x256xf32, #tpu.memory_space<hbm>>) target(%arg5 : memref<160x256xf32, #tpu.memory_space<vmem>>) target_semaphore(%arg9 : memref<!tpu.dma_semaphore, #tpu.memory_space<semaphore_mem>>)
      } else {
      }
    }
    %scan3A_20 = arith.constant 20 : i32
    %dma_wait3A = arith.constant 0 : i32
    %dma_wait3A_21 = tpu.memref_slice %arg3[%mul3A_4, %dma_wait3A] : memref<20480x256xf32, #tpu.memory_space<hbm>> -> memref<16x256xf32, #tpu.memory_space<hbm>>
    %dma_wait3A_22 = arith.constant 0 : i32
    %dma_wait3A_23 = tpu.memref_slice %arg3[%mul3A_4, %dma_wait3A_22] : memref<20480x256xf32, #tpu.memory_space<hbm>> -> memref<16x256xf32, #tpu.memory_space<hbm>>
    tpu.wait_dma2 semaphore(%arg10 : memref<!tpu.dma_semaphore, #tpu.memory_space<semaphore_mem>>) src(%arg6 : memref<16x256xf32, #tpu.memory_space<vmem>>) dst(%dma_wait3A_23 : memref<16x256xf32, #tpu.memory_space<hbm>>)
    %dma_wait3A_24 = arith.constant 0 : i32
    %dma_wait3A_25 = tpu.memref_slice %arg3[%mul3A_4, %dma_wait3A_24] : memref<20480x256xf32, #tpu.memory_space<hbm>> -> memref<16x256xf32, #tpu.memory_space<hbm>>
    %dma_wait3A_26 = arith.constant 0 : i32
    %dma_wait3A_27 = tpu.memref_slice %arg3[%mul3A_4, %dma_wait3A_26] : memref<20480x256xf32, #tpu.memory_space<hbm>> -> memref<16x256xf32, #tpu.memory_space<hbm>>
    tpu.wait_dma2 semaphore(%arg11 : memref<!tpu.dma_semaphore, #tpu.memory_space<semaphore_mem>>) src(%arg7 : memref<16x256xf32, #tpu.memory_space<vmem>>) dst(%dma_wait3A_27 : memref<16x256xf32, #tpu.memory_space<hbm>>)
    return
  }
}

module attributes {stable_mosaic.version = 14 : i64} {
  func.func @_tc_sage_kernel(%arg0: i32, %arg1: memref<128x256xf32, #tpu.memory_space<vmem>>, %arg2: memref<1280x256xf32, #tpu.memory_space<vmem>>, %arg3: memref<1280x256xf32, #tpu.memory_space<vmem>>, %arg4: memref<512x256xf32, #tpu.memory_space<vmem>>, %arg5: memref<512x256xf32, #tpu.memory_space<vmem>>, %arg6: memref<128x1280xf32, #tpu.memory_space<vmem>>, %arg7: memref<128x256xf32, #tpu.memory_space<vmem>>) attributes {dimension_semantics = [#tpu.dimension_semantics<arbitrary>], iteration_bounds = array<i64: 16>, scalar_prefetch = 0 : i64, scratch_operands = 0 : i64, tpu.core_type = #tpu.core_type<tc>, window_params = [{transform_indices = @transform_0, window_bounds = array<i64: 128, 256>}, {transform_indices = @transform_1, window_bounds = array<i64: 1280, 256>}, {transform_indices = @transform_2, window_bounds = array<i64: 1280, 256>}, {pipeline_mode = #tpu.pipeline_mode<synchronous>, transform_indices = @transform_3, window_bounds = array<i64: 512, 256>}, {pipeline_mode = #tpu.pipeline_mode<synchronous>, transform_indices = @transform_4, window_bounds = array<i64: 512, 256>}, {pipeline_mode = #tpu.pipeline_mode<synchronous>, transform_indices = @transform_5, window_bounds = array<i64: 128, 1280>}, {transform_indices = @transform_6, window_bounds = array<i64: 128, 256>}]} {
    %get3A = arith.constant 0 : index
    %get3A_0 = arith.constant 0 : index
    %get3A_1 = vector.load %arg2[%get3A, %get3A_0] : memref<1280x256xf32, #tpu.memory_space<vmem>>, vector<1280x256xf32>
    %get3A_2 = arith.constant 0 : index
    %get3A_3 = arith.constant 0 : index
    %get3A_4 = vector.load %arg3[%get3A_2, %get3A_3] : memref<1280x256xf32, #tpu.memory_space<vmem>>, vector<1280x256xf32>
    %concatenate3A = tpu.concatenate %get3A_1, %get3A_4 in 1 : vector<1280x256xf32>, vector<1280x256xf32> -> vector<1280x512xf32>
    %get3A_5 = arith.constant 0 : index
    %get3A_6 = arith.constant 0 : index
    %get3A_7 = vector.load %arg4[%get3A_5, %get3A_6] : memref<512x256xf32, #tpu.memory_space<vmem>>, vector<512x256xf32>
    %dot_general3A = arith.constant dense<0.000000e+00> : vector<1280x256xf32>
    %dot_general3A_8 = tpu.matmul %concatenate3A, %get3A_7, %dot_general3A {dimension_numbers = #tpu.dot_dimension_numbers<[1], [0], [0], [1], [0, 0, 1, 1], [], []>, transpose_lhs_hint = false} : vector<1280x512xf32>, vector<512x256xf32>, vector<1280x256xf32> -> vector<1280x256xf32>
    %max3A = arith.constant 0.000000e+00 : f32
    %max3A_9 = vector.broadcast %max3A : f32 to vector<1280x256xf32>
    %max3A_10 = arith.maximumf %dot_general3A_8, %max3A_9 : vector<1280x256xf32>
    %get3A_11 = arith.constant 0 : index
    %get3A_12 = arith.constant 0 : index
    %get3A_13 = vector.load %arg6[%get3A_11, %get3A_12] : memref<128x1280xf32, #tpu.memory_space<vmem>>, vector<128x1280xf32>
    %get3A_14 = arith.constant 0 : index
    %get3A_15 = arith.constant 0 : index
    %get3A_16 = vector.load %arg2[%get3A_14, %get3A_15] : memref<1280x256xf32, #tpu.memory_space<vmem>>, vector<1280x256xf32>
    %dot_general3A_17 = arith.constant dense<0.000000e+00> : vector<128x256xf32>
    %dot_general3A_18 = tpu.matmul %get3A_13, %get3A_16, %dot_general3A_17 {dimension_numbers = #tpu.dot_dimension_numbers<[1], [0], [0], [1], [0, 0, 1, 1], [], []>, transpose_lhs_hint = false} : vector<128x1280xf32>, vector<1280x256xf32>, vector<128x256xf32> -> vector<128x256xf32>
    %get3A_19 = arith.constant 0 : index
    %get3A_20 = arith.constant 0 : index
    %get3A_21 = vector.load %arg1[%get3A_19, %get3A_20] : memref<128x256xf32, #tpu.memory_space<vmem>>, vector<128x256xf32>
    %concatenate3A_22 = tpu.concatenate %get3A_21, %dot_general3A_18 in 1 : vector<128x256xf32>, vector<128x256xf32> -> vector<128x512xf32>
    %get3A_23 = arith.constant 0 : index
    %get3A_24 = arith.constant 0 : index
    %get3A_25 = vector.load %arg4[%get3A_23, %get3A_24] : memref<512x256xf32, #tpu.memory_space<vmem>>, vector<512x256xf32>
    %dot_general3A_26 = arith.constant dense<0.000000e+00> : vector<128x256xf32>
    %dot_general3A_27 = tpu.matmul %concatenate3A_22, %get3A_25, %dot_general3A_26 {dimension_numbers = #tpu.dot_dimension_numbers<[1], [0], [0], [1], [0, 0, 1, 1], [], []>, transpose_lhs_hint = false} : vector<128x512xf32>, vector<512x256xf32>, vector<128x256xf32> -> vector<128x256xf32>
    %max3A_28 = arith.constant 0.000000e+00 : f32
    %max3A_29 = vector.broadcast %max3A_28 : f32 to vector<128x256xf32>
    %max3A_30 = arith.maximumf %dot_general3A_27, %max3A_29 : vector<128x256xf32>
    %get3A_31 = arith.constant 0 : index
    %get3A_32 = arith.constant 0 : index
    %get3A_33 = vector.load %arg6[%get3A_31, %get3A_32] : memref<128x1280xf32, #tpu.memory_space<vmem>>, vector<128x1280xf32>
    %dot_general3A_34 = arith.constant dense<0.000000e+00> : vector<128x256xf32>
    %dot_general3A_35 = tpu.matmul %get3A_33, %max3A_10, %dot_general3A_34 {dimension_numbers = #tpu.dot_dimension_numbers<[1], [0], [0], [1], [0, 0, 1, 1], [], []>, transpose_lhs_hint = false} : vector<128x1280xf32>, vector<1280x256xf32>, vector<128x256xf32> -> vector<128x256xf32>
    %concatenate3A_36 = tpu.concatenate %max3A_30, %dot_general3A_35 in 1 : vector<128x256xf32>, vector<128x256xf32> -> vector<128x512xf32>
    %get3A_37 = arith.constant 0 : index
    %get3A_38 = arith.constant 0 : index
    %get3A_39 = vector.load %arg5[%get3A_37, %get3A_38] : memref<512x256xf32, #tpu.memory_space<vmem>>, vector<512x256xf32>
    %dot_general3A_40 = arith.constant dense<0.000000e+00> : vector<128x256xf32>
    %dot_general3A_41 = tpu.matmul %concatenate3A_36, %get3A_39, %dot_general3A_40 {dimension_numbers = #tpu.dot_dimension_numbers<[1], [0], [0], [1], [0, 0, 1, 1], [], []>, transpose_lhs_hint = false} : vector<128x512xf32>, vector<512x256xf32>, vector<128x256xf32> -> vector<128x256xf32>
    %swap3A = arith.constant 0 : index
    %swap3A_42 = arith.constant 0 : index
    %swap3A_43 = vector.load %arg7[%swap3A, %swap3A_42] : memref<128x256xf32, #tpu.memory_space<vmem>>, vector<128x256xf32>
    tpu.vector_store %arg7[%swap3A, %swap3A_42], %dot_general3A_41 {strides = array<i32>} : memref<128x256xf32, #tpu.memory_space<vmem>>, vector<128x256xf32>,
    return
  }
  func.func @transform_0(%arg0: i32) -> (i32, i32) {
    %c0_i32 = arith.constant 0 : i32
    %c0_i32_0 = arith.constant 0 : i32
    return %arg0, %c0_i32 : i32, i32
  }
  func.func @transform_1(%arg0: i32) -> (i32, i32) {
    %c0_i32 = arith.constant 0 : i32
    %c0_i32_0 = arith.constant 0 : i32
    return %arg0, %c0_i32 : i32, i32
  }
  func.func @transform_2(%arg0: i32) -> (i32, i32) {
    %c0_i32 = arith.constant 0 : i32
    %c0_i32_0 = arith.constant 0 : i32
    return %arg0, %c0_i32 : i32, i32
  }
  func.func @transform_3(%arg0: i32) -> (i32, i32) {
    %c0_i32 = arith.constant 0 : i32
    %c0_i32_0 = arith.constant 0 : i32
    %c0_i32_1 = arith.constant 0 : i32
    return %c0_i32, %c0_i32_0 : i32, i32
  }
  func.func @transform_4(%arg0: i32) -> (i32, i32) {
    %c0_i32 = arith.constant 0 : i32
    %c0_i32_0 = arith.constant 0 : i32
    %c0_i32_1 = arith.constant 0 : i32
    return %c0_i32, %c0_i32_0 : i32, i32
  }
  func.func @transform_5(%arg0: i32) -> (i32, i32) {
    %c0_i32 = arith.constant 0 : i32
    %c0_i32_0 = arith.constant 0 : i32
    %c0_i32_1 = arith.constant 0 : i32
    return %c0_i32, %c0_i32_0 : i32, i32
  }
  func.func @transform_6(%arg0: i32) -> (i32, i32) {
    %c0_i32 = arith.constant 0 : i32
    %c0_i32_0 = arith.constant 0 : i32
    return %arg0, %c0_i32 : i32, i32
  }
}

</mosaic_0001>

<sc_bundles>
// kernel: kernel.4.cloned.1.call-start
scs
__scs_entry_jumppad:
0x0: {  	(pc) =	sbr.rel $0x88, $3  }
0x1: {  	(tag) =	ssettag $0x0;
	lr =	simm.s32 $0x1  }
0x2: {  	[smem:$0x3F9A] =	sst lr;
	_ =	strace $0xD0000000  }
0x3: {  	_ = 	snop  }
0x4: {  	_ = 	snop  }
0x5: {  	_ = 	snop  }
0x6: {  	_ = 	snop  }
0x7: {  	_ = 	snop  }
__scs_overlays_trampoline_lowered:
0x8: {  	[smem:$0x3FA9] =	sst s0  }
0x9: {  	[smem:$0x3FAA] =	sst s1  }
0xa: {  	[smem:$0x3FAB] =	sst s2  }
0xb: {  	[smem:$0x3FAC] =	sst s3  }
0xc: {  	[smem:$0x3FAD] =	sst s4  }
0xd: {  	[smem:$0x3FAE] =	sst s5  }
0xe: {  	[smem:$0x3FAF] =	sst s6  }
0xf: {  	[smem:$0x3FB0] =	sst s7  }
0x10: {  	[smem:$0x3FB1] =	sst s8  }
0x11: {  	[smem:$0x3FB2] =	sst s9;
	s0 =	simm.s32 @!p0 $0x0  }
0x12: {  	s1 =	sld [smem:$0x3F98];
	s0 =	simm.s32 @p0 $0x1  }
0x13: {  	[smem:$0x3FB3] =	sst s0;
	s0 =	simm.s32 @!p1 $0x0  }
0x14: {  	s2 =	sld [smem:$0x3F97];
	s0 =	simm.s32 @p1 $0x1  }
0x15: {  	[smem:$0x3FB4] =	sst s0;
	s0 =	simm.s32 @!p2 $0x0  }
0x16: {  	s3 =	sld [smem:$0x3FDB];
	s0 =	simm.s32 @p2 $0x1  }
0x17: {  	s4 =	simm.s32 $0x1BF5;
	[smem:$0x3FB6] =	sst s0  }
0x18: {  	s0 =	sld [smem:$0x3F99];
	_ =	swait.ge [sflag:s4], $0x0  }
0x19: {  	s7 =	sld [smem:$0x3F9A]  }
0x1a: {  	s8 =	sadd.s32 $0xFFFFE003, lr  }
0x1b: {  	s9 =	sadd.s32 $0xFFFFFEF7, lr;
	s5 =	simm.s32 $0xFFFFFFFF;
	p2 =	slt.u32 s8, $0xFFFFF086  }
0x1c: {  	p1 =	slt.u32 s9, $0xF7A;
	s5 =	simm.s32 @!p2 $0x0  }
0x1d: {  	s5 =	simm.s32 @p1 $0x1;
	p0 =	seq.s32 s7, s2  }
0x1e: {  	s7 =	smul.u32 @!p0 $0xF7A, s2;
	p2 =	seq.s32 @!p0 s5, $0x0  }
0x1f: {  	s9 =	smul.u32 $0xF7A, s1;
	s8 =	simm.s32 @!p0 $0x1BF5;
	p2 =	por !p2, p0  }
0x20: {  	[sflag:s8] =	ssyncset.s32 @!p0 $0xFFFFF086;
	s6 =	sadd.s32 @!p0 s3, s7;
	s7 =	simm.s32 @!p0 $0x108  }
0x21: {  	s3 =	sadd.s32 s3, s9;
	s6 =	sadd.s32 @!p0 $0x88, s6;
	s7 =	simm.s32 @p2 $0x1082  }
0x22: {  	[simem:s7], [sflag:s8] =	dma.local @!p0 [hbm:s6], $0xF7A  }
0x23: {  	s9 =	sor.u32 $0xD0000000, s2;
	s6 =	simm.s32 $0x108;
	_ =	swait.ge @!p0 [sflag:s8], $0x0  }
0x24: {  	s3 =	sadd.s32 $0x88, s3;
	s6 =	simm.s32 @!p1 $0x1082;
	[sflag:s4] =	ssyncset.s32 $0xFFFFF086  }
0x25: {  	[simem:s6], [sflag:s4] =	dma.local [hbm:s3], $0xF7A  }
0x26: {  	[smem:$0x3F9A] =	sst s1;
	(tag) =	ssettag s2;
	_ =	strace s9  }
0x27: {  	s1 =	sld [smem:$0x3FAA]  }
0x28: {  	s2 =	sld [smem:$0x3FAB]  }
0x29: {  	s4 =	sld [smem:$0x3FAD]  }
0x2a: {  	p0 =	seq.s32 s5, $0x0;
	s5 =	sld [smem:$0x3FAE]  }
0x2b: {  	s6 =	sld [smem:$0x3FAF]  }
0x2c: {  	s7 =	sld [smem:$0x3FB0]  }
0x2d: {  	s3 =	simm.s32 $0x108;
	s8 =	sld [smem:$0x3FB1]  }
0x2e: {  	s3 =	simm.s32 @!p0 $0x1082;
	s9 =	sld [smem:$0x3FB2]  }
0x2f: {  	lr =	sadd.s32 s0, s3;
	s0 =	sld [smem:$0x3FA9]  }
0x30: {  	s3 =	sld [smem:$0x3FAC]  }
0x31: {  	[smem:$0x3FB5] =	sst s10  }
0x32: {  	s10 =	sld [smem:$0x3FB3];
	_ =	sdelay $0x3  }
0x33: {  	p0 =	seq.s32 s10, $0x1;
	s10 =	sld [smem:$0x3FB5];
	_ =	sdelay $0x3  }
0x34: {  	[smem:$0x3FB5] =	sst s10  }
0x35: {  	s10 =	sld [smem:$0x3FB4];
	_ =	sdelay $0x3  }
0x36: {  	p1 =	seq.s32 s10, $0x1;
	s10 =	sld [smem:$0x3FB5];
	_ =	sdelay $0x3  }
0x37: {  	[smem:$0x3FB5] =	sst s10  }
0x38: {  	s10 =	sld [smem:$0x3FB6]  }
0x39: {  	_ = 	snop;
	(pc) =	sbr.ind lr, $3  }
0x3a: {  	_ = 	snop  }
0x3b: {  	_ = 	snop  }
0x3c: {  	p2 =	seq.s32 s10, $0x1;
	s10 =	sld [smem:$0x3FB5]  }
0x3d: {  	_ =	shalt  }
0x3e: {  	_ =	shalt  }
0x3f: {  	_ =	shalt  }
0x40: {  	_ =	shalt  }
0x41: {  	_ =	shalt  }
0x42: {  	_ =	shalt  }
0x43: {  	_ =	shalt  }
0x44: {  	_ =	shalt  }
0x45: {  	_ =	shalt  }
0x46: {  	_ =	shalt  }
0x47: {  	_ =	shalt  }
0x48: {  	_ =	shalt  }
0x49: {  	_ =	shalt  }
0x4a: {  	_ =	shalt  }
0x4b: {  	_ =	shalt  }
0x4c: {  	_ =	shalt  }
0x4d: {  	_ =	shalt  }
0x4e: {  	_ =	shalt  }
0x4f: {  	_ =	shalt  }
0x50: {  	_ =	shalt  }
0x51: {  	_ =	shalt  }
0x52: {  	_ =	shalt  }
0x53: {  	_ =	shalt  }
0x54: {  	_ =	shalt  }
0x55: {  	_ =	shalt  }
0x56: {  	_ =	shalt  }
0x57: {  	_ =	shalt  }
0x58: {  	_ =	shalt  }
0x59: {  	_ =	shalt  }
0x5a: {  	_ =	shalt  }
0x5b: {  	_ =	shalt  }
0x5c: {  	_ =	shalt  }
0x5d: {  	_ =	shalt  }
0x5e: {  	_ =	shalt  }
0x5f: {  	_ =	shalt  }
0x60: {  	_ =	shalt  }
0x61: {  	_ =	shalt  }
0x62: {  	_ =	shalt  }
0x63: {  	_ =	shalt  }
0x64: {  	_ =	shalt  }
0x65: {  	_ =	shalt  }
0x66: {  	_ =	shalt  }
0x67: {  	_ =	shalt  }
0x68: {  	_ =	shalt  }
0x69: {  	_ =	shalt  }
0x6a: {  	_ =	shalt  }
0x6b: {  	_ =	shalt  }
0x6c: {  	_ =	shalt  }
0x6d: {  	_ =	shalt  }
0x6e: {  	_ =	shalt  }
0x6f: {  	_ =	shalt  }
0x70: {  	_ =	shalt  }
0x71: {  	_ =	shalt  }
0x72: {  	_ =	shalt  }
0x73: {  	_ =	shalt  }
0x74: {  	_ =	shalt  }
0x75: {  	_ =	shalt  }
0x76: {  	_ =	shalt  }
0x77: {  	_ =	shalt  }
0x78: {  	_ =	shalt  }
0x79: {  	_ =	shalt  }
0x7a: {  	_ =	shalt  }
0x7b: {  	_ =	shalt  }
0x7c: {  	_ =	shalt  }
0x7d: {  	_ =	shalt  }
0x7e: {  	_ =	shalt  }
0x7f: {  	_ =	shalt  }
0x80: {  	_ =	shalt  }
0x81: {  	_ =	shalt  }
0x82: {  	_ =	shalt  }
0x83: {  	_ =	shalt  }
0x84: {  	_ =	shalt  }
0x85: {  	_ =	shalt  }
0x86: {  	_ =	shalt  }
0x87: {  	_ =	shalt  }
.Lfunc_end0:
.L_simem_size_0:
called_computation_lowered:
.L_overlay_start_0:
0x88: {  	s2 =	sld [smem:$0x3FD9]  }
0x89: {  	s3 =	sld [smem:$0x3FFE];
	_ =	sdelay $0x1  }
0x8a: {  	s1 =	srdreg.scid  }
0x8b: {  	s0 =	sand.u32 $0x1, s1  }
0x8c: {  	s17 =	sshll.u32 s0, $0xA;
	s2 =	sadd.s32 s3, s2  }
0x8d: {  	s2 =	sadd.s32 s2, s17  }
0x8e: {  	[smem:$0x3FC1] =	sst s2  }
0x8f: {  	_ = 	snop  }
0x90: {  	s2 =	sld [smem:$0x3FC7];
	(tm) =	ssettm $0x1  }
0x91: {  	s18 =	sld [smem:$0x3FFB];
	_ =	sdelay $0x3  }
0x92: {  	_ =	strace s18  }
0x93: {  	s3 =	sld [smem:$0x3FFC];
	_ =	sdelay $0x3  }
0x94: {  	_ =	strace s3  }
0x95: {  	s3 =	sld [smem:$0x3FFD];
	_ =	sdelay $0x3  }
0x96: {  	_ =	strace s3  }
0x97: {  	_ =	strace $0x8FFFFFFF  }
0x98: {  	s19 =	sld [smem:$0x3FDB];
	_ =	sdelay $0x1  }
0x99: {  	s4 =	simm.s32 $_scs_section_size  }
0x9a: {  	s5 =	simm.s32 $_size__tile_overlayer_lowered;
	s6 =	simm.s32 $_tile_overlayer_lowered  }
0x9b: {  	s22 =	simm.s32 $0x1BFF;
	s21 =	sshll.u32 s6, $0x1;
	s3 =	sadd.s32 s4, s19  }
0x9c: {  	s7 =	simm.s32 $0x0;
	s20 =	sshll.u32 s5, $0x1;
	s5 =	sadd.s32 s21, s3  }
0x9d: {  	[timem:s7], [sflag:s22] =	dma.local [hbm:s5], s20  }
0x9e: {  	_ =	swait.ge [sflag:s22], s20  }
0x9f: {  	s4 =	ssub.s32 $0x0, s20;
	[sflag:s22] =	ssyncset.done $0x0  }
0xa0: {  	[sflag:s22] =	ssyncadd.s32 s4;
	_ =	sdelay $0x1  }
0xa1: {  	s23 =	simm.s32 $0x1B8B  }
0xa2: {  	_ =	swait.ge [sflag:s23], $0x1  }
0xa3: {  	[sflag:s23] =	ssyncset.done $0x0  }
0xa4: {  	s25 =	simm.s32 $0x1B8E;
	s24 =	sld [smem:$0x3FFE];
	[sflag:s23] =	ssyncadd.s32 $0xFFFFFFFF  }
0xa5: {  	s26 =	simm.s32 $execute0_lowered;
	[smem:$0x3FD2] =	sst s25  }
0xa6: {  	s5 =	sshll.u32 s26, $0x1;
	_ =	strace $0x80000046;
	[dreg:$0x1] =	wrdreg $0xFFFFFFFF  }
0xa7: {  	s28 =	simm.s32 $_size_execute0_lowered;
	s3 =	sadd.s32 s3, s5;
	[dreg:$0x0] =	wrdreg $0x0  }
0xa8: {  	s5 =	sshll.u32 s28, $0x1;
	[dreg:$0x2] =	wrdreg s3  }
0xa9: {  	[dreg:$0x3] =	wrdreg s5  }
0xaa: {  	[dreg:$0x4] =	wrdreg $0xC0  }
0xab: {  	_ =	task [dreg:s7], $0x5FFFF  }
0xac: {  	[dreg:$0x1] =	wrdreg $0xFFFFFFFF  }
0xad: {  	[dreg:$0x0] =	wrdreg $0x60  }
0xae: {  	[dreg:$0x2] =	wrdreg s2  }
0xaf: {  	[dreg:$0x3] =	wrdreg s24  }
0xb0: {  	[dreg:$0x4] =	wrdreg $0x9  }
0xb1: {  	_ =	task.clear_ibuf [dreg:s7], $0x5FFFF;
	_ =	strace $0x90000046  }
0xb2: {  	s29 =	simm.s32 $0x9;
	_ =	strace $0x80000048  }
0xb3: {  	_ =	swait.ge [sflag:s29], $0x1  }
0xb4: {  	[sflag:s29] =	ssyncadd.s32 $0xFFFFFFFF  }
0xb5: {  	_ =	strace $0x90000048  }
0xb6: {  	_ =	sfence  }
0xb7: {  	s30 =	sld [smem:$0x0];
	_ =	sdelay $0x2  }
0xb8: {  	s31 =	sshll.u32 s1, $0xD;
	s1 =	sshrl.u32 s1, $0x2  }
0xb9: {  	s3 =	sand.u32 $0x4000, s31;
	s1 =	sadd.s32 s1, s30  }
0xba: {  	s0 =	sor.u32 s3, s0;
	s1 =	sshll.u32 s1, $0x11  }
0xbb: {  	s0 =	sor.u32 s1, s0  }
0xbc: {  	s0 =	sadd.s32 $0x8F2B, s0  }
0xbd: {  	[sflag:s0] =	ssyncadd.remote.s32 $0x1  }
0xbe: {  	_ =	sfence.sel $0xFFFF  }
0xbf: {  	[dreg:$0x0] =	wrdreg $0xFFFFFFFF;
	(pc) =	sbr.abs _section_cstart, $3  }
0xc0: {  	[dreg:$0x1] =	wrdreg $0xFFFFFFFF  }
0xc1: {  	_ =	task.clear_ibuf [dreg:s7], $0x2FFFF;
	_ =	strace $0x9FFFFFFF  }
0xc2: {  	(tm) =	ssettm $0x7FFFFFFF  }
0xc3: {  	_ =	shalt  }
tec
execute0_lowered:
.L_overlay_start_1:
0x0: {  	(tag) =	ssettag $0x1  }
0x1: {  	s2 =	rddreg [dreg:$0x0]  }
0x2: {  	s0 =	rddreg [dreg:$0x1];
	s1 =	srdreg.scid  }
0x3: {  	s4 =	stileid.u32;
	s3 =	simm.s32 $0x0;
	s12 =	simm.s32 $0xA000  }
0x4: {  	s13 =	simm.s32 $0x1;
	s1 =	sand.u32 $0x1, s1;
	s4 =	sshll.u32 s4, $0x1  }
0x5: {  	s14 =	simm.s32 $0x14000;
	s15 =	simm.s32 $0x2;
	s5 =	sor.u32 s1, s4  }
0x6: {  	s16 =	simm.s32 $0x4;
	s17 =	simm.s32 $0x15000;
	s6 =	smul.u32 $0x32000, s5  }
0x7: {  	s19 =	simm.s32 $0x0;
	[smem:$0x7FF] =	sst s3;
	s9 =	smul.u32 $0x1900, s5  }
0x8: {  	_ =	strace $0x80000047;
	s1 =	ssub.s32 $0x2, s1;
	s30 =	smul.u32 $0x5000, s5  }
.Ltmp0:
0x9: {  	s4 =	sadd.s32 $0x1000, s0;
	s29 =	sshrl.u32 s1, $0x1;
	(pc) =	sbr.rel .LBB2_1-.Ltmp0, $4  }
0xa: {  	s7 =	smul.u32 $0x28000, s5;
	s0 =	ssub.s32 s1, s29;
	s6 =	sadd.s32 s2, s6  }
0xb: {  	s8 =	sadd.s32 $0x140, s9;
	s0 =	smax.u32 s0, $0x1;
	[dreg:$0x3] =	wrdreg s6  }
0xc: {  	s31 =	sadd.s32 s30, s4;
	s6 =	sadd.s32 $0x1400, s6;
	[dreg:$0x5] =	wrdreg s0  }
0xd: {  	s9 =	sadd.s32 $0x1E0, s9;
	s11 =	sadd.s32 $0x200, s31;
	[dreg:$0x4] =	wrdreg s6  }
.LBB2_12:
0xe: {  	s0 =	simm.s32 $0x3  }
0xf: {  	_ =	swait.ge [sflag:s0], $0x1000  }
0x10: {  	[sflag:s0] =	ssyncset.done $0x0  }
0x11: {  	[sflag:s0] =	ssyncadd.s32 $0xFFFFF000  }
0x12: {  	_ =	swait.ge [sflag:s16], $0x1000  }
0x13: {  	s19 =	sadd.s32 $0x1, s19;
	s31 =	rddreg [dreg:$0x5]  }
0x14: {  	p0 =	sne.s32 s19, s31  }
.Ltmp1:
0x15: {  	_ = 	snop;
	(pc) =	sbr.rel @!p0 .LBB2_13-.Ltmp1, $3  }
0x16: {  	_ =	sdelay $0x1  }
0x17: {  	[sflag:s16] =	ssyncset.done $0x0  }
0x18: {  	[sflag:s16] =	ssyncadd.s32 $0xFFFFF000  }
.LBB2_1:
0x19: {  	s0 =	rddreg [dreg:$0x3]  }
0x1a: {  	[tilespmem:s3], [sflag:$0x1] =	stream.linear.gather [hbm4b:s0+s3], $0xA000, $0x38;
	[tilespmem:$0x16000] =	vst v63  }
0x1b: {  	s31 =	rddreg [dreg:$0x4];
	s20 =	simm.s32 $0x0  }
0x1c: {  	[tilespmem:s12], [sflag:$0x2] =	stream.linear.gather [hbm4b:s31+s3], $0xA000, $0x38;
	[tilespmem:$0x16000] =	vst v63  }
.LBB2_2:
0x1d: {  	_ =	swait.ge [sflag:s13], $0xA000  }
0x1e: {  	p0 =	seq.s32 s20, $0x0;
	[sflag:s13] =	ssyncset.done $0x0  }
0x1f: {  	s0 =	simm.s32 @!p0 $0x3;
	[sflag:s13] =	ssyncadd.s32 $0xFFFF6000  }
0x20: {  	_ =	swait.ge @!p0 [sflag:s0], $0x1000  }
0x21: {  	[sflag:s0] =	ssyncset.done @!p0 $0x0  }
0x22: {  	s21 =	simm.s32 $0x0;
	[sflag:s0] =	ssyncadd.s32 @!p0 $0xFFFFF000  }
.LBB2_3:
0x23: {  	s0 =	smul.u32 $0x2800, s21;
	_ =	sdelay $0x1  }
0x24: {  	s0 =	sshra.s32 s0, $0x2  }
0x25: {  	v0 =	vld [tilespmem:s0+$0x0]  }
0x26: {  	v1 =	vld [tilespmem:s0+$0x80]  }
0x27: {  	v2 =	vld [tilespmem:s0+$0x100]  }
0x28: {  	v3 =	vld [tilespmem:s0+$0x180]  }
0x29: {  	v4 =	vld [tilespmem:s0+$0x200]  }
0x2a: {  	v5 =	vld [tilespmem:s0+$0x280]  }
0x2b: {  	v6 =	vld [tilespmem:s0+$0x300]  }
0x2c: {  	v7 =	vld [tilespmem:s0+$0x380];
	_ =	sdelay $0x2  }
0x2d: {  	v8 =	vld [tilespmem:s0+$0x800]  }
0x2e: {  	v59 =	vld [tilespmem:s0+$0x880];
	v0 =	vadd.f32 v1, v0;
	v58 =	vadd.f32 v3, v2  }
0x2f: {  	v60 =	vadd.f32 v5, v4;
	v61 =	vadd.f32 v7, v6;
	_ =	sdelay $0x1  }
0x30: {  	v0 =	vadd.f32 v58, v0;
	v62 =	vadd.f32 v61, v60;
	_ =	sdelay $0x1  }
0x31: {  	s22 =	sshll.u32 s21, $0x8;
	v2 =	vadd.f32 v59, v8;
	v0 =	vadd.f32 v62, v0  }
0x32: {  	s1 =	sshll.u32 s21, $0x7;
	s5 =	sand.u32 $0x800, s22  }
0x33: {  	s1 =	sand.u32 $0x200, s1;
	s29 =	sor.u32 $0x14000, s5;
	v0 =	vadd.f32 v2, v0  }
0x34: {  	s5 =	sor.u32 s1, s29  }
0x35: {  	[tilespmem:s5+$0x0] =	vst v0  }
0x36: {  	v0 =	vld [tilespmem:s0+$0x10]  }
0x37: {  	v63 =	vld [tilespmem:s0+$0x90]  }
0x38: {  	v12 =	vld [tilespmem:s0+$0x110]  }
0x39: {  	v13 =	vld [tilespmem:s0+$0x190]  }
0x3a: {  	v14 =	vld [tilespmem:s0+$0x210]  }
0x3b: {  	v15 =	vld [tilespmem:s0+$0x290]  }
0x3c: {  	v16 =	vld [tilespmem:s0+$0x310]  }
0x3d: {  	v17 =	vld [tilespmem:s0+$0x390];
	_ =	sdelay $0x2  }
0x3e: {  	v18 =	vld [tilespmem:s0+$0x810]  }
0x3f: {  	v20 =	vld [tilespmem:s0+$0x890];
	v0 =	vadd.f32 v63, v0;
	v19 =	vadd.f32 v13, v12  }
0x40: {  	v21 =	vadd.f32 v15, v14;
	v22 =	vadd.f32 v17, v16;
	_ =	sdelay $0x1  }
0x41: {  	v0 =	vadd.f32 v19, v0;
	v23 =	vadd.f32 v22, v21;
	_ =	sdelay $0x1  }
0x42: {  	v2 =	vadd.f32 v20, v18;
	v0 =	vadd.f32 v23, v0;
	_ =	sdelay $0x1  }
0x43: {  	v0 =	vadd.f32 v2, v0;
	_ =	sdelay $0x1  }
0x44: {  	[tilespmem:s5+$0x10] =	vst v0  }
0x45: {  	v0 =	vld [tilespmem:s0+$0x20]  }
0x46: {  	v24 =	vld [tilespmem:s0+$0xA0]  }
0x47: {  	v25 =	vld [tilespmem:s0+$0x120]  }
0x48: {  	v26 =	vld [tilespmem:s0+$0x1A0]  }
0x49: {  	v27 =	vld [tilespmem:s0+$0x220]  }
0x4a: {  	v28 =	vld [tilespmem:s0+$0x2A0]  }
0x4b: {  	v29 =	vld [tilespmem:s0+$0x320]  }
0x4c: {  	v30 =	vld [tilespmem:s0+$0x3A0];
	_ =	sdelay $0x2  }
0x4d: {  	v31 =	vld [tilespmem:s0+$0x820]  }
0x4e: {  	v33 =	vld [tilespmem:s0+$0x8A0];
	v0 =	vadd.f32 v24, v0;
	v32 =	vadd.f32 v26, v25  }
0x4f: {  	v34 =	vadd.f32 v28, v27;
	v35 =	vadd.f32 v30, v29;
	_ =	sdelay $0x1  }
0x50: {  	v0 =	vadd.f32 v32, v0;
	v36 =	vadd.f32 v35, v34;
	_ =	sdelay $0x1  }
0x51: {  	v2 =	vadd.f32 v33, v31;
	v0 =	vadd.f32 v36, v0;
	_ =	sdelay $0x1  }
0x52: {  	v0 =	vadd.f32 v2, v0;
	_ =	sdelay $0x1  }
0x53: {  	[tilespmem:s5+$0x20] =	vst v0  }
0x54: {  	v0 =	vld [tilespmem:s0+$0x30]  }
0x55: {  	v37 =	vld [tilespmem:s0+$0xB0]  }
0x56: {  	v38 =	vld [tilespmem:s0+$0x130]  }
0x57: {  	v39 =	vld [tilespmem:s0+$0x1B0]  }
0x58: {  	v40 =	vld [tilespmem:s0+$0x230]  }
0x59: {  	v41 =	vld [tilespmem:s0+$0x2B0]  }
0x5a: {  	v42 =	vld [tilespmem:s0+$0x330]  }
0x5b: {  	v43 =	vld [tilespmem:s0+$0x3B0];
	_ =	sdelay $0x2  }
0x5c: {  	v44 =	vld [tilespmem:s0+$0x830]  }
0x5d: {  	v46 =	vld [tilespmem:s0+$0x8B0];
	v0 =	vadd.f32 v37, v0;
	v45 =	vadd.f32 v39, v38  }
0x5e: {  	v47 =	vadd.f32 v41, v40;
	v48 =	vadd.f32 v43, v42;
	_ =	sdelay $0x1  }
0x5f: {  	v0 =	vadd.f32 v45, v0;
	v49 =	vadd.f32 v48, v47;
	_ =	sdelay $0x1  }
0x60: {  	v2 =	vadd.f32 v46, v44;
	v0 =	vadd.f32 v49, v0;
	_ =	sdelay $0x1  }
0x61: {  	v0 =	vadd.f32 v2, v0;
	_ =	sdelay $0x1  }
0x62: {  	[tilespmem:s5+$0x30] =	vst v0  }
0x63: {  	v0 =	vld [tilespmem:s0+$0x40]  }
0x64: {  	v50 =	vld [tilespmem:s0+$0xC0]  }
0x65: {  	v51 =	vld [tilespmem:s0+$0x140]  }
0x66: {  	v52 =	vld [tilespmem:s0+$0x1C0]  }
0x67: {  	v53 =	vld [tilespmem:s0+$0x240]  }
0x68: {  	v54 =	vld [tilespmem:s0+$0x2C0]  }
0x69: {  	v55 =	vld [tilespmem:s0+$0x340]  }
0x6a: {  	v56 =	vld [tilespmem:s0+$0x3C0];
	_ =	sdelay $0x2  }
0x6b: {  	v57 =	vld [tilespmem:s0+$0x840]  }
0x6c: {  	v59 =	vld [tilespmem:s0+$0x8C0];
	v0 =	vadd.f32 v50, v0;
	v58 =	vadd.f32 v52, v51  }
0x6d: {  	v60 =	vadd.f32 v54, v53;
	v61 =	vadd.f32 v56, v55;
	_ =	sdelay $0x1  }
0x6e: {  	v0 =	vadd.f32 v58, v0;
	v62 =	vadd.f32 v61, v60;
	_ =	sdelay $0x1  }
0x6f: {  	v2 =	vadd.f32 v59, v57;
	v0 =	vadd.f32 v62, v0;
	_ =	sdelay $0x1  }
0x70: {  	v0 =	vadd.f32 v2, v0;
	_ =	sdelay $0x1  }
0x71: {  	[tilespmem:s5+$0x40] =	vst v0  }
0x72: {  	v0 =	vld [tilespmem:s0+$0x50]  }
0x73: {  	v63 =	vld [tilespmem:s0+$0xD0]  }
0x74: {  	v12 =	vld [tilespmem:s0+$0x150]  }
0x75: {  	v13 =	vld [tilespmem:s0+$0x1D0]  }
0x76: {  	v14 =	vld [tilespmem:s0+$0x250]  }
0x77: {  	v15 =	vld [tilespmem:s0+$0x2D0]  }
0x78: {  	v16 =	vld [tilespmem:s0+$0x350]  }
0x79: {  	v17 =	vld [tilespmem:s0+$0x3D0];
	_ =	sdelay $0x2  }
0x7a: {  	v18 =	vld [tilespmem:s0+$0x850]  }
0x7b: {  	v20 =	vld [tilespmem:s0+$0x8D0];
	v0 =	vadd.f32 v63, v0;
	v19 =	vadd.f32 v13, v12  }
0x7c: {  	v21 =	vadd.f32 v15, v14;
	v22 =	vadd.f32 v17, v16;
	_ =	sdelay $0x1  }
0x7d: {  	v0 =	vadd.f32 v19, v0;
	v23 =	vadd.f32 v22, v21;
	_ =	sdelay $0x1  }
0x7e: {  	v2 =	vadd.f32 v20, v18;
	v0 =	vadd.f32 v23, v0;
	_ =	sdelay $0x1  }
0x7f: {  	v0 =	vadd.f32 v2, v0;
	_ =	sdelay $0x1  }
0x80: {  	[tilespmem:s5+$0x50] =	vst v0  }
0x81: {  	v0 =	vld [tilespmem:s0+$0x60]  }
0x82: {  	v24 =	vld [tilespmem:s0+$0xE0]  }
0x83: {  	v25 =	vld [tilespmem:s0+$0x160]  }
0x84: {  	v26 =	vld [tilespmem:s0+$0x1E0]  }
0x85: {  	v27 =	vld [tilespmem:s0+$0x260]  }
0x86: {  	v28 =	vld [tilespmem:s0+$0x2E0]  }
0x87: {  	v29 =	vld [tilespmem:s0+$0x360]  }
0x88: {  	v30 =	vld [tilespmem:s0+$0x3E0];
	_ =	sdelay $0x2  }
0x89: {  	v31 =	vld [tilespmem:s0+$0x860]  }
0x8a: {  	v33 =	vld [tilespmem:s0+$0x8E0];
	v0 =	vadd.f32 v24, v0;
	v32 =	vadd.f32 v26, v25  }
0x8b: {  	v34 =	vadd.f32 v28, v27;
	v35 =	vadd.f32 v30, v29;
	_ =	sdelay $0x1  }
0x8c: {  	v0 =	vadd.f32 v32, v0;
	v36 =	vadd.f32 v35, v34;
	_ =	sdelay $0x1  }
0x8d: {  	v2 =	vadd.f32 v33, v31;
	v0 =	vadd.f32 v36, v0;
	_ =	sdelay $0x1  }
0x8e: {  	v0 =	vadd.f32 v2, v0;
	_ =	sdelay $0x1  }
0x8f: {  	[tilespmem:s5+$0x60] =	vst v0  }
0x90: {  	v0 =	vld [tilespmem:s0+$0x70]  }
0x91: {  	v37 =	vld [tilespmem:s0+$0xF0]  }
0x92: {  	v38 =	vld [tilespmem:s0+$0x170]  }
0x93: {  	v39 =	vld [tilespmem:s0+$0x1F0]  }
0x94: {  	v40 =	vld [tilespmem:s0+$0x270]  }
0x95: {  	v41 =	vld [tilespmem:s0+$0x2F0]  }
0x96: {  	v42 =	vld [tilespmem:s0+$0x370]  }
0x97: {  	v43 =	vld [tilespmem:s0+$0x3F0];
	_ =	sdelay $0x2  }
0x98: {  	v44 =	vld [tilespmem:s0+$0x870]  }
0x99: {  	v46 =	vld [tilespmem:s0+$0x8F0];
	v0 =	vadd.f32 v37, v0;
	v45 =	vadd.f32 v39, v38  }
0x9a: {  	v47 =	vadd.f32 v41, v40;
	v48 =	vadd.f32 v43, v42;
	_ =	sdelay $0x1  }
0x9b: {  	v0 =	vadd.f32 v45, v0;
	v49 =	vadd.f32 v48, v47;
	_ =	sdelay $0x1  }
0x9c: {  	v2 =	vadd.f32 v46, v44;
	v0 =	vadd.f32 v49, v0;
	_ =	sdelay $0x1  }
0x9d: {  	v0 =	vadd.f32 v2, v0;
	_ =	sdelay $0x1  }
0x9e: {  	[tilespmem:s5+$0x70] =	vst v0  }
0x9f: {  	v0 =	vld [tilespmem:s0+$0x400]  }
0xa0: {  	v50 =	vld [tilespmem:s0+$0x480]  }
0xa1: {  	v51 =	vld [tilespmem:s0+$0x500]  }
0xa2: {  	v52 =	vld [tilespmem:s0+$0x580]  }
0xa3: {  	v53 =	vld [tilespmem:s0+$0x600]  }
0xa4: {  	v54 =	vld [tilespmem:s0+$0x680]  }
0xa5: {  	v55 =	vld [tilespmem:s0+$0x700]  }
0xa6: {  	v56 =	vld [tilespmem:s0+$0x780];
	_ =	sdelay $0x2  }
0xa7: {  	v57 =	vld [tilespmem:s0+$0xC00]  }
0xa8: {  	v59 =	vld [tilespmem:s0+$0xC80];
	v0 =	vadd.f32 v50, v0;
	v58 =	vadd.f32 v52, v51  }
0xa9: {  	v60 =	vadd.f32 v54, v53;
	v61 =	vadd.f32 v56, v55;
	_ =	sdelay $0x1  }
0xaa: {  	v0 =	vadd.f32 v58, v0;
	v62 =	vadd.f32 v61, v60;
	_ =	sdelay $0x1  }
0xab: {  	v2 =	vadd.f32 v59, v57;
	v0 =	vadd.f32 v62, v0;
	_ =	sdelay $0x1  }
0xac: {  	s1 =	sor.u32 s22, s1;
	v0 =	vadd.f32 v2, v0  }
0xad: {  	s6 =	sor.u32 $0x400, s1  }
0xae: {  	[tilespmem:s6+$0x14000] =	vst v0  }
0xaf: {  	v0 =	vld [tilespmem:s0+$0x410]  }
0xb0: {  	v63 =	vld [tilespmem:s0+$0x490]  }
0xb1: {  	v12 =	vld [tilespmem:s0+$0x510]  }
0xb2: {  	v13 =	vld [tilespmem:s0+$0x590]  }
0xb3: {  	v14 =	vld [tilespmem:s0+$0x610]  }
0xb4: {  	v15 =	vld [tilespmem:s0+$0x690]  }
0xb5: {  	v16 =	vld [tilespmem:s0+$0x710]  }
0xb6: {  	v17 =	vld [tilespmem:s0+$0x790];
	_ =	sdelay $0x2  }
0xb7: {  	v18 =	vld [tilespmem:s0+$0xC10]  }
0xb8: {  	v20 =	vld [tilespmem:s0+$0xC90];
	v0 =	vadd.f32 v63, v0;
	v19 =	vadd.f32 v13, v12  }
0xb9: {  	v21 =	vadd.f32 v15, v14;
	v22 =	vadd.f32 v17, v16;
	_ =	sdelay $0x1  }
0xba: {  	v0 =	vadd.f32 v19, v0;
	v23 =	vadd.f32 v22, v21;
	_ =	sdelay $0x1  }
0xbb: {  	v2 =	vadd.f32 v20, v18;
	v0 =	vadd.f32 v23, v0;
	_ =	sdelay $0x1  }
0xbc: {  	v0 =	vadd.f32 v2, v0  }
0xbd: {  	s10 =	sor.u32 $0x410, s1  }
0xbe: {  	[tilespmem:s10+$0x14000] =	vst v0  }
0xbf: {  	v0 =	vld [tilespmem:s0+$0x420]  }
0xc0: {  	v24 =	vld [tilespmem:s0+$0x4A0]  }
0xc1: {  	v25 =	vld [tilespmem:s0+$0x520]  }
0xc2: {  	v26 =	vld [tilespmem:s0+$0x5A0]  }
0xc3: {  	v27 =	vld [tilespmem:s0+$0x620]  }
0xc4: {  	v28 =	vld [tilespmem:s0+$0x6A0]  }
0xc5: {  	v29 =	vld [tilespmem:s0+$0x720]  }
0xc6: {  	v30 =	vld [tilespmem:s0+$0x7A0];
	_ =	sdelay $0x2  }
0xc7: {  	v31 =	vld [tilespmem:s0+$0xC20]  }
0xc8: {  	v33 =	vld [tilespmem:s0+$0xCA0];
	v0 =	vadd.f32 v24, v0;
	v32 =	vadd.f32 v26, v25  }
0xc9: {  	v34 =	vadd.f32 v28, v27;
	v35 =	vadd.f32 v30, v29;
	_ =	sdelay $0x1  }
0xca: {  	v0 =	vadd.f32 v32, v0;
	v36 =	vadd.f32 v35, v34;
	_ =	sdelay $0x1  }
0xcb: {  	v2 =	vadd.f32 v33, v31;
	v0 =	vadd.f32 v36, v0;
	_ =	sdelay $0x1  }
0xcc: {  	v0 =	vadd.f32 v2, v0  }
0xcd: {  	s18 =	sor.u32 $0x420, s1  }
0xce: {  	[tilespmem:s18+$0x14000] =	vst v0  }
0xcf: {  	v0 =	vld [tilespmem:s0+$0x430]  }
0xd0: {  	v37 =	vld [tilespmem:s0+$0x4B0]  }
0xd1: {  	v38 =	vld [tilespmem:s0+$0x530]  }
0xd2: {  	v39 =	vld [tilespmem:s0+$0x5B0]  }
0xd3: {  	v40 =	vld [tilespmem:s0+$0x630]  }
0xd4: {  	v41 =	vld [tilespmem:s0+$0x6B0]  }
0xd5: {  	v42 =	vld [tilespmem:s0+$0x730]  }
0xd6: {  	v43 =	vld [tilespmem:s0+$0x7B0];
	_ =	sdelay $0x2  }
0xd7: {  	v44 =	vld [tilespmem:s0+$0xC30]  }
0xd8: {  	v46 =	vld [tilespmem:s0+$0xCB0];
	v0 =	vadd.f32 v37, v0;
	v45 =	vadd.f32 v39, v38  }
0xd9: {  	v47 =	vadd.f32 v41, v40;
	v48 =	vadd.f32 v43, v42;
	_ =	sdelay $0x1  }
0xda: {  	v0 =	vadd.f32 v45, v0;
	v49 =	vadd.f32 v48, v47;
	_ =	sdelay $0x1  }
0xdb: {  	v2 =	vadd.f32 v46, v44;
	v0 =	vadd.f32 v49, v0;
	_ =	sdelay $0x1  }
0xdc: {  	v0 =	vadd.f32 v2, v0  }
0xdd: {  	s23 =	sor.u32 $0x430, s1  }
0xde: {  	[tilespmem:s23+$0x14000] =	vst v0  }
0xdf: {  	v0 =	vld [tilespmem:s0+$0x440]  }
0xe0: {  	v50 =	vld [tilespmem:s0+$0x4C0]  }
0xe1: {  	v51 =	vld [tilespmem:s0+$0x540]  }
0xe2: {  	v52 =	vld [tilespmem:s0+$0x5C0]  }
0xe3: {  	v53 =	vld [tilespmem:s0+$0x640]  }
0xe4: {  	v54 =	vld [tilespmem:s0+$0x6C0]  }
0xe5: {  	v55 =	vld [tilespmem:s0+$0x740]  }
0xe6: {  	v56 =	vld [tilespmem:s0+$0x7C0];
	_ =	sdelay $0x2  }
0xe7: {  	v57 =	vld [tilespmem:s0+$0xC40]  }
0xe8: {  	v59 =	vld [tilespmem:s0+$0xCC0];
	v0 =	vadd.f32 v50, v0;
	v58 =	vadd.f32 v52, v51  }
0xe9: {  	v60 =	vadd.f32 v54, v53;
	v61 =	vadd.f32 v56, v55;
	_ =	sdelay $0x1  }
0xea: {  	v0 =	vadd.f32 v58, v0;
	v62 =	vadd.f32 v61, v60;
	_ =	sdelay $0x1  }
0xeb: {  	v2 =	vadd.f32 v59, v57;
	v0 =	vadd.f32 v62, v0;
	_ =	sdelay $0x1  }
0xec: {  	v0 =	vadd.f32 v2, v0  }
0xed: {  	s24 =	sor.u32 $0x440, s1  }
0xee: {  	[tilespmem:s24+$0x14000] =	vst v0  }
0xef: {  	v0 =	vld [tilespmem:s0+$0x450]  }
0xf0: {  	v63 =	vld [tilespmem:s0+$0x4D0]  }
0xf1: {  	v12 =	vld [tilespmem:s0+$0x550]  }
0xf2: {  	v13 =	vld [tilespmem:s0+$0x5D0]  }
0xf3: {  	v14 =	vld [tilespmem:s0+$0x650]  }
0xf4: {  	v15 =	vld [tilespmem:s0+$0x6D0]  }
0xf5: {  	v16 =	vld [tilespmem:s0+$0x750]  }
0xf6: {  	v17 =	vld [tilespmem:s0+$0x7D0];
	_ =	sdelay $0x2  }
0xf7: {  	v18 =	vld [tilespmem:s0+$0xC50]  }
0xf8: {  	v20 =	vld [tilespmem:s0+$0xCD0];
	v0 =	vadd.f32 v63, v0;
	v19 =	vadd.f32 v13, v12  }
0xf9: {  	s26 =	sor.u32 $0x1, s21;
	v21 =	vadd.f32 v15, v14;
	v22 =	vadd.f32 v17, v16  }
0xfa: {  	s24 =	smul.u32 $0xA00, s26  }
0xfb: {  	v0 =	vadd.f32 v19, v0;
	v23 =	vadd.f32 v22, v21  }
0xfc: {  	v36 =	vld [tilespmem:s24+$0x600]  }
0xfd: {  	s23 =	sand.u32 $0xF800, s24;
	v37 =	vld [tilespmem:s24+$0x680];
	v2 =	vadd.f32 v20, v18;
	v0 =	vadd.f32 v23, v0  }
0xfe: {  	v10 =	vld [tilespmem:s23+$0x100]  }
0xff: {  	s6 =	sadd.s32 $0x200, s24;
	s28 =	sor.u32 $0x380, s24;
	v11 =	vld [tilespmem:s23+$0x180];
	v0 =	vadd.f32 v2, v0  }
0x100: {  	s25 =	sor.u32 $0x450, s1;
	s6 =	sand.u32 $0xF800, s6;
	v33 =	vld [tilespmem:s28+$0x0]  }
0x101: {  	v12 =	vld [tilespmem:s6+$0x200];
	[tilespmem:s25+$0x14000] =	vst v0  }
0x102: {  	v0 =	vld [tilespmem:s0+$0x460]  }
0x103: {  	v24 =	vld [tilespmem:s0+$0x4E0]  }
0x104: {  	v25 =	vld [tilespmem:s0+$0x560]  }
0x105: {  	v26 =	vld [tilespmem:s0+$0x5E0]  }
0x106: {  	v27 =	vld [tilespmem:s0+$0x660]  }
0x107: {  	v28 =	vld [tilespmem:s0+$0x6E0]  }
0x108: {  	v29 =	vld [tilespmem:s0+$0x760]  }
0x109: {  	v30 =	vld [tilespmem:s0+$0x7E0]  }
0x10a: {  	s10 =	sor.u32 $0x300, s24;
	v13 =	vld [tilespmem:s6+$0x280]  }
0x10b: {  	v14 =	vld [tilespmem:s10+$0x0]  }
0x10c: {  	v31 =	vld [tilespmem:s0+$0xC60]  }
0x10d: {  	v9 =	vld [tilespmem:s0+$0xCE0];
	v0 =	vadd.f32 v24, v0;
	v32 =	vadd.f32 v26, v25  }
0x10e: {  	v34 =	vadd.f32 v28, v27;
	v35 =	vadd.f32 v30, v29  }
0x10f: {  	v5 =	vadd.f32 v37, v36;
	v41 =	vadd.f32 v11, v10  }
0x110: {  	v40 =	vld [tilespmem:s23+$0x900];
	v0 =	vadd.f32 v32, v0;
	v38 =	vadd.f32 v35, v34  }
0x111: {  	v43 =	vld [tilespmem:s23+$0x980];
	v42 =	vadd.f32 v13, v12;
	v2 =	vadd.f32 v33, v14  }
0x112: {  	v39 =	vadd.f32 v9, v31;
	v0 =	vadd.f32 v38, v0  }
0x113: {  	v44 =	vadd.f32 v42, v41  }
0x114: {  	v2 =	vadd.f32 v5, v2;
	v0 =	vadd.f32 v39, v0  }
0x115: {  	s30 =	sor.u32 $0x460, s1  }
0x116: {  	v45 =	vadd.f32 v43, v40;
	v46 =	vadd.f32 v2, v44;
	[tilespmem:s30+$0x14000] =	vst v0  }
0x117: {  	s5 =	sshll.u32 s26, $0x7;
	v47 =	vld [tilespmem:s0+$0x470]  }
0x118: {  	s5 =	sand.u32 $0x280, s5;
	v0 =	vadd.f32 v45, v46;
	v48 =	vld [tilespmem:s0+$0x4F0]  }
0x119: {  	s10 =	sor.u32 s5, s29;
	v49 =	vld [tilespmem:s0+$0x570]  }
0x11a: {  	v50 =	vld [tilespmem:s0+$0x5F0];
	[tilespmem:s10+$0x0] =	vst v0  }
0x11b: {  	v0 =	vld [tilespmem:s23+$0x110]  }
0x11c: {  	v51 =	vld [tilespmem:s23+$0x190]  }
0x11d: {  	v52 =	vld [tilespmem:s6+$0x210]  }
0x11e: {  	s25 =	sor.u32 $0x310, s24;
	v53 =	vld [tilespmem:s6+$0x290]  }
0x11f: {  	s31 =	sor.u32 $0x390, s24;
	v54 =	vld [tilespmem:s25+$0x0]  }
0x120: {  	v55 =	vld [tilespmem:s31+$0x0]  }
0x121: {  	v56 =	vld [tilespmem:s24+$0x610]  }
0x122: {  	v57 =	vld [tilespmem:s24+$0x690]  }
0x123: {  	v58 =	vld [tilespmem:s0+$0x670]  }
0x124: {  	v59 =	vld [tilespmem:s0+$0x6F0]  }
0x125: {  	v60 =	vld [tilespmem:s23+$0x910]  }
0x126: {  	v62 =	vld [tilespmem:s23+$0x990];
	v0 =	vadd.f32 v51, v0;
	v61 =	vadd.f32 v53, v52  }
0x127: {  	v63 =	vld [tilespmem:s0+$0x770];
	v8 =	vadd.f32 v55, v54;
	v15 =	vadd.f32 v57, v56  }
0x128: {  	v16 =	vld [tilespmem:s0+$0x7F0]  }
0x129: {  	v0 =	vadd.f32 v61, v0;
	v17 =	vadd.f32 v15, v8  }
0x12a: {  	v2 =	vadd.f32 v48, v47  }
0x12b: {  	v18 =	vld [tilespmem:s0+$0xC70];
	v6 =	vadd.f32 v62, v60;
	v0 =	vadd.f32 v17, v0  }
0x12c: {  	v20 =	vld [tilespmem:s0+$0xCF0];
	v1 =	vadd.f32 v50, v49;
	v19 =	vadd.f32 v59, v58  }
0x12d: {  	v7 =	vadd.f32 v16, v63;
	v0 =	vadd.f32 v6, v0;
	_ =	sdelay $0x1  }
0x12e: {  	v1 =	vadd.f32 v1, v2;
	v21 =	vadd.f32 v7, v19;
	[tilespmem:s10+$0x10] =	vst v0  }
0x12f: {  	v0 =	vld [tilespmem:s23+$0x120]  }
0x130: {  	v3 =	vadd.f32 v20, v18;
	v1 =	vadd.f32 v21, v1;
	v22 =	vld [tilespmem:s23+$0x1A0]  }
0x131: {  	v23 =	vld [tilespmem:s6+$0x220]  }
0x132: {  	s18 =	sor.u32 $0x320, s24;
	v1 =	vadd.f32 v3, v1;
	v24 =	vld [tilespmem:s6+$0x2A0]  }
0x133: {  	s1 =	sor.u32 $0x470, s1;
	s25 =	sor.u32 $0x3A0, s24;
	v25 =	vld [tilespmem:s18+$0x0]  }
0x134: {  	[tilespmem:s1+$0x14000] =	vst v1;
	v26 =	vld [tilespmem:s25+$0x0]  }
0x135: {  	v27 =	vld [tilespmem:s24+$0x620]  }
0x136: {  	v28 =	vld [tilespmem:s24+$0x6A0];
	_ =	sdelay $0x2  }
0x137: {  	v29 =	vld [tilespmem:s23+$0x920]  }
0x138: {  	v31 =	vld [tilespmem:s23+$0x9A0];
	v0 =	vadd.f32 v22, v0;
	v30 =	vadd.f32 v24, v23  }
0x139: {  	v1 =	vadd.f32 v26, v25;
	v32 =	vadd.f32 v28, v27;
	_ =	sdelay $0x1  }
0x13a: {  	v0 =	vadd.f32 v30, v0;
	v1 =	vadd.f32 v32, v1;
	_ =	sdelay $0x1  }
0x13b: {  	v33 =	vadd.f32 v31, v29;
	v0 =	vadd.f32 v1, v0;
	_ =	sdelay $0x1  }
0x13c: {  	v0 =	vadd.f32 v33, v0;
	_ =	sdelay $0x1  }
0x13d: {  	[tilespmem:s10+$0x20] =	vst v0  }
0x13e: {  	v0 =	vld [tilespmem:s23+$0x130]  }
0x13f: {  	v34 =	vld [tilespmem:s23+$0x1B0]  }
0x140: {  	v35 =	vld [tilespmem:s6+$0x230]  }
0x141: {  	s26 =	sor.u32 $0x330, s24;
	v36 =	vld [tilespmem:s6+$0x2B0]  }
0x142: {  	s28 =	sor.u32 $0x3B0, s24;
	v37 =	vld [tilespmem:s26+$0x0]  }
0x143: {  	v38 =	vld [tilespmem:s28+$0x0]  }
0x144: {  	v39 =	vld [tilespmem:s24+$0x630]  }
0x145: {  	v40 =	vld [tilespmem:s24+$0x6B0];
	_ =	sdelay $0x2  }
0x146: {  	v41 =	vld [tilespmem:s23+$0x930]  }
0x147: {  	v43 =	vld [tilespmem:s23+$0x9B0];
	v0 =	vadd.f32 v34, v0;
	v42 =	vadd.f32 v36, v35  }
0x148: {  	v44 =	vadd.f32 v38, v37;
	v45 =	vadd.f32 v40, v39;
	_ =	sdelay $0x1  }
0x149: {  	v0 =	vadd.f32 v42, v0;
	v46 =	vadd.f32 v45, v44;
	_ =	sdelay $0x1  }
0x14a: {  	v2 =	vadd.f32 v43, v41;
	v0 =	vadd.f32 v46, v0;
	_ =	sdelay $0x1  }
0x14b: {  	v0 =	vadd.f32 v2, v0;
	_ =	sdelay $0x1  }
0x14c: {  	[tilespmem:s10+$0x30] =	vst v0  }
0x14d: {  	v0 =	vld [tilespmem:s23+$0x140]  }
0x14e: {  	v47 =	vld [tilespmem:s23+$0x1C0]  }
0x14f: {  	v48 =	vld [tilespmem:s6+$0x240]  }
0x150: {  	s30 =	sor.u32 $0x340, s24;
	v49 =	vld [tilespmem:s6+$0x2C0]  }
0x151: {  	s31 =	sor.u32 $0x3C0, s24;
	v50 =	vld [tilespmem:s30+$0x0]  }
0x152: {  	v51 =	vld [tilespmem:s31+$0x0]  }
0x153: {  	v52 =	vld [tilespmem:s24+$0x640]  }
0x154: {  	v53 =	vld [tilespmem:s24+$0x6C0];
	_ =	sdelay $0x2  }
0x155: {  	v54 =	vld [tilespmem:s23+$0x940]  }
0x156: {  	v56 =	vld [tilespmem:s23+$0x9C0];
	v0 =	vadd.f32 v47, v0;
	v55 =	vadd.f32 v49, v48  }
0x157: {  	v57 =	vadd.f32 v51, v50;
	v58 =	vadd.f32 v53, v52;
	_ =	sdelay $0x1  }
0x158: {  	v0 =	vadd.f32 v55, v0;
	v59 =	vadd.f32 v58, v57;
	_ =	sdelay $0x1  }
0x159: {  	v2 =	vadd.f32 v56, v54;
	v0 =	vadd.f32 v59, v0;
	_ =	sdelay $0x1  }
0x15a: {  	v0 =	vadd.f32 v2, v0;
	_ =	sdelay $0x1  }
0x15b: {  	[tilespmem:s10+$0x40] =	vst v0  }
0x15c: {  	v0 =	vld [tilespmem:s23+$0x150]  }
0x15d: {  	v60 =	vld [tilespmem:s23+$0x1D0]  }
0x15e: {  	v61 =	vld [tilespmem:s6+$0x250]  }
0x15f: {  	s1 =	sor.u32 $0x350, s24;
	v62 =	vld [tilespmem:s6+$0x2D0]  }
0x160: {  	s18 =	sor.u32 $0x3D0, s24;
	v63 =	vld [tilespmem:s1+$0x0]  }
0x161: {  	v12 =	vld [tilespmem:s18+$0x0]  }
0x162: {  	v13 =	vld [tilespmem:s24+$0x650]  }
0x163: {  	v14 =	vld [tilespmem:s24+$0x6D0];
	_ =	sdelay $0x2  }
0x164: {  	v15 =	vld [tilespmem:s23+$0x950]  }
0x165: {  	v17 =	vld [tilespmem:s23+$0x9D0];
	v0 =	vadd.f32 v60, v0;
	v16 =	vadd.f32 v62, v61  }
0x166: {  	v18 =	vadd.f32 v12, v63;
	v19 =	vadd.f32 v14, v13;
	_ =	sdelay $0x1  }
0x167: {  	v0 =	vadd.f32 v16, v0;
	v20 =	vadd.f32 v19, v18;
	_ =	sdelay $0x1  }
0x168: {  	v2 =	vadd.f32 v17, v15;
	v0 =	vadd.f32 v20, v0;
	_ =	sdelay $0x1  }
0x169: {  	v0 =	vadd.f32 v2, v0;
	_ =	sdelay $0x1  }
0x16a: {  	[tilespmem:s10+$0x50] =	vst v0  }
0x16b: {  	v0 =	vld [tilespmem:s23+$0x160]  }
0x16c: {  	v21 =	vld [tilespmem:s23+$0x1E0]  }
0x16d: {  	v22 =	vld [tilespmem:s6+$0x260]  }
0x16e: {  	s25 =	sor.u32 $0x360, s24;
	v23 =	vld [tilespmem:s6+$0x2E0]  }
0x16f: {  	s26 =	sor.u32 $0x3E0, s24;
	v24 =	vld [tilespmem:s25+$0x0]  }
0x170: {  	v25 =	vld [tilespmem:s26+$0x0]  }
0x171: {  	v26 =	vld [tilespmem:s24+$0x660]  }
0x172: {  	v27 =	vld [tilespmem:s24+$0x6E0];
	_ =	sdelay $0x2  }
0x173: {  	v28 =	vld [tilespmem:s23+$0x960]  }
0x174: {  	v30 =	vld [tilespmem:s23+$0x9E0];
	v0 =	vadd.f32 v21, v0;
	v29 =	vadd.f32 v23, v22  }
0x175: {  	v31 =	vadd.f32 v25, v24;
	v32 =	vadd.f32 v27, v26;
	_ =	sdelay $0x1  }
0x176: {  	v0 =	vadd.f32 v29, v0;
	v33 =	vadd.f32 v32, v31;
	_ =	sdelay $0x1  }
0x177: {  	v2 =	vadd.f32 v30, v28;
	v0 =	vadd.f32 v33, v0;
	_ =	sdelay $0x1  }
0x178: {  	v0 =	vadd.f32 v2, v0;
	_ =	sdelay $0x1  }
0x179: {  	[tilespmem:s10+$0x60] =	vst v0  }
0x17a: {  	v0 =	vld [tilespmem:s23+$0x170]  }
0x17b: {  	v34 =	vld [tilespmem:s23+$0x1F0]  }
0x17c: {  	v35 =	vld [tilespmem:s6+$0x270]  }
0x17d: {  	s28 =	sor.u32 $0x370, s24;
	v36 =	vld [tilespmem:s6+$0x2F0]  }
0x17e: {  	s30 =	sor.u32 $0x3F0, s24;
	v37 =	vld [tilespmem:s28+$0x0]  }
0x17f: {  	v38 =	vld [tilespmem:s30+$0x0]  }
0x180: {  	v39 =	vld [tilespmem:s24+$0x670]  }
0x181: {  	v40 =	vld [tilespmem:s24+$0x6F0];
	_ =	sdelay $0x2  }
0x182: {  	v41 =	vld [tilespmem:s23+$0x970]  }
0x183: {  	v43 =	vld [tilespmem:s23+$0x9F0];
	v0 =	vadd.f32 v34, v0;
	v42 =	vadd.f32 v36, v35  }
0x184: {  	v44 =	vadd.f32 v38, v37;
	v45 =	vadd.f32 v40, v39;
	_ =	sdelay $0x1  }
0x185: {  	v0 =	vadd.f32 v42, v0;
	v46 =	vadd.f32 v45, v44;
	_ =	sdelay $0x1  }
0x186: {  	v2 =	vadd.f32 v43, v41;
	v0 =	vadd.f32 v46, v0  }
0x187: {  	s6 =	sor.u32 $0x2, s21  }
0x188: {  	s28 =	smul.u32 $0xA00, s6;
	v0 =	vadd.f32 v2, v0;
	_ =	sdelay $0x1  }
0x189: {  	v12 =	vld [tilespmem:s28+$0x400];
	[tilespmem:s10+$0x70] =	vst v0  }
0x18a: {  	v0 =	vld [tilespmem:s23+$0x500]  }
0x18b: {  	v47 =	vld [tilespmem:s23+$0x580]  }
0x18c: {  	v48 =	vld [tilespmem:s24+$0x400]  }
0x18d: {  	s31 =	sor.u32 $0x700, s24;
	v49 =	vld [tilespmem:s24+$0x480]  }
0x18e: {  	s1 =	sor.u32 $0x780, s24;
	v50 =	vld [tilespmem:s31+$0x0]  }
0x18f: {  	v51 =	vld [tilespmem:s1+$0x0]  }
0x190: {  	v52 =	vld [tilespmem:s24+$0xA00]  }
0x191: {  	v53 =	vld [tilespmem:s24+$0xA80]  }
0x192: {  	v13 =	vld [tilespmem:s28+$0x480]  }
0x193: {  	v14 =	vld [tilespmem:s28+$0x500]  }
0x194: {  	v54 =	vld [tilespmem:s23+$0xD00]  }
0x195: {  	v56 =	vld [tilespmem:s23+$0xD80];
	v0 =	vadd.f32 v47, v0;
	v55 =	vadd.f32 v49, v48  }
0x196: {  	s26 =	sand.u32 $0xF800, s28;
	v15 =	vld [tilespmem:s28+$0x580];
	v57 =	vadd.f32 v51, v50;
	v58 =	vadd.f32 v53, v52  }
0x197: {  	v60 =	vld [tilespmem:s26+$0x200]  }
0x198: {  	v61 =	vld [tilespmem:s26+$0x280];
	v0 =	vadd.f32 v55, v0;
	v59 =	vadd.f32 v58, v57  }
0x199: {  	v62 =	vld [tilespmem:s26+$0x300]  }
0x19a: {  	v63 =	vld [tilespmem:s26+$0x380];
	v2 =	vadd.f32 v56, v54;
	v0 =	vadd.f32 v59, v0;
	_ =	sdelay $0x1  }
0x19b: {  	s25 =	sor.u32 s22, s5;
	v0 =	vadd.f32 v2, v0  }
0x19c: {  	v18 =	vld [tilespmem:s26+$0xA00];
	s10 =	sor.u32 $0x400, s25  }
0x19d: {  	v20 =	vld [tilespmem:s26+$0xA80];
	v5 =	vadd.f32 v13, v12;
	v22 =	vadd.f32 v15, v14;
	[tilespmem:s10+$0x14000] =	vst v0  }
0x19e: {  	v1 =	vadd.f32 v61, v60;
	v19 =	vadd.f32 v63, v62;
	v0 =	vld [tilespmem:s23+$0x510]  }
0x19f: {  	v16 =	vld [tilespmem:s23+$0x590]  }
0x1a0: {  	v25 =	vadd.f32 v22, v5;
	v1 =	vadd.f32 v19, v1;
	v17 =	vld [tilespmem:s24+$0x410]  }
0x1a1: {  	s18 =	sor.u32 $0x710, s24;
	v21 =	vld [tilespmem:s24+$0x490]  }
0x1a2: {  	s30 =	sor.u32 $0x790, s24;
	v3 =	vadd.f32 v20, v18;
	v1 =	vadd.f32 v25, v1;
	v23 =	vld [tilespmem:s18+$0x0]  }
0x1a3: {  	s0 =	sshll.u32 s6, $0x7;
	v24 =	vld [tilespmem:s30+$0x0]  }
0x1a4: {  	s1 =	sand.u32 $0x300, s0;
	v1 =	vadd.f32 v3, v1;
	v26 =	vld [tilespmem:s24+$0xA10]  }
0x1a5: {  	s6 =	sor.u32 s1, s29;
	v27 =	vld [tilespmem:s24+$0xA90]  }
0x1a6: {  	[tilespmem:s6+$0x0] =	vst v1  }
0x1a7: {  	v32 =	vld [tilespmem:s26+$0x210]  }
0x1a8: {  	v28 =	vld [tilespmem:s23+$0xD10]  }
0x1a9: {  	v30 =	vld [tilespmem:s23+$0xD90];
	v0 =	vadd.f32 v16, v0;
	v29 =	vadd.f32 v21, v17  }
0x1aa: {  	v33 =	vld [tilespmem:s26+$0x290];
	v31 =	vadd.f32 v24, v23;
	v5 =	vadd.f32 v27, v26  }
0x1ab: {  	v34 =	vld [tilespmem:s26+$0x310]  }
0x1ac: {  	v35 =	vld [tilespmem:s26+$0x390];
	v0 =	vadd.f32 v29, v0;
	v1 =	vadd.f32 v5, v31  }
0x1ad: {  	v36 =	vld [tilespmem:s28+$0x410]  }
0x1ae: {  	v37 =	vld [tilespmem:s28+$0x490];
	v2 =	vadd.f32 v30, v28;
	v0 =	vadd.f32 v1, v0  }
0x1af: {  	v38 =	vld [tilespmem:s28+$0x510]  }
0x1b0: {  	v39 =	vld [tilespmem:s28+$0x590];
	v0 =	vadd.f32 v2, v0  }
0x1b1: {  	s31 =	sor.u32 $0x410, s25;
	v40 =	vld [tilespmem:s26+$0xA10]  }
0x1b2: {  	v41 =	vld [tilespmem:s26+$0xA90];
	[tilespmem:s31+$0x14000] =	vst v0  }
0x1b3: {  	v0 =	vld [tilespmem:s23+$0x520]  }
0x1b4: {  	v6 =	vadd.f32 v33, v32;
	v3 =	vadd.f32 v35, v34;
	v42 =	vld [tilespmem:s23+$0x5A0]  }
0x1b5: {  	v1 =	vadd.f32 v37, v36;
	v2 =	vadd.f32 v39, v38;
	v43 =	vld [tilespmem:s24+$0x420]  }
0x1b6: {  	s5 =	sor.u32 $0x720, s24;
	v44 =	vld [tilespmem:s24+$0x4A0]  }
0x1b7: {  	v3 =	vadd.f32 v3, v6;
	s10 =	sor.u32 $0x7A0, s24;
	v1 =	vadd.f32 v2, v1;
	v45 =	vld [tilespmem:s5+$0x0]  }
0x1b8: {  	v46 =	vld [tilespmem:s10+$0x0]  }
0x1b9: {  	v5 =	vadd.f32 v41, v40;
	v47 =	vld [tilespmem:s24+$0xA20];
	v1 =	vadd.f32 v1, v3  }
0x1ba: {  	v48 =	vld [tilespmem:s24+$0xAA0]  }
0x1bb: {  	v1 =	vadd.f32 v5, v1  }
0x1bc: {  	v49 =	vld [tilespmem:s23+$0xD20]  }
0x1bd: {  	v50 =	vld [tilespmem:s23+$0xDA0];
	[tilespmem:s6+$0x10] =	vst v1  }
0x1be: {  	v0 =	vadd.f32 v42, v0;
	v4 =	vadd.f32 v44, v43;
	v1 =	vld [tilespmem:s26+$0x220]  }
0x1bf: {  	v2 =	vadd.f32 v46, v45;
	v3 =	vadd.f32 v48, v47;
	v51 =	vld [tilespmem:s26+$0x2A0]  }
0x1c0: {  	v52 =	vld [tilespmem:s26+$0x320]  }
0x1c1: {  	v53 =	vld [tilespmem:s26+$0x3A0];
	v0 =	vadd.f32 v4, v0;
	v2 =	vadd.f32 v3, v2  }
0x1c2: {  	v54 =	vld [tilespmem:s28+$0x420]  }
0x1c3: {  	v5 =	vadd.f32 v50, v49;
	v55 =	vld [tilespmem:s28+$0x4A0];
	v0 =	vadd.f32 v2, v0  }
0x1c4: {  	v56 =	vld [tilespmem:s28+$0x520]  }
0x1c5: {  	v57 =	vld [tilespmem:s28+$0x5A0];
	v0 =	vadd.f32 v5, v0  }
0x1c6: {  	s18 =	sor.u32 $0x420, s25;
	v58 =	vld [tilespmem:s26+$0xA20]  }
0x1c7: {  	v60 =	vld [tilespmem:s26+$0xAA0];
	[tilespmem:s18+$0x14000] =	vst v0  }
0x1c8: {  	v0 =	vld [tilespmem:s23+$0x530]  }
0x1c9: {  	v61 =	vld [tilespmem:s23+$0x5B0]  }
0x1ca: {  	v62 =	vld [tilespmem:s24+$0x430]  }
0x1cb: {  	s30 =	sor.u32 $0x730, s24;
	v63 =	vld [tilespmem:s24+$0x4B0]  }
0x1cc: {  	s31 =	sor.u32 $0x7B0, s24;
	v1 =	vadd.f32 v51, v1;
	v59 =	vadd.f32 v53, v52;
	v21 =	vld [tilespmem:s30+$0x0]  }
0x1cd: {  	v6 =	vadd.f32 v55, v54;
	v3 =	vadd.f32 v57, v56;
	v22 =	vld [tilespmem:s31+$0x0]  }
0x1ce: {  	v23 =	vld [tilespmem:s24+$0xA30]  }
0x1cf: {  	s10 =	sor.u32 $0x3, s21;
	v1 =	vadd.f32 v59, v1;
	v3 =	vadd.f32 v3, v6;
	v40 =	vld [tilespmem:s24+$0xAB0]  }
0x1d0: {  	s31 =	smul.u32 $0xA00, s10;
	v41 =	vld [tilespmem:s23+$0xD30]  }
0x1d1: {  	v2 =	vadd.f32 v60, v58;
	v45 =	vld [tilespmem:s23+$0xDB0];
	v1 =	vadd.f32 v3, v1  }
0x1d2: {  	v19 =	vld [tilespmem:s31+$0x200]  }
0x1d3: {  	s30 =	sand.u32 $0xF800, s31;
	v32 =	vld [tilespmem:s31+$0x280];
	v1 =	vadd.f32 v2, v1  }
0x1d4: {  	v17 =	vld [tilespmem:s30+$0x300]  }
0x1d5: {  	v18 =	vld [tilespmem:s30+$0x380];
	[tilespmem:s6+$0x20] =	vst v1  }
0x1d6: {  	v1 =	vld [tilespmem:s26+$0x230]  }
0x1d7: {  	v24 =	vld [tilespmem:s26+$0x2B0]  }
0x1d8: {  	v25 =	vld [tilespmem:s26+$0x330]  }
0x1d9: {  	v26 =	vld [tilespmem:s26+$0x3B0]  }
0x1da: {  	v27 =	vld [tilespmem:s28+$0x430]  }
0x1db: {  	v28 =	vld [tilespmem:s28+$0x4B0]  }
0x1dc: {  	s5 =	sadd.s32 $0x400, s31;
	v29 =	vld [tilespmem:s28+$0x530]  }
0x1dd: {  	s0 =	sand.u32 $0x1F800, s5;
	v30 =	vld [tilespmem:s28+$0x5B0]  }
0x1de: {  	v35 =	vld [tilespmem:s0+$0x100];
	v0 =	vadd.f32 v61, v0  }
0x1df: {  	v36 =	vld [tilespmem:s0+$0x180];
	v3 =	vadd.f32 v63, v62;
	v2 =	vadd.f32 v22, v21  }
0x1e0: {  	s18 =	sadd.s32 $0x600, s31;
	v56 =	vadd.f32 v40, v23;
	v8 =	vadd.f32 v45, v41;
	v15 =	vld [tilespmem:s26+$0xA30]  }
0x1e1: {  	s5 =	sand.u32 $0x1F800, s18;
	v16 =	vld [tilespmem:s26+$0xAB0];
	v1 =	vadd.f32 v24, v1;
	v31 =	vadd.f32 v26, v25  }
0x1e2: {  	v38 =	vld [tilespmem:s5+$0x200];
	v33 =	vadd.f32 v28, v27;
	v34 =	vadd.f32 v30, v29  }
0x1e3: {  	v39 =	vld [tilespmem:s5+$0x280];
	v9 =	vadd.f32 v32, v19;
	v0 =	vadd.f32 v3, v0  }
0x1e4: {  	v1 =	vadd.f32 v31, v1;
	v37 =	vadd.f32 v34, v33  }
0x1e5: {  	v2 =	vadd.f32 v56, v2;
	v43 =	vadd.f32 v18, v17  }
0x1e6: {  	v42 =	vld [tilespmem:s30+$0xB00];
	v15 =	vadd.f32 v16, v15;
	v1 =	vadd.f32 v37, v1  }
0x1e7: {  	v44 =	vld [tilespmem:s30+$0xB80];
	v46 =	vadd.f32 v36, v35;
	v0 =	vadd.f32 v2, v0  }
0x1e8: {  	v10 =	vadd.f32 v39, v38;
	v1 =	vadd.f32 v15, v1  }
0x1e9: {  	v0 =	vadd.f32 v8, v0  }
0x1ea: {  	s18 =	sor.u32 $0x430, s25;
	v9 =	vadd.f32 v9, v43;
	[tilespmem:s6+$0x30] =	vst v1;
	v1 =	vadd.f32 v10, v46  }
0x1eb: {  	[tilespmem:s18+$0x14000] =	vst v0  }
0x1ec: {  	v4 =	vld [tilespmem:s23+$0x540];
	v15 =	vadd.f32 v44, v42;
	v1 =	vadd.f32 v1, v9  }
0x1ed: {  	s10 =	sshll.u32 s10, $0x7;
	s18 =	sor.u32 $0x740, s24;
	v5 =	vld [tilespmem:s24+$0x4C0]  }
0x1ee: {  	s10 =	sand.u32 $0x380, s10;
	v6 =	vld [tilespmem:s18+$0x0];
	v1 =	vadd.f32 v15, v1  }
0x1ef: {  	s29 =	sor.u32 s10, s29;
	v47 =	vld [tilespmem:s26+$0x240]  }
0x1f0: {  	v48 =	vld [tilespmem:s26+$0x2C0];
	[tilespmem:s29+$0x0] =	vst v1  }
0x1f1: {  	v1 =	vld [tilespmem:s30+$0x310]  }
0x1f2: {  	v55 =	vld [tilespmem:s30+$0x390]  }
0x1f3: {  	v57 =	vld [tilespmem:s31+$0x210]  }
0x1f4: {  	v58 =	vld [tilespmem:s31+$0x290]  }
0x1f5: {  	v59 =	vld [tilespmem:s0+$0x110]  }
0x1f6: {  	v60 =	vld [tilespmem:s0+$0x190]  }
0x1f7: {  	v61 =	vld [tilespmem:s5+$0x210]  }
0x1f8: {  	v62 =	vld [tilespmem:s5+$0x290]  }
0x1f9: {  	v49 =	vld [tilespmem:s26+$0x340]  }
0x1fa: {  	v50 =	vld [tilespmem:s26+$0x3C0]  }
0x1fb: {  	v20 =	vld [tilespmem:s30+$0xB10]  }
0x1fc: {  	v22 =	vld [tilespmem:s30+$0xB90];
	v1 =	vadd.f32 v55, v1;
	v21 =	vadd.f32 v58, v57  }
0x1fd: {  	v51 =	vld [tilespmem:s28+$0x440];
	v3 =	vadd.f32 v60, v59;
	v2 =	vadd.f32 v62, v61  }
0x1fe: {  	v52 =	vld [tilespmem:s28+$0x4C0]  }
0x1ff: {  	v53 =	vld [tilespmem:s28+$0x540];
	v1 =	vadd.f32 v21, v1;
	v2 =	vadd.f32 v2, v3  }
0x200: {  	v54 =	vld [tilespmem:s28+$0x5C0]  }
0x201: {  	v63 =	vld [tilespmem:s26+$0xA40];
	v27 =	vadd.f32 v22, v20;
	v1 =	vadd.f32 v2, v1  }
0x202: {  	s18 =	sor.u32 $0x7C0, s24;
	v18 =	vld [tilespmem:s26+$0xAC0]  }
0x203: {  	v15 =	vld [tilespmem:s18+$0x0];
	v1 =	vadd.f32 v27, v1  }
0x204: {  	v11 =	vadd.f32 v48, v47;
	v10 =	vadd.f32 v50, v49;
	v58 =	vld [tilespmem:s24+$0xA40]  }
0x205: {  	v9 =	vadd.f32 v52, v51;
	v19 =	vadd.f32 v54, v53;
	v3 =	vld [tilespmem:s24+$0x440];
	[tilespmem:s29+$0x10] =	vst v1  }
0x206: {  	v1 =	vld [tilespmem:s30+$0x320]  }
0x207: {  	v23 =	vadd.f32 v10, v11;
	v24 =	vadd.f32 v19, v9;
	v28 =	vld [tilespmem:s30+$0x3A0]  }
0x208: {  	v29 =	vld [tilespmem:s31+$0x220]  }
0x209: {  	v25 =	vadd.f32 v18, v63;
	v26 =	vadd.f32 v24, v23;
	v30 =	vld [tilespmem:s31+$0x2A0]  }
0x20a: {  	v31 =	vld [tilespmem:s0+$0x120]  }
0x20b: {  	v0 =	vadd.f32 v25, v26;
	v32 =	vld [tilespmem:s0+$0x1A0]  }
0x20c: {  	v33 =	vld [tilespmem:s5+$0x220]  }
0x20d: {  	[tilespmem:s6+$0x40] =	vst v0;
	v34 =	vld [tilespmem:s5+$0x2A0]  }
0x20e: {  	v0 =	vld [tilespmem:s26+$0x250]  }
0x20f: {  	v35 =	vld [tilespmem:s26+$0x2D0]  }
0x210: {  	v37 =	vld [tilespmem:s30+$0xB20]  }
0x211: {  	v39 =	vld [tilespmem:s30+$0xBA0];
	v1 =	vadd.f32 v28, v1;
	v38 =	vadd.f32 v30, v29  }
0x212: {  	v36 =	vld [tilespmem:s26+$0x350];
	v9 =	vadd.f32 v32, v31;
	v41 =	vadd.f32 v34, v33  }
0x213: {  	v40 =	vld [tilespmem:s26+$0x3D0]  }
0x214: {  	v42 =	vld [tilespmem:s28+$0x450];
	v1 =	vadd.f32 v38, v1;
	v44 =	vadd.f32 v41, v9  }
0x215: {  	v43 =	vld [tilespmem:s28+$0x4D0]  }
0x216: {  	v45 =	vld [tilespmem:s28+$0x550];
	v7 =	vadd.f32 v39, v37;
	v1 =	vadd.f32 v44, v1  }
0x217: {  	v46 =	vld [tilespmem:s28+$0x5D0]  }
0x218: {  	v47 =	vld [tilespmem:s26+$0xA50];
	v1 =	vadd.f32 v7, v1  }
0x219: {  	v48 =	vld [tilespmem:s26+$0xAD0]  }
0x21a: {  	v2 =	vld [tilespmem:s23+$0x5C0];
	[tilespmem:s29+$0x20] =	vst v1  }
0x21b: {  	v50 =	vld [tilespmem:s30+$0x330]  }
0x21c: {  	v0 =	vadd.f32 v35, v0;
	v8 =	vadd.f32 v40, v36;
	v51 =	vld [tilespmem:s30+$0x3B0]  }
0x21d: {  	v49 =	vadd.f32 v43, v42;
	v9 =	vadd.f32 v46, v45;
	v52 =	vld [tilespmem:s31+$0x230]  }
0x21e: {  	v53 =	vld [tilespmem:s31+$0x2B0]  }
0x21f: {  	v0 =	vadd.f32 v8, v0;
	v1 =	vadd.f32 v9, v49;
	v54 =	vld [tilespmem:s0+$0x130]  }
0x220: {  	v55 =	vld [tilespmem:s0+$0x1B0]  }
0x221: {  	v7 =	vadd.f32 v48, v47;
	v56 =	vld [tilespmem:s5+$0x230];
	v0 =	vadd.f32 v1, v0  }
0x222: {  	v57 =	vld [tilespmem:s5+$0x2B0]  }
0x223: {  	v35 =	vld [tilespmem:s24+$0xAC0];
	v0 =	vadd.f32 v7, v0  }
0x224: {  	v59 =	vld [tilespmem:s30+$0xB30]  }
0x225: {  	v60 =	vld [tilespmem:s30+$0xBB0];
	[tilespmem:s6+$0x50] =	vst v0  }
0x226: {  	v10 =	vadd.f32 v51, v50;
	v8 =	vadd.f32 v53, v52;
	v0 =	vld [tilespmem:s26+$0x260]  }
0x227: {  	v1 =	vadd.f32 v55, v54;
	v7 =	vadd.f32 v57, v56;
	v61 =	vld [tilespmem:s26+$0x2E0]  }
0x228: {  	v62 =	vld [tilespmem:s26+$0x360]  }
0x229: {  	v63 =	vld [tilespmem:s26+$0x3E0];
	v8 =	vadd.f32 v8, v10;
	v1 =	vadd.f32 v7, v1  }
0x22a: {  	v21 =	vld [tilespmem:s28+$0x460]  }
0x22b: {  	v9 =	vadd.f32 v60, v59;
	v22 =	vld [tilespmem:s28+$0x4E0];
	v1 =	vadd.f32 v1, v8  }
0x22c: {  	v23 =	vld [tilespmem:s28+$0x560]  }
0x22d: {  	v24 =	vld [tilespmem:s28+$0x5E0];
	v1 =	vadd.f32 v9, v1  }
0x22e: {  	v25 =	vld [tilespmem:s26+$0xA60]  }
0x22f: {  	v26 =	vld [tilespmem:s26+$0xAE0];
	[tilespmem:s29+$0x30] =	vst v1  }
0x230: {  	v1 =	vld [tilespmem:s30+$0x340]  }
0x231: {  	v27 =	vld [tilespmem:s30+$0x3C0]  }
0x232: {  	v0 =	vadd.f32 v61, v0;
	v29 =	vadd.f32 v63, v62;
	v28 =	vld [tilespmem:s31+$0x240]  }
0x233: {  	v7 =	vadd.f32 v22, v21;
	v8 =	vadd.f32 v24, v23;
	v30 =	vld [tilespmem:s31+$0x2C0]  }
0x234: {  	v31 =	vld [tilespmem:s0+$0x140]  }
0x235: {  	v0 =	vadd.f32 v29, v0;
	v7 =	vadd.f32 v8, v7;
	v32 =	vld [tilespmem:s0+$0x1C0]  }
0x236: {  	v33 =	vld [tilespmem:s5+$0x240]  }
0x237: {  	v9 =	vadd.f32 v26, v25;
	v34 =	vld [tilespmem:s5+$0x2C0];
	v0 =	vadd.f32 v7, v0  }
0x238: {  	v36 =	vld [tilespmem:s23+$0xD40]  }
0x239: {  	v39 =	vld [tilespmem:s23+$0xDC0];
	v0 =	vadd.f32 v9, v0  }
0x23a: {  	v37 =	vld [tilespmem:s30+$0xB40]  }
0x23b: {  	v38 =	vld [tilespmem:s30+$0xBC0];
	v1 =	vadd.f32 v27, v1;
	v12 =	vadd.f32 v30, v28;
	[tilespmem:s6+$0x60] =	vst v0  }
0x23c: {  	v40 =	vadd.f32 v32, v31;
	v8 =	vadd.f32 v34, v33;
	v41 =	vld [tilespmem:s26+$0x270]  }
0x23d: {  	v42 =	vld [tilespmem:s26+$0x2F0]  }
0x23e: {  	v43 =	vld [tilespmem:s26+$0x370];
	v1 =	vadd.f32 v12, v1;
	v0 =	vadd.f32 v8, v40  }
0x23f: {  	v44 =	vld [tilespmem:s26+$0x3F0]  }
0x240: {  	v9 =	vadd.f32 v38, v37;
	v45 =	vld [tilespmem:s28+$0x470];
	v0 =	vadd.f32 v0, v1  }
0x241: {  	v46 =	vld [tilespmem:s28+$0x4F0]  }
0x242: {  	v47 =	vld [tilespmem:s28+$0x570];
	v0 =	vadd.f32 v9, v0  }
0x243: {  	v48 =	vld [tilespmem:s28+$0x5F0]  }
0x244: {  	v59 =	vld [tilespmem:s26+$0xA70];
	[tilespmem:s29+$0x40] =	vst v0  }
0x245: {  	v0 =	vld [tilespmem:s30+$0x350]  }
0x246: {  	v3 =	vadd.f32 v5, v3;
	v2 =	vadd.f32 v2, v4;
	v49 =	vld [tilespmem:s30+$0x3D0]  }
0x247: {  	v50 =	vadd.f32 v15, v6;
	v51 =	vadd.f32 v35, v58;
	v52 =	vld [tilespmem:s31+$0x250]  }
0x248: {  	v53 =	vld [tilespmem:s31+$0x2D0]  }
0x249: {  	v2 =	vadd.f32 v3, v2;
	v54 =	vadd.f32 v51, v50;
	v55 =	vld [tilespmem:s0+$0x150]  }
0x24a: {  	v56 =	vld [tilespmem:s0+$0x1D0]  }
0x24b: {  	v2 =	vadd.f32 v54, v2;
	v7 =	vadd.f32 v39, v36;
	v57 =	vld [tilespmem:s5+$0x250]  }
0x24c: {  	v10 =	vadd.f32 v42, v41;
	v8 =	vadd.f32 v44, v43;
	v58 =	vld [tilespmem:s5+$0x2D0]  }
0x24d: {  	v60 =	vld [tilespmem:s26+$0xAF0];
	v1 =	vadd.f32 v46, v45;
	v9 =	vadd.f32 v48, v47  }
0x24e: {  	v2 =	vadd.f32 v7, v2  }
0x24f: {  	v15 =	vadd.f32 v8, v10;
	v1 =	vadd.f32 v9, v1;
	v61 =	vld [tilespmem:s30+$0xB50]  }
0x250: {  	v63 =	vld [tilespmem:s30+$0xBD0];
	v0 =	vadd.f32 v49, v0;
	v62 =	vadd.f32 v53, v52  }
0x251: {  	s18 =	sor.u32 $0x440, s25;
	v5 =	vadd.f32 v56, v55;
	v3 =	vadd.f32 v58, v57  }
0x252: {  	[tilespmem:s18+$0x14000] =	vst v2;
	v16 =	vadd.f32 v60, v59;
	v17 =	vadd.f32 v1, v15  }
0x253: {  	v2 =	vld [tilespmem:s23+$0x550];
	v4 =	vadd.f32 v62, v0;
	v3 =	vadd.f32 v3, v5  }
0x254: {  	v6 =	vld [tilespmem:s24+$0x450];
	v19 =	vadd.f32 v16, v17  }
0x255: {  	v51 =	vld [tilespmem:s24+$0xA50];
	v18 =	vadd.f32 v63, v61;
	v3 =	vadd.f32 v3, v4  }
0x256: {  	v15 =	vld [tilespmem:s24+$0x4D0];
	[tilespmem:s6+$0x70] =	vst v19  }
0x257: {  	v20 =	vld [tilespmem:s28+$0x200];
	v3 =	vadd.f32 v18, v3  }
0x258: {  	v28 =	vld [tilespmem:s28+$0x280]  }
0x259: {  	v29 =	vld [tilespmem:s28+$0x300];
	[tilespmem:s29+$0x50] =	vst v3  }
0x25a: {  	v3 =	vld [tilespmem:s30+$0x360]  }
0x25b: {  	v21 =	vld [tilespmem:s30+$0x3E0]  }
0x25c: {  	v22 =	vld [tilespmem:s31+$0x260]  }
0x25d: {  	v23 =	vld [tilespmem:s31+$0x2E0]  }
0x25e: {  	v24 =	vld [tilespmem:s0+$0x160]  }
0x25f: {  	v25 =	vld [tilespmem:s0+$0x1E0]  }
0x260: {  	v26 =	vld [tilespmem:s5+$0x260]  }
0x261: {  	v27 =	vld [tilespmem:s5+$0x2E0]  }
0x262: {  	v33 =	vld [tilespmem:s28+$0x380]  }
0x263: {  	v35 =	vld [tilespmem:s28+$0x800]  }
0x264: {  	v30 =	vld [tilespmem:s30+$0xB60]  }
0x265: {  	v32 =	vld [tilespmem:s30+$0xBE0];
	v3 =	vadd.f32 v21, v3;
	v31 =	vadd.f32 v23, v22  }
0x266: {  	v36 =	vld [tilespmem:s28+$0x880];
	v9 =	vadd.f32 v25, v24;
	v34 =	vadd.f32 v27, v26  }
0x267: {  	v38 =	vld [tilespmem:s28+$0x900]  }
0x268: {  	v39 =	vld [tilespmem:s28+$0x980];
	v3 =	vadd.f32 v31, v3;
	v37 =	vadd.f32 v34, v9  }
0x269: {  	v40 =	vld [tilespmem:s26+$0xE00]  }
0x26a: {  	s18 =	sor.u32 $0x750, s24;
	v41 =	vld [tilespmem:s26+$0xE80];
	v7 =	vadd.f32 v32, v30;
	v3 =	vadd.f32 v37, v3  }
0x26b: {  	v0 =	vld [tilespmem:s18+$0x0];
	s18 =	sor.u32 $0x7D0, s24  }
0x26c: {  	v1 =	vld [tilespmem:s18+$0x0];
	v3 =	vadd.f32 v7, v3  }
0x26d: {  	v4 =	vld [tilespmem:s23+$0x5D0]  }
0x26e: {  	v5 =	vadd.f32 v28, v20;
	v28 =	vld [tilespmem:s24+$0xAD0];
	[tilespmem:s29+$0x60] =	vst v3  }
0x26f: {  	v43 =	vld [tilespmem:s30+$0x370]  }
0x270: {  	v8 =	vadd.f32 v33, v29;
	v44 =	vld [tilespmem:s30+$0x3F0]  }
0x271: {  	v42 =	vadd.f32 v36, v35;
	v9 =	vadd.f32 v39, v38;
	v45 =	vld [tilespmem:s31+$0x270]  }
0x272: {  	v46 =	vld [tilespmem:s31+$0x2F0]  }
0x273: {  	v5 =	vadd.f32 v8, v5;
	v3 =	vadd.f32 v9, v42;
	v47 =	vld [tilespmem:s0+$0x170]  }
0x274: {  	v48 =	vld [tilespmem:s5+$0x270]  }
0x275: {  	v7 =	vadd.f32 v41, v40;
	v49 =	vld [tilespmem:s5+$0x2F0];
	v3 =	vadd.f32 v3, v5  }
0x276: {  	v50 =	vld [tilespmem:s0+$0x1F0]  }
0x277: {  	s1 =	sor.u32 s22, s1;
	v29 =	vld [tilespmem:s23+$0xD50];
	v3 =	vadd.f32 v7, v3  }
0x278: {  	s6 =	sor.u32 $0x400, s1;
	v53 =	vld [tilespmem:s30+$0xB70]  }
0x279: {  	v54 =	vld [tilespmem:s30+$0xBF0];
	[tilespmem:s6+$0x14000] =	vst v3  }
0x27a: {  	v10 =	vadd.f32 v44, v43;
	v8 =	vadd.f32 v46, v45;
	v52 =	vld [tilespmem:s28+$0x210]  }
0x27b: {  	v5 =	vadd.f32 v50, v47;
	v7 =	vadd.f32 v49, v48;
	v55 =	vld [tilespmem:s28+$0x290]  }
0x27c: {  	v56 =	vld [tilespmem:s28+$0x310]  }
0x27d: {  	v57 =	vld [tilespmem:s28+$0x390];
	v8 =	vadd.f32 v8, v10;
	v5 =	vadd.f32 v7, v5  }
0x27e: {  	v58 =	vld [tilespmem:s28+$0x810]  }
0x27f: {  	v9 =	vadd.f32 v54, v53;
	v59 =	vld [tilespmem:s28+$0x890];
	v5 =	vadd.f32 v5, v8  }
0x280: {  	v60 =	vld [tilespmem:s28+$0x910]  }
0x281: {  	v61 =	vld [tilespmem:s28+$0x990];
	v5 =	vadd.f32 v9, v5  }
0x282: {  	v62 =	vld [tilespmem:s26+$0xE10]  }
0x283: {  	s18 =	sor.u32 $0x700, s31;
	v63 =	vld [tilespmem:s26+$0xE90];
	[tilespmem:s29+$0x70] =	vst v5  }
0x284: {  	s29 =	sor.u32 $0x780, s31;
	v5 =	vld [tilespmem:s18+$0x0]  }
0x285: {  	v11 =	vadd.f32 v55, v52;
	v12 =	vadd.f32 v57, v56;
	v21 =	vld [tilespmem:s29+$0x0]  }
0x286: {  	v7 =	vadd.f32 v59, v58;
	v8 =	vadd.f32 v61, v60;
	v22 =	vld [tilespmem:s31+$0x600]  }
0x287: {  	v23 =	vld [tilespmem:s31+$0x680]  }
0x288: {  	v11 =	vadd.f32 v12, v11;
	v7 =	vadd.f32 v8, v7;
	v24 =	vld [tilespmem:s0+$0x500]  }
0x289: {  	v25 =	vld [tilespmem:s0+$0x580]  }
0x28a: {  	v9 =	vadd.f32 v63, v62;
	v26 =	vld [tilespmem:s31+$0x800];
	v7 =	vadd.f32 v7, v11  }
0x28b: {  	v27 =	vld [tilespmem:s31+$0x880]  }
0x28c: {  	v32 =	vld [tilespmem:s23+$0xDD0];
	v7 =	vadd.f32 v9, v7  }
0x28d: {  	s6 =	sor.u32 $0x410, s1;
	v30 =	vld [tilespmem:s30+$0xF00]  }
0x28e: {  	v31 =	vld [tilespmem:s30+$0xF80];
	[tilespmem:s6+$0x14000] =	vst v7  }
0x28f: {  	v5 =	vadd.f32 v21, v5;
	v13 =	vadd.f32 v23, v22;
	v33 =	vld [tilespmem:s28+$0x220]  }
0x290: {  	v10 =	vadd.f32 v25, v24;
	v8 =	vadd.f32 v27, v26;
	v34 =	vld [tilespmem:s28+$0x2A0]  }
0x291: {  	v35 =	vld [tilespmem:s28+$0x320]  }
0x292: {  	v36 =	vld [tilespmem:s28+$0x3A0];
	v5 =	vadd.f32 v13, v5;
	v8 =	vadd.f32 v8, v10  }
0x293: {  	v37 =	vld [tilespmem:s28+$0x820]  }
0x294: {  	v9 =	vadd.f32 v31, v30;
	v38 =	vld [tilespmem:s28+$0x8A0];
	v5 =	vadd.f32 v8, v5  }
0x295: {  	v39 =	vld [tilespmem:s28+$0x920]  }
0x296: {  	s6 =	sor.u32 s22, s10;
	v40 =	vld [tilespmem:s28+$0x9A0];
	v5 =	vadd.f32 v9, v5  }
0x297: {  	s18 =	sor.u32 $0x400, s6;
	v50 =	vld [tilespmem:s26+$0xE20]  }
0x298: {  	v43 =	vadd.f32 v28, v51;
	s22 =	sor.u32 $0x710, s31;
	v51 =	vld [tilespmem:s26+$0xEA0];
	[tilespmem:s18+$0x14000] =	vst v5  }
0x299: {  	s29 =	sor.u32 $0x790, s31;
	v5 =	vld [tilespmem:s22+$0x0]  }
0x29a: {  	v0 =	vadd.f32 v1, v0;
	v42 =	vld [tilespmem:s29+$0x0]  }
0x29b: {  	v2 =	vadd.f32 v4, v2;
	v41 =	vadd.f32 v15, v6;
	v44 =	vld [tilespmem:s31+$0x610]  }
0x29c: {  	v46 =	vld [tilespmem:s0+$0x510]  }
0x29d: {  	v2 =	vadd.f32 v41, v2;
	v0 =	vadd.f32 v43, v0;
	v47 =	vld [tilespmem:s0+$0x590]  }
0x29e: {  	v12 =	vadd.f32 v34, v33;
	v10 =	vadd.f32 v36, v35;
	v48 =	vld [tilespmem:s31+$0x810]  }
0x29f: {  	v8 =	vadd.f32 v38, v37;
	v9 =	vadd.f32 v40, v39;
	v49 =	vld [tilespmem:s31+$0x890]  }
0x2a0: {  	v0 =	vadd.f32 v0, v2;
	v7 =	vadd.f32 v32, v29;
	v45 =	vld [tilespmem:s31+$0x690]  }
0x2a1: {  	v54 =	vadd.f32 v10, v12;
	v8 =	vadd.f32 v9, v8  }
0x2a2: {  	v0 =	vadd.f32 v7, v0  }
0x2a3: {  	v55 =	vadd.f32 v51, v50;
	v52 =	vld [tilespmem:s30+$0xF10];
	v4 =	vadd.f32 v8, v54  }
0x2a4: {  	s10 =	sor.u32 $0x450, s25;
	v53 =	vld [tilespmem:s30+$0xF90];
	v1 =	vadd.f32 v47, v46;
	v2 =	vadd.f32 v49, v48  }
0x2a5: {  	[tilespmem:s10+$0x14000] =	vst v0;
	v5 =	vadd.f32 v42, v5;
	v3 =	vadd.f32 v45, v44  }
0x2a6: {  	v0 =	vld [tilespmem:s23+$0x560];
	v1 =	vadd.f32 v2, v1;
	v2 =	vadd.f32 v55, v4  }
0x2a7: {  	v39 =	vld [tilespmem:s24+$0x4E0];
	s18 =	sor.u32 $0x420, s1;
	v3 =	vadd.f32 v3, v5  }
0x2a8: {  	v4 =	vld [tilespmem:s24+$0x460];
	[tilespmem:s18+$0x14000] =	vst v2  }
0x2a9: {  	v56 =	vadd.f32 v53, v52;
	v1 =	vadd.f32 v1, v3;
	v2 =	vld [tilespmem:s28+$0x230]  }
0x2aa: {  	v16 =	vld [tilespmem:s28+$0x2B0]  }
0x2ab: {  	v17 =	vld [tilespmem:s28+$0x330];
	v3 =	vadd.f32 v56, v1  }
0x2ac: {  	s22 =	sor.u32 $0x410, s6;
	v21 =	vld [tilespmem:s28+$0x3B0]  }
0x2ad: {  	s29 =	sor.u32 $0x720, s31;
	v23 =	vld [tilespmem:s28+$0x830];
	[tilespmem:s22+$0x14000] =	vst v3  }
0x2ae: {  	s10 =	sor.u32 $0x7A0, s31;
	v3 =	vld [tilespmem:s29+$0x0]  }
0x2af: {  	v57 =	vld [tilespmem:s10+$0x0]  }
0x2b0: {  	v58 =	vld [tilespmem:s31+$0x620]  }
0x2b1: {  	v59 =	vld [tilespmem:s31+$0x6A0]  }
0x2b2: {  	v60 =	vld [tilespmem:s0+$0x520]  }
0x2b3: {  	v61 =	vld [tilespmem:s0+$0x5A0]  }
0x2b4: {  	v62 =	vld [tilespmem:s31+$0x820]  }
0x2b5: {  	v63 =	vld [tilespmem:s31+$0x8A0]  }
0x2b6: {  	v24 =	vld [tilespmem:s28+$0x8B0]  }
0x2b7: {  	v26 =	vld [tilespmem:s28+$0x930]  }
0x2b8: {  	v18 =	vld [tilespmem:s30+$0xF20]  }
0x2b9: {  	v20 =	vld [tilespmem:s30+$0xFA0];
	v3 =	vadd.f32 v57, v3;
	v19 =	vadd.f32 v59, v58  }
0x2ba: {  	s18 =	sor.u32 $0x760, s24;
	v27 =	vld [tilespmem:s28+$0x9B0];
	v7 =	vadd.f32 v61, v60;
	v22 =	vadd.f32 v63, v62  }
0x2bb: {  	v13 =	vld [tilespmem:s18+$0x0]  }
0x2bc: {  	v28 =	vld [tilespmem:s26+$0xE30];
	v3 =	vadd.f32 v19, v3;
	v25 =	vadd.f32 v22, v7  }
0x2bd: {  	v29 =	vld [tilespmem:s26+$0xEB0]  }
0x2be: {  	v1 =	vld [tilespmem:s23+$0x5E0];
	v5 =	vadd.f32 v20, v18;
	v3 =	vadd.f32 v25, v3  }
0x2bf: {  	v6 =	vadd.f32 v21, v17;
	v21 =	vld [tilespmem:s23+$0xD60]  }
0x2c0: {  	v60 =	vld [tilespmem:s24+$0xA60];
	v3 =	vadd.f32 v5, v3  }
0x2c1: {  	s22 =	sor.u32 $0x420, s6;
	v63 =	vld [tilespmem:s24+$0xAE0]  }
0x2c2: {  	s29 =	sor.u32 $0x730, s31;
	v22 =	vld [tilespmem:s23+$0xDE0];
	[tilespmem:s22+$0x14000] =	vst v3  }
0x2c3: {  	s10 =	sor.u32 $0x7B0, s31;
	v2 =	vadd.f32 v16, v2;
	v31 =	vld [tilespmem:s29+$0x0]  }
0x2c4: {  	v30 =	vadd.f32 v24, v23;
	v7 =	vadd.f32 v27, v26;
	v32 =	vld [tilespmem:s10+$0x0]  }
0x2c5: {  	v33 =	vld [tilespmem:s31+$0x630]  }
0x2c6: {  	v2 =	vadd.f32 v6, v2;
	v3 =	vadd.f32 v7, v30;
	v34 =	vld [tilespmem:s31+$0x6B0]  }
0x2c7: {  	v35 =	vld [tilespmem:s0+$0x530]  }
0x2c8: {  	v5 =	vadd.f32 v29, v28;
	v36 =	vld [tilespmem:s0+$0x5B0];
	v2 =	vadd.f32 v3, v2  }
0x2c9: {  	v37 =	vld [tilespmem:s31+$0x830]  }
0x2ca: {  	v38 =	vld [tilespmem:s31+$0x8B0];
	v2 =	vadd.f32 v5, v2  }
0x2cb: {  	s18 =	sor.u32 $0x430, s1;
	v40 =	vld [tilespmem:s30+$0xF30]  }
0x2cc: {  	v41 =	vld [tilespmem:s30+$0xFB0];
	[tilespmem:s18+$0x14000] =	vst v2  }
0x2cd: {  	v2 =	vld [tilespmem:s28+$0x240]  }
0x2ce: {  	v8 =	vadd.f32 v32, v31;
	v6 =	vadd.f32 v34, v33;
	v42 =	vld [tilespmem:s28+$0x2C0]  }
0x2cf: {  	v3 =	vadd.f32 v36, v35;
	v5 =	vadd.f32 v38, v37;
	v43 =	vld [tilespmem:s28+$0x340]  }
0x2d0: {  	v44 =	vld [tilespmem:s28+$0x3C0]  }
0x2d1: {  	v45 =	vld [tilespmem:s28+$0x840];
	v6 =	vadd.f32 v6, v8;
	v3 =	vadd.f32 v5, v3  }
0x2d2: {  	v46 =	vld [tilespmem:s28+$0x8C0]  }
0x2d3: {  	v7 =	vadd.f32 v41, v40;
	v47 =	vld [tilespmem:s28+$0x940];
	v3 =	vadd.f32 v3, v6  }
0x2d4: {  	v48 =	vld [tilespmem:s28+$0x9C0]  }
0x2d5: {  	v49 =	vld [tilespmem:s26+$0xE40];
	v3 =	vadd.f32 v7, v3  }
0x2d6: {  	s22 =	sor.u32 $0x430, s6;
	s18 =	sor.u32 $0x7E0, s24;
	v50 =	vld [tilespmem:s26+$0xEC0]  }
0x2d7: {  	s29 =	sor.u32 $0x740, s31;
	v59 =	vld [tilespmem:s18+$0x0];
	[tilespmem:s22+$0x14000] =	vst v3  }
0x2d8: {  	s10 =	sor.u32 $0x7C0, s31;
	v2 =	vadd.f32 v42, v2;
	v53 =	vadd.f32 v44, v43;
	v3 =	vld [tilespmem:s29+$0x0]  }
0x2d9: {  	v5 =	vadd.f32 v46, v45;
	v6 =	vadd.f32 v48, v47;
	v51 =	vld [tilespmem:s10+$0x0]  }
0x2da: {  	v52 =	vld [tilespmem:s31+$0x640]  }
0x2db: {  	v2 =	vadd.f32 v53, v2;
	v5 =	vadd.f32 v6, v5;
	v54 =	vld [tilespmem:s31+$0x6C0]  }
0x2dc: {  	v55 =	vld [tilespmem:s0+$0x540]  }
0x2dd: {  	v7 =	vadd.f32 v50, v49;
	v56 =	vld [tilespmem:s0+$0x5C0];
	v2 =	vadd.f32 v5, v2  }
0x2de: {  	v57 =	vld [tilespmem:s31+$0x840]  }
0x2df: {  	v58 =	vld [tilespmem:s31+$0x8C0];
	v2 =	vadd.f32 v7, v2  }
0x2e0: {  	s22 =	sor.u32 $0x440, s1;
	v61 =	vld [tilespmem:s30+$0xF40]  }
0x2e1: {  	v62 =	vld [tilespmem:s30+$0xFC0];
	[tilespmem:s22+$0x14000] =	vst v2  }
0x2e2: {  	v0 =	vadd.f32 v1, v0;
	v33 =	vadd.f32 v39, v4;
	v25 =	vld [tilespmem:s28+$0x250]  }
0x2e3: {  	v35 =	vadd.f32 v59, v13;
	v5 =	vadd.f32 v63, v60;
	v26 =	vld [tilespmem:s28+$0x2D0]  }
0x2e4: {  	v27 =	vld [tilespmem:s28+$0x350]  }
0x2e5: {  	v0 =	vadd.f32 v33, v0;
	v38 =	vadd.f32 v5, v35;
	v28 =	vld [tilespmem:s28+$0x3D0]  }
0x2e6: {  	v9 =	vadd.f32 v22, v21;
	v3 =	vadd.f32 v51, v3;
	v29 =	vld [tilespmem:s28+$0x850]  }
0x2e7: {  	v10 =	vadd.f32 v54, v52;
	v0 =	vadd.f32 v38, v0;
	v30 =	vld [tilespmem:s28+$0x8D0]  }
0x2e8: {  	v8 =	vadd.f32 v56, v55;
	v6 =	vadd.f32 v58, v57;
	v41 =	vld [tilespmem:s28+$0x950]  }
0x2e9: {  	v42 =	vld [tilespmem:s28+$0x9D0];
	v0 =	vadd.f32 v9, v0  }
0x2ea: {  	s22 =	sor.u32 $0x460, s25;
	v45 =	vld [tilespmem:s26+$0xE50];
	v23 =	vadd.f32 v10, v3;
	v24 =	vadd.f32 v6, v8  }
0x2eb: {  	v46 =	vld [tilespmem:s26+$0xED0];
	[tilespmem:s22+$0x14000] =	vst v0  }
0x2ec: {  	v7 =	vadd.f32 v62, v61;
	v2 =	vadd.f32 v24, v23;
	v10 =	vld [tilespmem:s23+$0x5F0]  }
0x2ed: {  	v48 =	vld [tilespmem:s24+$0x470]  }
0x2ee: {  	v51 =	vld [tilespmem:s24+$0x4F0];
	v2 =	vadd.f32 v7, v2  }
0x2ef: {  	s29 =	sor.u32 $0x440, s6;
	v53 =	vld [tilespmem:s24+$0xA70]  }
0x2f0: {  	s10 =	sor.u32 $0x750, s31;
	v33 =	vld [tilespmem:s23+$0xD70];
	[tilespmem:s29+$0x14000] =	vst v2  }
0x2f1: {  	s18 =	sor.u32 $0x7D0, s31;
	v2 =	vld [tilespmem:s10+$0x0]  }
0x2f2: {  	v31 =	vld [tilespmem:s18+$0x0]  }
0x2f3: {  	v6 =	vadd.f32 v26, v25;
	v3 =	vadd.f32 v28, v27;
	v32 =	vld [tilespmem:s31+$0x650]  }
0x2f4: {  	v7 =	vadd.f32 v30, v29;
	v1 =	vadd.f32 v42, v41;
	v34 =	vld [tilespmem:s31+$0x6D0]  }
0x2f5: {  	v36 =	vld [tilespmem:s0+$0x550]  }
0x2f6: {  	v3 =	vadd.f32 v3, v6;
	v1 =	vadd.f32 v1, v7;
	v37 =	vld [tilespmem:s0+$0x5D0]  }
0x2f7: {  	v39 =	vld [tilespmem:s31+$0x850]  }
0x2f8: {  	v0 =	vadd.f32 v46, v45;
	v40 =	vld [tilespmem:s31+$0x8D0];
	v1 =	vadd.f32 v1, v3  }
0x2f9: {  	v43 =	vld [tilespmem:s30+$0xF50]  }
0x2fa: {  	v44 =	vld [tilespmem:s30+$0xFD0];
	s10 =	sor.u32 $0x7F0, s24;
	v0 =	vadd.f32 v0, v1  }
0x2fb: {  	s29 =	sor.u32 $0x770, s24;
	v50 =	vld [tilespmem:s10+$0x0];
	s10 =	sor.u32 $0x450, s1  }
0x2fc: {  	v49 =	vld [tilespmem:s29+$0x0];
	[tilespmem:s10+$0x14000] =	vst v0  }
0x2fd: {  	v2 =	vadd.f32 v31, v2;
	v4 =	vadd.f32 v34, v32;
	v54 =	vld [tilespmem:s28+$0x260]  }
0x2fe: {  	v13 =	vadd.f32 v37, v36;
	v5 =	vadd.f32 v40, v39;
	v55 =	vld [tilespmem:s28+$0x2E0]  }
0x2ff: {  	v56 =	vld [tilespmem:s28+$0x360]  }
0x300: {  	v57 =	vld [tilespmem:s28+$0x3E0];
	v2 =	vadd.f32 v4, v2;
	v47 =	vadd.f32 v5, v13  }
0x301: {  	v58 =	vld [tilespmem:s28+$0x860]  }
0x302: {  	v9 =	vadd.f32 v44, v43;
	v59 =	vld [tilespmem:s28+$0x8E0];
	v2 =	vadd.f32 v47, v2  }
0x303: {  	v60 =	vld [tilespmem:s28+$0x960]  }
0x304: {  	v61 =	vld [tilespmem:s28+$0x9E0];
	v2 =	vadd.f32 v9, v2  }
0x305: {  	s18 =	sor.u32 $0x450, s6;
	v62 =	vld [tilespmem:s26+$0xE60]  }
0x306: {  	s22 =	sor.u32 $0x760, s31;
	v63 =	vld [tilespmem:s26+$0xEE0];
	[tilespmem:s18+$0x14000] =	vst v2  }
0x307: {  	s29 =	sor.u32 $0x7E0, s31;
	v52 =	vld [tilespmem:s22+$0x0]  }
0x308: {  	v2 =	vld [tilespmem:s29+$0x0]  }
0x309: {  	v21 =	vld [tilespmem:s31+$0x660]  }
0x30a: {  	v8 =	vadd.f32 v55, v54;
	v22 =	vadd.f32 v57, v56;
	v23 =	vld [tilespmem:s31+$0x6E0]  }
0x30b: {  	v24 =	vadd.f32 v59, v58;
	v25 =	vadd.f32 v61, v60;
	v26 =	vld [tilespmem:s0+$0x560]  }
0x30c: {  	v27 =	vld [tilespmem:s0+$0x5E0]  }
0x30d: {  	v8 =	vadd.f32 v22, v8;
	v28 =	vadd.f32 v25, v24;
	v29 =	vld [tilespmem:s31+$0x860]  }
0x30e: {  	v30 =	vld [tilespmem:s31+$0x8E0]  }
0x30f: {  	v32 =	vld [tilespmem:s24+$0xAF0];
	v31 =	vadd.f32 v63, v62;
	v8 =	vadd.f32 v28, v8  }
0x310: {  	v37 =	vld [tilespmem:s23+$0xDF0]  }
0x311: {  	v34 =	vld [tilespmem:s30+$0xF60];
	v8 =	vadd.f32 v31, v8  }
0x312: {  	s18 =	sor.u32 $0x460, s1;
	v36 =	vld [tilespmem:s30+$0xFE0];
	v1 =	vadd.f32 v2, v52;
	v35 =	vadd.f32 v23, v21  }
0x313: {  	v5 =	vld [tilespmem:s23+$0x570];
	[tilespmem:s18+$0x14000] =	vst v8;
	v38 =	vadd.f32 v27, v26;
	v12 =	vadd.f32 v30, v29  }
0x314: {  	v39 =	vld [tilespmem:s28+$0x270]  }
0x315: {  	v40 =	vld [tilespmem:s28+$0x2F0];
	v1 =	vadd.f32 v35, v1;
	v41 =	vadd.f32 v12, v38  }
0x316: {  	v42 =	vld [tilespmem:s28+$0x370]  }
0x317: {  	v11 =	vadd.f32 v36, v34;
	v43 =	vld [tilespmem:s28+$0x3F0];
	v1 =	vadd.f32 v41, v1  }
0x318: {  	v44 =	vld [tilespmem:s28+$0x870]  }
0x319: {  	v45 =	vld [tilespmem:s28+$0x8F0];
	v1 =	vadd.f32 v11, v1  }
0x31a: {  	s22 =	sor.u32 $0x460, s6;
	v46 =	vld [tilespmem:s28+$0x970]  }
0x31b: {  	s23 =	sor.u32 $0x770, s31;
	v47 =	vld [tilespmem:s28+$0x9F0];
	[tilespmem:s22+$0x14000] =	vst v1  }
0x31c: {  	s24 =	sor.u32 $0x7F0, s31;
	v1 =	vld [tilespmem:s23+$0x0]  }
0x31d: {  	v3 =	vadd.f32 v51, v48;
	v6 =	vadd.f32 v50, v49;
	v48 =	vld [tilespmem:s24+$0x0]  }
0x31e: {  	v0 =	vadd.f32 v32, v53;
	v5 =	vadd.f32 v10, v5;
	v49 =	vld [tilespmem:s31+$0x670]  }
0x31f: {  	v50 =	vld [tilespmem:s31+$0x6F0]  }
0x320: {  	v0 =	vadd.f32 v0, v6;
	v3 =	vadd.f32 v3, v5;
	v51 =	vld [tilespmem:s0+$0x570]  }
0x321: {  	v52 =	vld [tilespmem:s0+$0x5F0]  }
0x322: {  	v9 =	vadd.f32 v37, v33;
	v0 =	vadd.f32 v0, v3;
	v53 =	vld [tilespmem:s31+$0x870]  }
0x323: {  	v54 =	vld [tilespmem:s31+$0x8F0]  }
0x324: {  	v0 =	vadd.f32 v9, v0;
	v55 =	vld [tilespmem:s26+$0xE70]  }
0x325: {  	v56 =	vld [tilespmem:s26+$0xEF0];
	v13 =	vadd.f32 v40, v39;
	v8 =	vadd.f32 v43, v42  }
0x326: {  	v2 =	vadd.f32 v45, v44;
	v11 =	vadd.f32 v47, v46;
	v57 =	vld [tilespmem:s30+$0xF70]  }
0x327: {  	v59 =	vld [tilespmem:s30+$0xFF0];
	v1 =	vadd.f32 v48, v1;
	v58 =	vadd.f32 v50, v49  }
0x328: {  	v5 =	vadd.f32 v52, v51;
	v3 =	vadd.f32 v54, v53  }
0x329: {  	v60 =	vadd.f32 v8, v13;
	v2 =	vadd.f32 v11, v2  }
0x32a: {  	v1 =	vadd.f32 v58, v1;
	v3 =	vadd.f32 v3, v5  }
0x32b: {  	p1 =	slt.u32 s21, $0xC;
	v61 =	vadd.f32 v56, v55;
	v2 =	vadd.f32 v2, v60  }
.Ltmp2:
0x32c: {  	v62 =	vadd.f32 v59, v57;
	v1 =	vadd.f32 v3, v1;
	(pc) =	sbr.rel @p1 .LBB2_3-.Ltmp2, $4  }
0x32d: {  	s28 =	sor.u32 $0x470, s25;
	v2 =	vadd.f32 v61, v2  }
0x32e: {  	s29 =	sor.u32 $0x470, s1;
	[tilespmem:s28+$0x14000] =	vst v0;
	v63 =	vadd.f32 v62, v1  }
0x32f: {  	s30 =	sor.u32 $0x470, s6;
	s31 =	sadd.s32 $0x4, s21;
	[tilespmem:s29+$0x14000] =	vst v2  }
0x330: {  	s21 =	smov.u32 s31;
	[tilespmem:s30+$0x14000] =	vst v63  }
0x331: {  	p1 =	sne.s32 s20, $0x13  }
.Ltmp3:
0x332: {  	s0 =	sshll.u32 s20, $0xD;
	(pc) =	sbr.rel @p1 .LBB2_6-.Ltmp3, $4  }
0x333: {  	s0 =	sadd.s32 s7, s0  }
0x334: {  	s0 =	sshrl.u32 s0, $0x3  }
0x335: {  	s0 =	sadd.s32 s4, s0  }
0x336: {  	[hbm4b:s0+s3] =	stream.linear.scatter [tilespmem:s14], [sflag:$0x3], $0x1000, $0x38;
	[tilespmem:$0x16000] =	vst v63  }
.Ltmp4:
0x337: {  	(pc) =	sbr.rel .LBB2_7-.Ltmp4, $4  }
0x338: {  	_ = 	snop  }
0x339: {  	_ =	swait.ge [sflag:s15], $0xA000  }
0x33a: {  	[sflag:s15] =	ssyncset.done $0x0  }
0x33b: {  	[sflag:s15] =	ssyncadd.s32 $0xFFFF6000  }
.LBB2_6:
0x33c: {  	s0 =	smul.u32 $0x140, s20;
	_ =	sdelay $0x1  }
0x33d: {  	s0 =	sadd.s32 s0, s8  }
0x33e: {  	s0 =	sshll.u32 s0, $0x5  }
.Ltmp5:
0x33f: {  	s0 =	sadd.s32 s2, s0;
	(pc) =	sbr.rel @p0 .LBB2_8-.Ltmp5, $4  }
0x340: {  	[tilespmem:s3], [sflag:$0x1] =	stream.linear.gather [hbm4b:s0+s3], $0xA000, $0x38;
	[tilespmem:$0x16000] =	vst v63  }
0x341: {  	_ =	swait.ge [sflag:s15], $0xA000  }
0x342: {  	[sflag:s15] =	ssyncset.done $0x0  }
0x343: {  	[sflag:s15] =	ssyncadd.s32 $0xFFFF6000  }
.LBB2_7:
0x344: {  	_ =	swait.ge [sflag:s16], $0x1000  }
0x345: {  	[sflag:s16] =	ssyncset.done $0x0  }
0x346: {  	[sflag:s16] =	ssyncadd.s32 $0xFFFFF000  }
.LBB2_8:
0x347: {  	s21 =	simm.s32 $0x0  }
.LBB2_9:
0x348: {  	s0 =	smul.u32 $0x2800, s21;
	_ =	sdelay $0x1  }
0x349: {  	s0 =	sshra.s32 s0, $0x2  }
0x34a: {  	v0 =	vld [tilespmem:s0+$0xA000]  }
0x34b: {  	v1 =	vld [tilespmem:s0+$0xA080]  }
0x34c: {  	v2 =	vld [tilespmem:s0+$0xA100]  }
0x34d: {  	v3 =	vld [tilespmem:s0+$0xA180]  }
0x34e: {  	v4 =	vld [tilespmem:s0+$0xA200]  }
0x34f: {  	v5 =	vld [tilespmem:s0+$0xA280]  }
0x350: {  	v6 =	vld [tilespmem:s0+$0xA300]  }
0x351: {  	v7 =	vld [tilespmem:s0+$0xA380];
	_ =	sdelay $0x2  }
0x352: {  	v8 =	vld [tilespmem:s0+$0xA800]  }
0x353: {  	v59 =	vld [tilespmem:s0+$0xA880];
	v0 =	vadd.f32 v1, v0;
	v58 =	vadd.f32 v3, v2  }
0x354: {  	v60 =	vadd.f32 v5, v4;
	v61 =	vadd.f32 v7, v6;
	_ =	sdelay $0x1  }
0x355: {  	v0 =	vadd.f32 v58, v0;
	v62 =	vadd.f32 v61, v60;
	_ =	sdelay $0x1  }
0x356: {  	s22 =	sshll.u32 s21, $0x8;
	v2 =	vadd.f32 v59, v8;
	v0 =	vadd.f32 v62, v0  }
0x357: {  	s1 =	sshll.u32 s21, $0x7;
	s5 =	sand.u32 $0x800, s22  }
0x358: {  	s1 =	sand.u32 $0x200, s1;
	s29 =	sor.u32 $0x15000, s5;
	v0 =	vadd.f32 v2, v0  }
0x359: {  	s5 =	sor.u32 s1, s29  }
0x35a: {  	[tilespmem:s5+$0x0] =	vst v0  }
0x35b: {  	v0 =	vld [tilespmem:s0+$0xA010]  }
0x35c: {  	v63 =	vld [tilespmem:s0+$0xA090]  }
0x35d: {  	v12 =	vld [tilespmem:s0+$0xA110]  }
0x35e: {  	v13 =	vld [tilespmem:s0+$0xA190]  }
0x35f: {  	v14 =	vld [tilespmem:s0+$0xA210]  }
0x360: {  	v15 =	vld [tilespmem:s0+$0xA290]  }
0x361: {  	v16 =	vld [tilespmem:s0+$0xA310]  }
0x362: {  	v17 =	vld [tilespmem:s0+$0xA390];
	_ =	sdelay $0x2  }
0x363: {  	v18 =	vld [tilespmem:s0+$0xA810]  }
0x364: {  	v20 =	vld [tilespmem:s0+$0xA890];
	v0 =	vadd.f32 v63, v0;
	v19 =	vadd.f32 v13, v12  }
0x365: {  	v21 =	vadd.f32 v15, v14;
	v22 =	vadd.f32 v17, v16;
	_ =	sdelay $0x1  }
0x366: {  	v0 =	vadd.f32 v19, v0;
	v23 =	vadd.f32 v22, v21;
	_ =	sdelay $0x1  }
0x367: {  	v2 =	vadd.f32 v20, v18;
	v0 =	vadd.f32 v23, v0;
	_ =	sdelay $0x1  }
0x368: {  	v0 =	vadd.f32 v2, v0;
	_ =	sdelay $0x1  }
0x369: {  	[tilespmem:s5+$0x10] =	vst v0  }
0x36a: {  	v0 =	vld [tilespmem:s0+$0xA020]  }
0x36b: {  	v24 =	vld [tilespmem:s0+$0xA0A0]  }
0x36c: {  	v25 =	vld [tilespmem:s0+$0xA120]  }
0x36d: {  	v26 =	vld [tilespmem:s0+$0xA1A0]  }
0x36e: {  	v27 =	vld [tilespmem:s0+$0xA220]  }
0x36f: {  	v28 =	vld [tilespmem:s0+$0xA2A0]  }
0x370: {  	v29 =	vld [tilespmem:s0+$0xA320]  }
0x371: {  	v30 =	vld [tilespmem:s0+$0xA3A0];
	_ =	sdelay $0x2  }
0x372: {  	v31 =	vld [tilespmem:s0+$0xA820]  }
0x373: {  	v33 =	vld [tilespmem:s0+$0xA8A0];
	v0 =	vadd.f32 v24, v0;
	v32 =	vadd.f32 v26, v25  }
0x374: {  	v34 =	vadd.f32 v28, v27;
	v35 =	vadd.f32 v30, v29;
	_ =	sdelay $0x1  }
0x375: {  	v0 =	vadd.f32 v32, v0;
	v36 =	vadd.f32 v35, v34;
	_ =	sdelay $0x1  }
0x376: {  	v2 =	vadd.f32 v33, v31;
	v0 =	vadd.f32 v36, v0;
	_ =	sdelay $0x1  }
0x377: {  	v0 =	vadd.f32 v2, v0;
	_ =	sdelay $0x1  }
0x378: {  	[tilespmem:s5+$0x20] =	vst v0  }
0x379: {  	v0 =	vld [tilespmem:s0+$0xA030]  }
0x37a: {  	v37 =	vld [tilespmem:s0+$0xA0B0]  }
0x37b: {  	v38 =	vld [tilespmem:s0+$0xA130]  }
0x37c: {  	v39 =	vld [tilespmem:s0+$0xA1B0]  }
0x37d: {  	v40 =	vld [tilespmem:s0+$0xA230]  }
0x37e: {  	v41 =	vld [tilespmem:s0+$0xA2B0]  }
0x37f: {  	v42 =	vld [tilespmem:s0+$0xA330]  }
0x380: {  	v43 =	vld [tilespmem:s0+$0xA3B0];
	_ =	sdelay $0x2  }
0x381: {  	v44 =	vld [tilespmem:s0+$0xA830]  }
0x382: {  	v46 =	vld [tilespmem:s0+$0xA8B0];
	v0 =	vadd.f32 v37, v0;
	v45 =	vadd.f32 v39, v38  }
0x383: {  	v47 =	vadd.f32 v41, v40;
	v48 =	vadd.f32 v43, v42;
	_ =	sdelay $0x1  }
0x384: {  	v0 =	vadd.f32 v45, v0;
	v49 =	vadd.f32 v48, v47;
	_ =	sdelay $0x1  }
0x385: {  	v2 =	vadd.f32 v46, v44;
	v0 =	vadd.f32 v49, v0;
	_ =	sdelay $0x1  }
0x386: {  	v0 =	vadd.f32 v2, v0;
	_ =	sdelay $0x1  }
0x387: {  	[tilespmem:s5+$0x30] =	vst v0  }
0x388: {  	v0 =	vld [tilespmem:s0+$0xA040]  }
0x389: {  	v50 =	vld [tilespmem:s0+$0xA0C0]  }
0x38a: {  	v51 =	vld [tilespmem:s0+$0xA140]  }
0x38b: {  	v52 =	vld [tilespmem:s0+$0xA1C0]  }
0x38c: {  	v53 =	vld [tilespmem:s0+$0xA240]  }
0x38d: {  	v54 =	vld [tilespmem:s0+$0xA2C0]  }
0x38e: {  	v55 =	vld [tilespmem:s0+$0xA340]  }
0x38f: {  	v56 =	vld [tilespmem:s0+$0xA3C0];
	_ =	sdelay $0x2  }
0x390: {  	v57 =	vld [tilespmem:s0+$0xA840]  }
0x391: {  	v59 =	vld [tilespmem:s0+$0xA8C0];
	v0 =	vadd.f32 v50, v0;
	v58 =	vadd.f32 v52, v51  }
0x392: {  	v60 =	vadd.f32 v54, v53;
	v61 =	vadd.f32 v56, v55;
	_ =	sdelay $0x1  }
0x393: {  	v0 =	vadd.f32 v58, v0;
	v62 =	vadd.f32 v61, v60;
	_ =	sdelay $0x1  }
0x394: {  	v2 =	vadd.f32 v59, v57;
	v0 =	vadd.f32 v62, v0;
	_ =	sdelay $0x1  }
0x395: {  	v0 =	vadd.f32 v2, v0;
	_ =	sdelay $0x1  }
0x396: {  	[tilespmem:s5+$0x40] =	vst v0  }
0x397: {  	v0 =	vld [tilespmem:s0+$0xA050]  }
0x398: {  	v63 =	vld [tilespmem:s0+$0xA0D0]  }
0x399: {  	v12 =	vld [tilespmem:s0+$0xA150]  }
0x39a: {  	v13 =	vld [tilespmem:s0+$0xA1D0]  }
0x39b: {  	v14 =	vld [tilespmem:s0+$0xA250]  }
0x39c: {  	v15 =	vld [tilespmem:s0+$0xA2D0]  }
0x39d: {  	v16 =	vld [tilespmem:s0+$0xA350]  }
0x39e: {  	v17 =	vld [tilespmem:s0+$0xA3D0];
	_ =	sdelay $0x2  }
0x39f: {  	v18 =	vld [tilespmem:s0+$0xA850]  }
0x3a0: {  	v20 =	vld [tilespmem:s0+$0xA8D0];
	v0 =	vadd.f32 v63, v0;
	v19 =	vadd.f32 v13, v12  }
0x3a1: {  	v21 =	vadd.f32 v15, v14;
	v22 =	vadd.f32 v17, v16;
	_ =	sdelay $0x1  }
0x3a2: {  	v0 =	vadd.f32 v19, v0;
	v23 =	vadd.f32 v22, v21;
	_ =	sdelay $0x1  }
0x3a3: {  	v2 =	vadd.f32 v20, v18;
	v0 =	vadd.f32 v23, v0;
	_ =	sdelay $0x1  }
0x3a4: {  	v0 =	vadd.f32 v2, v0;
	_ =	sdelay $0x1  }
0x3a5: {  	[tilespmem:s5+$0x50] =	vst v0  }
0x3a6: {  	v0 =	vld [tilespmem:s0+$0xA060]  }
0x3a7: {  	v24 =	vld [tilespmem:s0+$0xA0E0]  }
0x3a8: {  	v25 =	vld [tilespmem:s0+$0xA160]  }
0x3a9: {  	v26 =	vld [tilespmem:s0+$0xA1E0]  }
0x3aa: {  	v27 =	vld [tilespmem:s0+$0xA260]  }
0x3ab: {  	v28 =	vld [tilespmem:s0+$0xA2E0]  }
0x3ac: {  	v29 =	vld [tilespmem:s0+$0xA360]  }
0x3ad: {  	v30 =	vld [tilespmem:s0+$0xA3E0];
	_ =	sdelay $0x2  }
0x3ae: {  	v31 =	vld [tilespmem:s0+$0xA860]  }
0x3af: {  	v33 =	vld [tilespmem:s0+$0xA8E0];
	v0 =	vadd.f32 v24, v0;
	v32 =	vadd.f32 v26, v25  }
0x3b0: {  	v34 =	vadd.f32 v28, v27;
	v35 =	vadd.f32 v30, v29;
	_ =	sdelay $0x1  }
0x3b1: {  	v0 =	vadd.f32 v32, v0;
	v36 =	vadd.f32 v35, v34;
	_ =	sdelay $0x1  }
0x3b2: {  	v2 =	vadd.f32 v33, v31;
	v0 =	vadd.f32 v36, v0;
	_ =	sdelay $0x1  }
0x3b3: {  	v0 =	vadd.f32 v2, v0;
	_ =	sdelay $0x1  }
0x3b4: {  	[tilespmem:s5+$0x60] =	vst v0  }
0x3b5: {  	v0 =	vld [tilespmem:s0+$0xA070]  }
0x3b6: {  	v37 =	vld [tilespmem:s0+$0xA0F0]  }
0x3b7: {  	v38 =	vld [tilespmem:s0+$0xA170]  }
0x3b8: {  	v39 =	vld [tilespmem:s0+$0xA1F0]  }
0x3b9: {  	v40 =	vld [tilespmem:s0+$0xA270]  }
0x3ba: {  	v41 =	vld [tilespmem:s0+$0xA2F0]  }
0x3bb: {  	v42 =	vld [tilespmem:s0+$0xA370]  }
0x3bc: {  	v43 =	vld [tilespmem:s0+$0xA3F0];
	_ =	sdelay $0x2  }
0x3bd: {  	v44 =	vld [tilespmem:s0+$0xA870]  }
0x3be: {  	v46 =	vld [tilespmem:s0+$0xA8F0];
	v0 =	vadd.f32 v37, v0;
	v45 =	vadd.f32 v39, v38  }
0x3bf: {  	v47 =	vadd.f32 v41, v40;
	v48 =	vadd.f32 v43, v42;
	_ =	sdelay $0x1  }
0x3c0: {  	v0 =	vadd.f32 v45, v0;
	v49 =	vadd.f32 v48, v47;
	_ =	sdelay $0x1  }
0x3c1: {  	v2 =	vadd.f32 v46, v44;
	v0 =	vadd.f32 v49, v0;
	_ =	sdelay $0x1  }
0x3c2: {  	v0 =	vadd.f32 v2, v0;
	_ =	sdelay $0x1  }
0x3c3: {  	[tilespmem:s5+$0x70] =	vst v0  }
0x3c4: {  	v0 =	vld [tilespmem:s0+$0xA400]  }
0x3c5: {  	v50 =	vld [tilespmem:s0+$0xA480]  }
0x3c6: {  	v51 =	vld [tilespmem:s0+$0xA500]  }
0x3c7: {  	v52 =	vld [tilespmem:s0+$0xA580]  }
0x3c8: {  	v53 =	vld [tilespmem:s0+$0xA600]  }
0x3c9: {  	v54 =	vld [tilespmem:s0+$0xA680]  }
0x3ca: {  	v55 =	vld [tilespmem:s0+$0xA700]  }
0x3cb: {  	v56 =	vld [tilespmem:s0+$0xA780];
	_ =	sdelay $0x2  }
0x3cc: {  	v57 =	vld [tilespmem:s0+$0xAC00]  }
0x3cd: {  	v59 =	vld [tilespmem:s0+$0xAC80];
	v0 =	vadd.f32 v50, v0;
	v58 =	vadd.f32 v52, v51  }
0x3ce: {  	v60 =	vadd.f32 v54, v53;
	v61 =	vadd.f32 v56, v55;
	_ =	sdelay $0x1  }
0x3cf: {  	v0 =	vadd.f32 v58, v0;
	v62 =	vadd.f32 v61, v60;
	_ =	sdelay $0x1  }
0x3d0: {  	v2 =	vadd.f32 v59, v57;
	v0 =	vadd.f32 v62, v0;
	_ =	sdelay $0x1  }
0x3d1: {  	s1 =	sor.u32 s22, s1;
	v0 =	vadd.f32 v2, v0  }
0x3d2: {  	s6 =	sor.u32 $0x400, s1  }
0x3d3: {  	[tilespmem:s6+$0x15000] =	vst v0  }
0x3d4: {  	v0 =	vld [tilespmem:s0+$0xA410]  }
0x3d5: {  	v63 =	vld [tilespmem:s0+$0xA490]  }
0x3d6: {  	v12 =	vld [tilespmem:s0+$0xA510]  }
0x3d7: {  	v13 =	vld [tilespmem:s0+$0xA590]  }
0x3d8: {  	v14 =	vld [tilespmem:s0+$0xA610]  }
0x3d9: {  	v15 =	vld [tilespmem:s0+$0xA690]  }
0x3da: {  	v16 =	vld [tilespmem:s0+$0xA710]  }
0x3db: {  	v17 =	vld [tilespmem:s0+$0xA790];
	_ =	sdelay $0x2  }
0x3dc: {  	v18 =	vld [tilespmem:s0+$0xAC10]  }
0x3dd: {  	v20 =	vld [tilespmem:s0+$0xAC90];
	v0 =	vadd.f32 v63, v0;
	v19 =	vadd.f32 v13, v12  }
0x3de: {  	v21 =	vadd.f32 v15, v14;
	v22 =	vadd.f32 v17, v16;
	_ =	sdelay $0x1  }
0x3df: {  	v0 =	vadd.f32 v19, v0;
	v23 =	vadd.f32 v22, v21;
	_ =	sdelay $0x1  }
0x3e0: {  	v2 =	vadd.f32 v20, v18;
	v0 =	vadd.f32 v23, v0;
	_ =	sdelay $0x1  }
0x3e1: {  	v0 =	vadd.f32 v2, v0  }
0x3e2: {  	s10 =	sor.u32 $0x410, s1  }
0x3e3: {  	[tilespmem:s10+$0x15000] =	vst v0  }
0x3e4: {  	v0 =	vld [tilespmem:s0+$0xA420]  }
0x3e5: {  	v24 =	vld [tilespmem:s0+$0xA4A0]  }
0x3e6: {  	v25 =	vld [tilespmem:s0+$0xA520]  }
0x3e7: {  	v26 =	vld [tilespmem:s0+$0xA5A0]  }
0x3e8: {  	v27 =	vld [tilespmem:s0+$0xA620]  }
0x3e9: {  	v28 =	vld [tilespmem:s0+$0xA6A0]  }
0x3ea: {  	v29 =	vld [tilespmem:s0+$0xA720]  }
0x3eb: {  	v30 =	vld [tilespmem:s0+$0xA7A0];
	_ =	sdelay $0x2  }
0x3ec: {  	v31 =	vld [tilespmem:s0+$0xAC20]  }
0x3ed: {  	v33 =	vld [tilespmem:s0+$0xACA0];
	v0 =	vadd.f32 v24, v0;
	v32 =	vadd.f32 v26, v25  }
0x3ee: {  	v34 =	vadd.f32 v28, v27;
	v35 =	vadd.f32 v30, v29;
	_ =	sdelay $0x1  }
0x3ef: {  	v0 =	vadd.f32 v32, v0;
	v36 =	vadd.f32 v35, v34;
	_ =	sdelay $0x1  }
0x3f0: {  	v2 =	vadd.f32 v33, v31;
	v0 =	vadd.f32 v36, v0;
	_ =	sdelay $0x1  }
0x3f1: {  	v0 =	vadd.f32 v2, v0  }
0x3f2: {  	s18 =	sor.u32 $0x420, s1  }
0x3f3: {  	[tilespmem:s18+$0x15000] =	vst v0  }
0x3f4: {  	v0 =	vld [tilespmem:s0+$0xA430]  }
0x3f5: {  	v37 =	vld [tilespmem:s0+$0xA4B0]  }
0x3f6: {  	v38 =	vld [tilespmem:s0+$0xA530]  }
0x3f7: {  	v39 =	vld [tilespmem:s0+$0xA5B0]  }
0x3f8: {  	v40 =	vld [tilespmem:s0+$0xA630]  }
0x3f9: {  	v41 =	vld [tilespmem:s0+$0xA6B0]  }
0x3fa: {  	v42 =	vld [tilespmem:s0+$0xA730]  }
0x3fb: {  	v43 =	vld [tilespmem:s0+$0xA7B0];
	_ =	sdelay $0x2  }
0x3fc: {  	v44 =	vld [tilespmem:s0+$0xAC30]  }
0x3fd: {  	v46 =	vld [tilespmem:s0+$0xACB0];
	v0 =	vadd.f32 v37, v0;
	v45 =	vadd.f32 v39, v38  }
0x3fe: {  	v47 =	vadd.f32 v41, v40;
	v48 =	vadd.f32 v43, v42;
	_ =	sdelay $0x1  }
0x3ff: {  	v0 =	vadd.f32 v45, v0;
	v49 =	vadd.f32 v48, v47;
	_ =	sdelay $0x1  }
0x400: {  	v2 =	vadd.f32 v46, v44;
	v0 =	vadd.f32 v49, v0;
	_ =	sdelay $0x1  }
0x401: {  	v0 =	vadd.f32 v2, v0  }
0x402: {  	s23 =	sor.u32 $0x430, s1  }
0x403: {  	[tilespmem:s23+$0x15000] =	vst v0  }
0x404: {  	v0 =	vld [tilespmem:s0+$0xA440]  }
0x405: {  	v50 =	vld [tilespmem:s0+$0xA4C0]  }
0x406: {  	v51 =	vld [tilespmem:s0+$0xA540]  }
0x407: {  	v52 =	vld [tilespmem:s0+$0xA5C0]  }
0x408: {  	v53 =	vld [tilespmem:s0+$0xA640]  }
0x409: {  	v54 =	vld [tilespmem:s0+$0xA6C0]  }
0x40a: {  	v55 =	vld [tilespmem:s0+$0xA740]  }
0x40b: {  	v56 =	vld [tilespmem:s0+$0xA7C0];
	_ =	sdelay $0x2  }
0x40c: {  	v57 =	vld [tilespmem:s0+$0xAC40]  }
0x40d: {  	v59 =	vld [tilespmem:s0+$0xACC0];
	v0 =	vadd.f32 v50, v0;
	v58 =	vadd.f32 v52, v51  }
0x40e: {  	v60 =	vadd.f32 v54, v53;
	v61 =	vadd.f32 v56, v55;
	_ =	sdelay $0x1  }
0x40f: {  	v0 =	vadd.f32 v58, v0;
	v62 =	vadd.f32 v61, v60;
	_ =	sdelay $0x1  }
0x410: {  	v2 =	vadd.f32 v59, v57;
	v0 =	vadd.f32 v62, v0;
	_ =	sdelay $0x1  }
0x411: {  	v0 =	vadd.f32 v2, v0  }
0x412: {  	s24 =	sor.u32 $0x440, s1  }
0x413: {  	[tilespmem:s24+$0x15000] =	vst v0  }
0x414: {  	v0 =	vld [tilespmem:s0+$0xA450]  }
0x415: {  	v63 =	vld [tilespmem:s0+$0xA4D0]  }
0x416: {  	v12 =	vld [tilespmem:s0+$0xA550]  }
0x417: {  	v13 =	vld [tilespmem:s0+$0xA5D0]  }
0x418: {  	v14 =	vld [tilespmem:s0+$0xA650]  }
0x419: {  	v15 =	vld [tilespmem:s0+$0xA6D0]  }
0x41a: {  	v16 =	vld [tilespmem:s0+$0xA750]  }
0x41b: {  	v17 =	vld [tilespmem:s0+$0xA7D0];
	_ =	sdelay $0x2  }
0x41c: {  	v18 =	vld [tilespmem:s0+$0xAC50]  }
0x41d: {  	v20 =	vld [tilespmem:s0+$0xACD0];
	v0 =	vadd.f32 v63, v0;
	v19 =	vadd.f32 v13, v12  }
0x41e: {  	s26 =	sor.u32 $0x1, s21;
	v21 =	vadd.f32 v15, v14;
	v22 =	vadd.f32 v17, v16  }
0x41f: {  	s24 =	smul.u32 $0xA00, s26  }
0x420: {  	v0 =	vadd.f32 v19, v0;
	v23 =	vadd.f32 v22, v21  }
0x421: {  	v36 =	vld [tilespmem:s24+$0xA600]  }
0x422: {  	s23 =	sand.u32 $0xF800, s24;
	v37 =	vld [tilespmem:s24+$0xA680];
	v2 =	vadd.f32 v20, v18;
	v0 =	vadd.f32 v23, v0  }
0x423: {  	v10 =	vld [tilespmem:s23+$0xA100]  }
0x424: {  	s6 =	sadd.s32 $0x200, s24;
	s28 =	sor.u32 $0x380, s24;
	v11 =	vld [tilespmem:s23+$0xA180];
	v0 =	vadd.f32 v2, v0  }
0x425: {  	s25 =	sor.u32 $0x450, s1;
	s6 =	sand.u32 $0xF800, s6;
	v33 =	vld [tilespmem:s28+$0xA000]  }
0x426: {  	v12 =	vld [tilespmem:s6+$0xA200];
	[tilespmem:s25+$0x15000] =	vst v0  }
0x427: {  	v0 =	vld [tilespmem:s0+$0xA460]  }
0x428: {  	v24 =	vld [tilespmem:s0+$0xA4E0]  }
0x429: {  	v25 =	vld [tilespmem:s0+$0xA560]  }
0x42a: {  	v26 =	vld [tilespmem:s0+$0xA5E0]  }
0x42b: {  	v27 =	vld [tilespmem:s0+$0xA660]  }
0x42c: {  	v28 =	vld [tilespmem:s0+$0xA6E0]  }
0x42d: {  	v29 =	vld [tilespmem:s0+$0xA760]  }
0x42e: {  	v30 =	vld [tilespmem:s0+$0xA7E0]  }
0x42f: {  	s10 =	sor.u32 $0x300, s24;
	v13 =	vld [tilespmem:s6+$0xA280]  }
0x430: {  	v14 =	vld [tilespmem:s10+$0xA000]  }
0x431: {  	v31 =	vld [tilespmem:s0+$0xAC60]  }
0x432: {  	v9 =	vld [tilespmem:s0+$0xACE0];
	v0 =	vadd.f32 v24, v0;
	v32 =	vadd.f32 v26, v25  }
0x433: {  	v34 =	vadd.f32 v28, v27;
	v35 =	vadd.f32 v30, v29  }
0x434: {  	v5 =	vadd.f32 v37, v36;
	v41 =	vadd.f32 v11, v10  }
0x435: {  	v40 =	vld [tilespmem:s23+$0xA900];
	v0 =	vadd.f32 v32, v0;
	v38 =	vadd.f32 v35, v34  }
0x436: {  	v43 =	vld [tilespmem:s23+$0xA980];
	v42 =	vadd.f32 v13, v12;
	v2 =	vadd.f32 v33, v14  }
0x437: {  	v39 =	vadd.f32 v9, v31;
	v0 =	vadd.f32 v38, v0  }
0x438: {  	v44 =	vadd.f32 v42, v41  }
0x439: {  	v2 =	vadd.f32 v5, v2;
	v0 =	vadd.f32 v39, v0  }
0x43a: {  	s30 =	sor.u32 $0x460, s1  }
0x43b: {  	v45 =	vadd.f32 v43, v40;
	v46 =	vadd.f32 v2, v44;
	[tilespmem:s30+$0x15000] =	vst v0  }
0x43c: {  	s5 =	sshll.u32 s26, $0x7;
	v47 =	vld [tilespmem:s0+$0xA470]  }
0x43d: {  	s5 =	sand.u32 $0x280, s5;
	v0 =	vadd.f32 v45, v46;
	v48 =	vld [tilespmem:s0+$0xA4F0]  }
0x43e: {  	s10 =	sor.u32 s5, s29;
	v49 =	vld [tilespmem:s0+$0xA570]  }
0x43f: {  	v50 =	vld [tilespmem:s0+$0xA5F0];
	[tilespmem:s10+$0x0] =	vst v0  }
0x440: {  	v0 =	vld [tilespmem:s23+$0xA110]  }
0x441: {  	v51 =	vld [tilespmem:s23+$0xA190]  }
0x442: {  	v52 =	vld [tilespmem:s6+$0xA210]  }
0x443: {  	s18 =	sor.u32 $0x310, s24;
	v53 =	vld [tilespmem:s6+$0xA290]  }
0x444: {  	s31 =	sor.u32 $0x390, s24;
	v54 =	vld [tilespmem:s18+$0xA000]  }
0x445: {  	v55 =	vld [tilespmem:s31+$0xA000]  }
0x446: {  	v56 =	vld [tilespmem:s24+$0xA610]  }
0x447: {  	v57 =	vld [tilespmem:s24+$0xA690]  }
0x448: {  	v58 =	vld [tilespmem:s0+$0xA670]  }
0x449: {  	v59 =	vld [tilespmem:s0+$0xA6F0]  }
0x44a: {  	v60 =	vld [tilespmem:s23+$0xA910]  }
0x44b: {  	v62 =	vld [tilespmem:s23+$0xA990];
	v0 =	vadd.f32 v51, v0;
	v61 =	vadd.f32 v53, v52  }
0x44c: {  	v63 =	vld [tilespmem:s0+$0xA770];
	v8 =	vadd.f32 v55, v54;
	v15 =	vadd.f32 v57, v56  }
0x44d: {  	v16 =	vld [tilespmem:s0+$0xA7F0]  }
0x44e: {  	v0 =	vadd.f32 v61, v0;
	v17 =	vadd.f32 v15, v8  }
0x44f: {  	v2 =	vadd.f32 v48, v47  }
0x450: {  	v18 =	vld [tilespmem:s0+$0xAC70];
	v6 =	vadd.f32 v62, v60;
	v0 =	vadd.f32 v17, v0  }
0x451: {  	v20 =	vld [tilespmem:s0+$0xACF0];
	v1 =	vadd.f32 v50, v49;
	v19 =	vadd.f32 v59, v58  }
0x452: {  	v7 =	vadd.f32 v16, v63;
	v0 =	vadd.f32 v6, v0;
	_ =	sdelay $0x1  }
0x453: {  	v1 =	vadd.f32 v1, v2;
	v21 =	vadd.f32 v7, v19;
	[tilespmem:s10+$0x10] =	vst v0  }
0x454: {  	v0 =	vld [tilespmem:s23+$0xA120]  }
0x455: {  	v3 =	vadd.f32 v20, v18;
	v1 =	vadd.f32 v21, v1;
	v22 =	vld [tilespmem:s23+$0xA1A0]  }
0x456: {  	v23 =	vld [tilespmem:s6+$0xA220]  }
0x457: {  	s18 =	sor.u32 $0x320, s24;
	v1 =	vadd.f32 v3, v1;
	v24 =	vld [tilespmem:s6+$0xA2A0]  }
0x458: {  	s1 =	sor.u32 $0x470, s1;
	s25 =	sor.u32 $0x3A0, s24;
	v25 =	vld [tilespmem:s18+$0xA000]  }
0x459: {  	[tilespmem:s1+$0x15000] =	vst v1;
	v26 =	vld [tilespmem:s25+$0xA000]  }
0x45a: {  	v27 =	vld [tilespmem:s24+$0xA620]  }
0x45b: {  	v28 =	vld [tilespmem:s24+$0xA6A0];
	_ =	sdelay $0x2  }
0x45c: {  	v29 =	vld [tilespmem:s23+$0xA920]  }
0x45d: {  	v31 =	vld [tilespmem:s23+$0xA9A0];
	v0 =	vadd.f32 v22, v0;
	v30 =	vadd.f32 v24, v23  }
0x45e: {  	v1 =	vadd.f32 v26, v25;
	v32 =	vadd.f32 v28, v27;
	_ =	sdelay $0x1  }
0x45f: {  	v0 =	vadd.f32 v30, v0;
	v1 =	vadd.f32 v32, v1;
	_ =	sdelay $0x1  }
0x460: {  	v33 =	vadd.f32 v31, v29;
	v0 =	vadd.f32 v1, v0;
	_ =	sdelay $0x1  }
0x461: {  	v0 =	vadd.f32 v33, v0;
	_ =	sdelay $0x1  }
0x462: {  	[tilespmem:s10+$0x20] =	vst v0  }
0x463: {  	v0 =	vld [tilespmem:s23+$0xA130]  }
0x464: {  	v34 =	vld [tilespmem:s23+$0xA1B0]  }
0x465: {  	v35 =	vld [tilespmem:s6+$0xA230]  }
0x466: {  	s26 =	sor.u32 $0x330, s24;
	v36 =	vld [tilespmem:s6+$0xA2B0]  }
0x467: {  	s28 =	sor.u32 $0x3B0, s24;
	v37 =	vld [tilespmem:s26+$0xA000]  }
0x468: {  	v38 =	vld [tilespmem:s28+$0xA000]  }
0x469: {  	v39 =	vld [tilespmem:s24+$0xA630]  }
0x46a: {  	v40 =	vld [tilespmem:s24+$0xA6B0];
	_ =	sdelay $0x2  }
0x46b: {  	v41 =	vld [tilespmem:s23+$0xA930]  }
0x46c: {  	v43 =	vld [tilespmem:s23+$0xA9B0];
	v0 =	vadd.f32 v34, v0;
	v42 =	vadd.f32 v36, v35  }
0x46d: {  	v44 =	vadd.f32 v38, v37;
	v45 =	vadd.f32 v40, v39;
	_ =	sdelay $0x1  }
0x46e: {  	v0 =	vadd.f32 v42, v0;
	v46 =	vadd.f32 v45, v44;
	_ =	sdelay $0x1  }
0x46f: {  	v2 =	vadd.f32 v43, v41;
	v0 =	vadd.f32 v46, v0;
	_ =	sdelay $0x1  }
0x470: {  	v0 =	vadd.f32 v2, v0;
	_ =	sdelay $0x1  }
0x471: {  	[tilespmem:s10+$0x30] =	vst v0  }
0x472: {  	v0 =	vld [tilespmem:s23+$0xA140]  }
0x473: {  	v47 =	vld [tilespmem:s23+$0xA1C0]  }
0x474: {  	v48 =	vld [tilespmem:s6+$0xA240]  }
0x475: {  	s30 =	sor.u32 $0x340, s24;
	v49 =	vld [tilespmem:s6+$0xA2C0]  }
0x476: {  	s31 =	sor.u32 $0x3C0, s24;
	v50 =	vld [tilespmem:s30+$0xA000]  }
0x477: {  	v51 =	vld [tilespmem:s31+$0xA000]  }
0x478: {  	v52 =	vld [tilespmem:s24+$0xA640]  }
0x479: {  	v53 =	vld [tilespmem:s24+$0xA6C0];
	_ =	sdelay $0x2  }
0x47a: {  	v54 =	vld [tilespmem:s23+$0xA940]  }
0x47b: {  	v56 =	vld [tilespmem:s23+$0xA9C0];
	v0 =	vadd.f32 v47, v0;
	v55 =	vadd.f32 v49, v48  }
0x47c: {  	v57 =	vadd.f32 v51, v50;
	v58 =	vadd.f32 v53, v52;
	_ =	sdelay $0x1  }
0x47d: {  	v0 =	vadd.f32 v55, v0;
	v59 =	vadd.f32 v58, v57;
	_ =	sdelay $0x1  }
0x47e: {  	v2 =	vadd.f32 v56, v54;
	v0 =	vadd.f32 v59, v0;
	_ =	sdelay $0x1  }
0x47f: {  	v0 =	vadd.f32 v2, v0;
	_ =	sdelay $0x1  }
0x480: {  	[tilespmem:s10+$0x40] =	vst v0  }
0x481: {  	v0 =	vld [tilespmem:s23+$0xA150]  }
0x482: {  	v60 =	vld [tilespmem:s23+$0xA1D0]  }
0x483: {  	v61 =	vld [tilespmem:s6+$0xA250]  }
0x484: {  	s1 =	sor.u32 $0x350, s24;
	v62 =	vld [tilespmem:s6+$0xA2D0]  }
0x485: {  	s18 =	sor.u32 $0x3D0, s24;
	v63 =	vld [tilespmem:s1+$0xA000]  }
0x486: {  	v12 =	vld [tilespmem:s18+$0xA000]  }
0x487: {  	v13 =	vld [tilespmem:s24+$0xA650]  }
0x488: {  	v14 =	vld [tilespmem:s24+$0xA6D0];
	_ =	sdelay $0x2  }
0x489: {  	v15 =	vld [tilespmem:s23+$0xA950]  }
0x48a: {  	v17 =	vld [tilespmem:s23+$0xA9D0];
	v0 =	vadd.f32 v60, v0;
	v16 =	vadd.f32 v62, v61  }
0x48b: {  	v18 =	vadd.f32 v12, v63;
	v19 =	vadd.f32 v14, v13;
	_ =	sdelay $0x1  }
0x48c: {  	v0 =	vadd.f32 v16, v0;
	v20 =	vadd.f32 v19, v18;
	_ =	sdelay $0x1  }
0x48d: {  	v2 =	vadd.f32 v17, v15;
	v0 =	vadd.f32 v20, v0;
	_ =	sdelay $0x1  }
0x48e: {  	v0 =	vadd.f32 v2, v0;
	_ =	sdelay $0x1  }
0x48f: {  	[tilespmem:s10+$0x50] =	vst v0  }
0x490: {  	v0 =	vld [tilespmem:s23+$0xA160]  }
0x491: {  	v21 =	vld [tilespmem:s23+$0xA1E0]  }
0x492: {  	v22 =	vld [tilespmem:s6+$0xA260]  }
0x493: {  	s25 =	sor.u32 $0x360, s24;
	v23 =	vld [tilespmem:s6+$0xA2E0]  }
0x494: {  	s26 =	sor.u32 $0x3E0, s24;
	v24 =	vld [tilespmem:s25+$0xA000]  }
0x495: {  	v25 =	vld [tilespmem:s26+$0xA000]  }
0x496: {  	v26 =	vld [tilespmem:s24+$0xA660]  }
0x497: {  	v27 =	vld [tilespmem:s24+$0xA6E0];
	_ =	sdelay $0x2  }
0x498: {  	v28 =	vld [tilespmem:s23+$0xA960]  }
0x499: {  	v30 =	vld [tilespmem:s23+$0xA9E0];
	v0 =	vadd.f32 v21, v0;
	v29 =	vadd.f32 v23, v22  }
0x49a: {  	v31 =	vadd.f32 v25, v24;
	v32 =	vadd.f32 v27, v26;
	_ =	sdelay $0x1  }
0x49b: {  	v0 =	vadd.f32 v29, v0;
	v33 =	vadd.f32 v32, v31;
	_ =	sdelay $0x1  }
0x49c: {  	v2 =	vadd.f32 v30, v28;
	v0 =	vadd.f32 v33, v0;
	_ =	sdelay $0x1  }
0x49d: {  	v0 =	vadd.f32 v2, v0;
	_ =	sdelay $0x1  }
0x49e: {  	[tilespmem:s10+$0x60] =	vst v0  }
0x49f: {  	v0 =	vld [tilespmem:s23+$0xA170]  }
0x4a0: {  	v34 =	vld [tilespmem:s23+$0xA1F0]  }
0x4a1: {  	v35 =	vld [tilespmem:s6+$0xA270]  }
0x4a2: {  	s28 =	sor.u32 $0x370, s24;
	v36 =	vld [tilespmem:s6+$0xA2F0]  }
0x4a3: {  	s30 =	sor.u32 $0x3F0, s24;
	v37 =	vld [tilespmem:s28+$0xA000]  }
0x4a4: {  	v38 =	vld [tilespmem:s30+$0xA000]  }
0x4a5: {  	v39 =	vld [tilespmem:s24+$0xA670]  }
0x4a6: {  	v40 =	vld [tilespmem:s24+$0xA6F0];
	_ =	sdelay $0x2  }
0x4a7: {  	v41 =	vld [tilespmem:s23+$0xA970]  }
0x4a8: {  	v43 =	vld [tilespmem:s23+$0xA9F0];
	v0 =	vadd.f32 v34, v0;
	v42 =	vadd.f32 v36, v35  }
0x4a9: {  	v44 =	vadd.f32 v38, v37;
	v45 =	vadd.f32 v40, v39;
	_ =	sdelay $0x1  }
0x4aa: {  	v0 =	vadd.f32 v42, v0;
	v46 =	vadd.f32 v45, v44;
	_ =	sdelay $0x1  }
0x4ab: {  	v2 =	vadd.f32 v43, v41;
	v0 =	vadd.f32 v46, v0  }
0x4ac: {  	s6 =	sor.u32 $0x2, s21  }
0x4ad: {  	s28 =	smul.u32 $0xA00, s6;
	v0 =	vadd.f32 v2, v0;
	_ =	sdelay $0x1  }
0x4ae: {  	v12 =	vld [tilespmem:s28+$0xA400];
	[tilespmem:s10+$0x70] =	vst v0  }
0x4af: {  	v0 =	vld [tilespmem:s23+$0xA500]  }
0x4b0: {  	v47 =	vld [tilespmem:s23+$0xA580]  }
0x4b1: {  	v48 =	vld [tilespmem:s24+$0xA400]  }
0x4b2: {  	s31 =	sor.u32 $0x700, s24;
	v49 =	vld [tilespmem:s24+$0xA480]  }
0x4b3: {  	s1 =	sor.u32 $0x780, s24;
	v50 =	vld [tilespmem:s31+$0xA000]  }
0x4b4: {  	v51 =	vld [tilespmem:s1+$0xA000]  }
0x4b5: {  	v52 =	vld [tilespmem:s24+$0xAA00]  }
0x4b6: {  	v53 =	vld [tilespmem:s24+$0xAA80]  }
0x4b7: {  	v13 =	vld [tilespmem:s28+$0xA480]  }
0x4b8: {  	v14 =	vld [tilespmem:s28+$0xA500]  }
0x4b9: {  	v54 =	vld [tilespmem:s23+$0xAD00]  }
0x4ba: {  	v56 =	vld [tilespmem:s23+$0xAD80];
	v0 =	vadd.f32 v47, v0;
	v55 =	vadd.f32 v49, v48  }
0x4bb: {  	s26 =	sand.u32 $0xF800, s28;
	v15 =	vld [tilespmem:s28+$0xA580];
	v57 =	vadd.f32 v51, v50;
	v58 =	vadd.f32 v53, v52  }
0x4bc: {  	v60 =	vld [tilespmem:s26+$0xA200]  }
0x4bd: {  	v61 =	vld [tilespmem:s26+$0xA280];
	v0 =	vadd.f32 v55, v0;
	v59 =	vadd.f32 v58, v57  }
0x4be: {  	v62 =	vld [tilespmem:s26+$0xA300]  }
0x4bf: {  	v63 =	vld [tilespmem:s26+$0xA380];
	v2 =	vadd.f32 v56, v54;
	v0 =	vadd.f32 v59, v0;
	_ =	sdelay $0x1  }
0x4c0: {  	s25 =	sor.u32 s22, s5;
	v0 =	vadd.f32 v2, v0  }
0x4c1: {  	v18 =	vld [tilespmem:s26+$0xAA00];
	s10 =	sor.u32 $0x400, s25  }
0x4c2: {  	v20 =	vld [tilespmem:s26+$0xAA80];
	v5 =	vadd.f32 v13, v12;
	v22 =	vadd.f32 v15, v14;
	[tilespmem:s10+$0x15000] =	vst v0  }
0x4c3: {  	v1 =	vadd.f32 v61, v60;
	v19 =	vadd.f32 v63, v62;
	v0 =	vld [tilespmem:s23+$0xA510]  }
0x4c4: {  	v16 =	vld [tilespmem:s23+$0xA590]  }
0x4c5: {  	v25 =	vadd.f32 v22, v5;
	v1 =	vadd.f32 v19, v1;
	v17 =	vld [tilespmem:s24+$0xA410]  }
0x4c6: {  	s18 =	sor.u32 $0x710, s24;
	v21 =	vld [tilespmem:s24+$0xA490]  }
0x4c7: {  	s30 =	sor.u32 $0x790, s24;
	v3 =	vadd.f32 v20, v18;
	v1 =	vadd.f32 v25, v1;
	v23 =	vld [tilespmem:s18+$0xA000]  }
0x4c8: {  	s0 =	sshll.u32 s6, $0x7;
	v24 =	vld [tilespmem:s30+$0xA000]  }
0x4c9: {  	s1 =	sand.u32 $0x300, s0;
	v1 =	vadd.f32 v3, v1;
	v26 =	vld [tilespmem:s24+$0xAA10]  }
0x4ca: {  	s6 =	sor.u32 s1, s29;
	v27 =	vld [tilespmem:s24+$0xAA90]  }
0x4cb: {  	[tilespmem:s6+$0x0] =	vst v1  }
0x4cc: {  	v32 =	vld [tilespmem:s26+$0xA210]  }
0x4cd: {  	v28 =	vld [tilespmem:s23+$0xAD10]  }
0x4ce: {  	v30 =	vld [tilespmem:s23+$0xAD90];
	v0 =	vadd.f32 v16, v0;
	v29 =	vadd.f32 v21, v17  }
0x4cf: {  	v33 =	vld [tilespmem:s26+$0xA290];
	v31 =	vadd.f32 v24, v23;
	v5 =	vadd.f32 v27, v26  }
0x4d0: {  	v34 =	vld [tilespmem:s26+$0xA310]  }
0x4d1: {  	v35 =	vld [tilespmem:s26+$0xA390];
	v0 =	vadd.f32 v29, v0;
	v1 =	vadd.f32 v5, v31  }
0x4d2: {  	v36 =	vld [tilespmem:s28+$0xA410]  }
0x4d3: {  	v37 =	vld [tilespmem:s28+$0xA490];
	v2 =	vadd.f32 v30, v28;
	v0 =	vadd.f32 v1, v0  }
0x4d4: {  	v38 =	vld [tilespmem:s28+$0xA510]  }
0x4d5: {  	v39 =	vld [tilespmem:s28+$0xA590];
	v0 =	vadd.f32 v2, v0  }
0x4d6: {  	s31 =	sor.u32 $0x410, s25;
	v40 =	vld [tilespmem:s26+$0xAA10]  }
0x4d7: {  	v41 =	vld [tilespmem:s26+$0xAA90];
	[tilespmem:s31+$0x15000] =	vst v0  }
0x4d8: {  	v0 =	vld [tilespmem:s23+$0xA520]  }
0x4d9: {  	v6 =	vadd.f32 v33, v32;
	v3 =	vadd.f32 v35, v34;
	v42 =	vld [tilespmem:s23+$0xA5A0]  }
0x4da: {  	v1 =	vadd.f32 v37, v36;
	v2 =	vadd.f32 v39, v38;
	v43 =	vld [tilespmem:s24+$0xA420]  }
0x4db: {  	s5 =	sor.u32 $0x720, s24;
	v44 =	vld [tilespmem:s24+$0xA4A0]  }
0x4dc: {  	v3 =	vadd.f32 v3, v6;
	s10 =	sor.u32 $0x7A0, s24;
	v1 =	vadd.f32 v2, v1;
	v45 =	vld [tilespmem:s5+$0xA000]  }
0x4dd: {  	v46 =	vld [tilespmem:s10+$0xA000]  }
0x4de: {  	v5 =	vadd.f32 v41, v40;
	v47 =	vld [tilespmem:s24+$0xAA20];
	v1 =	vadd.f32 v1, v3  }
0x4df: {  	v48 =	vld [tilespmem:s24+$0xAAA0]  }
0x4e0: {  	v1 =	vadd.f32 v5, v1  }
0x4e1: {  	v49 =	vld [tilespmem:s23+$0xAD20]  }
0x4e2: {  	v50 =	vld [tilespmem:s23+$0xADA0];
	[tilespmem:s6+$0x10] =	vst v1  }
0x4e3: {  	v0 =	vadd.f32 v42, v0;
	v4 =	vadd.f32 v44, v43;
	v1 =	vld [tilespmem:s26+$0xA220]  }
0x4e4: {  	v2 =	vadd.f32 v46, v45;
	v3 =	vadd.f32 v48, v47;
	v51 =	vld [tilespmem:s26+$0xA2A0]  }
0x4e5: {  	v52 =	vld [tilespmem:s26+$0xA320]  }
0x4e6: {  	v53 =	vld [tilespmem:s26+$0xA3A0];
	v0 =	vadd.f32 v4, v0;
	v2 =	vadd.f32 v3, v2  }
0x4e7: {  	v54 =	vld [tilespmem:s28+$0xA420]  }
0x4e8: {  	v5 =	vadd.f32 v50, v49;
	v55 =	vld [tilespmem:s28+$0xA4A0];
	v0 =	vadd.f32 v2, v0  }
0x4e9: {  	v56 =	vld [tilespmem:s28+$0xA520]  }
0x4ea: {  	v57 =	vld [tilespmem:s28+$0xA5A0];
	v0 =	vadd.f32 v5, v0  }
0x4eb: {  	s18 =	sor.u32 $0x420, s25;
	v58 =	vld [tilespmem:s26+$0xAA20]  }
0x4ec: {  	v60 =	vld [tilespmem:s26+$0xAAA0];
	[tilespmem:s18+$0x15000] =	vst v0  }
0x4ed: {  	v0 =	vld [tilespmem:s23+$0xA530]  }
0x4ee: {  	v61 =	vld [tilespmem:s23+$0xA5B0]  }
0x4ef: {  	v62 =	vld [tilespmem:s24+$0xA430]  }
0x4f0: {  	s30 =	sor.u32 $0x730, s24;
	v63 =	vld [tilespmem:s24+$0xA4B0]  }
0x4f1: {  	s31 =	sor.u32 $0x7B0, s24;
	v1 =	vadd.f32 v51, v1;
	v59 =	vadd.f32 v53, v52;
	v21 =	vld [tilespmem:s30+$0xA000]  }
0x4f2: {  	v6 =	vadd.f32 v55, v54;
	v3 =	vadd.f32 v57, v56;
	v22 =	vld [tilespmem:s31+$0xA000]  }
0x4f3: {  	v23 =	vld [tilespmem:s24+$0xAA30]  }
0x4f4: {  	s10 =	sor.u32 $0x3, s21;
	v1 =	vadd.f32 v59, v1;
	v3 =	vadd.f32 v3, v6;
	v40 =	vld [tilespmem:s24+$0xAAB0]  }
0x4f5: {  	s31 =	smul.u32 $0xA00, s10;
	v41 =	vld [tilespmem:s23+$0xAD30]  }
0x4f6: {  	v2 =	vadd.f32 v60, v58;
	v45 =	vld [tilespmem:s23+$0xADB0];
	v1 =	vadd.f32 v3, v1  }
0x4f7: {  	v19 =	vld [tilespmem:s31+$0xA200]  }
0x4f8: {  	s30 =	sand.u32 $0xF800, s31;
	v32 =	vld [tilespmem:s31+$0xA280];
	v1 =	vadd.f32 v2, v1  }
0x4f9: {  	v17 =	vld [tilespmem:s30+$0xA300]  }
0x4fa: {  	v18 =	vld [tilespmem:s30+$0xA380];
	[tilespmem:s6+$0x20] =	vst v1  }
0x4fb: {  	v1 =	vld [tilespmem:s26+$0xA230]  }
0x4fc: {  	v24 =	vld [tilespmem:s26+$0xA2B0]  }
0x4fd: {  	v25 =	vld [tilespmem:s26+$0xA330]  }
0x4fe: {  	v26 =	vld [tilespmem:s26+$0xA3B0]  }
0x4ff: {  	v27 =	vld [tilespmem:s28+$0xA430]  }
0x500: {  	v28 =	vld [tilespmem:s28+$0xA4B0]  }
0x501: {  	s5 =	sadd.s32 $0x400, s31;
	v29 =	vld [tilespmem:s28+$0xA530]  }
0x502: {  	s0 =	sand.u32 $0x1F800, s5;
	v30 =	vld [tilespmem:s28+$0xA5B0]  }
0x503: {  	v35 =	vld [tilespmem:s0+$0xA100];
	v0 =	vadd.f32 v61, v0  }
0x504: {  	v36 =	vld [tilespmem:s0+$0xA180];
	v3 =	vadd.f32 v63, v62;
	v2 =	vadd.f32 v22, v21  }
0x505: {  	s18 =	sadd.s32 $0x600, s31;
	v56 =	vadd.f32 v40, v23;
	v8 =	vadd.f32 v45, v41;
	v15 =	vld [tilespmem:s26+$0xAA30]  }
0x506: {  	s5 =	sand.u32 $0x1F800, s18;
	v16 =	vld [tilespmem:s26+$0xAAB0];
	v1 =	vadd.f32 v24, v1;
	v31 =	vadd.f32 v26, v25  }
0x507: {  	v38 =	vld [tilespmem:s5+$0xA200];
	v33 =	vadd.f32 v28, v27;
	v34 =	vadd.f32 v30, v29  }
0x508: {  	v39 =	vld [tilespmem:s5+$0xA280];
	v9 =	vadd.f32 v32, v19;
	v0 =	vadd.f32 v3, v0  }
0x509: {  	v1 =	vadd.f32 v31, v1;
	v37 =	vadd.f32 v34, v33  }
0x50a: {  	v2 =	vadd.f32 v56, v2;
	v43 =	vadd.f32 v18, v17  }
0x50b: {  	v42 =	vld [tilespmem:s30+$0xAB00];
	v15 =	vadd.f32 v16, v15;
	v1 =	vadd.f32 v37, v1  }
0x50c: {  	v44 =	vld [tilespmem:s30+$0xAB80];
	v46 =	vadd.f32 v36, v35;
	v0 =	vadd.f32 v2, v0  }
0x50d: {  	v10 =	vadd.f32 v39, v38;
	v1 =	vadd.f32 v15, v1  }
0x50e: {  	v0 =	vadd.f32 v8, v0  }
0x50f: {  	s18 =	sor.u32 $0x430, s25;
	v9 =	vadd.f32 v9, v43;
	[tilespmem:s6+$0x30] =	vst v1;
	v1 =	vadd.f32 v10, v46  }
0x510: {  	[tilespmem:s18+$0x15000] =	vst v0  }
0x511: {  	v4 =	vld [tilespmem:s23+$0xA540];
	v15 =	vadd.f32 v44, v42;
	v1 =	vadd.f32 v1, v9  }
0x512: {  	s10 =	sshll.u32 s10, $0x7;
	s18 =	sor.u32 $0x740, s24;
	v5 =	vld [tilespmem:s24+$0xA4C0]  }
0x513: {  	s10 =	sand.u32 $0x380, s10;
	v6 =	vld [tilespmem:s18+$0xA000];
	v1 =	vadd.f32 v15, v1  }
0x514: {  	s29 =	sor.u32 s10, s29;
	v47 =	vld [tilespmem:s26+$0xA240]  }
0x515: {  	v48 =	vld [tilespmem:s26+$0xA2C0];
	[tilespmem:s29+$0x0] =	vst v1  }
0x516: {  	v1 =	vld [tilespmem:s30+$0xA310]  }
0x517: {  	v55 =	vld [tilespmem:s30+$0xA390]  }
0x518: {  	v57 =	vld [tilespmem:s31+$0xA210]  }
0x519: {  	v58 =	vld [tilespmem:s31+$0xA290]  }
0x51a: {  	v59 =	vld [tilespmem:s0+$0xA110]  }
0x51b: {  	v60 =	vld [tilespmem:s0+$0xA190]  }
0x51c: {  	v61 =	vld [tilespmem:s5+$0xA210]  }
0x51d: {  	v62 =	vld [tilespmem:s5+$0xA290]  }
0x51e: {  	v49 =	vld [tilespmem:s26+$0xA340]  }
0x51f: {  	v50 =	vld [tilespmem:s26+$0xA3C0]  }
0x520: {  	v20 =	vld [tilespmem:s30+$0xAB10]  }
0x521: {  	v22 =	vld [tilespmem:s30+$0xAB90];
	v1 =	vadd.f32 v55, v1;
	v21 =	vadd.f32 v58, v57  }
0x522: {  	v51 =	vld [tilespmem:s28+$0xA440];
	v3 =	vadd.f32 v60, v59;
	v2 =	vadd.f32 v62, v61  }
0x523: {  	v52 =	vld [tilespmem:s28+$0xA4C0]  }
0x524: {  	v53 =	vld [tilespmem:s28+$0xA540];
	v1 =	vadd.f32 v21, v1;
	v2 =	vadd.f32 v2, v3  }
0x525: {  	v54 =	vld [tilespmem:s28+$0xA5C0]  }
0x526: {  	v63 =	vld [tilespmem:s26+$0xAA40];
	v27 =	vadd.f32 v22, v20;
	v1 =	vadd.f32 v2, v1  }
0x527: {  	s18 =	sor.u32 $0x7C0, s24;
	v18 =	vld [tilespmem:s26+$0xAAC0]  }
0x528: {  	v15 =	vld [tilespmem:s18+$0xA000];
	v1 =	vadd.f32 v27, v1  }
0x529: {  	v11 =	vadd.f32 v48, v47;
	v10 =	vadd.f32 v50, v49;
	v58 =	vld [tilespmem:s24+$0xAA40]  }
0x52a: {  	v9 =	vadd.f32 v52, v51;
	v19 =	vadd.f32 v54, v53;
	v3 =	vld [tilespmem:s24+$0xA440];
	[tilespmem:s29+$0x10] =	vst v1  }
0x52b: {  	v1 =	vld [tilespmem:s30+$0xA320]  }
0x52c: {  	v23 =	vadd.f32 v10, v11;
	v24 =	vadd.f32 v19, v9;
	v28 =	vld [tilespmem:s30+$0xA3A0]  }
0x52d: {  	v29 =	vld [tilespmem:s31+$0xA220]  }
0x52e: {  	v25 =	vadd.f32 v18, v63;
	v26 =	vadd.f32 v24, v23;
	v30 =	vld [tilespmem:s31+$0xA2A0]  }
0x52f: {  	v31 =	vld [tilespmem:s0+$0xA120]  }
0x530: {  	v0 =	vadd.f32 v25, v26;
	v32 =	vld [tilespmem:s0+$0xA1A0]  }
0x531: {  	v33 =	vld [tilespmem:s5+$0xA220]  }
0x532: {  	[tilespmem:s6+$0x40] =	vst v0;
	v34 =	vld [tilespmem:s5+$0xA2A0]  }
0x533: {  	v0 =	vld [tilespmem:s26+$0xA250]  }
0x534: {  	v35 =	vld [tilespmem:s26+$0xA2D0]  }
0x535: {  	v37 =	vld [tilespmem:s30+$0xAB20]  }
0x536: {  	v39 =	vld [tilespmem:s30+$0xABA0];
	v1 =	vadd.f32 v28, v1;
	v38 =	vadd.f32 v30, v29  }
0x537: {  	v36 =	vld [tilespmem:s26+$0xA350];
	v9 =	vadd.f32 v32, v31;
	v41 =	vadd.f32 v34, v33  }
0x538: {  	v40 =	vld [tilespmem:s26+$0xA3D0]  }
0x539: {  	v42 =	vld [tilespmem:s28+$0xA450];
	v1 =	vadd.f32 v38, v1;
	v44 =	vadd.f32 v41, v9  }
0x53a: {  	v43 =	vld [tilespmem:s28+$0xA4D0]  }
0x53b: {  	v45 =	vld [tilespmem:s28+$0xA550];
	v7 =	vadd.f32 v39, v37;
	v1 =	vadd.f32 v44, v1  }
0x53c: {  	v46 =	vld [tilespmem:s28+$0xA5D0]  }
0x53d: {  	v47 =	vld [tilespmem:s26+$0xAA50];
	v1 =	vadd.f32 v7, v1  }
0x53e: {  	v48 =	vld [tilespmem:s26+$0xAAD0]  }
0x53f: {  	v2 =	vld [tilespmem:s23+$0xA5C0];
	[tilespmem:s29+$0x20] =	vst v1  }
0x540: {  	v50 =	vld [tilespmem:s30+$0xA330]  }
0x541: {  	v0 =	vadd.f32 v35, v0;
	v8 =	vadd.f32 v40, v36;
	v51 =	vld [tilespmem:s30+$0xA3B0]  }
0x542: {  	v49 =	vadd.f32 v43, v42;
	v9 =	vadd.f32 v46, v45;
	v52 =	vld [tilespmem:s31+$0xA230]  }
0x543: {  	v53 =	vld [tilespmem:s31+$0xA2B0]  }
0x544: {  	v0 =	vadd.f32 v8, v0;
	v1 =	vadd.f32 v9, v49;
	v54 =	vld [tilespmem:s0+$0xA130]  }
0x545: {  	v55 =	vld [tilespmem:s0+$0xA1B0]  }
0x546: {  	v7 =	vadd.f32 v48, v47;
	v56 =	vld [tilespmem:s5+$0xA230];
	v0 =	vadd.f32 v1, v0  }
0x547: {  	v57 =	vld [tilespmem:s5+$0xA2B0]  }
0x548: {  	v35 =	vld [tilespmem:s24+$0xAAC0];
	v0 =	vadd.f32 v7, v0  }
0x549: {  	v59 =	vld [tilespmem:s30+$0xAB30]  }
0x54a: {  	v60 =	vld [tilespmem:s30+$0xABB0];
	[tilespmem:s6+$0x50] =	vst v0  }
0x54b: {  	v10 =	vadd.f32 v51, v50;
	v8 =	vadd.f32 v53, v52;
	v0 =	vld [tilespmem:s26+$0xA260]  }
0x54c: {  	v1 =	vadd.f32 v55, v54;
	v7 =	vadd.f32 v57, v56;
	v61 =	vld [tilespmem:s26+$0xA2E0]  }
0x54d: {  	v62 =	vld [tilespmem:s26+$0xA360]  }
0x54e: {  	v63 =	vld [tilespmem:s26+$0xA3E0];
	v8 =	vadd.f32 v8, v10;
	v1 =	vadd.f32 v7, v1  }
0x54f: {  	v21 =	vld [tilespmem:s28+$0xA460]  }
0x550: {  	v9 =	vadd.f32 v60, v59;
	v22 =	vld [tilespmem:s28+$0xA4E0];
	v1 =	vadd.f32 v1, v8  }
0x551: {  	v23 =	vld [tilespmem:s28+$0xA560]  }
0x552: {  	v24 =	vld [tilespmem:s28+$0xA5E0];
	v1 =	vadd.f32 v9, v1  }
0x553: {  	v25 =	vld [tilespmem:s26+$0xAA60]  }
0x554: {  	v26 =	vld [tilespmem:s26+$0xAAE0];
	[tilespmem:s29+$0x30] =	vst v1  }
0x555: {  	v1 =	vld [tilespmem:s30+$0xA340]  }
0x556: {  	v27 =	vld [tilespmem:s30+$0xA3C0]  }
0x557: {  	v0 =	vadd.f32 v61, v0;
	v29 =	vadd.f32 v63, v62;
	v28 =	vld [tilespmem:s31+$0xA240]  }
0x558: {  	v7 =	vadd.f32 v22, v21;
	v8 =	vadd.f32 v24, v23;
	v30 =	vld [tilespmem:s31+$0xA2C0]  }
0x559: {  	v31 =	vld [tilespmem:s0+$0xA140]  }
0x55a: {  	v0 =	vadd.f32 v29, v0;
	v7 =	vadd.f32 v8, v7;
	v32 =	vld [tilespmem:s0+$0xA1C0]  }
0x55b: {  	v33 =	vld [tilespmem:s5+$0xA240]  }
0x55c: {  	v9 =	vadd.f32 v26, v25;
	v34 =	vld [tilespmem:s5+$0xA2C0];
	v0 =	vadd.f32 v7, v0  }
0x55d: {  	v36 =	vld [tilespmem:s23+$0xAD40]  }
0x55e: {  	v39 =	vld [tilespmem:s23+$0xADC0];
	v0 =	vadd.f32 v9, v0  }
0x55f: {  	v37 =	vld [tilespmem:s30+$0xAB40]  }
0x560: {  	v38 =	vld [tilespmem:s30+$0xABC0];
	v1 =	vadd.f32 v27, v1;
	v12 =	vadd.f32 v30, v28;
	[tilespmem:s6+$0x60] =	vst v0  }
0x561: {  	v40 =	vadd.f32 v32, v31;
	v8 =	vadd.f32 v34, v33;
	v41 =	vld [tilespmem:s26+$0xA270]  }
0x562: {  	v42 =	vld [tilespmem:s26+$0xA2F0]  }
0x563: {  	v43 =	vld [tilespmem:s26+$0xA370];
	v1 =	vadd.f32 v12, v1;
	v0 =	vadd.f32 v8, v40  }
0x564: {  	v44 =	vld [tilespmem:s26+$0xA3F0]  }
0x565: {  	v9 =	vadd.f32 v38, v37;
	v45 =	vld [tilespmem:s28+$0xA470];
	v0 =	vadd.f32 v0, v1  }
0x566: {  	v46 =	vld [tilespmem:s28+$0xA4F0]  }
0x567: {  	v47 =	vld [tilespmem:s28+$0xA570];
	v0 =	vadd.f32 v9, v0  }
0x568: {  	v48 =	vld [tilespmem:s28+$0xA5F0]  }
0x569: {  	v59 =	vld [tilespmem:s26+$0xAA70];
	[tilespmem:s29+$0x40] =	vst v0  }
0x56a: {  	v0 =	vld [tilespmem:s30+$0xA350]  }
0x56b: {  	v3 =	vadd.f32 v5, v3;
	v2 =	vadd.f32 v2, v4;
	v49 =	vld [tilespmem:s30+$0xA3D0]  }
0x56c: {  	v50 =	vadd.f32 v15, v6;
	v51 =	vadd.f32 v35, v58;
	v52 =	vld [tilespmem:s31+$0xA250]  }
0x56d: {  	v53 =	vld [tilespmem:s31+$0xA2D0]  }
0x56e: {  	v2 =	vadd.f32 v3, v2;
	v54 =	vadd.f32 v51, v50;
	v55 =	vld [tilespmem:s0+$0xA150]  }
0x56f: {  	v56 =	vld [tilespmem:s0+$0xA1D0]  }
0x570: {  	v2 =	vadd.f32 v54, v2;
	v7 =	vadd.f32 v39, v36;
	v57 =	vld [tilespmem:s5+$0xA250]  }
0x571: {  	v10 =	vadd.f32 v42, v41;
	v8 =	vadd.f32 v44, v43;
	v58 =	vld [tilespmem:s5+$0xA2D0]  }
0x572: {  	v60 =	vld [tilespmem:s26+$0xAAF0];
	v1 =	vadd.f32 v46, v45;
	v9 =	vadd.f32 v48, v47  }
0x573: {  	v2 =	vadd.f32 v7, v2  }
0x574: {  	v15 =	vadd.f32 v8, v10;
	v1 =	vadd.f32 v9, v1;
	v61 =	vld [tilespmem:s30+$0xAB50]  }
0x575: {  	v63 =	vld [tilespmem:s30+$0xABD0];
	v0 =	vadd.f32 v49, v0;
	v62 =	vadd.f32 v53, v52  }
0x576: {  	s18 =	sor.u32 $0x440, s25;
	v5 =	vadd.f32 v56, v55;
	v3 =	vadd.f32 v58, v57  }
0x577: {  	[tilespmem:s18+$0x15000] =	vst v2;
	v16 =	vadd.f32 v60, v59;
	v17 =	vadd.f32 v1, v15  }
0x578: {  	v2 =	vld [tilespmem:s23+$0xA550];
	v4 =	vadd.f32 v62, v0;
	v3 =	vadd.f32 v3, v5  }
0x579: {  	v6 =	vld [tilespmem:s24+$0xA450];
	v19 =	vadd.f32 v16, v17  }
0x57a: {  	v51 =	vld [tilespmem:s24+$0xAA50];
	v18 =	vadd.f32 v63, v61;
	v3 =	vadd.f32 v3, v4  }
0x57b: {  	v15 =	vld [tilespmem:s24+$0xA4D0];
	[tilespmem:s6+$0x70] =	vst v19  }
0x57c: {  	v20 =	vld [tilespmem:s28+$0xA200];
	v3 =	vadd.f32 v18, v3  }
0x57d: {  	v28 =	vld [tilespmem:s28+$0xA280]  }
0x57e: {  	v29 =	vld [tilespmem:s28+$0xA300];
	[tilespmem:s29+$0x50] =	vst v3  }
0x57f: {  	v3 =	vld [tilespmem:s30+$0xA360]  }
0x580: {  	v21 =	vld [tilespmem:s30+$0xA3E0]  }
0x581: {  	v22 =	vld [tilespmem:s31+$0xA260]  }
0x582: {  	v23 =	vld [tilespmem:s31+$0xA2E0]  }
0x583: {  	v24 =	vld [tilespmem:s0+$0xA160]  }
0x584: {  	v25 =	vld [tilespmem:s0+$0xA1E0]  }
0x585: {  	v26 =	vld [tilespmem:s5+$0xA260]  }
0x586: {  	v27 =	vld [tilespmem:s5+$0xA2E0]  }
0x587: {  	v33 =	vld [tilespmem:s28+$0xA380]  }
0x588: {  	v35 =	vld [tilespmem:s28+$0xA800]  }
0x589: {  	v30 =	vld [tilespmem:s30+$0xAB60]  }
0x58a: {  	v32 =	vld [tilespmem:s30+$0xABE0];
	v3 =	vadd.f32 v21, v3;
	v31 =	vadd.f32 v23, v22  }
0x58b: {  	v36 =	vld [tilespmem:s28+$0xA880];
	v9 =	vadd.f32 v25, v24;
	v34 =	vadd.f32 v27, v26  }
0x58c: {  	v38 =	vld [tilespmem:s28+$0xA900]  }
0x58d: {  	v39 =	vld [tilespmem:s28+$0xA980];
	v3 =	vadd.f32 v31, v3;
	v37 =	vadd.f32 v34, v9  }
0x58e: {  	v40 =	vld [tilespmem:s26+$0xAE00]  }
0x58f: {  	s18 =	sor.u32 $0x750, s24;
	v41 =	vld [tilespmem:s26+$0xAE80];
	v7 =	vadd.f32 v32, v30;
	v3 =	vadd.f32 v37, v3  }
0x590: {  	v0 =	vld [tilespmem:s18+$0xA000];
	s18 =	sor.u32 $0x7D0, s24  }
0x591: {  	v1 =	vld [tilespmem:s18+$0xA000];
	v3 =	vadd.f32 v7, v3  }
0x592: {  	v4 =	vld [tilespmem:s23+$0xA5D0]  }
0x593: {  	v5 =	vadd.f32 v28, v20;
	v28 =	vld [tilespmem:s24+$0xAAD0];
	[tilespmem:s29+$0x60] =	vst v3  }
0x594: {  	v43 =	vld [tilespmem:s30+$0xA370]  }
0x595: {  	v8 =	vadd.f32 v33, v29;
	v44 =	vld [tilespmem:s30+$0xA3F0]  }
0x596: {  	v42 =	vadd.f32 v36, v35;
	v9 =	vadd.f32 v39, v38;
	v45 =	vld [tilespmem:s31+$0xA270]  }
0x597: {  	v46 =	vld [tilespmem:s31+$0xA2F0]  }
0x598: {  	v5 =	vadd.f32 v8, v5;
	v3 =	vadd.f32 v9, v42;
	v47 =	vld [tilespmem:s0+$0xA170]  }
0x599: {  	v48 =	vld [tilespmem:s5+$0xA270]  }
0x59a: {  	v7 =	vadd.f32 v41, v40;
	v49 =	vld [tilespmem:s5+$0xA2F0];
	v3 =	vadd.f32 v3, v5  }
0x59b: {  	v50 =	vld [tilespmem:s0+$0xA1F0]  }
0x59c: {  	s1 =	sor.u32 s22, s1;
	v29 =	vld [tilespmem:s23+$0xAD50];
	v3 =	vadd.f32 v7, v3  }
0x59d: {  	s6 =	sor.u32 $0x400, s1;
	v53 =	vld [tilespmem:s30+$0xAB70]  }
0x59e: {  	v54 =	vld [tilespmem:s30+$0xABF0];
	[tilespmem:s6+$0x15000] =	vst v3  }
0x59f: {  	v10 =	vadd.f32 v44, v43;
	v8 =	vadd.f32 v46, v45;
	v52 =	vld [tilespmem:s28+$0xA210]  }
0x5a0: {  	v5 =	vadd.f32 v50, v47;
	v7 =	vadd.f32 v49, v48;
	v55 =	vld [tilespmem:s28+$0xA290]  }
0x5a1: {  	v56 =	vld [tilespmem:s28+$0xA310]  }
0x5a2: {  	v57 =	vld [tilespmem:s28+$0xA390];
	v8 =	vadd.f32 v8, v10;
	v5 =	vadd.f32 v7, v5  }
0x5a3: {  	v58 =	vld [tilespmem:s28+$0xA810]  }
0x5a4: {  	v9 =	vadd.f32 v54, v53;
	v59 =	vld [tilespmem:s28+$0xA890];
	v5 =	vadd.f32 v5, v8  }
0x5a5: {  	v60 =	vld [tilespmem:s28+$0xA910]  }
0x5a6: {  	v61 =	vld [tilespmem:s28+$0xA990];
	v5 =	vadd.f32 v9, v5  }
0x5a7: {  	v62 =	vld [tilespmem:s26+$0xAE10]  }
0x5a8: {  	s18 =	sor.u32 $0x700, s31;
	v63 =	vld [tilespmem:s26+$0xAE90];
	[tilespmem:s29+$0x70] =	vst v5  }
0x5a9: {  	s29 =	sor.u32 $0x780, s31;
	v5 =	vld [tilespmem:s18+$0xA000]  }
0x5aa: {  	v11 =	vadd.f32 v55, v52;
	v12 =	vadd.f32 v57, v56;
	v21 =	vld [tilespmem:s29+$0xA000]  }
0x5ab: {  	v7 =	vadd.f32 v59, v58;
	v8 =	vadd.f32 v61, v60;
	v22 =	vld [tilespmem:s31+$0xA600]  }
0x5ac: {  	v23 =	vld [tilespmem:s31+$0xA680]  }
0x5ad: {  	v11 =	vadd.f32 v12, v11;
	v7 =	vadd.f32 v8, v7;
	v24 =	vld [tilespmem:s0+$0xA500]  }
0x5ae: {  	v25 =	vld [tilespmem:s0+$0xA580]  }
0x5af: {  	v9 =	vadd.f32 v63, v62;
	v26 =	vld [tilespmem:s31+$0xA800];
	v7 =	vadd.f32 v7, v11  }
0x5b0: {  	v27 =	vld [tilespmem:s31+$0xA880]  }
0x5b1: {  	v32 =	vld [tilespmem:s23+$0xADD0];
	v7 =	vadd.f32 v9, v7  }
0x5b2: {  	s6 =	sor.u32 $0x410, s1;
	v30 =	vld [tilespmem:s30+$0xAF00]  }
0x5b3: {  	v31 =	vld [tilespmem:s30+$0xAF80];
	[tilespmem:s6+$0x15000] =	vst v7  }
0x5b4: {  	v5 =	vadd.f32 v21, v5;
	v13 =	vadd.f32 v23, v22;
	v33 =	vld [tilespmem:s28+$0xA220]  }
0x5b5: {  	v10 =	vadd.f32 v25, v24;
	v8 =	vadd.f32 v27, v26;
	v34 =	vld [tilespmem:s28+$0xA2A0]  }
0x5b6: {  	v35 =	vld [tilespmem:s28+$0xA320]  }
0x5b7: {  	v36 =	vld [tilespmem:s28+$0xA3A0];
	v5 =	vadd.f32 v13, v5;
	v8 =	vadd.f32 v8, v10  }
0x5b8: {  	v37 =	vld [tilespmem:s28+$0xA820]  }
0x5b9: {  	v9 =	vadd.f32 v31, v30;
	v38 =	vld [tilespmem:s28+$0xA8A0];
	v5 =	vadd.f32 v8, v5  }
0x5ba: {  	v39 =	vld [tilespmem:s28+$0xA920]  }
0x5bb: {  	s6 =	sor.u32 s22, s10;
	v40 =	vld [tilespmem:s28+$0xA9A0];
	v5 =	vadd.f32 v9, v5  }
0x5bc: {  	s18 =	sor.u32 $0x400, s6;
	v50 =	vld [tilespmem:s26+$0xAE20]  }
0x5bd: {  	v43 =	vadd.f32 v28, v51;
	s22 =	sor.u32 $0x710, s31;
	v51 =	vld [tilespmem:s26+$0xAEA0];
	[tilespmem:s18+$0x15000] =	vst v5  }
0x5be: {  	s29 =	sor.u32 $0x790, s31;
	v5 =	vld [tilespmem:s22+$0xA000]  }
0x5bf: {  	v0 =	vadd.f32 v1, v0;
	v42 =	vld [tilespmem:s29+$0xA000]  }
0x5c0: {  	v2 =	vadd.f32 v4, v2;
	v41 =	vadd.f32 v15, v6;
	v44 =	vld [tilespmem:s31+$0xA610]  }
0x5c1: {  	v46 =	vld [tilespmem:s0+$0xA510]  }
0x5c2: {  	v2 =	vadd.f32 v41, v2;
	v0 =	vadd.f32 v43, v0;
	v47 =	vld [tilespmem:s0+$0xA590]  }
0x5c3: {  	v12 =	vadd.f32 v34, v33;
	v10 =	vadd.f32 v36, v35;
	v48 =	vld [tilespmem:s31+$0xA810]  }
0x5c4: {  	v8 =	vadd.f32 v38, v37;
	v9 =	vadd.f32 v40, v39;
	v49 =	vld [tilespmem:s31+$0xA890]  }
0x5c5: {  	v0 =	vadd.f32 v0, v2;
	v7 =	vadd.f32 v32, v29;
	v45 =	vld [tilespmem:s31+$0xA690]  }
0x5c6: {  	v54 =	vadd.f32 v10, v12;
	v8 =	vadd.f32 v9, v8  }
0x5c7: {  	v0 =	vadd.f32 v7, v0  }
0x5c8: {  	v55 =	vadd.f32 v51, v50;
	v52 =	vld [tilespmem:s30+$0xAF10];
	v4 =	vadd.f32 v8, v54  }
0x5c9: {  	s10 =	sor.u32 $0x450, s25;
	v53 =	vld [tilespmem:s30+$0xAF90];
	v1 =	vadd.f32 v47, v46;
	v2 =	vadd.f32 v49, v48  }
0x5ca: {  	[tilespmem:s10+$0x15000] =	vst v0;
	v5 =	vadd.f32 v42, v5;
	v3 =	vadd.f32 v45, v44  }
0x5cb: {  	v0 =	vld [tilespmem:s23+$0xA560];
	v1 =	vadd.f32 v2, v1;
	v2 =	vadd.f32 v55, v4  }
0x5cc: {  	v39 =	vld [tilespmem:s24+$0xA4E0];
	s18 =	sor.u32 $0x420, s1;
	v3 =	vadd.f32 v3, v5  }
0x5cd: {  	v4 =	vld [tilespmem:s24+$0xA460];
	[tilespmem:s18+$0x15000] =	vst v2  }
0x5ce: {  	v56 =	vadd.f32 v53, v52;
	v1 =	vadd.f32 v1, v3;
	v2 =	vld [tilespmem:s28+$0xA230]  }
0x5cf: {  	v16 =	vld [tilespmem:s28+$0xA2B0]  }
0x5d0: {  	v17 =	vld [tilespmem:s28+$0xA330];
	v3 =	vadd.f32 v56, v1  }
0x5d1: {  	s22 =	sor.u32 $0x410, s6;
	v21 =	vld [tilespmem:s28+$0xA3B0]  }
0x5d2: {  	s29 =	sor.u32 $0x720, s31;
	v23 =	vld [tilespmem:s28+$0xA830];
	[tilespmem:s22+$0x15000] =	vst v3  }
0x5d3: {  	s10 =	sor.u32 $0x7A0, s31;
	v3 =	vld [tilespmem:s29+$0xA000]  }
0x5d4: {  	v57 =	vld [tilespmem:s10+$0xA000]  }
0x5d5: {  	v58 =	vld [tilespmem:s31+$0xA620]  }
0x5d6: {  	v59 =	vld [tilespmem:s31+$0xA6A0]  }
0x5d7: {  	v60 =	vld [tilespmem:s0+$0xA520]  }
0x5d8: {  	v61 =	vld [tilespmem:s0+$0xA5A0]  }
0x5d9: {  	v62 =	vld [tilespmem:s31+$0xA820]  }
0x5da: {  	v63 =	vld [tilespmem:s31+$0xA8A0]  }
0x5db: {  	v24 =	vld [tilespmem:s28+$0xA8B0]  }
0x5dc: {  	v26 =	vld [tilespmem:s28+$0xA930]  }
0x5dd: {  	v18 =	vld [tilespmem:s30+$0xAF20]  }
0x5de: {  	v20 =	vld [tilespmem:s30+$0xAFA0];
	v3 =	vadd.f32 v57, v3;
	v19 =	vadd.f32 v59, v58  }
0x5df: {  	s18 =	sor.u32 $0x760, s24;
	v27 =	vld [tilespmem:s28+$0xA9B0];
	v7 =	vadd.f32 v61, v60;
	v22 =	vadd.f32 v63, v62  }
0x5e0: {  	v13 =	vld [tilespmem:s18+$0xA000]  }
0x5e1: {  	v28 =	vld [tilespmem:s26+$0xAE30];
	v3 =	vadd.f32 v19, v3;
	v25 =	vadd.f32 v22, v7  }
0x5e2: {  	v29 =	vld [tilespmem:s26+$0xAEB0]  }
0x5e3: {  	v1 =	vld [tilespmem:s23+$0xA5E0];
	v5 =	vadd.f32 v20, v18;
	v3 =	vadd.f32 v25, v3  }
0x5e4: {  	v6 =	vadd.f32 v21, v17;
	v21 =	vld [tilespmem:s23+$0xAD60]  }
0x5e5: {  	v60 =	vld [tilespmem:s24+$0xAA60];
	v3 =	vadd.f32 v5, v3  }
0x5e6: {  	s22 =	sor.u32 $0x420, s6;
	v63 =	vld [tilespmem:s24+$0xAAE0]  }
0x5e7: {  	s29 =	sor.u32 $0x730, s31;
	v22 =	vld [tilespmem:s23+$0xADE0];
	[tilespmem:s22+$0x15000] =	vst v3  }
0x5e8: {  	s10 =	sor.u32 $0x7B0, s31;
	v2 =	vadd.f32 v16, v2;
	v31 =	vld [tilespmem:s29+$0xA000]  }
0x5e9: {  	v30 =	vadd.f32 v24, v23;
	v7 =	vadd.f32 v27, v26;
	v32 =	vld [tilespmem:s10+$0xA000]  }
0x5ea: {  	v33 =	vld [tilespmem:s31+$0xA630]  }
0x5eb: {  	v2 =	vadd.f32 v6, v2;
	v3 =	vadd.f32 v7, v30;
	v34 =	vld [tilespmem:s31+$0xA6B0]  }
0x5ec: {  	v35 =	vld [tilespmem:s0+$0xA530]  }
0x5ed: {  	v5 =	vadd.f32 v29, v28;
	v36 =	vld [tilespmem:s0+$0xA5B0];
	v2 =	vadd.f32 v3, v2  }
0x5ee: {  	v37 =	vld [tilespmem:s31+$0xA830]  }
0x5ef: {  	v38 =	vld [tilespmem:s31+$0xA8B0];
	v2 =	vadd.f32 v5, v2  }
0x5f0: {  	s18 =	sor.u32 $0x430, s1;
	v40 =	vld [tilespmem:s30+$0xAF30]  }
0x5f1: {  	v41 =	vld [tilespmem:s30+$0xAFB0];
	[tilespmem:s18+$0x15000] =	vst v2  }
0x5f2: {  	v2 =	vld [tilespmem:s28+$0xA240]  }
0x5f3: {  	v8 =	vadd.f32 v32, v31;
	v6 =	vadd.f32 v34, v33;
	v42 =	vld [tilespmem:s28+$0xA2C0]  }
0x5f4: {  	v3 =	vadd.f32 v36, v35;
	v5 =	vadd.f32 v38, v37;
	v43 =	vld [tilespmem:s28+$0xA340]  }
0x5f5: {  	v44 =	vld [tilespmem:s28+$0xA3C0]  }
0x5f6: {  	v45 =	vld [tilespmem:s28+$0xA840];
	v6 =	vadd.f32 v6, v8;
	v3 =	vadd.f32 v5, v3  }
0x5f7: {  	v46 =	vld [tilespmem:s28+$0xA8C0]  }
0x5f8: {  	v7 =	vadd.f32 v41, v40;
	v47 =	vld [tilespmem:s28+$0xA940];
	v3 =	vadd.f32 v3, v6  }
0x5f9: {  	v48 =	vld [tilespmem:s28+$0xA9C0]  }
0x5fa: {  	v49 =	vld [tilespmem:s26+$0xAE40];
	v3 =	vadd.f32 v7, v3  }
0x5fb: {  	s22 =	sor.u32 $0x430, s6;
	s18 =	sor.u32 $0x7E0, s24;
	v50 =	vld [tilespmem:s26+$0xAEC0]  }
0x5fc: {  	s29 =	sor.u32 $0x740, s31;
	v59 =	vld [tilespmem:s18+$0xA000];
	[tilespmem:s22+$0x15000] =	vst v3  }
0x5fd: {  	s10 =	sor.u32 $0x7C0, s31;
	v2 =	vadd.f32 v42, v2;
	v53 =	vadd.f32 v44, v43;
	v3 =	vld [tilespmem:s29+$0xA000]  }
0x5fe: {  	v5 =	vadd.f32 v46, v45;
	v6 =	vadd.f32 v48, v47;
	v51 =	vld [tilespmem:s10+$0xA000]  }
0x5ff: {  	v52 =	vld [tilespmem:s31+$0xA640]  }
0x600: {  	v2 =	vadd.f32 v53, v2;
	v5 =	vadd.f32 v6, v5;
	v54 =	vld [tilespmem:s31+$0xA6C0]  }
0x601: {  	v55 =	vld [tilespmem:s0+$0xA540]  }
0x602: {  	v7 =	vadd.f32 v50, v49;
	v56 =	vld [tilespmem:s0+$0xA5C0];
	v2 =	vadd.f32 v5, v2  }
0x603: {  	v57 =	vld [tilespmem:s31+$0xA840]  }
0x604: {  	v58 =	vld [tilespmem:s31+$0xA8C0];
	v2 =	vadd.f32 v7, v2  }
0x605: {  	s22 =	sor.u32 $0x440, s1;
	v61 =	vld [tilespmem:s30+$0xAF40]  }
0x606: {  	v62 =	vld [tilespmem:s30+$0xAFC0];
	[tilespmem:s22+$0x15000] =	vst v2  }
0x607: {  	v0 =	vadd.f32 v1, v0;
	v33 =	vadd.f32 v39, v4;
	v25 =	vld [tilespmem:s28+$0xA250]  }
0x608: {  	v35 =	vadd.f32 v59, v13;
	v5 =	vadd.f32 v63, v60;
	v26 =	vld [tilespmem:s28+$0xA2D0]  }
0x609: {  	v27 =	vld [tilespmem:s28+$0xA350]  }
0x60a: {  	v0 =	vadd.f32 v33, v0;
	v38 =	vadd.f32 v5, v35;
	v28 =	vld [tilespmem:s28+$0xA3D0]  }
0x60b: {  	v9 =	vadd.f32 v22, v21;
	v3 =	vadd.f32 v51, v3;
	v29 =	vld [tilespmem:s28+$0xA850]  }
0x60c: {  	v10 =	vadd.f32 v54, v52;
	v0 =	vadd.f32 v38, v0;
	v30 =	vld [tilespmem:s28+$0xA8D0]  }
0x60d: {  	v8 =	vadd.f32 v56, v55;
	v6 =	vadd.f32 v58, v57;
	v41 =	vld [tilespmem:s28+$0xA950]  }
0x60e: {  	v42 =	vld [tilespmem:s28+$0xA9D0];
	v0 =	vadd.f32 v9, v0  }
0x60f: {  	s22 =	sor.u32 $0x460, s25;
	v45 =	vld [tilespmem:s26+$0xAE50];
	v23 =	vadd.f32 v10, v3;
	v24 =	vadd.f32 v6, v8  }
0x610: {  	v46 =	vld [tilespmem:s26+$0xAED0];
	[tilespmem:s22+$0x15000] =	vst v0  }
0x611: {  	v7 =	vadd.f32 v62, v61;
	v2 =	vadd.f32 v24, v23;
	v10 =	vld [tilespmem:s23+$0xA5F0]  }
0x612: {  	v48 =	vld [tilespmem:s24+$0xA470]  }
0x613: {  	v51 =	vld [tilespmem:s24+$0xA4F0];
	v2 =	vadd.f32 v7, v2  }
0x614: {  	s29 =	sor.u32 $0x440, s6;
	v53 =	vld [tilespmem:s24+$0xAA70]  }
0x615: {  	s10 =	sor.u32 $0x750, s31;
	v33 =	vld [tilespmem:s23+$0xAD70];
	[tilespmem:s29+$0x15000] =	vst v2  }
0x616: {  	s18 =	sor.u32 $0x7D0, s31;
	v2 =	vld [tilespmem:s10+$0xA000]  }
0x617: {  	v31 =	vld [tilespmem:s18+$0xA000]  }
0x618: {  	v6 =	vadd.f32 v26, v25;
	v3 =	vadd.f32 v28, v27;
	v32 =	vld [tilespmem:s31+$0xA650]  }
0x619: {  	v7 =	vadd.f32 v30, v29;
	v1 =	vadd.f32 v42, v41;
	v34 =	vld [tilespmem:s31+$0xA6D0]  }
0x61a: {  	v36 =	vld [tilespmem:s0+$0xA550]  }
0x61b: {  	v3 =	vadd.f32 v3, v6;
	v1 =	vadd.f32 v1, v7;
	v37 =	vld [tilespmem:s0+$0xA5D0]  }
0x61c: {  	v39 =	vld [tilespmem:s31+$0xA850]  }
0x61d: {  	v0 =	vadd.f32 v46, v45;
	v40 =	vld [tilespmem:s31+$0xA8D0];
	v1 =	vadd.f32 v1, v3  }
0x61e: {  	v43 =	vld [tilespmem:s30+$0xAF50]  }
0x61f: {  	v44 =	vld [tilespmem:s30+$0xAFD0];
	s10 =	sor.u32 $0x7F0, s24;
	v0 =	vadd.f32 v0, v1  }
0x620: {  	s29 =	sor.u32 $0x770, s24;
	v50 =	vld [tilespmem:s10+$0xA000];
	s10 =	sor.u32 $0x450, s1  }
0x621: {  	v49 =	vld [tilespmem:s29+$0xA000];
	[tilespmem:s10+$0x15000] =	vst v0  }
0x622: {  	v2 =	vadd.f32 v31, v2;
	v4 =	vadd.f32 v34, v32;
	v54 =	vld [tilespmem:s28+$0xA260]  }
0x623: {  	v13 =	vadd.f32 v37, v36;
	v5 =	vadd.f32 v40, v39;
	v55 =	vld [tilespmem:s28+$0xA2E0]  }
0x624: {  	v56 =	vld [tilespmem:s28+$0xA360]  }
0x625: {  	v57 =	vld [tilespmem:s28+$0xA3E0];
	v2 =	vadd.f32 v4, v2;
	v47 =	vadd.f32 v5, v13  }
0x626: {  	v58 =	vld [tilespmem:s28+$0xA860]  }
0x627: {  	v9 =	vadd.f32 v44, v43;
	v59 =	vld [tilespmem:s28+$0xA8E0];
	v2 =	vadd.f32 v47, v2  }
0x628: {  	v60 =	vld [tilespmem:s28+$0xA960]  }
0x629: {  	v61 =	vld [tilespmem:s28+$0xA9E0];
	v2 =	vadd.f32 v9, v2  }
0x62a: {  	s18 =	sor.u32 $0x450, s6;
	v62 =	vld [tilespmem:s26+$0xAE60]  }
0x62b: {  	s22 =	sor.u32 $0x760, s31;
	v63 =	vld [tilespmem:s26+$0xAEE0];
	[tilespmem:s18+$0x15000] =	vst v2  }
0x62c: {  	s29 =	sor.u32 $0x7E0, s31;
	v52 =	vld [tilespmem:s22+$0xA000]  }
0x62d: {  	v2 =	vld [tilespmem:s29+$0xA000]  }
0x62e: {  	v21 =	vld [tilespmem:s31+$0xA660]  }
0x62f: {  	v8 =	vadd.f32 v55, v54;
	v22 =	vadd.f32 v57, v56;
	v23 =	vld [tilespmem:s31+$0xA6E0]  }
0x630: {  	v24 =	vadd.f32 v59, v58;
	v25 =	vadd.f32 v61, v60;
	v26 =	vld [tilespmem:s0+$0xA560]  }
0x631: {  	v27 =	vld [tilespmem:s0+$0xA5E0]  }
0x632: {  	v8 =	vadd.f32 v22, v8;
	v28 =	vadd.f32 v25, v24;
	v29 =	vld [tilespmem:s31+$0xA860]  }
0x633: {  	v30 =	vld [tilespmem:s31+$0xA8E0]  }
0x634: {  	v32 =	vld [tilespmem:s24+$0xAAF0];
	v31 =	vadd.f32 v63, v62;
	v8 =	vadd.f32 v28, v8  }
0x635: {  	v37 =	vld [tilespmem:s23+$0xADF0]  }
0x636: {  	v34 =	vld [tilespmem:s30+$0xAF60];
	v8 =	vadd.f32 v31, v8  }
0x637: {  	s18 =	sor.u32 $0x460, s1;
	v36 =	vld [tilespmem:s30+$0xAFE0];
	v1 =	vadd.f32 v2, v52;
	v35 =	vadd.f32 v23, v21  }
0x638: {  	v5 =	vld [tilespmem:s23+$0xA570];
	[tilespmem:s18+$0x15000] =	vst v8;
	v38 =	vadd.f32 v27, v26;
	v12 =	vadd.f32 v30, v29  }
0x639: {  	v39 =	vld [tilespmem:s28+$0xA270]  }
0x63a: {  	v40 =	vld [tilespmem:s28+$0xA2F0];
	v1 =	vadd.f32 v35, v1;
	v41 =	vadd.f32 v12, v38  }
0x63b: {  	v42 =	vld [tilespmem:s28+$0xA370]  }
0x63c: {  	v11 =	vadd.f32 v36, v34;
	v43 =	vld [tilespmem:s28+$0xA3F0];
	v1 =	vadd.f32 v41, v1  }
0x63d: {  	v44 =	vld [tilespmem:s28+$0xA870]  }
0x63e: {  	v45 =	vld [tilespmem:s28+$0xA8F0];
	v1 =	vadd.f32 v11, v1  }
0x63f: {  	s22 =	sor.u32 $0x460, s6;
	v46 =	vld [tilespmem:s28+$0xA970]  }
0x640: {  	s23 =	sor.u32 $0x770, s31;
	v47 =	vld [tilespmem:s28+$0xA9F0];
	[tilespmem:s22+$0x15000] =	vst v1  }
0x641: {  	s24 =	sor.u32 $0x7F0, s31;
	v1 =	vld [tilespmem:s23+$0xA000]  }
0x642: {  	v3 =	vadd.f32 v51, v48;
	v6 =	vadd.f32 v50, v49;
	v48 =	vld [tilespmem:s24+$0xA000]  }
0x643: {  	v0 =	vadd.f32 v32, v53;
	v5 =	vadd.f32 v10, v5;
	v49 =	vld [tilespmem:s31+$0xA670]  }
0x644: {  	v50 =	vld [tilespmem:s31+$0xA6F0]  }
0x645: {  	v0 =	vadd.f32 v0, v6;
	v3 =	vadd.f32 v3, v5;
	v51 =	vld [tilespmem:s0+$0xA570]  }
0x646: {  	v52 =	vld [tilespmem:s0+$0xA5F0]  }
0x647: {  	v9 =	vadd.f32 v37, v33;
	v0 =	vadd.f32 v0, v3;
	v53 =	vld [tilespmem:s31+$0xA870]  }
0x648: {  	v54 =	vld [tilespmem:s31+$0xA8F0]  }
0x649: {  	v0 =	vadd.f32 v9, v0;
	v55 =	vld [tilespmem:s26+$0xAE70]  }
0x64a: {  	v56 =	vld [tilespmem:s26+$0xAEF0];
	v13 =	vadd.f32 v40, v39;
	v8 =	vadd.f32 v43, v42  }
0x64b: {  	v2 =	vadd.f32 v45, v44;
	v11 =	vadd.f32 v47, v46;
	v57 =	vld [tilespmem:s30+$0xAF70]  }
0x64c: {  	v59 =	vld [tilespmem:s30+$0xAFF0];
	v1 =	vadd.f32 v48, v1;
	v58 =	vadd.f32 v50, v49  }
0x64d: {  	v5 =	vadd.f32 v52, v51;
	v3 =	vadd.f32 v54, v53  }
0x64e: {  	v60 =	vadd.f32 v8, v13;
	v2 =	vadd.f32 v11, v2  }
0x64f: {  	v1 =	vadd.f32 v58, v1;
	v3 =	vadd.f32 v3, v5  }
0x650: {  	p0 =	slt.u32 s21, $0xC;
	v61 =	vadd.f32 v56, v55;
	v2 =	vadd.f32 v2, v60  }
.Ltmp6:
0x651: {  	v62 =	vadd.f32 v59, v57;
	v1 =	vadd.f32 v3, v1;
	(pc) =	sbr.rel @p0 .LBB2_9-.Ltmp6, $4  }
0x652: {  	s28 =	sor.u32 $0x470, s25;
	v2 =	vadd.f32 v61, v2  }
0x653: {  	s29 =	sor.u32 $0x470, s1;
	[tilespmem:s28+$0x15000] =	vst v0;
	v63 =	vadd.f32 v62, v1  }
0x654: {  	s30 =	sor.u32 $0x470, s6;
	s31 =	sadd.s32 $0x4, s21;
	[tilespmem:s29+$0x15000] =	vst v2  }
0x655: {  	s21 =	smov.u32 s31;
	[tilespmem:s30+$0x15000] =	vst v63  }
0x656: {  	p0 =	seq.s32 s20, $0x13  }
.Ltmp7:
0x657: {  	_ = 	snop;
	(pc) =	sbr.rel @p0 .LBB2_12-.Ltmp7, $4  }
0x658: {  	_ = 	snop  }
0x659: {  	s0 =	sshll.u32 s20, $0xA  }
0x65a: {  	s0 =	sadd.s32 s11, s0  }
0x65b: {  	[hbm4b:s0+s3] =	stream.linear.scatter [tilespmem:s17], [sflag:$0x4], $0x1000, $0x38;
	[tilespmem:$0x16000] =	vst v63  }
0x65c: {  	s0 =	smul.u32 $0x140, s20  }
.Ltmp8:
0x65d: {  	_ = 	snop;
	(pc) =	sbr.rel .LBB2_2-.Ltmp8, $4  }
0x65e: {  	s0 =	sadd.s32 s0, s9  }
0x65f: {  	s0 =	sshll.u32 s0, $0x5  }
0x660: {  	s20 =	sadd.s32 $0x1, s20;
	s0 =	sadd.s32 s2, s0  }
0x661: {  	[tilespmem:s12], [sflag:$0x2] =	stream.linear.gather [hbm4b:s0+s3], $0xA000, $0x38;
	[tilespmem:$0x16000] =	vst v63  }
.LBB2_13:
0x662: {  	_ =	sfence.sel $0x180000  }
0x663: {  	[bflag:$0x0] =	sbarrier.arrive $0xFFFF  }
0x664: {  	_ =	strace $0x90000047  }
0x665: {  	s0 =	stileid.u32;
	[bflag:$0x2] =	sbarrier.arrive $0xFFFF  }
0x666: {  	p0 =	sne.s32 s0, $0x0;
	s0 =	rddreg [dreg:$0x2]  }
0x667: {  	s0 =	sadd.s32 @!p0 $0x100000, s0  }
0x668: {  	[sflag:s0] =	ssyncadd.tile.s32 @!p0 $0x1;
	_ =	shalt  }
.Lfunc_end2:
_tile_overlayer_lowered:
.L_overlay_start_2:
0x669: {  	(tag) =	ssettag $0x2  }
0x66a: {  	s0 =	rddreg [dreg:$0x0];
	s2 =	stileid.u32  }
0x66b: {  	s1 =	rddreg [dreg:$0x1];
	p0 =	sne.s32 s2, $0x0  }
0x66c: {  	s3 =	rddreg [dreg:$0x2];
	[bflag:$0x3] =	sbarrier.arrive $0xFFFF;
	s2 =	simm.s32 @!p0 $0x1C05  }
0x66d: {  	[timem:s3], [sflag:s2] =	dma.local @!p0 [hbm:s0], s1  }
0x66e: {  	s0 =	simm.s32 @!p0 $0x5  }
0x66f: {  	_ =	swait.ge @!p0 [sflag:s0], s1  }
0x670: {  	s1 =	ssub.s32 @!p0 $0x0, s1;
	[sflag:s0] =	ssyncset.done @!p0 $0x0  }
0x671: {  	[sflag:s0] =	ssyncadd.s32 @!p0 s1  }
0x672: {  	[bflag:$0x3] =	sbarrier.arrive $0xFFFF  }
0x673: {  	_ =	shalt  }

</sc_bundles>
